<compile_context>
chip_gen: v7x
topology: tpu7x:2x2x1
jax: 0.10.2.dev20260603
libtpu: 0.0.44.dev20260713+nightly
codegen_flags: <defaults>
</compile_context>

<pallas_src>
import functools

import numpy as np
import jax
import jax.numpy as jnp
from jax import lax
from jax.experimental import pallas as pl
from jax.experimental.pallas import tpu as pltpu
from jax.experimental.pallas import tpu_sc as plsc

_B = 32
_IN = 4096
_OUT = 4096
_K = 128
_EPS = 1e-6
_P1 = 32749
_P2 = 32719


def _threefry_raw(keypair, x0, x1):
    x0 = x0.copy()
    x1 = x1.copy()
    ks0 = np.uint32(keypair[0])
    ks1 = np.uint32(keypair[1])
    ks2 = np.uint32(ks0 ^ ks1 ^ np.uint32(0x1BD11BDA))
    rot = [np.uint32(r) for r in (13, 15, 26, 6, 17, 29, 16, 24)]

    def rotl(x, d):
        return (x << d) | (x >> np.uint32(32 - int(d)))

    x0 += ks0
    x1 += ks1
    ks = [ks1, ks2, ks2, ks0, ks0, ks1, ks1, ks2, ks2, ks0]
    for g in range(5):
        for r in (rot[0:4] if g % 2 == 0 else rot[4:8]):
            x0 += x1
            x1 = rotl(x1, r)
            x1 ^= x0
        x0 += ks[2 * g]
        x1 += ks[2 * g + 1] + np.uint32(g + 1)
    return x0, x1


def _uniform01(keypair, n):
    b1, b2 = _threefry_raw(keypair, np.zeros(n, np.uint32),
                           np.arange(n, dtype=np.uint32))
    bits = b1 ^ b2
    return ((bits >> np.uint32(9)) | np.uint32(0x3F800000)).view(np.float32) \
        - np.float32(1.0)


def _gen_consts():
    err = np.seterr(over="ignore")
    key1 = np.array([0, 1], np.uint32)
    s1, s2 = _threefry_raw(key1, np.zeros(2, np.uint32),
                           np.arange(2, dtype=np.uint32))
    kr = np.array([s1[0], s2[0]], np.uint32)
    kg = np.array([s1[1], s2[1]], np.uint32)
    n = _B * _K * 4 * 2
    rr = (_uniform01(kr, n) * np.float32(1.0 - _EPS)).reshape(_B, _K, 4, 2)
    gs = (_uniform01(kg, n) * np.float32(1.0 - _EPS)).reshape(_B, _K, 4, 2)
    np.seterr(**err)
    gsf = gs * np.float32(4096.0)
    smp = np.floor(gsf).astype(np.int32)
    return (
        np.ascontiguousarray(rr[..., 0].transpose(0, 2, 1)),
        np.ascontiguousarray(rr[..., 1].transpose(0, 2, 1)),
        np.ascontiguousarray(smp[..., 0].transpose(0, 2, 1)),
        np.ascontiguousarray(smp[..., 1].transpose(0, 2, 1)),
    )


_RR_R, _RR_C, _SMP_R, _SMP_C = _gen_consts()


def _hyper_body(inp_ref, w_ref, b_ref, mr_ref, mc_ref, inv_ref, val_ref):
    res = jnp.dot(inp_ref[...], w_ref[...], preferred_element_type=jnp.float32)
    res = res + b_ref[...]
    x_mr = res[:, 0:128]
    x_mc = res[:, 128:256]
    x_sg = res[:, 256:384]
    x_v = res[:, 384:512]
    mr_ref[...] = 4095.0 / (1.0 + jnp.exp(-x_mr))
    mc_ref[...] = 4095.0 / (1.0 + jnp.exp(-x_mc))
    xs = x_sg + 2.0
    sp = jnp.maximum(xs, 0.0) + jnp.log(1.0 + jnp.exp(-jnp.abs(xs)))
    sig = (sp + _EPS) * 4096.0
    inv_ref[...] = 1.0 / (_EPS + sig)
    val_ref[...] = x_v


def _points_body(mr_ref, mc_ref, inv_ref, val_ref, sr_ref, sc_ref, rr_ref, rc_ref,
                 pk_ref, vals_ref, props_scr):
    b = pl.program_id(0)
    mr = mr_ref[0]
    mc = mc_ref[0]
    inv = inv_ref[0]
    w0 = val_ref[0]

    fr = jnp.floor(mr)
    cr = jnp.ceil(mr)
    fc = jnp.floor(mc)
    cc = jnp.ceil(mc)
    mnsr = jnp.round(mr)
    mnsc = jnp.round(mc)
    lo_r = jnp.maximum(mnsr - 32.0, 0.0)
    lo_r = jnp.where(mnsr + 32.0 > 4096.0, 4096.0 - 64.0, lo_r)
    lo_c = jnp.maximum(mnsc - 32.0, 0.0)
    lo_c = jnp.where(mnsc + 32.0 > 4096.0, 4096.0 - 64.0, lo_c)
    reg_r = rr_ref[0] * 64.0 + lo_r
    reg_c = rc_ref[0] * 64.0 + lo_c

    nbr_r = jnp.concatenate([fr, fr, cr, cr], axis=0).astype(jnp.int32)
    nbr_c = jnp.concatenate([fc, cc, fc, cc], axis=0).astype(jnp.int32)
    R = jnp.concatenate([nbr_r, sr_ref[0], reg_r.astype(jnp.int32)], axis=0)
    C = jnp.concatenate([nbr_c, sc_ref[0], reg_c.astype(jnp.int32)], axis=0)

    rp = R + 1
    cp = C + 1
    k1 = (rp * rp) * ((cp * cp) * cp)
    a1 = (rp * rp) % _P1
    t1 = (((cp * cp) % _P1) * cp) % _P1
    k2 = (a1 * t1) % _P1
    a2 = (rp * rp) % _P2
    t2 = (((cp * cp) % _P2) * cp) % _P2
    k3 = (a2 * t2) % _P2
    k23 = k2 * 32768 + k3

    tri = lax.broadcasted_iota(jnp.int32, (_K, _K), 1) > \
        lax.broadcasted_iota(jnp.int32, (_K, _K), 0)
    k1l = [k1[s][None, :] for s in range(12)]
    k23l = [k23[s][None, :] for s in range(12)]
    k1s = [k1[s][:, None] for s in range(12)]
    k23s = [k23[s][:, None] for s in range(12)]
    dup_rows = []
    for s1 in range(12):
        acc = None
        for s2 in range(s1 + 1):
            eq = (k1l[s1] == k1s[s2]) & (k23l[s1] == k23s[s2])
            if s2 == s1:
                eq = eq & tri
            acc = eq if acc is None else (acc | eq)
        hit = jnp.where(acc, jnp.int32(1), jnp.int32(0))
        dup_rows.append(jnp.max(hit, axis=0))

    Rf = R.astype(jnp.float32)
    Cf = C.astype(jnp.float32)
    S = jnp.zeros((1, 128), jnp.float32)
    for s in range(12):
        dr = Rf[s][:, None] - mr
        dc = Cf[s][:, None] - mc
        p = jnp.exp(-0.5 * (dr * dr + dc * dc) * inv)
        p = jnp.where(dup_rows[s][:, None] > 0, 0.0, p)
        props_scr[s] = p
        S = S + jnp.sum(p, axis=0, keepdims=True)
    w = w0 / (S + _EPS)
    vlist = [jnp.sum(props_scr[s] * w, axis=1)[None, :] for s in range(12)]

    soff = (b // 2) * 4096
    pk_ref[...] = jnp.concatenate([R + soff, C + soff], axis=0)
    vals_ref[...] = jnp.concatenate(
        vlist + [jnp.zeros((4, _K), jnp.float32)], axis=0)


def _sc_body(inp_hbm, pk_hbm, vals_hbm, out_hbm, pk_v, vals_v, gath_v, y_v,
             inp_sh, y_sh):
    c = lax.axis_index("c")
    s = lax.axis_index("s")
    b = s * jnp.int32(2) + c
    soff = s * jnp.int32(4096)
    pltpu.sync_copy(inp_hbm.at[b], inp_sh.at[pl.ds(soff, 4096)])
    pltpu.sync_copy(pk_hbm.at[pl.ds(b * jnp.int32(24), 24)], pk_v)
    pltpu.sync_copy(vals_hbm.at[pl.ds(b * jnp.int32(16), 16)], vals_v)
    for j in range(12):
        pltpu.sync_copy(inp_sh.at[pk_v.at[jnp.int32(12 + j)]],
                        gath_v.at[jnp.int32(j)])
    for j in range(12):
        for t in range(8):
            ix = (jnp.int32(j), pl.ds(t * 16, 16))
            gath_v[ix] = gath_v[ix] * vals_v[ix]

    def zero(i, carry):
        y_v[pl.ds(i * jnp.int32(16), 16)] = jnp.zeros((16,), jnp.float32)
        return carry

    lax.fori_loop(jnp.int32(0), jnp.int32(256), zero, jnp.int32(0))
    pltpu.sync_copy(y_v, y_sh.at[pl.ds(soff, 4096)])
    for j in range(12):
        pltpu.sync_copy(gath_v.at[jnp.int32(j)],
                        y_sh.at[pk_v.at[jnp.int32(j)]], add=True)
    pltpu.sync_copy(y_sh.at[pl.ds(soff, 4096)], out_hbm.at[b])


def kernel(input, W_hyper, b_hyper):
    inp = input.astype(jnp.float32)
    Wp = W_hyper.astype(jnp.float32).reshape(_IN, _K, 4).transpose(0, 2, 1).reshape(_IN, 4 * _K)
    bp = b_hyper.astype(jnp.float32).reshape(_K, 4).T.reshape(1, 4 * _K)

    mr, mc, inv, val = pl.pallas_call(
        _hyper_body,
        out_shape=[jax.ShapeDtypeStruct((_B, _K), jnp.float32)] * 4,
    )(inp, Wp, bp)

    sr = jnp.asarray(_SMP_R)
    sc = jnp.asarray(_SMP_C)
    rrr = jnp.asarray(_RR_R)
    rrc = jnp.asarray(_RR_C)

    _z = np.int32(0)
    vec_spec = pl.BlockSpec((1, 1, _K), lambda b: (b, _z, _z))
    slot_spec = pl.BlockSpec((1, 4, _K), lambda b: (b, _z, _z))
    packed, vals = pl.pallas_call(
        _points_body,
        grid=(_B,),
        in_specs=[vec_spec, vec_spec, vec_spec, vec_spec,
                  slot_spec, slot_spec, slot_spec, slot_spec],
        out_specs=[pl.BlockSpec((24, _K), lambda b: (b, _z)),
                   pl.BlockSpec((16, _K), lambda b: (b, _z))],
        out_shape=[jax.ShapeDtypeStruct((_B * 24, _K), jnp.int32),
                   jax.ShapeDtypeStruct((_B * 16, _K), jnp.float32)],
        scratch_shapes=[pltpu.VMEM((12, _K, _K), jnp.float32)],
    )(mr.reshape(_B, 1, _K), mc.reshape(_B, 1, _K),
      inv.reshape(_B, 1, _K), val.reshape(_B, 1, _K), sr, sc, rrr, rrc)

    sc_call = functools.partial(
        pl.kernel,
        mesh=plsc.VectorSubcoreMesh(core_axis_name="c", subcore_axis_name="s"),
        out_type=jax.ShapeDtypeStruct((_B, _OUT), jnp.float32),
        scratch_types=[
            pltpu.VMEM((24, _K), jnp.int32),
            pltpu.VMEM((16, _K), jnp.float32),
            pltpu.VMEM((12, _K), jnp.float32),
            pltpu.VMEM((_OUT,), jnp.float32),
            pltpu.VMEM_SHARED((16 * _IN,), jnp.float32),
            pltpu.VMEM_SHARED((16 * _OUT,), jnp.float32),
        ],
    )(_sc_body)
    return sc_call(inp, packed, vals)

# --- scband reference (transcript-rebuilt; emitter-appended) ---
"""Pipeline reference for scband-ghyper-layer-58763742544527 (READ-ONLY COPY).

The authoritative reference and input builder live on the scoring server;
editing this copy changes nothing except your own understanding.
"""

import itertools
import jax, jax.numpy as jnp
import numpy as np
jax.config.update("jax_enable_x64", True)

EPSILON = 1e-6
SIGMA_BOOST = 2.0
B = 32
IN_SIZE = 4096
OUT_SIZE = 4096
K = 128
W_RANK = 2
GADD = 4
RADD = 4
REGION = np.array([64.0, 64.0], dtype=np.float32)
SIZES = np.array([OUT_SIZE, IN_SIZE], dtype=np.float32)
FLOOR_MASK = np.array([[int(bb) for bb in bools] for bools in itertools.product([True, False], repeat=W_RANK)], dtype=bool)


def setup_inputs(seed: int = 0) -> dict:
    key = jax.random.key(seed)
    k1, k2 = jax.random.split(key)
    inp = jax.random.normal(k1, (B, IN_SIZE), dtype=jnp.float32)
    W_hyper = jax.random.normal(k2, (IN_SIZE, K * (W_RANK + 2)), dtype=jnp.float32) * 0.02
    b_hyper = jnp.zeros((K * (W_RANK + 2),), dtype=jnp.float32)
    return {"input": inp, "W_hyper": W_hyper, "b_hyper": b_hyper}


def densities(points, means, sigmas):
    # unnormalized diagonal-MVN densities of each point under each mean
    pts = points[:, :, None, :] - means[:, None, :, :]
    sig = jnp.sqrt(1.0 / (EPSILON + sigmas))[:, None, :, :]
    pts = pts * sig
    return jnp.exp(-0.5 * jnp.sum(pts * pts, axis=-1))


def _forward(inp, W, b):
    # hyper(): linear hypernetwork producing (B, K, w_rank+2)
    res = (inp @ W + b).reshape(B, K, W_RANK + 2)
    # split_out()
    s = jnp.asarray(SIZES)
    means = jax.nn.sigmoid(res[:, :, :W_RANK]) * (s - 1.0)
    sigmas = (jax.nn.softplus(res[:, :, W_RANK] + SIGMA_BOOST) + EPSILON)[:, :, None] * s
    values = res[:, :, W_RANK + 1]
    # generate_integer_tuples(): neighbors (floor/ceil combos)
    fm = jnp.asarray(FLOOR_MASK)[None, None, :, :]
    m = means[:, :, None, :]
    neighbor = jnp.where(fm, jnp.floor(m), jnp.ceil(m)).astype(jnp.int32)
    kr, kg = jax.random.split(jax.random.key(1))
    # regional samples
    rr = jax.random.uniform(kr, (B, K, RADD, W_RANK), dtype=jnp.float32) * (1.0 - EPSILON)
    rng = jnp.asarray(SIZES)[None, None, None, :]
    rrng = jnp.asarray(REGION)[None, None, None, :]
    mns = jnp.round(means)[:, :, None, :]
    lower = jnp.maximum(mns - rrng * 0.5, 0.0)
    upper = mns + rrng * 0.5
    lower = jnp.where(upper > rng, rng - rrng, lower)
    rr_ints = (rr * rrng + lower).astype(jnp.int32)
    # global samples
    gs = jax.random.uniform(kg, (B, K, GADD, W_RANK), dtype=jnp.float32) * (1.0 - EPSILON)
    sampled = jnp.floor(gs * rng).astype(jnp.int32)
    ints = jnp.concatenate([neighbor, sampled, rr_ints], axis=2).reshape(B, -1, W_RANK)
    n = ints.shape[1]
    # duplicates(): prime-encoding + sort trick
    primes = jnp.array([2, 3], dtype=jnp.int64)
    uniq = jnp.prod((ints.astype(jnp.int64) + 1) ** primes[None, None, :], axis=2)
    sort_idx = jnp.argsort(uniq, axis=1)
    srt = jnp.take_along_axis(uniq, sort_idx, axis=1)
    unsort_idx = jnp.argsort(sort_idx, axis=1)
    mask = jnp.concatenate([jnp.zeros((B, 1), dtype=bool), srt[:, 1:] == srt[:, :-1]], axis=1)
    dups = jnp.take_along_axis(mask, unsort_idx, axis=1)
    # proportions via densities, zero duplicates, normalize over points
    props = densities(ints.astype(jnp.float32), means, sigmas)
    props = jnp.where(dups[:, :, None], 0.0, props)
    props = props / (props.sum(axis=1, keepdims=True) + EPSILON)
    vals = jnp.sum(props * values[:, None, :], axis=2)  # (B, n)
    # sparse matmul: gather input columns, scatter-add into output rows
    gathered = jnp.take_along_axis(inp, ints[:, :, 1], axis=1)
    contrib = vals * gathered
    bidx = jnp.broadcast_to(jnp.arange(B)[:, None], (B, n))
    y = jnp.zeros((B, OUT_SIZE), dtype=jnp.float32).at[bidx, ints[:, :, 0]].add(contrib)
    return y


def reference(input, W_hyper, b_hyper):
    return _forward(input, W_hyper, b_hyper)

if __name__ == "__main__":
    import jax
    _d = setup_inputs()
    print(jax.jit(kernel)(*tuple(_d.values())))

</pallas_src>

<mosaic_0001>
#map = affine_map<(d0, d1) -> (0, 0)>
module attributes {stable_mosaic.version = 14 : i64} {
  func.func @_sc_body(%arg0: i32, %arg1: i32, %arg2: memref<32x4096xf32, #tpu.memory_space<hbm>>, %arg3: memref<768x128xi32, #tpu.memory_space<hbm>>, %arg4: memref<512x128xf32, #tpu.memory_space<hbm>>, %arg5: memref<32x4096xf32, #tpu.memory_space<hbm>>, %arg6: memref<24x128xi32, #tpu.memory_space<vmem>>, %arg7: memref<16x128xf32, #tpu.memory_space<vmem>>, %arg8: memref<12x128xf32, #tpu.memory_space<vmem>>, %arg9: memref<4096xf32, #tpu.memory_space<vmem>>, %arg10: memref<65536xf32, #tpu.memory_space<vmem_shared>>, %arg11: memref<65536xf32, #tpu.memory_space<vmem_shared>>) attributes {dimension_semantics = [#tpu.dimension_semantics<core_parallel>, #tpu.dimension_semantics<subcore_parallel>], iteration_bounds = array<i64: 2, 16>, scalar_prefetch = 0 : i64, scratch_operands = 6 : i64, tpu.core_type = #tpu.core_type<sc_vector_subcore>, window_params = [{transform_indices = #map}, {transform_indices = #map}, {transform_indices = #map}, {transform_indices = #map}]} {
    %mul3A = arith.constant 2 : i32
    %mul3A_0 = arith.muli %arg1, %mul3A : i32
    %add3A = arith.addi %mul3A_0, %arg0 : i32
    %mul3A_1 = arith.constant 4096 : i32
    %mul3A_2 = arith.muli %arg1, %mul3A_1 : i32
    "tpu.region"() ({
      %run_scoped3A_1694 = tpu.sem_alloc : memref<!tpu.dma_semaphore, #tpu.memory_space<semaphore_mem>>
      %dma_start3A = tpu.memref_slice %arg10[%mul3A_2] : memref<65536xf32, #tpu.memory_space<vmem_shared>> -> memref<4096xf32, #tpu.memory_space<vmem_shared>>
      %dma_start3A_1695 = arith.constant 0 : i32
      %dma_start3A_1696 = tpu.memref_slice %arg2[%add3A, %dma_start3A_1695] : memref<32x4096xf32, #tpu.memory_space<hbm>> -> memref<1x4096xf32, #tpu.memory_space<hbm>>
      %dma_start3A_1697 = tpu.memref_squeeze %dma_start3A_1696 : memref<1x4096xf32, #tpu.memory_space<hbm>> -> memref<4096xf32, #tpu.memory_space<hbm>>
      tpu.enqueue_dma source(%dma_start3A_1697 : memref<4096xf32, #tpu.memory_space<hbm>>) target(%dma_start3A : memref<4096xf32, #tpu.memory_space<vmem_shared>>) target_semaphore(%run_scoped3A_1694 : memref<!tpu.dma_semaphore, #tpu.memory_space<semaphore_mem>>)
      %dma_wait3A = tpu.memref_slice %arg10[%mul3A_2] : memref<65536xf32, #tpu.memory_space<vmem_shared>> -> memref<4096xf32, #tpu.memory_space<vmem_shared>>
      %dma_wait3A_1698 = arith.constant 0 : i32
      %dma_wait3A_1699 = tpu.memref_slice %arg2[%add3A, %dma_wait3A_1698] : memref<32x4096xf32, #tpu.memory_space<hbm>> -> memref<1x4096xf32, #tpu.memory_space<hbm>>
      %dma_wait3A_1700 = tpu.memref_squeeze %dma_wait3A_1699 : memref<1x4096xf32, #tpu.memory_space<hbm>> -> memref<4096xf32, #tpu.memory_space<hbm>>
      tpu.wait_dma2 semaphore(%run_scoped3A_1694 : memref<!tpu.dma_semaphore, #tpu.memory_space<semaphore_mem>>) src(%dma_wait3A_1700 : memref<4096xf32, #tpu.memory_space<hbm>>) dst(%dma_wait3A : memref<4096xf32, #tpu.memory_space<vmem_shared>>)
      tpu.yield
    }) : () -> ()
    %mul3A_3 = arith.constant 24 : i32
    %mul3A_4 = arith.muli %add3A, %mul3A_3 : i32
    "tpu.region"() ({
      %run_scoped3A_1694 = tpu.sem_alloc : memref<!tpu.dma_semaphore, #tpu.memory_space<semaphore_mem>>
      %dma_start3A = arith.constant 0 : i32
      %dma_start3A_1695 = tpu.memref_slice %arg3[%mul3A_4, %dma_start3A] : memref<768x128xi32, #tpu.memory_space<hbm>> -> memref<24x128xi32, #tpu.memory_space<hbm>>
      %dma_start3A_1696 = arith.constant 0 : i32
      %dma_start3A_1697 = tpu.memref_slice %arg3[%mul3A_4, %dma_start3A_1696] : memref<768x128xi32, #tpu.memory_space<hbm>> -> memref<24x128xi32, #tpu.memory_space<hbm>>
      tpu.enqueue_dma source(%dma_start3A_1697 : memref<24x128xi32, #tpu.memory_space<hbm>>) target(%arg6 : memref<24x128xi32, #tpu.memory_space<vmem>>) target_semaphore(%run_scoped3A_1694 : memref<!tpu.dma_semaphore, #tpu.memory_space<semaphore_mem>>)
      %dma_wait3A = arith.constant 0 : i32
      %dma_wait3A_1698 = tpu.memref_slice %arg3[%mul3A_4, %dma_wait3A] : memref<768x128xi32, #tpu.memory_space<hbm>> -> memref<24x128xi32, #tpu.memory_space<hbm>>
      %dma_wait3A_1699 = arith.constant 0 : i32
      %dma_wait3A_1700 = tpu.memref_slice %arg3[%mul3A_4, %dma_wait3A_1699] : memref<768x128xi32, #tpu.memory_space<hbm>> -> memref<24x128xi32, #tpu.memory_space<hbm>>
      tpu.wait_dma2 semaphore(%run_scoped3A_1694 : memref<!tpu.dma_semaphore, #tpu.memory_space<semaphore_mem>>) src(%dma_wait3A_1700 : memref<24x128xi32, #tpu.memory_space<hbm>>) dst(%arg6 : memref<24x128xi32, #tpu.memory_space<vmem>>)
      tpu.yield
    }) : () -> ()
    %mul3A_5 = arith.constant 16 : i32
    %mul3A_6 = arith.muli %add3A, %mul3A_5 : i32
    "tpu.region"() ({
      %run_scoped3A_1694 = tpu.sem_alloc : memref<!tpu.dma_semaphore, #tpu.memory_space<semaphore_mem>>
      %dma_start3A = arith.constant 0 : i32
      %dma_start3A_1695 = tpu.memref_slice %arg4[%mul3A_6, %dma_start3A] : memref<512x128xf32, #tpu.memory_space<hbm>> -> memref<16x128xf32, #tpu.memory_space<hbm>>
      %dma_start3A_1696 = arith.constant 0 : i32
      %dma_start3A_1697 = tpu.memref_slice %arg4[%mul3A_6, %dma_start3A_1696] : memref<512x128xf32, #tpu.memory_space<hbm>> -> memref<16x128xf32, #tpu.memory_space<hbm>>
      tpu.enqueue_dma source(%dma_start3A_1697 : memref<16x128xf32, #tpu.memory_space<hbm>>) target(%arg7 : memref<16x128xf32, #tpu.memory_space<vmem>>) target_semaphore(%run_scoped3A_1694 : memref<!tpu.dma_semaphore, #tpu.memory_space<semaphore_mem>>)
      %dma_wait3A = arith.constant 0 : i32
      %dma_wait3A_1698 = tpu.memref_slice %arg4[%mul3A_6, %dma_wait3A] : memref<512x128xf32, #tpu.memory_space<hbm>> -> memref<16x128xf32, #tpu.memory_space<hbm>>
      %dma_wait3A_1699 = arith.constant 0 : i32
      %dma_wait3A_1700 = tpu.memref_slice %arg4[%mul3A_6, %dma_wait3A_1699] : memref<512x128xf32, #tpu.memory_space<hbm>> -> memref<16x128xf32, #tpu.memory_space<hbm>>
      tpu.wait_dma2 semaphore(%run_scoped3A_1694 : memref<!tpu.dma_semaphore, #tpu.memory_space<semaphore_mem>>) src(%dma_wait3A_1700 : memref<16x128xf32, #tpu.memory_space<hbm>>) dst(%arg7 : memref<16x128xf32, #tpu.memory_space<vmem>>)
      tpu.yield
    }) : () -> ()
    %run_scoped3A = arith.constant 12 : i32
    %run_scoped3A_7 = arith.constant 0 : i32
    "tpu.region"() ({
      %run_scoped3A_1694 = tpu.sem_alloc : memref<!tpu.dma_semaphore, #tpu.memory_space<semaphore_mem>>
      %dma_start3A = arith.constant 0 : i32
      %dma_start3A_1695 = tpu.memref_slice %arg8[%run_scoped3A_7, %dma_start3A] : memref<12x128xf32, #tpu.memory_space<vmem>> -> memref<1x128xf32, #tpu.memory_space<vmem>>
      %dma_start3A_1696 = tpu.memref_squeeze %dma_start3A_1695 : memref<1x128xf32, #tpu.memory_space<vmem>> -> memref<128xf32, #tpu.memory_space<vmem>>
      %dma_start3A_1697 = arith.constant 0 : i32
      %dma_start3A_1698 = tpu.memref_slice %arg6[%run_scoped3A, %dma_start3A_1697] : memref<24x128xi32, #tpu.memory_space<vmem>> -> memref<1x128xi32, #tpu.memory_space<vmem>>
      %dma_start3A_1699 = tpu.memref_squeeze %dma_start3A_1698 : memref<1x128xi32, #tpu.memory_space<vmem>> -> memref<128xi32, #tpu.memory_space<vmem>>
      %dma_start3A_1700 = arith.constant 0 : i32
      %dma_start3A_1701 = tpu.memref_slice %arg10[%dma_start3A_1700] : memref<65536xf32, #tpu.memory_space<vmem_shared>> -> memref<65536xf32, #tpu.memory_space<vmem_shared>>
      tpu.enqueue_indirect_dma source(%dma_start3A_1701 : memref<65536xf32, #tpu.memory_space<vmem_shared>>) target(%dma_start3A_1696 : memref<128xf32, #tpu.memory_space<vmem>>) offsets(%dma_start3A_1699 : memref<128xi32, #tpu.memory_space<vmem>>) semaphore(%run_scoped3A_1694 : memref<!tpu.dma_semaphore, #tpu.memory_space<semaphore_mem>>)
      %dma_wait3A = arith.constant 0 : i32
      %dma_wait3A_1702 = tpu.memref_slice %arg8[%run_scoped3A_7, %dma_wait3A] : memref<12x128xf32, #tpu.memory_space<vmem>> -> memref<1x128xf32, #tpu.memory_space<vmem>>
      %dma_wait3A_1703 = tpu.memref_squeeze %dma_wait3A_1702 : memref<1x128xf32, #tpu.memory_space<vmem>> -> memref<128xf32, #tpu.memory_space<vmem>>
      %dma_wait3A_1704 = arith.constant 0 : i32
      %dma_wait3A_1705 = tpu.memref_slice %arg6[%run_scoped3A, %dma_wait3A_1704] : memref<24x128xi32, #tpu.memory_space<vmem>> -> memref<1x128xi32, #tpu.memory_space<vmem>>
      %dma_wait3A_1706 = tpu.memref_squeeze %dma_wait3A_1705 : memref<1x128xi32, #tpu.memory_space<vmem>> -> memref<128xi32, #tpu.memory_space<vmem>>
      %dma_wait3A_1707 = arith.constant 0 : i32
      %dma_wait3A_1708 = tpu.memref_slice %arg10[%dma_wait3A_1707] : memref<65536xf32, #tpu.memory_space<vmem_shared>> -> memref<65536xf32, #tpu.memory_space<vmem_shared>>
      tpu.wait_indirect_dma semaphore(%run_scoped3A_1694 : memref<!tpu.dma_semaphore, #tpu.memory_space<semaphore_mem>>) src(%dma_wait3A_1708 : memref<65536xf32, #tpu.memory_space<vmem_shared>>) dst(%dma_wait3A_1703 : memref<128xf32, #tpu.memory_space<vmem>>)
      tpu.yield
    }) : () -> ()
    %run_scoped3A_8 = arith.constant 13 : i32
    %run_scoped3A_9 = arith.constant 1 : i32
    "tpu.region"() ({
      %run_scoped3A_1694 = tpu.sem_alloc : memref<!tpu.dma_semaphore, #tpu.memory_space<semaphore_mem>>
      %dma_start3A = arith.constant 0 : i32
      %dma_start3A_1695 = tpu.memref_slice %arg8[%run_scoped3A_9, %dma_start3A] : memref<12x128xf32, #tpu.memory_space<vmem>> -> memref<1x128xf32, #tpu.memory_space<vmem>>
      %dma_start3A_1696 = tpu.memref_squeeze %dma_start3A_1695 : memref<1x128xf32, #tpu.memory_space<vmem>> -> memref<128xf32, #tpu.memory_space<vmem>>
      %dma_start3A_1697 = arith.constant 0 : i32
      %dma_start3A_1698 = tpu.memref_slice %arg6[%run_scoped3A_8, %dma_start3A_1697] : memref<24x128xi32, #tpu.memory_space<vmem>> -> memref<1x128xi32, #tpu.memory_space<vmem>>
      %dma_start3A_1699 = tpu.memref_squeeze %dma_start3A_1698 : memref<1x128xi32, #tpu.memory_space<vmem>> -> memref<128xi32, #tpu.memory_space<vmem>>
      %dma_start3A_1700 = arith.constant 0 : i32
      %dma_start3A_1701 = tpu.memref_slice %arg10[%dma_start3A_1700] : memref<65536xf32, #tpu.memory_space<vmem_shared>> -> memref<65536xf32, #tpu.memory_space<vmem_shared>>
      tpu.enqueue_indirect_dma source(%dma_start3A_1701 : memref<65536xf32, #tpu.memory_space<vmem_shared>>) target(%dma_start3A_1696 : memref<128xf32, #tpu.memory_space<vmem>>) offsets(%dma_start3A_1699 : memref<128xi32, #tpu.memory_space<vmem>>) semaphore(%run_scoped3A_1694 : memref<!tpu.dma_semaphore, #tpu.memory_space<semaphore_mem>>)
      %dma_wait3A = arith.constant 0 : i32
      %dma_wait3A_1702 = tpu.memref_slice %arg8[%run_scoped3A_9, %dma_wait3A] : memref<12x128xf32, #tpu.memory_space<vmem>> -> memref<1x128xf32, #tpu.memory_space<vmem>>
      %dma_wait3A_1703 = tpu.memref_squeeze %dma_wait3A_1702 : memref<1x128xf32, #tpu.memory_space<vmem>> -> memref<128xf32, #tpu.memory_space<vmem>>
      %dma_wait3A_1704 = arith.constant 0 : i32
      %dma_wait3A_1705 = tpu.memref_slice %arg6[%run_scoped3A_8, %dma_wait3A_1704] : memref<24x128xi32, #tpu.memory_space<vmem>> -> memref<1x128xi32, #tpu.memory_space<vmem>>
      %dma_wait3A_1706 = tpu.memref_squeeze %dma_wait3A_1705 : memref<1x128xi32, #tpu.memory_space<vmem>> -> memref<128xi32, #tpu.memory_space<vmem>>
      %dma_wait3A_1707 = arith.constant 0 : i32
      %dma_wait3A_1708 = tpu.memref_slice %arg10[%dma_wait3A_1707] : memref<65536xf32, #tpu.memory_space<vmem_shared>> -> memref<65536xf32, #tpu.memory_space<vmem_shared>>
      tpu.wait_indirect_dma semaphore(%run_scoped3A_1694 : memref<!tpu.dma_semaphore, #tpu.memory_space<semaphore_mem>>) src(%dma_wait3A_1708 : memref<65536xf32, #tpu.memory_space<vmem_shared>>) dst(%dma_wait3A_1703 : memref<128xf32, #tpu.memory_space<vmem>>)
      tpu.yield
    }) : () -> ()
    %run_scoped3A_10 = arith.constant 14 : i32
    %run_scoped3A_11 = arith.constant 2 : i32
    "tpu.region"() ({
      %run_scoped3A_1694 = tpu.sem_alloc : memref<!tpu.dma_semaphore, #tpu.memory_space<semaphore_mem>>
      %dma_start3A = arith.constant 0 : i32
      %dma_start3A_1695 = tpu.memref_slice %arg8[%run_scoped3A_11, %dma_start3A] : memref<12x128xf32, #tpu.memory_space<vmem>> -> memref<1x128xf32, #tpu.memory_space<vmem>>
      %dma_start3A_1696 = tpu.memref_squeeze %dma_start3A_1695 : memref<1x128xf32, #tpu.memory_space<vmem>> -> memref<128xf32, #tpu.memory_space<vmem>>
      %dma_start3A_1697 = arith.constant 0 : i32
      %dma_start3A_1698 = tpu.memref_slice %arg6[%run_scoped3A_10, %dma_start3A_1697] : memref<24x128xi32, #tpu.memory_space<vmem>> -> memref<1x128xi32, #tpu.memory_space<vmem>>
      %dma_start3A_1699 = tpu.memref_squeeze %dma_start3A_1698 : memref<1x128xi32, #tpu.memory_space<vmem>> -> memref<128xi32, #tpu.memory_space<vmem>>
      %dma_start3A_1700 = arith.constant 0 : i32
      %dma_start3A_1701 = tpu.memref_slice %arg10[%dma_start3A_1700] : memref<65536xf32, #tpu.memory_space<vmem_shared>> -> memref<65536xf32, #tpu.memory_space<vmem_shared>>
      tpu.enqueue_indirect_dma source(%dma_start3A_1701 : memref<65536xf32, #tpu.memory_space<vmem_shared>>) target(%dma_start3A_1696 : memref<128xf32, #tpu.memory_space<vmem>>) offsets(%dma_start3A_1699 : memref<128xi32, #tpu.memory_space<vmem>>) semaphore(%run_scoped3A_1694 : memref<!tpu.dma_semaphore, #tpu.memory_space<semaphore_mem>>)
      %dma_wait3A = arith.constant 0 : i32
      %dma_wait3A_1702 = tpu.memref_slice %arg8[%run_scoped3A_11, %dma_wait3A] : memref<12x128xf32, #tpu.memory_space<vmem>> -> memref<1x128xf32, #tpu.memory_space<vmem>>
      %dma_wait3A_1703 = tpu.memref_squeeze %dma_wait3A_1702 : memref<1x128xf32, #tpu.memory_space<vmem>> -> memref<128xf32, #tpu.memory_space<vmem>>
      %dma_wait3A_1704 = arith.constant 0 : i32
      %dma_wait3A_1705 = tpu.memref_slice %arg6[%run_scoped3A_10, %dma_wait3A_1704] : memref<24x128xi32, #tpu.memory_space<vmem>> -> memref<1x128xi32, #tpu.memory_space<vmem>>
      %dma_wait3A_1706 = tpu.memref_squeeze %dma_wait3A_1705 : memref<1x128xi32, #tpu.memory_space<vmem>> -> memref<128xi32, #tpu.memory_space<vmem>>
      %dma_wait3A_1707 = arith.constant 0 : i32
      %dma_wait3A_1708 = tpu.memref_slice %arg10[%dma_wait3A_1707] : memref<65536xf32, #tpu.memory_space<vmem_shared>> -> memref<65536xf32, #tpu.memory_space<vmem_shared>>
      tpu.wait_indirect_dma semaphore(%run_scoped3A_1694 : memref<!tpu.dma_semaphore, #tpu.memory_space<semaphore_mem>>) src(%dma_wait3A_1708 : memref<65536xf32, #tpu.memory_space<vmem_shared>>) dst(%dma_wait3A_1703 : memref<128xf32, #tpu.memory_space<vmem>>)
      tpu.yield
    }) : () -> ()
    %run_scoped3A_12 = arith.constant 15 : i32
    %run_scoped3A_13 = arith.constant 3 : i32
    "tpu.region"() ({
      %run_scoped3A_1694 = tpu.sem_alloc : memref<!tpu.dma_semaphore, #tpu.memory_space<semaphore_mem>>
      %dma_start3A = arith.constant 0 : i32
      %dma_start3A_1695 = tpu.memref_slice %arg8[%run_scoped3A_13, %dma_start3A] : memref<12x128xf32, #tpu.memory_space<vmem>> -> memref<1x128xf32, #tpu.memory_space<vmem>>
      %dma_start3A_1696 = tpu.memref_squeeze %dma_start3A_1695 : memref<1x128xf32, #tpu.memory_space<vmem>> -> memref<128xf32, #tpu.memory_space<vmem>>
      %dma_start3A_1697 = arith.constant 0 : i32
      %dma_start3A_1698 = tpu.memref_slice %arg6[%run_scoped3A_12, %dma_start3A_1697] : memref<24x128xi32, #tpu.memory_space<vmem>> -> memref<1x128xi32, #tpu.memory_space<vmem>>
      %dma_start3A_1699 = tpu.memref_squeeze %dma_start3A_1698 : memref<1x128xi32, #tpu.memory_space<vmem>> -> memref<128xi32, #tpu.memory_space<vmem>>
      %dma_start3A_1700 = arith.constant 0 : i32
      %dma_start3A_1701 = tpu.memref_slice %arg10[%dma_start3A_1700] : memref<65536xf32, #tpu.memory_space<vmem_shared>> -> memref<65536xf32, #tpu.memory_space<vmem_shared>>
      tpu.enqueue_indirect_dma source(%dma_start3A_1701 : memref<65536xf32, #tpu.memory_space<vmem_shared>>) target(%dma_start3A_1696 : memref<128xf32, #tpu.memory_space<vmem>>) offsets(%dma_start3A_1699 : memref<128xi32, #tpu.memory_space<vmem>>) semaphore(%run_scoped3A_1694 : memref<!tpu.dma_semaphore, #tpu.memory_space<semaphore_mem>>)
      %dma_wait3A = arith.constant 0 : i32
      %dma_wait3A_1702 = tpu.memref_slice %arg8[%run_scoped3A_13, %dma_wait3A] : memref<12x128xf32, #tpu.memory_space<vmem>> -> memref<1x128xf32, #tpu.memory_space<vmem>>
      %dma_wait3A_1703 = tpu.memref_squeeze %dma_wait3A_1702 : memref<1x128xf32, #tpu.memory_space<vmem>> -> memref<128xf32, #tpu.memory_space<vmem>>
      %dma_wait3A_1704 = arith.constant 0 : i32
      %dma_wait3A_1705 = tpu.memref_slice %arg6[%run_scoped3A_12, %dma_wait3A_1704] : memref<24x128xi32, #tpu.memory_space<vmem>> -> memref<1x128xi32, #tpu.memory_space<vmem>>
      %dma_wait3A_1706 = tpu.memref_squeeze %dma_wait3A_1705 : memref<1x128xi32, #tpu.memory_space<vmem>> -> memref<128xi32, #tpu.memory_space<vmem>>
      %dma_wait3A_1707 = arith.constant 0 : i32
      %dma_wait3A_1708 = tpu.memref_slice %arg10[%dma_wait3A_1707] : memref<65536xf32, #tpu.memory_space<vmem_shared>> -> memref<65536xf32, #tpu.memory_space<vmem_shared>>
      tpu.wait_indirect_dma semaphore(%run_scoped3A_1694 : memref<!tpu.dma_semaphore, #tpu.memory_space<semaphore_mem>>) src(%dma_wait3A_1708 : memref<65536xf32, #tpu.memory_space<vmem_shared>>) dst(%dma_wait3A_1703 : memref<128xf32, #tpu.memory_space<vmem>>)
      tpu.yield
    }) : () -> ()
    %run_scoped3A_14 = arith.constant 16 : i32
    %run_scoped3A_15 = arith.constant 4 : i32
    "tpu.region"() ({
      %run_scoped3A_1694 = tpu.sem_alloc : memref<!tpu.dma_semaphore, #tpu.memory_space<semaphore_mem>>
      %dma_start3A = arith.constant 0 : i32
      %dma_start3A_1695 = tpu.memref_slice %arg8[%run_scoped3A_15, %dma_start3A] : memref<12x128xf32, #tpu.memory_space<vmem>> -> memref<1x128xf32, #tpu.memory_space<vmem>>
      %dma_start3A_1696 = tpu.memref_squeeze %dma_start3A_1695 : memref<1x128xf32, #tpu.memory_space<vmem>> -> memref<128xf32, #tpu.memory_space<vmem>>
      %dma_start3A_1697 = arith.constant 0 : i32
      %dma_start3A_1698 = tpu.memref_slice %arg6[%run_scoped3A_14, %dma_start3A_1697] : memref<24x128xi32, #tpu.memory_space<vmem>> -> memref<1x128xi32, #tpu.memory_space<vmem>>
      %dma_start3A_1699 = tpu.memref_squeeze %dma_start3A_1698 : memref<1x128xi32, #tpu.memory_space<vmem>> -> memref<128xi32, #tpu.memory_space<vmem>>
      %dma_start3A_1700 = arith.constant 0 : i32
      %dma_start3A_1701 = tpu.memref_slice %arg10[%dma_start3A_1700] : memref<65536xf32, #tpu.memory_space<vmem_shared>> -> memref<65536xf32, #tpu.memory_space<vmem_shared>>
      tpu.enqueue_indirect_dma source(%dma_start3A_1701 : memref<65536xf32, #tpu.memory_space<vmem_shared>>) target(%dma_start3A_1696 : memref<128xf32, #tpu.memory_space<vmem>>) offsets(%dma_start3A_1699 : memref<128xi32, #tpu.memory_space<vmem>>) semaphore(%run_scoped3A_1694 : memref<!tpu.dma_semaphore, #tpu.memory_space<semaphore_mem>>)
      %dma_wait3A = arith.constant 0 : i32
      %dma_wait3A_1702 = tpu.memref_slice %arg8[%run_scoped3A_15, %dma_wait3A] : memref<12x128xf32, #tpu.memory_space<vmem>> -> memref<1x128xf32, #tpu.memory_space<vmem>>
      %dma_wait3A_1703 = tpu.memref_squeeze %dma_wait3A_1702 : memref<1x128xf32, #tpu.memory_space<vmem>> -> memref<128xf32, #tpu.memory_space<vmem>>
      %dma_wait3A_1704 = arith.constant 0 : i32
      %dma_wait3A_1705 = tpu.memref_slice %arg6[%run_scoped3A_14, %dma_wait3A_1704] : memref<24x128xi32, #tpu.memory_space<vmem>> -> memref<1x128xi32, #tpu.memory_space<vmem>>
      %dma_wait3A_1706 = tpu.memref_squeeze %dma_wait3A_1705 : memref<1x128xi32, #tpu.memory_space<vmem>> -> memref<128xi32, #tpu.memory_space<vmem>>
      %dma_wait3A_1707 = arith.constant 0 : i32
      %dma_wait3A_1708 = tpu.memref_slice %arg10[%dma_wait3A_1707] : memref<65536xf32, #tpu.memory_space<vmem_shared>> -> memref<65536xf32, #tpu.memory_space<vmem_shared>>
      tpu.wait_indirect_dma semaphore(%run_scoped3A_1694 : memref<!tpu.dma_semaphore, #tpu.memory_space<semaphore_mem>>) src(%dma_wait3A_1708 : memref<65536xf32, #tpu.memory_space<vmem_shared>>) dst(%dma_wait3A_1703 : memref<128xf32, #tpu.memory_space<vmem>>)
      tpu.yield
    }) : () -> ()
    %run_scoped3A_16 = arith.constant 17 : i32
    %run_scoped3A_17 = arith.constant 5 : i32
    "tpu.region"() ({
      %run_scoped3A_1694 = tpu.sem_alloc : memref<!tpu.dma_semaphore, #tpu.memory_space<semaphore_mem>>
      %dma_start3A = arith.constant 0 : i32
      %dma_start3A_1695 = tpu.memref_slice %arg8[%run_scoped3A_17, %dma_start3A] : memref<12x128xf32, #tpu.memory_space<vmem>> -> memref<1x128xf32, #tpu.memory_space<vmem>>
      %dma_start3A_1696 = tpu.memref_squeeze %dma_start3A_1695 : memref<1x128xf32, #tpu.memory_space<vmem>> -> memref<128xf32, #tpu.memory_space<vmem>>
      %dma_start3A_1697 = arith.constant 0 : i32
      %dma_start3A_1698 = tpu.memref_slice %arg6[%run_scoped3A_16, %dma_start3A_1697] : memref<24x128xi32, #tpu.memory_space<vmem>> -> memref<1x128xi32, #tpu.memory_space<vmem>>
      %dma_start3A_1699 = tpu.memref_squeeze %dma_start3A_1698 : memref<1x128xi32, #tpu.memory_space<vmem>> -> memref<128xi32, #tpu.memory_space<vmem>>
      %dma_start3A_1700 = arith.constant 0 : i32
      %dma_start3A_1701 = tpu.memref_slice %arg10[%dma_start3A_1700] : memref<65536xf32, #tpu.memory_space<vmem_shared>> -> memref<65536xf32, #tpu.memory_space<vmem_shared>>
      tpu.enqueue_indirect_dma source(%dma_start3A_1701 : memref<65536xf32, #tpu.memory_space<vmem_shared>>) target(%dma_start3A_1696 : memref<128xf32, #tpu.memory_space<vmem>>) offsets(%dma_start3A_1699 : memref<128xi32, #tpu.memory_space<vmem>>) semaphore(%run_scoped3A_1694 : memref<!tpu.dma_semaphore, #tpu.memory_space<semaphore_mem>>)
      %dma_wait3A = arith.constant 0 : i32
      %dma_wait3A_1702 = tpu.memref_slice %arg8[%run_scoped3A_17, %dma_wait3A] : memref<12x128xf32, #tpu.memory_space<vmem>> -> memref<1x128xf32, #tpu.memory_space<vmem>>
      %dma_wait3A_1703 = tpu.memref_squeeze %dma_wait3A_1702 : memref<1x128xf32, #tpu.memory_space<vmem>> -> memref<128xf32, #tpu.memory_space<vmem>>
      %dma_wait3A_1704 = arith.constant 0 : i32
      %dma_wait3A_1705 = tpu.memref_slice %arg6[%run_scoped3A_16, %dma_wait3A_1704] : memref<24x128xi32, #tpu.memory_space<vmem>> -> memref<1x128xi32, #tpu.memory_space<vmem>>
      %dma_wait3A_1706 = tpu.memref_squeeze %dma_wait3A_1705 : memref<1x128xi32, #tpu.memory_space<vmem>> -> memref<128xi32, #tpu.memory_space<vmem>>
      %dma_wait3A_1707 = arith.constant 0 : i32
      %dma_wait3A_1708 = tpu.memref_slice %arg10[%dma_wait3A_1707] : memref<65536xf32, #tpu.memory_space<vmem_shared>> -> memref<65536xf32, #tpu.memory_space<vmem_shared>>
      tpu.wait_indirect_dma semaphore(%run_scoped3A_1694 : memref<!tpu.dma_semaphore, #tpu.memory_space<semaphore_mem>>) src(%dma_wait3A_1708 : memref<65536xf32, #tpu.memory_space<vmem_shared>>) dst(%dma_wait3A_1703 : memref<128xf32, #tpu.memory_space<vmem>>)
      tpu.yield
    }) : () -> ()
    %run_scoped3A_18 = arith.constant 18 : i32
    %run_scoped3A_19 = arith.constant 6 : i32
    "tpu.region"() ({
      %run_scoped3A_1694 = tpu.sem_alloc : memref<!tpu.dma_semaphore, #tpu.memory_space<semaphore_mem>>
      %dma_start3A = arith.constant 0 : i32
      %dma_start3A_1695 = tpu.memref_slice %arg8[%run_scoped3A_19, %dma_start3A] : memref<12x128xf32, #tpu.memory_space<vmem>> -> memref<1x128xf32, #tpu.memory_space<vmem>>
      %dma_start3A_1696 = tpu.memref_squeeze %dma_start3A_1695 : memref<1x128xf32, #tpu.memory_space<vmem>> -> memref<128xf32, #tpu.memory_space<vmem>>
      %dma_start3A_1697 = arith.constant 0 : i32
      %dma_start3A_1698 = tpu.memref_slice %arg6[%run_scoped3A_18, %dma_start3A_1697] : memref<24x128xi32, #tpu.memory_space<vmem>> -> memref<1x128xi32, #tpu.memory_space<vmem>>
      %dma_start3A_1699 = tpu.memref_squeeze %dma_start3A_1698 : memref<1x128xi32, #tpu.memory_space<vmem>> -> memref<128xi32, #tpu.memory_space<vmem>>
      %dma_start3A_1700 = arith.constant 0 : i32
      %dma_start3A_1701 = tpu.memref_slice %arg10[%dma_start3A_1700] : memref<65536xf32, #tpu.memory_space<vmem_shared>> -> memref<65536xf32, #tpu.memory_space<vmem_shared>>
      tpu.enqueue_indirect_dma source(%dma_start3A_1701 : memref<65536xf32, #tpu.memory_space<vmem_shared>>) target(%dma_start3A_1696 : memref<128xf32, #tpu.memory_space<vmem>>) offsets(%dma_start3A_1699 : memref<128xi32, #tpu.memory_space<vmem>>) semaphore(%run_scoped3A_1694 : memref<!tpu.dma_semaphore, #tpu.memory_space<semaphore_mem>>)
      %dma_wait3A = arith.constant 0 : i32
      %dma_wait3A_1702 = tpu.memref_slice %arg8[%run_scoped3A_19, %dma_wait3A] : memref<12x128xf32, #tpu.memory_space<vmem>> -> memref<1x128xf32, #tpu.memory_space<vmem>>
      %dma_wait3A_1703 = tpu.memref_squeeze %dma_wait3A_1702 : memref<1x128xf32, #tpu.memory_space<vmem>> -> memref<128xf32, #tpu.memory_space<vmem>>
      %dma_wait3A_1704 = arith.constant 0 : i32
      %dma_wait3A_1705 = tpu.memref_slice %arg6[%run_scoped3A_18, %dma_wait3A_1704] : memref<24x128xi32, #tpu.memory_space<vmem>> -> memref<1x128xi32, #tpu.memory_space<vmem>>
      %dma_wait3A_1706 = tpu.memref_squeeze %dma_wait3A_1705 : memref<1x128xi32, #tpu.memory_space<vmem>> -> memref<128xi32, #tpu.memory_space<vmem>>
      %dma_wait3A_1707 = arith.constant 0 : i32
      %dma_wait3A_1708 = tpu.memref_slice %arg10[%dma_wait3A_1707] : memref<65536xf32, #tpu.memory_space<vmem_shared>> -> memref<65536xf32, #tpu.memory_space<vmem_shared>>
      tpu.wait_indirect_dma semaphore(%run_scoped3A_1694 : memref<!tpu.dma_semaphore, #tpu.memory_space<semaphore_mem>>) src(%dma_wait3A_1708 : memref<65536xf32, #tpu.memory_space<vmem_shared>>) dst(%dma_wait3A_1703 : memref<128xf32, #tpu.memory_space<vmem>>)
      tpu.yield
    }) : () -> ()
    %run_scoped3A_20 = arith.constant 19 : i32
    %run_scoped3A_21 = arith.constant 7 : i32
    "tpu.region"() ({
      %run_scoped3A_1694 = tpu.sem_alloc : memref<!tpu.dma_semaphore, #tpu.memory_space<semaphore_mem>>
      %dma_start3A = arith.constant 0 : i32
      %dma_start3A_1695 = tpu.memref_slice %arg8[%run_scoped3A_21, %dma_start3A] : memref<12x128xf32, #tpu.memory_space<vmem>> -> memref<1x128xf32, #tpu.memory_space<vmem>>
      %dma_start3A_1696 = tpu.memref_squeeze %dma_start3A_1695 : memref<1x128xf32, #tpu.memory_space<vmem>> -> memref<128xf32, #tpu.memory_space<vmem>>
      %dma_start3A_1697 = arith.constant 0 : i32
      %dma_start3A_1698 = tpu.memref_slice %arg6[%run_scoped3A_20, %dma_start3A_1697] : memref<24x128xi32, #tpu.memory_space<vmem>> -> memref<1x128xi32, #tpu.memory_space<vmem>>
      %dma_start3A_1699 = tpu.memref_squeeze %dma_start3A_1698 : memref<1x128xi32, #tpu.memory_space<vmem>> -> memref<128xi32, #tpu.memory_space<vmem>>
      %dma_start3A_1700 = arith.constant 0 : i32
      %dma_start3A_1701 = tpu.memref_slice %arg10[%dma_start3A_1700] : memref<65536xf32, #tpu.memory_space<vmem_shared>> -> memref<65536xf32, #tpu.memory_space<vmem_shared>>
      tpu.enqueue_indirect_dma source(%dma_start3A_1701 : memref<65536xf32, #tpu.memory_space<vmem_shared>>) target(%dma_start3A_1696 : memref<128xf32, #tpu.memory_space<vmem>>) offsets(%dma_start3A_1699 : memref<128xi32, #tpu.memory_space<vmem>>) semaphore(%run_scoped3A_1694 : memref<!tpu.dma_semaphore, #tpu.memory_space<semaphore_mem>>)
      %dma_wait3A = arith.constant 0 : i32
      %dma_wait3A_1702 = tpu.memref_slice %arg8[%run_scoped3A_21, %dma_wait3A] : memref<12x128xf32, #tpu.memory_space<vmem>> -> memref<1x128xf32, #tpu.memory_space<vmem>>
      %dma_wait3A_1703 = tpu.memref_squeeze %dma_wait3A_1702 : memref<1x128xf32, #tpu.memory_space<vmem>> -> memref<128xf32, #tpu.memory_space<vmem>>
      %dma_wait3A_1704 = arith.constant 0 : i32
      %dma_wait3A_1705 = tpu.memref_slice %arg6[%run_scoped3A_20, %dma_wait3A_1704] : memref<24x128xi32, #tpu.memory_space<vmem>> -> memref<1x128xi32, #tpu.memory_space<vmem>>
      %dma_wait3A_1706 = tpu.memref_squeeze %dma_wait3A_1705 : memref<1x128xi32, #tpu.memory_space<vmem>> -> memref<128xi32, #tpu.memory_space<vmem>>
      %dma_wait3A_1707 = arith.constant 0 : i32
      %dma_wait3A_1708 = tpu.memref_slice %arg10[%dma_wait3A_1707] : memref<65536xf32, #tpu.memory_space<vmem_shared>> -> memref<65536xf32, #tpu.memory_space<vmem_shared>>
      tpu.wait_indirect_dma semaphore(%run_scoped3A_1694 : memref<!tpu.dma_semaphore, #tpu.memory_space<semaphore_mem>>) src(%dma_wait3A_1708 : memref<65536xf32, #tpu.memory_space<vmem_shared>>) dst(%dma_wait3A_1703 : memref<128xf32, #tpu.memory_space<vmem>>)
      tpu.yield
    }) : () -> ()
    %run_scoped3A_22 = arith.constant 20 : i32
    %run_scoped3A_23 = arith.constant 8 : i32
    "tpu.region"() ({
      %run_scoped3A_1694 = tpu.sem_alloc : memref<!tpu.dma_semaphore, #tpu.memory_space<semaphore_mem>>
      %dma_start3A = arith.constant 0 : i32
      %dma_start3A_1695 = tpu.memref_slice %arg8[%run_scoped3A_23, %dma_start3A] : memref<12x128xf32, #tpu.memory_space<vmem>> -> memref<1x128xf32, #tpu.memory_space<vmem>>
      %dma_start3A_1696 = tpu.memref_squeeze %dma_start3A_1695 : memref<1x128xf32, #tpu.memory_space<vmem>> -> memref<128xf32, #tpu.memory_space<vmem>>
      %dma_start3A_1697 = arith.constant 0 : i32
      %dma_start3A_1698 = tpu.memref_slice %arg6[%run_scoped3A_22, %dma_start3A_1697] : memref<24x128xi32, #tpu.memory_space<vmem>> -> memref<1x128xi32, #tpu.memory_space<vmem>>
      %dma_start3A_1699 = tpu.memref_squeeze %dma_start3A_1698 : memref<1x128xi32, #tpu.memory_space<vmem>> -> memref<128xi32, #tpu.memory_space<vmem>>
      %dma_start3A_1700 = arith.constant 0 : i32
      %dma_start3A_1701 = tpu.memref_slice %arg10[%dma_start3A_1700] : memref<65536xf32, #tpu.memory_space<vmem_shared>> -> memref<65536xf32, #tpu.memory_space<vmem_shared>>
      tpu.enqueue_indirect_dma source(%dma_start3A_1701 : memref<65536xf32, #tpu.memory_space<vmem_shared>>) target(%dma_start3A_1696 : memref<128xf32, #tpu.memory_space<vmem>>) offsets(%dma_start3A_1699 : memref<128xi32, #tpu.memory_space<vmem>>) semaphore(%run_scoped3A_1694 : memref<!tpu.dma_semaphore, #tpu.memory_space<semaphore_mem>>)
      %dma_wait3A = arith.constant 0 : i32
      %dma_wait3A_1702 = tpu.memref_slice %arg8[%run_scoped3A_23, %dma_wait3A] : memref<12x128xf32, #tpu.memory_space<vmem>> -> memref<1x128xf32, #tpu.memory_space<vmem>>
      %dma_wait3A_1703 = tpu.memref_squeeze %dma_wait3A_1702 : memref<1x128xf32, #tpu.memory_space<vmem>> -> memref<128xf32, #tpu.memory_space<vmem>>
      %dma_wait3A_1704 = arith.constant 0 : i32
      %dma_wait3A_1705 = tpu.memref_slice %arg6[%run_scoped3A_22, %dma_wait3A_1704] : memref<24x128xi32, #tpu.memory_space<vmem>> -> memref<1x128xi32, #tpu.memory_space<vmem>>
      %dma_wait3A_1706 = tpu.memref_squeeze %dma_wait3A_1705 : memref<1x128xi32, #tpu.memory_space<vmem>> -> memref<128xi32, #tpu.memory_space<vmem>>
      %dma_wait3A_1707 = arith.constant 0 : i32
      %dma_wait3A_1708 = tpu.memref_slice %arg10[%dma_wait3A_1707] : memref<65536xf32, #tpu.memory_space<vmem_shared>> -> memref<65536xf32, #tpu.memory_space<vmem_shared>>
      tpu.wait_indirect_dma semaphore(%run_scoped3A_1694 : memref<!tpu.dma_semaphore, #tpu.memory_space<semaphore_mem>>) src(%dma_wait3A_1708 : memref<65536xf32, #tpu.memory_space<vmem_shared>>) dst(%dma_wait3A_1703 : memref<128xf32, #tpu.memory_space<vmem>>)
      tpu.yield
    }) : () -> ()
    %run_scoped3A_24 = arith.constant 21 : i32
    %run_scoped3A_25 = arith.constant 9 : i32
    "tpu.region"() ({
      %run_scoped3A_1694 = tpu.sem_alloc : memref<!tpu.dma_semaphore, #tpu.memory_space<semaphore_mem>>
      %dma_start3A = arith.constant 0 : i32
      %dma_start3A_1695 = tpu.memref_slice %arg8[%run_scoped3A_25, %dma_start3A] : memref<12x128xf32, #tpu.memory_space<vmem>> -> memref<1x128xf32, #tpu.memory_space<vmem>>
      %dma_start3A_1696 = tpu.memref_squeeze %dma_start3A_1695 : memref<1x128xf32, #tpu.memory_space<vmem>> -> memref<128xf32, #tpu.memory_space<vmem>>
      %dma_start3A_1697 = arith.constant 0 : i32
      %dma_start3A_1698 = tpu.memref_slice %arg6[%run_scoped3A_24, %dma_start3A_1697] : memref<24x128xi32, #tpu.memory_space<vmem>> -> memref<1x128xi32, #tpu.memory_space<vmem>>
      %dma_start3A_1699 = tpu.memref_squeeze %dma_start3A_1698 : memref<1x128xi32, #tpu.memory_space<vmem>> -> memref<128xi32, #tpu.memory_space<vmem>>
      %dma_start3A_1700 = arith.constant 0 : i32
      %dma_start3A_1701 = tpu.memref_slice %arg10[%dma_start3A_1700] : memref<65536xf32, #tpu.memory_space<vmem_shared>> -> memref<65536xf32, #tpu.memory_space<vmem_shared>>
      tpu.enqueue_indirect_dma source(%dma_start3A_1701 : memref<65536xf32, #tpu.memory_space<vmem_shared>>) target(%dma_start3A_1696 : memref<128xf32, #tpu.memory_space<vmem>>) offsets(%dma_start3A_1699 : memref<128xi32, #tpu.memory_space<vmem>>) semaphore(%run_scoped3A_1694 : memref<!tpu.dma_semaphore, #tpu.memory_space<semaphore_mem>>)
      %dma_wait3A = arith.constant 0 : i32
      %dma_wait3A_1702 = tpu.memref_slice %arg8[%run_scoped3A_25, %dma_wait3A] : memref<12x128xf32, #tpu.memory_space<vmem>> -> memref<1x128xf32, #tpu.memory_space<vmem>>
      %dma_wait3A_1703 = tpu.memref_squeeze %dma_wait3A_1702 : memref<1x128xf32, #tpu.memory_space<vmem>> -> memref<128xf32, #tpu.memory_space<vmem>>
      %dma_wait3A_1704 = arith.constant 0 : i32
      %dma_wait3A_1705 = tpu.memref_slice %arg6[%run_scoped3A_24, %dma_wait3A_1704] : memref<24x128xi32, #tpu.memory_space<vmem>> -> memref<1x128xi32, #tpu.memory_space<vmem>>
      %dma_wait3A_1706 = tpu.memref_squeeze %dma_wait3A_1705 : memref<1x128xi32, #tpu.memory_space<vmem>> -> memref<128xi32, #tpu.memory_space<vmem>>
      %dma_wait3A_1707 = arith.constant 0 : i32
      %dma_wait3A_1708 = tpu.memref_slice %arg10[%dma_wait3A_1707] : memref<65536xf32, #tpu.memory_space<vmem_shared>> -> memref<65536xf32, #tpu.memory_space<vmem_shared>>
      tpu.wait_indirect_dma semaphore(%run_scoped3A_1694 : memref<!tpu.dma_semaphore, #tpu.memory_space<semaphore_mem>>) src(%dma_wait3A_1708 : memref<65536xf32, #tpu.memory_space<vmem_shared>>) dst(%dma_wait3A_1703 : memref<128xf32, #tpu.memory_space<vmem>>)
      tpu.yield
    }) : () -> ()
    %run_scoped3A_26 = arith.constant 22 : i32
    %run_scoped3A_27 = arith.constant 10 : i32
    "tpu.region"() ({
      %run_scoped3A_1694 = tpu.sem_alloc : memref<!tpu.dma_semaphore, #tpu.memory_space<semaphore_mem>>
      %dma_start3A = arith.constant 0 : i32
      %dma_start3A_1695 = tpu.memref_slice %arg8[%run_scoped3A_27, %dma_start3A] : memref<12x128xf32, #tpu.memory_space<vmem>> -> memref<1x128xf32, #tpu.memory_space<vmem>>
      %dma_start3A_1696 = tpu.memref_squeeze %dma_start3A_1695 : memref<1x128xf32, #tpu.memory_space<vmem>> -> memref<128xf32, #tpu.memory_space<vmem>>
      %dma_start3A_1697 = arith.constant 0 : i32
      %dma_start3A_1698 = tpu.memref_slice %arg6[%run_scoped3A_26, %dma_start3A_1697] : memref<24x128xi32, #tpu.memory_space<vmem>> -> memref<1x128xi32, #tpu.memory_space<vmem>>
      %dma_start3A_1699 = tpu.memref_squeeze %dma_start3A_1698 : memref<1x128xi32, #tpu.memory_space<vmem>> -> memref<128xi32, #tpu.memory_space<vmem>>
      %dma_start3A_1700 = arith.constant 0 : i32
      %dma_start3A_1701 = tpu.memref_slice %arg10[%dma_start3A_1700] : memref<65536xf32, #tpu.memory_space<vmem_shared>> -> memref<65536xf32, #tpu.memory_space<vmem_shared>>
      tpu.enqueue_indirect_dma source(%dma_start3A_1701 : memref<65536xf32, #tpu.memory_space<vmem_shared>>) target(%dma_start3A_1696 : memref<128xf32, #tpu.memory_space<vmem>>) offsets(%dma_start3A_1699 : memref<128xi32, #tpu.memory_space<vmem>>) semaphore(%run_scoped3A_1694 : memref<!tpu.dma_semaphore, #tpu.memory_space<semaphore_mem>>)
      %dma_wait3A = arith.constant 0 : i32
      %dma_wait3A_1702 = tpu.memref_slice %arg8[%run_scoped3A_27, %dma_wait3A] : memref<12x128xf32, #tpu.memory_space<vmem>> -> memref<1x128xf32, #tpu.memory_space<vmem>>
      %dma_wait3A_1703 = tpu.memref_squeeze %dma_wait3A_1702 : memref<1x128xf32, #tpu.memory_space<vmem>> -> memref<128xf32, #tpu.memory_space<vmem>>
      %dma_wait3A_1704 = arith.constant 0 : i32
      %dma_wait3A_1705 = tpu.memref_slice %arg6[%run_scoped3A_26, %dma_wait3A_1704] : memref<24x128xi32, #tpu.memory_space<vmem>> -> memref<1x128xi32, #tpu.memory_space<vmem>>
      %dma_wait3A_1706 = tpu.memref_squeeze %dma_wait3A_1705 : memref<1x128xi32, #tpu.memory_space<vmem>> -> memref<128xi32, #tpu.memory_space<vmem>>
      %dma_wait3A_1707 = arith.constant 0 : i32
      %dma_wait3A_1708 = tpu.memref_slice %arg10[%dma_wait3A_1707] : memref<65536xf32, #tpu.memory_space<vmem_shared>> -> memref<65536xf32, #tpu.memory_space<vmem_shared>>
      tpu.wait_indirect_dma semaphore(%run_scoped3A_1694 : memref<!tpu.dma_semaphore, #tpu.memory_space<semaphore_mem>>) src(%dma_wait3A_1708 : memref<65536xf32, #tpu.memory_space<vmem_shared>>) dst(%dma_wait3A_1703 : memref<128xf32, #tpu.memory_space<vmem>>)
      tpu.yield
    }) : () -> ()
    %run_scoped3A_28 = arith.constant 23 : i32
    %run_scoped3A_29 = arith.constant 11 : i32
    "tpu.region"() ({
      %run_scoped3A_1694 = tpu.sem_alloc : memref<!tpu.dma_semaphore, #tpu.memory_space<semaphore_mem>>
      %dma_start3A = arith.constant 0 : i32
      %dma_start3A_1695 = tpu.memref_slice %arg8[%run_scoped3A_29, %dma_start3A] : memref<12x128xf32, #tpu.memory_space<vmem>> -> memref<1x128xf32, #tpu.memory_space<vmem>>
      %dma_start3A_1696 = tpu.memref_squeeze %dma_start3A_1695 : memref<1x128xf32, #tpu.memory_space<vmem>> -> memref<128xf32, #tpu.memory_space<vmem>>
      %dma_start3A_1697 = arith.constant 0 : i32
      %dma_start3A_1698 = tpu.memref_slice %arg6[%run_scoped3A_28, %dma_start3A_1697] : memref<24x128xi32, #tpu.memory_space<vmem>> -> memref<1x128xi32, #tpu.memory_space<vmem>>
      %dma_start3A_1699 = tpu.memref_squeeze %dma_start3A_1698 : memref<1x128xi32, #tpu.memory_space<vmem>> -> memref<128xi32, #tpu.memory_space<vmem>>
      %dma_start3A_1700 = arith.constant 0 : i32
      %dma_start3A_1701 = tpu.memref_slice %arg10[%dma_start3A_1700] : memref<65536xf32, #tpu.memory_space<vmem_shared>> -> memref<65536xf32, #tpu.memory_space<vmem_shared>>
      tpu.enqueue_indirect_dma source(%dma_start3A_1701 : memref<65536xf32, #tpu.memory_space<vmem_shared>>) target(%dma_start3A_1696 : memref<128xf32, #tpu.memory_space<vmem>>) offsets(%dma_start3A_1699 : memref<128xi32, #tpu.memory_space<vmem>>) semaphore(%run_scoped3A_1694 : memref<!tpu.dma_semaphore, #tpu.memory_space<semaphore_mem>>)
      %dma_wait3A = arith.constant 0 : i32
      %dma_wait3A_1702 = tpu.memref_slice %arg8[%run_scoped3A_29, %dma_wait3A] : memref<12x128xf32, #tpu.memory_space<vmem>> -> memref<1x128xf32, #tpu.memory_space<vmem>>
      %dma_wait3A_1703 = tpu.memref_squeeze %dma_wait3A_1702 : memref<1x128xf32, #tpu.memory_space<vmem>> -> memref<128xf32, #tpu.memory_space<vmem>>
      %dma_wait3A_1704 = arith.constant 0 : i32
      %dma_wait3A_1705 = tpu.memref_slice %arg6[%run_scoped3A_28, %dma_wait3A_1704] : memref<24x128xi32, #tpu.memory_space<vmem>> -> memref<1x128xi32, #tpu.memory_space<vmem>>
      %dma_wait3A_1706 = tpu.memref_squeeze %dma_wait3A_1705 : memref<1x128xi32, #tpu.memory_space<vmem>> -> memref<128xi32, #tpu.memory_space<vmem>>
      %dma_wait3A_1707 = arith.constant 0 : i32
      %dma_wait3A_1708 = tpu.memref_slice %arg10[%dma_wait3A_1707] : memref<65536xf32, #tpu.memory_space<vmem_shared>> -> memref<65536xf32, #tpu.memory_space<vmem_shared>>
      tpu.wait_indirect_dma semaphore(%run_scoped3A_1694 : memref<!tpu.dma_semaphore, #tpu.memory_space<semaphore_mem>>) src(%dma_wait3A_1708 : memref<65536xf32, #tpu.memory_space<vmem_shared>>) dst(%dma_wait3A_1703 : memref<128xf32, #tpu.memory_space<vmem>>)
      tpu.yield
    }) : () -> ()
    %get3A = arith.constant 0 : i32
    %get3A_30 = arith.index_cast %get3A : i32 to index
    %get3A_31 = arith.constant 0 : index
    %get3A_32 = tpu.vector_load %arg8[%get3A_30, %get3A_31] {strides = array<i32>} : memref<12x128xf32, #tpu.memory_space<vmem>>, vector<1x16xf32>,
    %get3A_33 = vector.shape_cast %get3A_32 : vector<1x16xf32> to vector<16xf32>
    %get3A_34 = arith.constant 0 : i32
    %get3A_35 = arith.index_cast %get3A_34 : i32 to index
    %get3A_36 = arith.constant 0 : index
    %get3A_37 = tpu.vector_load %arg7[%get3A_35, %get3A_36] {strides = array<i32>} : memref<16x128xf32, #tpu.memory_space<vmem>>, vector<1x16xf32>,
    %get3A_38 = vector.shape_cast %get3A_37 : vector<1x16xf32> to vector<16xf32>
    %mul3A_39 = arith.mulf %get3A_33, %get3A_38 : vector<16xf32>
    %swap3A = arith.constant 0 : i32
    %swap3A_40 = arith.index_cast %swap3A : i32 to index
    %swap3A_41 = arith.constant 0 : index
    %swap3A_42 = tpu.vector_load %arg8[%swap3A_40, %swap3A_41] {strides = array<i32>} : memref<12x128xf32, #tpu.memory_space<vmem>>, vector<1x16xf32>,
    %swap3A_43 = vector.shape_cast %swap3A_42 : vector<1x16xf32> to vector<16xf32>
    %swap3A_44 = vector.shape_cast %mul3A_39 : vector<16xf32> to vector<1x16xf32>
    tpu.vector_store %arg8[%swap3A_40, %swap3A_41], %swap3A_44 {strides = array<i32>} : memref<12x128xf32, #tpu.memory_space<vmem>>, vector<1x16xf32>,
    %get3A_45 = arith.constant 0 : i32
    %get3A_46 = arith.index_cast %get3A_45 : i32 to index
    %get3A_47 = arith.constant 16 : index
    %get3A_48 = tpu.vector_load %arg8[%get3A_46, %get3A_47] {strides = array<i32>} : memref<12x128xf32, #tpu.memory_space<vmem>>, vector<1x16xf32>,
    %get3A_49 = vector.shape_cast %get3A_48 : vector<1x16xf32> to vector<16xf32>
    %get3A_50 = arith.constant 0 : i32
    %get3A_51 = arith.index_cast %get3A_50 : i32 to index
    %get3A_52 = arith.constant 16 : index
    %get3A_53 = tpu.vector_load %arg7[%get3A_51, %get3A_52] {strides = array<i32>} : memref<16x128xf32, #tpu.memory_space<vmem>>, vector<1x16xf32>,
    %get3A_54 = vector.shape_cast %get3A_53 : vector<1x16xf32> to vector<16xf32>
    %mul3A_55 = arith.mulf %get3A_49, %get3A_54 : vector<16xf32>
    %swap3A_56 = arith.constant 0 : i32
    %swap3A_57 = arith.index_cast %swap3A_56 : i32 to index
    %swap3A_58 = arith.constant 16 : index
    %swap3A_59 = tpu.vector_load %arg8[%swap3A_57, %swap3A_58] {strides = array<i32>} : memref<12x128xf32, #tpu.memory_space<vmem>>, vector<1x16xf32>,
    %swap3A_60 = vector.shape_cast %swap3A_59 : vector<1x16xf32> to vector<16xf32>
    %swap3A_61 = vector.shape_cast %mul3A_55 : vector<16xf32> to vector<1x16xf32>
    tpu.vector_store %arg8[%swap3A_57, %swap3A_58], %swap3A_61 {strides = array<i32>} : memref<12x128xf32, #tpu.memory_space<vmem>>, vector<1x16xf32>,
    %get3A_62 = arith.constant 0 : i32
    %get3A_63 = arith.index_cast %get3A_62 : i32 to index
    %get3A_64 = arith.constant 32 : index
    %get3A_65 = tpu.vector_load %arg8[%get3A_63, %get3A_64] {strides = array<i32>} : memref<12x128xf32, #tpu.memory_space<vmem>>, vector<1x16xf32>,
    %get3A_66 = vector.shape_cast %get3A_65 : vector<1x16xf32> to vector<16xf32>
    %get3A_67 = arith.constant 0 : i32
    %get3A_68 = arith.index_cast %get3A_67 : i32 to index
    %get3A_69 = arith.constant 32 : index
    %get3A_70 = tpu.vector_load %arg7[%get3A_68, %get3A_69] {strides = array<i32>} : memref<16x128xf32, #tpu.memory_space<vmem>>, vector<1x16xf32>,
    %get3A_71 = vector.shape_cast %get3A_70 : vector<1x16xf32> to vector<16xf32>
    %mul3A_72 = arith.mulf %get3A_66, %get3A_71 : vector<16xf32>
    %swap3A_73 = arith.constant 0 : i32
    %swap3A_74 = arith.index_cast %swap3A_73 : i32 to index
    %swap3A_75 = arith.constant 32 : index
    %swap3A_76 = tpu.vector_load %arg8[%swap3A_74, %swap3A_75] {strides = array<i32>} : memref<12x128xf32, #tpu.memory_space<vmem>>, vector<1x16xf32>,
    %swap3A_77 = vector.shape_cast %swap3A_76 : vector<1x16xf32> to vector<16xf32>
    %swap3A_78 = vector.shape_cast %mul3A_72 : vector<16xf32> to vector<1x16xf32>
    tpu.vector_store %arg8[%swap3A_74, %swap3A_75], %swap3A_78 {strides = array<i32>} : memref<12x128xf32, #tpu.memory_space<vmem>>, vector<1x16xf32>,
    %get3A_79 = arith.constant 0 : i32
    %get3A_80 = arith.index_cast %get3A_79 : i32 to index
    %get3A_81 = arith.constant 48 : index
    %get3A_82 = tpu.vector_load %arg8[%get3A_80, %get3A_81] {strides = array<i32>} : memref<12x128xf32, #tpu.memory_space<vmem>>, vector<1x16xf32>,
    %get3A_83 = vector.shape_cast %get3A_82 : vector<1x16xf32> to vector<16xf32>
    %get3A_84 = arith.constant 0 : i32
    %get3A_85 = arith.index_cast %get3A_84 : i32 to index
    %get3A_86 = arith.constant 48 : index
    %get3A_87 = tpu.vector_load %arg7[%get3A_85, %get3A_86] {strides = array<i32>} : memref<16x128xf32, #tpu.memory_space<vmem>>, vector<1x16xf32>,
    %get3A_88 = vector.shape_cast %get3A_87 : vector<1x16xf32> to vector<16xf32>
    %mul3A_89 = arith.mulf %get3A_83, %get3A_88 : vector<16xf32>
    %swap3A_90 = arith.constant 0 : i32
    %swap3A_91 = arith.index_cast %swap3A_90 : i32 to index
    %swap3A_92 = arith.constant 48 : index
    %swap3A_93 = tpu.vector_load %arg8[%swap3A_91, %swap3A_92] {strides = array<i32>} : memref<12x128xf32, #tpu.memory_space<vmem>>, vector<1x16xf32>,
    %swap3A_94 = vector.shape_cast %swap3A_93 : vector<1x16xf32> to vector<16xf32>
    %swap3A_95 = vector.shape_cast %mul3A_89 : vector<16xf32> to vector<1x16xf32>
    tpu.vector_store %arg8[%swap3A_91, %swap3A_92], %swap3A_95 {strides = array<i32>} : memref<12x128xf32, #tpu.memory_space<vmem>>, vector<1x16xf32>,
    %get3A_96 = arith.constant 0 : i32
    %get3A_97 = arith.index_cast %get3A_96 : i32 to index
    %get3A_98 = arith.constant 64 : index
    %get3A_99 = tpu.vector_load %arg8[%get3A_97, %get3A_98] {strides = array<i32>} : memref<12x128xf32, #tpu.memory_space<vmem>>, vector<1x16xf32>,
    %get3A_100 = vector.shape_cast %get3A_99 : vector<1x16xf32> to vector<16xf32>
    %get3A_101 = arith.constant 0 : i32
    %get3A_102 = arith.index_cast %get3A_101 : i32 to index
    %get3A_103 = arith.constant 64 : index
    %get3A_104 = tpu.vector_load %arg7[%get3A_102, %get3A_103] {strides = array<i32>} : memref<16x128xf32, #tpu.memory_space<vmem>>, vector<1x16xf32>,
    %get3A_105 = vector.shape_cast %get3A_104 : vector<1x16xf32> to vector<16xf32>
    %mul3A_106 = arith.mulf %get3A_100, %get3A_105 : vector<16xf32>
    %swap3A_107 = arith.constant 0 : i32
    %swap3A_108 = arith.index_cast %swap3A_107 : i32 to index
    %swap3A_109 = arith.constant 64 : index
    %swap3A_110 = tpu.vector_load %arg8[%swap3A_108, %swap3A_109] {strides = array<i32>} : memref<12x128xf32, #tpu.memory_space<vmem>>, vector<1x16xf32>,
    %swap3A_111 = vector.shape_cast %swap3A_110 : vector<1x16xf32> to vector<16xf32>
    %swap3A_112 = vector.shape_cast %mul3A_106 : vector<16xf32> to vector<1x16xf32>
    tpu.vector_store %arg8[%swap3A_108, %swap3A_109], %swap3A_112 {strides = array<i32>} : memref<12x128xf32, #tpu.memory_space<vmem>>, vector<1x16xf32>,
    %get3A_113 = arith.constant 0 : i32
    %get3A_114 = arith.index_cast %get3A_113 : i32 to index
    %get3A_115 = arith.constant 80 : index
    %get3A_116 = tpu.vector_load %arg8[%get3A_114, %get3A_115] {strides = array<i32>} : memref<12x128xf32, #tpu.memory_space<vmem>>, vector<1x16xf32>,
    %get3A_117 = vector.shape_cast %get3A_116 : vector<1x16xf32> to vector<16xf32>
    %get3A_118 = arith.constant 0 : i32
    %get3A_119 = arith.index_cast %get3A_118 : i32 to index
    %get3A_120 = arith.constant 80 : index
    %get3A_121 = tpu.vector_load %arg7[%get3A_119, %get3A_120] {strides = array<i32>} : memref<16x128xf32, #tpu.memory_space<vmem>>, vector<1x16xf32>,
    %get3A_122 = vector.shape_cast %get3A_121 : vector<1x16xf32> to vector<16xf32>
    %mul3A_123 = arith.mulf %get3A_117, %get3A_122 : vector<16xf32>
    %swap3A_124 = arith.constant 0 : i32
    %swap3A_125 = arith.index_cast %swap3A_124 : i32 to index
    %swap3A_126 = arith.constant 80 : index
    %swap3A_127 = tpu.vector_load %arg8[%swap3A_125, %swap3A_126] {strides = array<i32>} : memref<12x128xf32, #tpu.memory_space<vmem>>, vector<1x16xf32>,
    %swap3A_128 = vector.shape_cast %swap3A_127 : vector<1x16xf32> to vector<16xf32>
    %swap3A_129 = vector.shape_cast %mul3A_123 : vector<16xf32> to vector<1x16xf32>
    tpu.vector_store %arg8[%swap3A_125, %swap3A_126], %swap3A_129 {strides = array<i32>} : memref<12x128xf32, #tpu.memory_space<vmem>>, vector<1x16xf32>,
    %get3A_130 = arith.constant 0 : i32
    %get3A_131 = arith.index_cast %get3A_130 : i32 to index
    %get3A_132 = arith.constant 96 : index
    %get3A_133 = tpu.vector_load %arg8[%get3A_131, %get3A_132] {strides = array<i32>} : memref<12x128xf32, #tpu.memory_space<vmem>>, vector<1x16xf32>,
    %get3A_134 = vector.shape_cast %get3A_133 : vector<1x16xf32> to vector<16xf32>
    %get3A_135 = arith.constant 0 : i32
    %get3A_136 = arith.index_cast %get3A_135 : i32 to index
    %get3A_137 = arith.constant 96 : index
    %get3A_138 = tpu.vector_load %arg7[%get3A_136, %get3A_137] {strides = array<i32>} : memref<16x128xf32, #tpu.memory_space<vmem>>, vector<1x16xf32>,
    %get3A_139 = vector.shape_cast %get3A_138 : vector<1x16xf32> to vector<16xf32>
    %mul3A_140 = arith.mulf %get3A_134, %get3A_139 : vector<16xf32>
    %swap3A_141 = arith.constant 0 : i32
    %swap3A_142 = arith.index_cast %swap3A_141 : i32 to index
    %swap3A_143 = arith.constant 96 : index
    %swap3A_144 = tpu.vector_load %arg8[%swap3A_142, %swap3A_143] {strides = array<i32>} : memref<12x128xf32, #tpu.memory_space<vmem>>, vector<1x16xf32>,
    %swap3A_145 = vector.shape_cast %swap3A_144 : vector<1x16xf32> to vector<16xf32>
    %swap3A_146 = vector.shape_cast %mul3A_140 : vector<16xf32> to vector<1x16xf32>
    tpu.vector_store %arg8[%swap3A_142, %swap3A_143], %swap3A_146 {strides = array<i32>} : memref<12x128xf32, #tpu.memory_space<vmem>>, vector<1x16xf32>,
    %get3A_147 = arith.constant 0 : i32
    %get3A_148 = arith.index_cast %get3A_147 : i32 to index
    %get3A_149 = arith.constant 112 : index
    %get3A_150 = tpu.vector_load %arg8[%get3A_148, %get3A_149] {strides = array<i32>} : memref<12x128xf32, #tpu.memory_space<vmem>>, vector<1x16xf32>,
    %get3A_151 = vector.shape_cast %get3A_150 : vector<1x16xf32> to vector<16xf32>
    %get3A_152 = arith.constant 0 : i32
    %get3A_153 = arith.index_cast %get3A_152 : i32 to index
    %get3A_154 = arith.constant 112 : index
    %get3A_155 = tpu.vector_load %arg7[%get3A_153, %get3A_154] {strides = array<i32>} : memref<16x128xf32, #tpu.memory_space<vmem>>, vector<1x16xf32>,
    %get3A_156 = vector.shape_cast %get3A_155 : vector<1x16xf32> to vector<16xf32>
    %mul3A_157 = arith.mulf %get3A_151, %get3A_156 : vector<16xf32>
    %swap3A_158 = arith.constant 0 : i32
    %swap3A_159 = arith.index_cast %swap3A_158 : i32 to index
    %swap3A_160 = arith.constant 112 : index
    %swap3A_161 = tpu.vector_load %arg8[%swap3A_159, %swap3A_160] {strides = array<i32>} : memref<12x128xf32, #tpu.memory_space<vmem>>, vector<1x16xf32>,
    %swap3A_162 = vector.shape_cast %swap3A_161 : vector<1x16xf32> to vector<16xf32>
    %swap3A_163 = vector.shape_cast %mul3A_157 : vector<16xf32> to vector<1x16xf32>
    tpu.vector_store %arg8[%swap3A_159, %swap3A_160], %swap3A_163 {strides = array<i32>} : memref<12x128xf32, #tpu.memory_space<vmem>>, vector<1x16xf32>,
    %get3A_164 = arith.constant 1 : i32
    %get3A_165 = arith.index_cast %get3A_164 : i32 to index
    %get3A_166 = arith.constant 0 : index
    %get3A_167 = tpu.vector_load %arg8[%get3A_165, %get3A_166] {strides = array<i32>} : memref<12x128xf32, #tpu.memory_space<vmem>>, vector<1x16xf32>,
    %get3A_168 = vector.shape_cast %get3A_167 : vector<1x16xf32> to vector<16xf32>
    %get3A_169 = arith.constant 1 : i32
    %get3A_170 = arith.index_cast %get3A_169 : i32 to index
    %get3A_171 = arith.constant 0 : index
    %get3A_172 = tpu.vector_load %arg7[%get3A_170, %get3A_171] {strides = array<i32>} : memref<16x128xf32, #tpu.memory_space<vmem>>, vector<1x16xf32>,
    %get3A_173 = vector.shape_cast %get3A_172 : vector<1x16xf32> to vector<16xf32>
    %mul3A_174 = arith.mulf %get3A_168, %get3A_173 : vector<16xf32>
    %swap3A_175 = arith.constant 1 : i32
    %swap3A_176 = arith.index_cast %swap3A_175 : i32 to index
    %swap3A_177 = arith.constant 0 : index
    %swap3A_178 = tpu.vector_load %arg8[%swap3A_176, %swap3A_177] {strides = array<i32>} : memref<12x128xf32, #tpu.memory_space<vmem>>, vector<1x16xf32>,
    %swap3A_179 = vector.shape_cast %swap3A_178 : vector<1x16xf32> to vector<16xf32>
    %swap3A_180 = vector.shape_cast %mul3A_174 : vector<16xf32> to vector<1x16xf32>
    tpu.vector_store %arg8[%swap3A_176, %swap3A_177], %swap3A_180 {strides = array<i32>} : memref<12x128xf32, #tpu.memory_space<vmem>>, vector<1x16xf32>,
    %get3A_181 = arith.constant 1 : i32
    %get3A_182 = arith.index_cast %get3A_181 : i32 to index
    %get3A_183 = arith.constant 16 : index
    %get3A_184 = tpu.vector_load %arg8[%get3A_182, %get3A_183] {strides = array<i32>} : memref<12x128xf32, #tpu.memory_space<vmem>>, vector<1x16xf32>,
    %get3A_185 = vector.shape_cast %get3A_184 : vector<1x16xf32> to vector<16xf32>
    %get3A_186 = arith.constant 1 : i32
    %get3A_187 = arith.index_cast %get3A_186 : i32 to index
    %get3A_188 = arith.constant 16 : index
    %get3A_189 = tpu.vector_load %arg7[%get3A_187, %get3A_188] {strides = array<i32>} : memref<16x128xf32, #tpu.memory_space<vmem>>, vector<1x16xf32>,
    %get3A_190 = vector.shape_cast %get3A_189 : vector<1x16xf32> to vector<16xf32>
    %mul3A_191 = arith.mulf %get3A_185, %get3A_190 : vector<16xf32>
    %swap3A_192 = arith.constant 1 : i32
    %swap3A_193 = arith.index_cast %swap3A_192 : i32 to index
    %swap3A_194 = arith.constant 16 : index
    %swap3A_195 = tpu.vector_load %arg8[%swap3A_193, %swap3A_194] {strides = array<i32>} : memref<12x128xf32, #tpu.memory_space<vmem>>, vector<1x16xf32>,
    %swap3A_196 = vector.shape_cast %swap3A_195 : vector<1x16xf32> to vector<16xf32>
    %swap3A_197 = vector.shape_cast %mul3A_191 : vector<16xf32> to vector<1x16xf32>
    tpu.vector_store %arg8[%swap3A_193, %swap3A_194], %swap3A_197 {strides = array<i32>} : memref<12x128xf32, #tpu.memory_space<vmem>>, vector<1x16xf32>,
    %get3A_198 = arith.constant 1 : i32
    %get3A_199 = arith.index_cast %get3A_198 : i32 to index
    %get3A_200 = arith.constant 32 : index
    %get3A_201 = tpu.vector_load %arg8[%get3A_199, %get3A_200] {strides = array<i32>} : memref<12x128xf32, #tpu.memory_space<vmem>>, vector<1x16xf32>,
    %get3A_202 = vector.shape_cast %get3A_201 : vector<1x16xf32> to vector<16xf32>
    %get3A_203 = arith.constant 1 : i32
    %get3A_204 = arith.index_cast %get3A_203 : i32 to index
    %get3A_205 = arith.constant 32 : index
    %get3A_206 = tpu.vector_load %arg7[%get3A_204, %get3A_205] {strides = array<i32>} : memref<16x128xf32, #tpu.memory_space<vmem>>, vector<1x16xf32>,
    %get3A_207 = vector.shape_cast %get3A_206 : vector<1x16xf32> to vector<16xf32>
    %mul3A_208 = arith.mulf %get3A_202, %get3A_207 : vector<16xf32>
    %swap3A_209 = arith.constant 1 : i32
    %swap3A_210 = arith.index_cast %swap3A_209 : i32 to index
    %swap3A_211 = arith.constant 32 : index
    %swap3A_212 = tpu.vector_load %arg8[%swap3A_210, %swap3A_211] {strides = array<i32>} : memref<12x128xf32, #tpu.memory_space<vmem>>, vector<1x16xf32>,
    %swap3A_213 = vector.shape_cast %swap3A_212 : vector<1x16xf32> to vector<16xf32>
    %swap3A_214 = vector.shape_cast %mul3A_208 : vector<16xf32> to vector<1x16xf32>
    tpu.vector_store %arg8[%swap3A_210, %swap3A_211], %swap3A_214 {strides = array<i32>} : memref<12x128xf32, #tpu.memory_space<vmem>>, vector<1x16xf32>,
    %get3A_215 = arith.constant 1 : i32
    %get3A_216 = arith.index_cast %get3A_215 : i32 to index
    %get3A_217 = arith.constant 48 : index
    %get3A_218 = tpu.vector_load %arg8[%get3A_216, %get3A_217] {strides = array<i32>} : memref<12x128xf32, #tpu.memory_space<vmem>>, vector<1x16xf32>,
    %get3A_219 = vector.shape_cast %get3A_218 : vector<1x16xf32> to vector<16xf32>
    %get3A_220 = arith.constant 1 : i32
    %get3A_221 = arith.index_cast %get3A_220 : i32 to index
    %get3A_222 = arith.constant 48 : index
    %get3A_223 = tpu.vector_load %arg7[%get3A_221, %get3A_222] {strides = array<i32>} : memref<16x128xf32, #tpu.memory_space<vmem>>, vector<1x16xf32>,
    %get3A_224 = vector.shape_cast %get3A_223 : vector<1x16xf32> to vector<16xf32>
    %mul3A_225 = arith.mulf %get3A_219, %get3A_224 : vector<16xf32>
    %swap3A_226 = arith.constant 1 : i32
    %swap3A_227 = arith.index_cast %swap3A_226 : i32 to index
    %swap3A_228 = arith.constant 48 : index
    %swap3A_229 = tpu.vector_load %arg8[%swap3A_227, %swap3A_228] {strides = array<i32>} : memref<12x128xf32, #tpu.memory_space<vmem>>, vector<1x16xf32>,
    %swap3A_230 = vector.shape_cast %swap3A_229 : vector<1x16xf32> to vector<16xf32>
    %swap3A_231 = vector.shape_cast %mul3A_225 : vector<16xf32> to vector<1x16xf32>
    tpu.vector_store %arg8[%swap3A_227, %swap3A_228], %swap3A_231 {strides = array<i32>} : memref<12x128xf32, #tpu.memory_space<vmem>>, vector<1x16xf32>,
    %get3A_232 = arith.constant 1 : i32
    %get3A_233 = arith.index_cast %get3A_232 : i32 to index
    %get3A_234 = arith.constant 64 : index
    %get3A_235 = tpu.vector_load %arg8[%get3A_233, %get3A_234] {strides = array<i32>} : memref<12x128xf32, #tpu.memory_space<vmem>>, vector<1x16xf32>,
    %get3A_236 = vector.shape_cast %get3A_235 : vector<1x16xf32> to vector<16xf32>
    %get3A_237 = arith.constant 1 : i32
    %get3A_238 = arith.index_cast %get3A_237 : i32 to index
    %get3A_239 = arith.constant 64 : index
    %get3A_240 = tpu.vector_load %arg7[%get3A_238, %get3A_239] {strides = array<i32>} : memref<16x128xf32, #tpu.memory_space<vmem>>, vector<1x16xf32>,
    %get3A_241 = vector.shape_cast %get3A_240 : vector<1x16xf32> to vector<16xf32>
    %mul3A_242 = arith.mulf %get3A_236, %get3A_241 : vector<16xf32>
    %swap3A_243 = arith.constant 1 : i32
    %swap3A_244 = arith.index_cast %swap3A_243 : i32 to index
    %swap3A_245 = arith.constant 64 : index
    %swap3A_246 = tpu.vector_load %arg8[%swap3A_244, %swap3A_245] {strides = array<i32>} : memref<12x128xf32, #tpu.memory_space<vmem>>, vector<1x16xf32>,
    %swap3A_247 = vector.shape_cast %swap3A_246 : vector<1x16xf32> to vector<16xf32>
    %swap3A_248 = vector.shape_cast %mul3A_242 : vector<16xf32> to vector<1x16xf32>
    tpu.vector_store %arg8[%swap3A_244, %swap3A_245], %swap3A_248 {strides = array<i32>} : memref<12x128xf32, #tpu.memory_space<vmem>>, vector<1x16xf32>,
    %get3A_249 = arith.constant 1 : i32
    %get3A_250 = arith.index_cast %get3A_249 : i32 to index
    %get3A_251 = arith.constant 80 : index
    %get3A_252 = tpu.vector_load %arg8[%get3A_250, %get3A_251] {strides = array<i32>} : memref<12x128xf32, #tpu.memory_space<vmem>>, vector<1x16xf32>,
    %get3A_253 = vector.shape_cast %get3A_252 : vector<1x16xf32> to vector<16xf32>
    %get3A_254 = arith.constant 1 : i32
    %get3A_255 = arith.index_cast %get3A_254 : i32 to index
    %get3A_256 = arith.constant 80 : index
    %get3A_257 = tpu.vector_load %arg7[%get3A_255, %get3A_256] {strides = array<i32>} : memref<16x128xf32, #tpu.memory_space<vmem>>, vector<1x16xf32>,
    %get3A_258 = vector.shape_cast %get3A_257 : vector<1x16xf32> to vector<16xf32>
    %mul3A_259 = arith.mulf %get3A_253, %get3A_258 : vector<16xf32>
    %swap3A_260 = arith.constant 1 : i32
    %swap3A_261 = arith.index_cast %swap3A_260 : i32 to index
    %swap3A_262 = arith.constant 80 : index
    %swap3A_263 = tpu.vector_load %arg8[%swap3A_261, %swap3A_262] {strides = array<i32>} : memref<12x128xf32, #tpu.memory_space<vmem>>, vector<1x16xf32>,
    %swap3A_264 = vector.shape_cast %swap3A_263 : vector<1x16xf32> to vector<16xf32>
    %swap3A_265 = vector.shape_cast %mul3A_259 : vector<16xf32> to vector<1x16xf32>
    tpu.vector_store %arg8[%swap3A_261, %swap3A_262], %swap3A_265 {strides = array<i32>} : memref<12x128xf32, #tpu.memory_space<vmem>>, vector<1x16xf32>,
    %get3A_266 = arith.constant 1 : i32
    %get3A_267 = arith.index_cast %get3A_266 : i32 to index
    %get3A_268 = arith.constant 96 : index
    %get3A_269 = tpu.vector_load %arg8[%get3A_267, %get3A_268] {strides = array<i32>} : memref<12x128xf32, #tpu.memory_space<vmem>>, vector<1x16xf32>,
    %get3A_270 = vector.shape_cast %get3A_269 : vector<1x16xf32> to vector<16xf32>
    %get3A_271 = arith.constant 1 : i32
    %get3A_272 = arith.index_cast %get3A_271 : i32 to index
    %get3A_273 = arith.constant 96 : index
    %get3A_274 = tpu.vector_load %arg7[%get3A_272, %get3A_273] {strides = array<i32>} : memref<16x128xf32, #tpu.memory_space<vmem>>, vector<1x16xf32>,
    %get3A_275 = vector.shape_cast %get3A_274 : vector<1x16xf32> to vector<16xf32>
    %mul3A_276 = arith.mulf %get3A_270, %get3A_275 : vector<16xf32>
    %swap3A_277 = arith.constant 1 : i32
    %swap3A_278 = arith.index_cast %swap3A_277 : i32 to index
    %swap3A_279 = arith.constant 96 : index
    %swap3A_280 = tpu.vector_load %arg8[%swap3A_278, %swap3A_279] {strides = array<i32>} : memref<12x128xf32, #tpu.memory_space<vmem>>, vector<1x16xf32>,
    %swap3A_281 = vector.shape_cast %swap3A_280 : vector<1x16xf32> to vector<16xf32>
    %swap3A_282 = vector.shape_cast %mul3A_276 : vector<16xf32> to vector<1x16xf32>
    tpu.vector_store %arg8[%swap3A_278, %swap3A_279], %swap3A_282 {strides = array<i32>} : memref<12x128xf32, #tpu.memory_space<vmem>>, vector<1x16xf32>,
    %get3A_283 = arith.constant 1 : i32
    %get3A_284 = arith.index_cast %get3A_283 : i32 to index
    %get3A_285 = arith.constant 112 : index
    %get3A_286 = tpu.vector_load %arg8[%get3A_284, %get3A_285] {strides = array<i32>} : memref<12x128xf32, #tpu.memory_space<vmem>>, vector<1x16xf32>,
    %get3A_287 = vector.shape_cast %get3A_286 : vector<1x16xf32> to vector<16xf32>
    %get3A_288 = arith.constant 1 : i32
    %get3A_289 = arith.index_cast %get3A_288 : i32 to index
    %get3A_290 = arith.constant 112 : index
    %get3A_291 = tpu.vector_load %arg7[%get3A_289, %get3A_290] {strides = array<i32>} : memref<16x128xf32, #tpu.memory_space<vmem>>, vector<1x16xf32>,
    %get3A_292 = vector.shape_cast %get3A_291 : vector<1x16xf32> to vector<16xf32>
    %mul3A_293 = arith.mulf %get3A_287, %get3A_292 : vector<16xf32>
    %swap3A_294 = arith.constant 1 : i32
    %swap3A_295 = arith.index_cast %swap3A_294 : i32 to index
    %swap3A_296 = arith.constant 112 : index
    %swap3A_297 = tpu.vector_load %arg8[%swap3A_295, %swap3A_296] {strides = array<i32>} : memref<12x128xf32, #tpu.memory_space<vmem>>, vector<1x16xf32>,
    %swap3A_298 = vector.shape_cast %swap3A_297 : vector<1x16xf32> to vector<16xf32>
    %swap3A_299 = vector.shape_cast %mul3A_293 : vector<16xf32> to vector<1x16xf32>
    tpu.vector_store %arg8[%swap3A_295, %swap3A_296], %swap3A_299 {strides = array<i32>} : memref<12x128xf32, #tpu.memory_space<vmem>>, vector<1x16xf32>,
    %get3A_300 = arith.constant 2 : i32
    %get3A_301 = arith.index_cast %get3A_300 : i32 to index
    %get3A_302 = arith.constant 0 : index
    %get3A_303 = tpu.vector_load %arg8[%get3A_301, %get3A_302] {strides = array<i32>} : memref<12x128xf32, #tpu.memory_space<vmem>>, vector<1x16xf32>,
    %get3A_304 = vector.shape_cast %get3A_303 : vector<1x16xf32> to vector<16xf32>
    %get3A_305 = arith.constant 2 : i32
    %get3A_306 = arith.index_cast %get3A_305 : i32 to index
    %get3A_307 = arith.constant 0 : index
    %get3A_308 = tpu.vector_load %arg7[%get3A_306, %get3A_307] {strides = array<i32>} : memref<16x128xf32, #tpu.memory_space<vmem>>, vector<1x16xf32>,
    %get3A_309 = vector.shape_cast %get3A_308 : vector<1x16xf32> to vector<16xf32>
    %mul3A_310 = arith.mulf %get3A_304, %get3A_309 : vector<16xf32>
    %swap3A_311 = arith.constant 2 : i32
    %swap3A_312 = arith.index_cast %swap3A_311 : i32 to index
    %swap3A_313 = arith.constant 0 : index
    %swap3A_314 = tpu.vector_load %arg8[%swap3A_312, %swap3A_313] {strides = array<i32>} : memref<12x128xf32, #tpu.memory_space<vmem>>, vector<1x16xf32>,
    %swap3A_315 = vector.shape_cast %swap3A_314 : vector<1x16xf32> to vector<16xf32>
    %swap3A_316 = vector.shape_cast %mul3A_310 : vector<16xf32> to vector<1x16xf32>
    tpu.vector_store %arg8[%swap3A_312, %swap3A_313], %swap3A_316 {strides = array<i32>} : memref<12x128xf32, #tpu.memory_space<vmem>>, vector<1x16xf32>,
    %get3A_317 = arith.constant 2 : i32
    %get3A_318 = arith.index_cast %get3A_317 : i32 to index
    %get3A_319 = arith.constant 16 : index
    %get3A_320 = tpu.vector_load %arg8[%get3A_318, %get3A_319] {strides = array<i32>} : memref<12x128xf32, #tpu.memory_space<vmem>>, vector<1x16xf32>,
    %get3A_321 = vector.shape_cast %get3A_320 : vector<1x16xf32> to vector<16xf32>
    %get3A_322 = arith.constant 2 : i32
    %get3A_323 = arith.index_cast %get3A_322 : i32 to index
    %get3A_324 = arith.constant 16 : index
    %get3A_325 = tpu.vector_load %arg7[%get3A_323, %get3A_324] {strides = array<i32>} : memref<16x128xf32, #tpu.memory_space<vmem>>, vector<1x16xf32>,
    %get3A_326 = vector.shape_cast %get3A_325 : vector<1x16xf32> to vector<16xf32>
    %mul3A_327 = arith.mulf %get3A_321, %get3A_326 : vector<16xf32>
    %swap3A_328 = arith.constant 2 : i32
    %swap3A_329 = arith.index_cast %swap3A_328 : i32 to index
    %swap3A_330 = arith.constant 16 : index
    %swap3A_331 = tpu.vector_load %arg8[%swap3A_329, %swap3A_330] {strides = array<i32>} : memref<12x128xf32, #tpu.memory_space<vmem>>, vector<1x16xf32>,
    %swap3A_332 = vector.shape_cast %swap3A_331 : vector<1x16xf32> to vector<16xf32>
    %swap3A_333 = vector.shape_cast %mul3A_327 : vector<16xf32> to vector<1x16xf32>
    tpu.vector_store %arg8[%swap3A_329, %swap3A_330], %swap3A_333 {strides = array<i32>} : memref<12x128xf32, #tpu.memory_space<vmem>>, vector<1x16xf32>,
    %get3A_334 = arith.constant 2 : i32
    %get3A_335 = arith.index_cast %get3A_334 : i32 to index
    %get3A_336 = arith.constant 32 : index
    %get3A_337 = tpu.vector_load %arg8[%get3A_335, %get3A_336] {strides = array<i32>} : memref<12x128xf32, #tpu.memory_space<vmem>>, vector<1x16xf32>,
    %get3A_338 = vector.shape_cast %get3A_337 : vector<1x16xf32> to vector<16xf32>
    %get3A_339 = arith.constant 2 : i32
    %get3A_340 = arith.index_cast %get3A_339 : i32 to index
    %get3A_341 = arith.constant 32 : index
    %get3A_342 = tpu.vector_load %arg7[%get3A_340, %get3A_341] {strides = array<i32>} : memref<16x128xf32, #tpu.memory_space<vmem>>, vector<1x16xf32>,
    %get3A_343 = vector.shape_cast %get3A_342 : vector<1x16xf32> to vector<16xf32>
    %mul3A_344 = arith.mulf %get3A_338, %get3A_343 : vector<16xf32>
    %swap3A_345 = arith.constant 2 : i32
    %swap3A_346 = arith.index_cast %swap3A_345 : i32 to index
    %swap3A_347 = arith.constant 32 : index
    %swap3A_348 = tpu.vector_load %arg8[%swap3A_346, %swap3A_347] {strides = array<i32>} : memref<12x128xf32, #tpu.memory_space<vmem>>, vector<1x16xf32>,
    %swap3A_349 = vector.shape_cast %swap3A_348 : vector<1x16xf32> to vector<16xf32>
    %swap3A_350 = vector.shape_cast %mul3A_344 : vector<16xf32> to vector<1x16xf32>
    tpu.vector_store %arg8[%swap3A_346, %swap3A_347], %swap3A_350 {strides = array<i32>} : memref<12x128xf32, #tpu.memory_space<vmem>>, vector<1x16xf32>,
    %get3A_351 = arith.constant 2 : i32
    %get3A_352 = arith.index_cast %get3A_351 : i32 to index
    %get3A_353 = arith.constant 48 : index
    %get3A_354 = tpu.vector_load %arg8[%get3A_352, %get3A_353] {strides = array<i32>} : memref<12x128xf32, #tpu.memory_space<vmem>>, vector<1x16xf32>,
    %get3A_355 = vector.shape_cast %get3A_354 : vector<1x16xf32> to vector<16xf32>
    %get3A_356 = arith.constant 2 : i32
    %get3A_357 = arith.index_cast %get3A_356 : i32 to index
    %get3A_358 = arith.constant 48 : index
    %get3A_359 = tpu.vector_load %arg7[%get3A_357, %get3A_358] {strides = array<i32>} : memref<16x128xf32, #tpu.memory_space<vmem>>, vector<1x16xf32>,
    %get3A_360 = vector.shape_cast %get3A_359 : vector<1x16xf32> to vector<16xf32>
    %mul3A_361 = arith.mulf %get3A_355, %get3A_360 : vector<16xf32>
    %swap3A_362 = arith.constant 2 : i32
    %swap3A_363 = arith.index_cast %swap3A_362 : i32 to index
    %swap3A_364 = arith.constant 48 : index
    %swap3A_365 = tpu.vector_load %arg8[%swap3A_363, %swap3A_364] {strides = array<i32>} : memref<12x128xf32, #tpu.memory_space<vmem>>, vector<1x16xf32>,
    %swap3A_366 = vector.shape_cast %swap3A_365 : vector<1x16xf32> to vector<16xf32>
    %swap3A_367 = vector.shape_cast %mul3A_361 : vector<16xf32> to vector<1x16xf32>
    tpu.vector_store %arg8[%swap3A_363, %swap3A_364], %swap3A_367 {strides = array<i32>} : memref<12x128xf32, #tpu.memory_space<vmem>>, vector<1x16xf32>,
    %get3A_368 = arith.constant 2 : i32
    %get3A_369 = arith.index_cast %get3A_368 : i32 to index
    %get3A_370 = arith.constant 64 : index
    %get3A_371 = tpu.vector_load %arg8[%get3A_369, %get3A_370] {strides = array<i32>} : memref<12x128xf32, #tpu.memory_space<vmem>>, vector<1x16xf32>,
    %get3A_372 = vector.shape_cast %get3A_371 : vector<1x16xf32> to vector<16xf32>
    %get3A_373 = arith.constant 2 : i32
    %get3A_374 = arith.index_cast %get3A_373 : i32 to index
    %get3A_375 = arith.constant 64 : index
    %get3A_376 = tpu.vector_load %arg7[%get3A_374, %get3A_375] {strides = array<i32>} : memref<16x128xf32, #tpu.memory_space<vmem>>, vector<1x16xf32>,
    %get3A_377 = vector.shape_cast %get3A_376 : vector<1x16xf32> to vector<16xf32>
    %mul3A_378 = arith.mulf %get3A_372, %get3A_377 : vector<16xf32>
    %swap3A_379 = arith.constant 2 : i32
    %swap3A_380 = arith.index_cast %swap3A_379 : i32 to index
    %swap3A_381 = arith.constant 64 : index
    %swap3A_382 = tpu.vector_load %arg8[%swap3A_380, %swap3A_381] {strides = array<i32>} : memref<12x128xf32, #tpu.memory_space<vmem>>, vector<1x16xf32>,
    %swap3A_383 = vector.shape_cast %swap3A_382 : vector<1x16xf32> to vector<16xf32>
    %swap3A_384 = vector.shape_cast %mul3A_378 : vector<16xf32> to vector<1x16xf32>
    tpu.vector_store %arg8[%swap3A_380, %swap3A_381], %swap3A_384 {strides = array<i32>} : memref<12x128xf32, #tpu.memory_space<vmem>>, vector<1x16xf32>,
    %get3A_385 = arith.constant 2 : i32
    %get3A_386 = arith.index_cast %get3A_385 : i32 to index
    %get3A_387 = arith.constant 80 : index
    %get3A_388 = tpu.vector_load %arg8[%get3A_386, %get3A_387] {strides = array<i32>} : memref<12x128xf32, #tpu.memory_space<vmem>>, vector<1x16xf32>,
    %get3A_389 = vector.shape_cast %get3A_388 : vector<1x16xf32> to vector<16xf32>
    %get3A_390 = arith.constant 2 : i32
    %get3A_391 = arith.index_cast %get3A_390 : i32 to index
    %get3A_392 = arith.constant 80 : index
    %get3A_393 = tpu.vector_load %arg7[%get3A_391, %get3A_392] {strides = array<i32>} : memref<16x128xf32, #tpu.memory_space<vmem>>, vector<1x16xf32>,
    %get3A_394 = vector.shape_cast %get3A_393 : vector<1x16xf32> to vector<16xf32>
    %mul3A_395 = arith.mulf %get3A_389, %get3A_394 : vector<16xf32>
    %swap3A_396 = arith.constant 2 : i32
    %swap3A_397 = arith.index_cast %swap3A_396 : i32 to index
    %swap3A_398 = arith.constant 80 : index
    %swap3A_399 = tpu.vector_load %arg8[%swap3A_397, %swap3A_398] {strides = array<i32>} : memref<12x128xf32, #tpu.memory_space<vmem>>, vector<1x16xf32>,
    %swap3A_400 = vector.shape_cast %swap3A_399 : vector<1x16xf32> to vector<16xf32>
    %swap3A_401 = vector.shape_cast %mul3A_395 : vector<16xf32> to vector<1x16xf32>
    tpu.vector_store %arg8[%swap3A_397, %swap3A_398], %swap3A_401 {strides = array<i32>} : memref<12x128xf32, #tpu.memory_space<vmem>>, vector<1x16xf32>,
    %get3A_402 = arith.constant 2 : i32
    %get3A_403 = arith.index_cast %get3A_402 : i32 to index
    %get3A_404 = arith.constant 96 : index
    %get3A_405 = tpu.vector_load %arg8[%get3A_403, %get3A_404] {strides = array<i32>} : memref<12x128xf32, #tpu.memory_space<vmem>>, vector<1x16xf32>,
    %get3A_406 = vector.shape_cast %get3A_405 : vector<1x16xf32> to vector<16xf32>
    %get3A_407 = arith.constant 2 : i32
    %get3A_408 = arith.index_cast %get3A_407 : i32 to index
    %get3A_409 = arith.constant 96 : index
    %get3A_410 = tpu.vector_load %arg7[%get3A_408, %get3A_409] {strides = array<i32>} : memref<16x128xf32, #tpu.memory_space<vmem>>, vector<1x16xf32>,
    %get3A_411 = vector.shape_cast %get3A_410 : vector<1x16xf32> to vector<16xf32>
    %mul3A_412 = arith.mulf %get3A_406, %get3A_411 : vector<16xf32>
    %swap3A_413 = arith.constant 2 : i32
    %swap3A_414 = arith.index_cast %swap3A_413 : i32 to index
    %swap3A_415 = arith.constant 96 : index
    %swap3A_416 = tpu.vector_load %arg8[%swap3A_414, %swap3A_415] {strides = array<i32>} : memref<12x128xf32, #tpu.memory_space<vmem>>, vector<1x16xf32>,
    %swap3A_417 = vector.shape_cast %swap3A_416 : vector<1x16xf32> to vector<16xf32>
    %swap3A_418 = vector.shape_cast %mul3A_412 : vector<16xf32> to vector<1x16xf32>
    tpu.vector_store %arg8[%swap3A_414, %swap3A_415], %swap3A_418 {strides = array<i32>} : memref<12x128xf32, #tpu.memory_space<vmem>>, vector<1x16xf32>,
    %get3A_419 = arith.constant 2 : i32
    %get3A_420 = arith.index_cast %get3A_419 : i32 to index
    %get3A_421 = arith.constant 112 : index
    %get3A_422 = tpu.vector_load %arg8[%get3A_420, %get3A_421] {strides = array<i32>} : memref<12x128xf32, #tpu.memory_space<vmem>>, vector<1x16xf32>,
    %get3A_423 = vector.shape_cast %get3A_422 : vector<1x16xf32> to vector<16xf32>
    %get3A_424 = arith.constant 2 : i32
    %get3A_425 = arith.index_cast %get3A_424 : i32 to index
    %get3A_426 = arith.constant 112 : index
    %get3A_427 = tpu.vector_load %arg7[%get3A_425, %get3A_426] {strides = array<i32>} : memref<16x128xf32, #tpu.memory_space<vmem>>, vector<1x16xf32>,
    %get3A_428 = vector.shape_cast %get3A_427 : vector<1x16xf32> to vector<16xf32>
    %mul3A_429 = arith.mulf %get3A_423, %get3A_428 : vector<16xf32>
    %swap3A_430 = arith.constant 2 : i32
    %swap3A_431 = arith.index_cast %swap3A_430 : i32 to index
    %swap3A_432 = arith.constant 112 : index
    %swap3A_433 = tpu.vector_load %arg8[%swap3A_431, %swap3A_432] {strides = array<i32>} : memref<12x128xf32, #tpu.memory_space<vmem>>, vector<1x16xf32>,
    %swap3A_434 = vector.shape_cast %swap3A_433 : vector<1x16xf32> to vector<16xf32>
    %swap3A_435 = vector.shape_cast %mul3A_429 : vector<16xf32> to vector<1x16xf32>
    tpu.vector_store %arg8[%swap3A_431, %swap3A_432], %swap3A_435 {strides = array<i32>} : memref<12x128xf32, #tpu.memory_space<vmem>>, vector<1x16xf32>,
    %get3A_436 = arith.constant 3 : i32
    %get3A_437 = arith.index_cast %get3A_436 : i32 to index
    %get3A_438 = arith.constant 0 : index
    %get3A_439 = tpu.vector_load %arg8[%get3A_437, %get3A_438] {strides = array<i32>} : memref<12x128xf32, #tpu.memory_space<vmem>>, vector<1x16xf32>,
    %get3A_440 = vector.shape_cast %get3A_439 : vector<1x16xf32> to vector<16xf32>
    %get3A_441 = arith.constant 3 : i32
    %get3A_442 = arith.index_cast %get3A_441 : i32 to index
    %get3A_443 = arith.constant 0 : index
    %get3A_444 = tpu.vector_load %arg7[%get3A_442, %get3A_443] {strides = array<i32>} : memref<16x128xf32, #tpu.memory_space<vmem>>, vector<1x16xf32>,
    %get3A_445 = vector.shape_cast %get3A_444 : vector<1x16xf32> to vector<16xf32>
    %mul3A_446 = arith.mulf %get3A_440, %get3A_445 : vector<16xf32>
    %swap3A_447 = arith.constant 3 : i32
    %swap3A_448 = arith.index_cast %swap3A_447 : i32 to index
    %swap3A_449 = arith.constant 0 : index
    %swap3A_450 = tpu.vector_load %arg8[%swap3A_448, %swap3A_449] {strides = array<i32>} : memref<12x128xf32, #tpu.memory_space<vmem>>, vector<1x16xf32>,
    %swap3A_451 = vector.shape_cast %swap3A_450 : vector<1x16xf32> to vector<16xf32>
    %swap3A_452 = vector.shape_cast %mul3A_446 : vector<16xf32> to vector<1x16xf32>
    tpu.vector_store %arg8[%swap3A_448, %swap3A_449], %swap3A_452 {strides = array<i32>} : memref<12x128xf32, #tpu.memory_space<vmem>>, vector<1x16xf32>,
    %get3A_453 = arith.constant 3 : i32
    %get3A_454 = arith.index_cast %get3A_453 : i32 to index
    %get3A_455 = arith.constant 16 : index
    %get3A_456 = tpu.vector_load %arg8[%get3A_454, %get3A_455] {strides = array<i32>} : memref<12x128xf32, #tpu.memory_space<vmem>>, vector<1x16xf32>,
    %get3A_457 = vector.shape_cast %get3A_456 : vector<1x16xf32> to vector<16xf32>
    %get3A_458 = arith.constant 3 : i32
    %get3A_459 = arith.index_cast %get3A_458 : i32 to index
    %get3A_460 = arith.constant 16 : index
    %get3A_461 = tpu.vector_load %arg7[%get3A_459, %get3A_460] {strides = array<i32>} : memref<16x128xf32, #tpu.memory_space<vmem>>, vector<1x16xf32>,
    %get3A_462 = vector.shape_cast %get3A_461 : vector<1x16xf32> to vector<16xf32>
    %mul3A_463 = arith.mulf %get3A_457, %get3A_462 : vector<16xf32>
    %swap3A_464 = arith.constant 3 : i32
    %swap3A_465 = arith.index_cast %swap3A_464 : i32 to index
    %swap3A_466 = arith.constant 16 : index
    %swap3A_467 = tpu.vector_load %arg8[%swap3A_465, %swap3A_466] {strides = array<i32>} : memref<12x128xf32, #tpu.memory_space<vmem>>, vector<1x16xf32>,
    %swap3A_468 = vector.shape_cast %swap3A_467 : vector<1x16xf32> to vector<16xf32>
    %swap3A_469 = vector.shape_cast %mul3A_463 : vector<16xf32> to vector<1x16xf32>
    tpu.vector_store %arg8[%swap3A_465, %swap3A_466], %swap3A_469 {strides = array<i32>} : memref<12x128xf32, #tpu.memory_space<vmem>>, vector<1x16xf32>,
    %get3A_470 = arith.constant 3 : i32
    %get3A_471 = arith.index_cast %get3A_470 : i32 to index
    %get3A_472 = arith.constant 32 : index
    %get3A_473 = tpu.vector_load %arg8[%get3A_471, %get3A_472] {strides = array<i32>} : memref<12x128xf32, #tpu.memory_space<vmem>>, vector<1x16xf32>,
    %get3A_474 = vector.shape_cast %get3A_473 : vector<1x16xf32> to vector<16xf32>
    %get3A_475 = arith.constant 3 : i32
    %get3A_476 = arith.index_cast %get3A_475 : i32 to index
    %get3A_477 = arith.constant 32 : index
    %get3A_478 = tpu.vector_load %arg7[%get3A_476, %get3A_477] {strides = array<i32>} : memref<16x128xf32, #tpu.memory_space<vmem>>, vector<1x16xf32>,
    %get3A_479 = vector.shape_cast %get3A_478 : vector<1x16xf32> to vector<16xf32>
    %mul3A_480 = arith.mulf %get3A_474, %get3A_479 : vector<16xf32>
    %swap3A_481 = arith.constant 3 : i32
    %swap3A_482 = arith.index_cast %swap3A_481 : i32 to index
    %swap3A_483 = arith.constant 32 : index
    %swap3A_484 = tpu.vector_load %arg8[%swap3A_482, %swap3A_483] {strides = array<i32>} : memref<12x128xf32, #tpu.memory_space<vmem>>, vector<1x16xf32>,
    %swap3A_485 = vector.shape_cast %swap3A_484 : vector<1x16xf32> to vector<16xf32>
    %swap3A_486 = vector.shape_cast %mul3A_480 : vector<16xf32> to vector<1x16xf32>
    tpu.vector_store %arg8[%swap3A_482, %swap3A_483], %swap3A_486 {strides = array<i32>} : memref<12x128xf32, #tpu.memory_space<vmem>>, vector<1x16xf32>,
    %get3A_487 = arith.constant 3 : i32
    %get3A_488 = arith.index_cast %get3A_487 : i32 to index
    %get3A_489 = arith.constant 48 : index
    %get3A_490 = tpu.vector_load %arg8[%get3A_488, %get3A_489] {strides = array<i32>} : memref<12x128xf32, #tpu.memory_space<vmem>>, vector<1x16xf32>,
    %get3A_491 = vector.shape_cast %get3A_490 : vector<1x16xf32> to vector<16xf32>
    %get3A_492 = arith.constant 3 : i32
    %get3A_493 = arith.index_cast %get3A_492 : i32 to index
    %get3A_494 = arith.constant 48 : index
    %get3A_495 = tpu.vector_load %arg7[%get3A_493, %get3A_494] {strides = array<i32>} : memref<16x128xf32, #tpu.memory_space<vmem>>, vector<1x16xf32>,
    %get3A_496 = vector.shape_cast %get3A_495 : vector<1x16xf32> to vector<16xf32>
    %mul3A_497 = arith.mulf %get3A_491, %get3A_496 : vector<16xf32>
    %swap3A_498 = arith.constant 3 : i32
    %swap3A_499 = arith.index_cast %swap3A_498 : i32 to index
    %swap3A_500 = arith.constant 48 : index
    %swap3A_501 = tpu.vector_load %arg8[%swap3A_499, %swap3A_500] {strides = array<i32>} : memref<12x128xf32, #tpu.memory_space<vmem>>, vector<1x16xf32>,
    %swap3A_502 = vector.shape_cast %swap3A_501 : vector<1x16xf32> to vector<16xf32>
    %swap3A_503 = vector.shape_cast %mul3A_497 : vector<16xf32> to vector<1x16xf32>
    tpu.vector_store %arg8[%swap3A_499, %swap3A_500], %swap3A_503 {strides = array<i32>} : memref<12x128xf32, #tpu.memory_space<vmem>>, vector<1x16xf32>,
    %get3A_504 = arith.constant 3 : i32
    %get3A_505 = arith.index_cast %get3A_504 : i32 to index
    %get3A_506 = arith.constant 64 : index
    %get3A_507 = tpu.vector_load %arg8[%get3A_505, %get3A_506] {strides = array<i32>} : memref<12x128xf32, #tpu.memory_space<vmem>>, vector<1x16xf32>,
    %get3A_508 = vector.shape_cast %get3A_507 : vector<1x16xf32> to vector<16xf32>
    %get3A_509 = arith.constant 3 : i32
    %get3A_510 = arith.index_cast %get3A_509 : i32 to index
    %get3A_511 = arith.constant 64 : index
    %get3A_512 = tpu.vector_load %arg7[%get3A_510, %get3A_511] {strides = array<i32>} : memref<16x128xf32, #tpu.memory_space<vmem>>, vector<1x16xf32>,
    %get3A_513 = vector.shape_cast %get3A_512 : vector<1x16xf32> to vector<16xf32>
    %mul3A_514 = arith.mulf %get3A_508, %get3A_513 : vector<16xf32>
    %swap3A_515 = arith.constant 3 : i32
    %swap3A_516 = arith.index_cast %swap3A_515 : i32 to index
    %swap3A_517 = arith.constant 64 : index
    %swap3A_518 = tpu.vector_load %arg8[%swap3A_516, %swap3A_517] {strides = array<i32>} : memref<12x128xf32, #tpu.memory_space<vmem>>, vector<1x16xf32>,
    %swap3A_519 = vector.shape_cast %swap3A_518 : vector<1x16xf32> to vector<16xf32>
    %swap3A_520 = vector.shape_cast %mul3A_514 : vector<16xf32> to vector<1x16xf32>
    tpu.vector_store %arg8[%swap3A_516, %swap3A_517], %swap3A_520 {strides = array<i32>} : memref<12x128xf32, #tpu.memory_space<vmem>>, vector<1x16xf32>,
    %get3A_521 = arith.constant 3 : i32
    %get3A_522 = arith.index_cast %get3A_521 : i32 to index
    %get3A_523 = arith.constant 80 : index
    %get3A_524 = tpu.vector_load %arg8[%get3A_522, %get3A_523] {strides = array<i32>} : memref<12x128xf32, #tpu.memory_space<vmem>>, vector<1x16xf32>,
    %get3A_525 = vector.shape_cast %get3A_524 : vector<1x16xf32> to vector<16xf32>
    %get3A_526 = arith.constant 3 : i32
    %get3A_527 = arith.index_cast %get3A_526 : i32 to index
    %get3A_528 = arith.constant 80 : index
    %get3A_529 = tpu.vector_load %arg7[%get3A_527, %get3A_528] {strides = array<i32>} : memref<16x128xf32, #tpu.memory_space<vmem>>, vector<1x16xf32>,
    %get3A_530 = vector.shape_cast %get3A_529 : vector<1x16xf32> to vector<16xf32>
    %mul3A_531 = arith.mulf %get3A_525, %get3A_530 : vector<16xf32>
    %swap3A_532 = arith.constant 3 : i32
    %swap3A_533 = arith.index_cast %swap3A_532 : i32 to index
    %swap3A_534 = arith.constant 80 : index
    %swap3A_535 = tpu.vector_load %arg8[%swap3A_533, %swap3A_534] {strides = array<i32>} : memref<12x128xf32, #tpu.memory_space<vmem>>, vector<1x16xf32>,
    %swap3A_536 = vector.shape_cast %swap3A_535 : vector<1x16xf32> to vector<16xf32>
    %swap3A_537 = vector.shape_cast %mul3A_531 : vector<16xf32> to vector<1x16xf32>
    tpu.vector_store %arg8[%swap3A_533, %swap3A_534], %swap3A_537 {strides = array<i32>} : memref<12x128xf32, #tpu.memory_space<vmem>>, vector<1x16xf32>,
    %get3A_538 = arith.constant 3 : i32
    %get3A_539 = arith.index_cast %get3A_538 : i32 to index
    %get3A_540 = arith.constant 96 : index
    %get3A_541 = tpu.vector_load %arg8[%get3A_539, %get3A_540] {strides = array<i32>} : memref<12x128xf32, #tpu.memory_space<vmem>>, vector<1x16xf32>,
    %get3A_542 = vector.shape_cast %get3A_541 : vector<1x16xf32> to vector<16xf32>
    %get3A_543 = arith.constant 3 : i32
    %get3A_544 = arith.index_cast %get3A_543 : i32 to index
    %get3A_545 = arith.constant 96 : index
    %get3A_546 = tpu.vector_load %arg7[%get3A_544, %get3A_545] {strides = array<i32>} : memref<16x128xf32, #tpu.memory_space<vmem>>, vector<1x16xf32>,
    %get3A_547 = vector.shape_cast %get3A_546 : vector<1x16xf32> to vector<16xf32>
    %mul3A_548 = arith.mulf %get3A_542, %get3A_547 : vector<16xf32>
    %swap3A_549 = arith.constant 3 : i32
    %swap3A_550 = arith.index_cast %swap3A_549 : i32 to index
    %swap3A_551 = arith.constant 96 : index
    %swap3A_552 = tpu.vector_load %arg8[%swap3A_550, %swap3A_551] {strides = array<i32>} : memref<12x128xf32, #tpu.memory_space<vmem>>, vector<1x16xf32>,
    %swap3A_553 = vector.shape_cast %swap3A_552 : vector<1x16xf32> to vector<16xf32>
    %swap3A_554 = vector.shape_cast %mul3A_548 : vector<16xf32> to vector<1x16xf32>
    tpu.vector_store %arg8[%swap3A_550, %swap3A_551], %swap3A_554 {strides = array<i32>} : memref<12x128xf32, #tpu.memory_space<vmem>>, vector<1x16xf32>,
    %get3A_555 = arith.constant 3 : i32
    %get3A_556 = arith.index_cast %get3A_555 : i32 to index
    %get3A_557 = arith.constant 112 : index
    %get3A_558 = tpu.vector_load %arg8[%get3A_556, %get3A_557] {strides = array<i32>} : memref<12x128xf32, #tpu.memory_space<vmem>>, vector<1x16xf32>,
    %get3A_559 = vector.shape_cast %get3A_558 : vector<1x16xf32> to vector<16xf32>
    %get3A_560 = arith.constant 3 : i32
    %get3A_561 = arith.index_cast %get3A_560 : i32 to index
    %get3A_562 = arith.constant 112 : index
    %get3A_563 = tpu.vector_load %arg7[%get3A_561, %get3A_562] {strides = array<i32>} : memref<16x128xf32, #tpu.memory_space<vmem>>, vector<1x16xf32>,
    %get3A_564 = vector.shape_cast %get3A_563 : vector<1x16xf32> to vector<16xf32>
    %mul3A_565 = arith.mulf %get3A_559, %get3A_564 : vector<16xf32>
    %swap3A_566 = arith.constant 3 : i32
    %swap3A_567 = arith.index_cast %swap3A_566 : i32 to index
    %swap3A_568 = arith.constant 112 : index
    %swap3A_569 = tpu.vector_load %arg8[%swap3A_567, %swap3A_568] {strides = array<i32>} : memref<12x128xf32, #tpu.memory_space<vmem>>, vector<1x16xf32>,
    %swap3A_570 = vector.shape_cast %swap3A_569 : vector<1x16xf32> to vector<16xf32>
    %swap3A_571 = vector.shape_cast %mul3A_565 : vector<16xf32> to vector<1x16xf32>
    tpu.vector_store %arg8[%swap3A_567, %swap3A_568], %swap3A_571 {strides = array<i32>} : memref<12x128xf32, #tpu.memory_space<vmem>>, vector<1x16xf32>,
    %get3A_572 = arith.constant 4 : i32
    %get3A_573 = arith.index_cast %get3A_572 : i32 to index
    %get3A_574 = arith.constant 0 : index
    %get3A_575 = tpu.vector_load %arg8[%get3A_573, %get3A_574] {strides = array<i32>} : memref<12x128xf32, #tpu.memory_space<vmem>>, vector<1x16xf32>,
    %get3A_576 = vector.shape_cast %get3A_575 : vector<1x16xf32> to vector<16xf32>
    %get3A_577 = arith.constant 4 : i32
    %get3A_578 = arith.index_cast %get3A_577 : i32 to index
    %get3A_579 = arith.constant 0 : index
    %get3A_580 = tpu.vector_load %arg7[%get3A_578, %get3A_579] {strides = array<i32>} : memref<16x128xf32, #tpu.memory_space<vmem>>, vector<1x16xf32>,
    %get3A_581 = vector.shape_cast %get3A_580 : vector<1x16xf32> to vector<16xf32>
    %mul3A_582 = arith.mulf %get3A_576, %get3A_581 : vector<16xf32>
    %swap3A_583 = arith.constant 4 : i32
    %swap3A_584 = arith.index_cast %swap3A_583 : i32 to index
    %swap3A_585 = arith.constant 0 : index
    %swap3A_586 = tpu.vector_load %arg8[%swap3A_584, %swap3A_585] {strides = array<i32>} : memref<12x128xf32, #tpu.memory_space<vmem>>, vector<1x16xf32>,
    %swap3A_587 = vector.shape_cast %swap3A_586 : vector<1x16xf32> to vector<16xf32>
    %swap3A_588 = vector.shape_cast %mul3A_582 : vector<16xf32> to vector<1x16xf32>
    tpu.vector_store %arg8[%swap3A_584, %swap3A_585], %swap3A_588 {strides = array<i32>} : memref<12x128xf32, #tpu.memory_space<vmem>>, vector<1x16xf32>,
    %get3A_589 = arith.constant 4 : i32
    %get3A_590 = arith.index_cast %get3A_589 : i32 to index
    %get3A_591 = arith.constant 16 : index
    %get3A_592 = tpu.vector_load %arg8[%get3A_590, %get3A_591] {strides = array<i32>} : memref<12x128xf32, #tpu.memory_space<vmem>>, vector<1x16xf32>,
    %get3A_593 = vector.shape_cast %get3A_592 : vector<1x16xf32> to vector<16xf32>
    %get3A_594 = arith.constant 4 : i32
    %get3A_595 = arith.index_cast %get3A_594 : i32 to index
    %get3A_596 = arith.constant 16 : index
    %get3A_597 = tpu.vector_load %arg7[%get3A_595, %get3A_596] {strides = array<i32>} : memref<16x128xf32, #tpu.memory_space<vmem>>, vector<1x16xf32>,
    %get3A_598 = vector.shape_cast %get3A_597 : vector<1x16xf32> to vector<16xf32>
    %mul3A_599 = arith.mulf %get3A_593, %get3A_598 : vector<16xf32>
    %swap3A_600 = arith.constant 4 : i32
    %swap3A_601 = arith.index_cast %swap3A_600 : i32 to index
    %swap3A_602 = arith.constant 16 : index
    %swap3A_603 = tpu.vector_load %arg8[%swap3A_601, %swap3A_602] {strides = array<i32>} : memref<12x128xf32, #tpu.memory_space<vmem>>, vector<1x16xf32>,
    %swap3A_604 = vector.shape_cast %swap3A_603 : vector<1x16xf32> to vector<16xf32>
    %swap3A_605 = vector.shape_cast %mul3A_599 : vector<16xf32> to vector<1x16xf32>
    tpu.vector_store %arg8[%swap3A_601, %swap3A_602], %swap3A_605 {strides = array<i32>} : memref<12x128xf32, #tpu.memory_space<vmem>>, vector<1x16xf32>,
    %get3A_606 = arith.constant 4 : i32
    %get3A_607 = arith.index_cast %get3A_606 : i32 to index
    %get3A_608 = arith.constant 32 : index
    %get3A_609 = tpu.vector_load %arg8[%get3A_607, %get3A_608] {strides = array<i32>} : memref<12x128xf32, #tpu.memory_space<vmem>>, vector<1x16xf32>,
    %get3A_610 = vector.shape_cast %get3A_609 : vector<1x16xf32> to vector<16xf32>
    %get3A_611 = arith.constant 4 : i32
    %get3A_612 = arith.index_cast %get3A_611 : i32 to index
    %get3A_613 = arith.constant 32 : index
    %get3A_614 = tpu.vector_load %arg7[%get3A_612, %get3A_613] {strides = array<i32>} : memref<16x128xf32, #tpu.memory_space<vmem>>, vector<1x16xf32>,
    %get3A_615 = vector.shape_cast %get3A_614 : vector<1x16xf32> to vector<16xf32>
    %mul3A_616 = arith.mulf %get3A_610, %get3A_615 : vector<16xf32>
    %swap3A_617 = arith.constant 4 : i32
    %swap3A_618 = arith.index_cast %swap3A_617 : i32 to index
    %swap3A_619 = arith.constant 32 : index
    %swap3A_620 = tpu.vector_load %arg8[%swap3A_618, %swap3A_619] {strides = array<i32>} : memref<12x128xf32, #tpu.memory_space<vmem>>, vector<1x16xf32>,
    %swap3A_621 = vector.shape_cast %swap3A_620 : vector<1x16xf32> to vector<16xf32>
    %swap3A_622 = vector.shape_cast %mul3A_616 : vector<16xf32> to vector<1x16xf32>
    tpu.vector_store %arg8[%swap3A_618, %swap3A_619], %swap3A_622 {strides = array<i32>} : memref<12x128xf32, #tpu.memory_space<vmem>>, vector<1x16xf32>,
    %get3A_623 = arith.constant 4 : i32
    %get3A_624 = arith.index_cast %get3A_623 : i32 to index
    %get3A_625 = arith.constant 48 : index
    %get3A_626 = tpu.vector_load %arg8[%get3A_624, %get3A_625] {strides = array<i32>} : memref<12x128xf32, #tpu.memory_space<vmem>>, vector<1x16xf32>,
    %get3A_627 = vector.shape_cast %get3A_626 : vector<1x16xf32> to vector<16xf32>
    %get3A_628 = arith.constant 4 : i32
    %get3A_629 = arith.index_cast %get3A_628 : i32 to index
    %get3A_630 = arith.constant 48 : index
    %get3A_631 = tpu.vector_load %arg7[%get3A_629, %get3A_630] {strides = array<i32>} : memref<16x128xf32, #tpu.memory_space<vmem>>, vector<1x16xf32>,
    %get3A_632 = vector.shape_cast %get3A_631 : vector<1x16xf32> to vector<16xf32>
    %mul3A_633 = arith.mulf %get3A_627, %get3A_632 : vector<16xf32>
    %swap3A_634 = arith.constant 4 : i32
    %swap3A_635 = arith.index_cast %swap3A_634 : i32 to index
    %swap3A_636 = arith.constant 48 : index
    %swap3A_637 = tpu.vector_load %arg8[%swap3A_635, %swap3A_636] {strides = array<i32>} : memref<12x128xf32, #tpu.memory_space<vmem>>, vector<1x16xf32>,
    %swap3A_638 = vector.shape_cast %swap3A_637 : vector<1x16xf32> to vector<16xf32>
    %swap3A_639 = vector.shape_cast %mul3A_633 : vector<16xf32> to vector<1x16xf32>
    tpu.vector_store %arg8[%swap3A_635, %swap3A_636], %swap3A_639 {strides = array<i32>} : memref<12x128xf32, #tpu.memory_space<vmem>>, vector<1x16xf32>,
    %get3A_640 = arith.constant 4 : i32
    %get3A_641 = arith.index_cast %get3A_640 : i32 to index
    %get3A_642 = arith.constant 64 : index
    %get3A_643 = tpu.vector_load %arg8[%get3A_641, %get3A_642] {strides = array<i32>} : memref<12x128xf32, #tpu.memory_space<vmem>>, vector<1x16xf32>,
    %get3A_644 = vector.shape_cast %get3A_643 : vector<1x16xf32> to vector<16xf32>
    %get3A_645 = arith.constant 4 : i32
    %get3A_646 = arith.index_cast %get3A_645 : i32 to index
    %get3A_647 = arith.constant 64 : index
    %get3A_648 = tpu.vector_load %arg7[%get3A_646, %get3A_647] {strides = array<i32>} : memref<16x128xf32, #tpu.memory_space<vmem>>, vector<1x16xf32>,
    %get3A_649 = vector.shape_cast %get3A_648 : vector<1x16xf32> to vector<16xf32>
    %mul3A_650 = arith.mulf %get3A_644, %get3A_649 : vector<16xf32>
    %swap3A_651 = arith.constant 4 : i32
    %swap3A_652 = arith.index_cast %swap3A_651 : i32 to index
    %swap3A_653 = arith.constant 64 : index
    %swap3A_654 = tpu.vector_load %arg8[%swap3A_652, %swap3A_653] {strides = array<i32>} : memref<12x128xf32, #tpu.memory_space<vmem>>, vector<1x16xf32>,
    %swap3A_655 = vector.shape_cast %swap3A_654 : vector<1x16xf32> to vector<16xf32>
    %swap3A_656 = vector.shape_cast %mul3A_650 : vector<16xf32> to vector<1x16xf32>
    tpu.vector_store %arg8[%swap3A_652, %swap3A_653], %swap3A_656 {strides = array<i32>} : memref<12x128xf32, #tpu.memory_space<vmem>>, vector<1x16xf32>,
    %get3A_657 = arith.constant 4 : i32
    %get3A_658 = arith.index_cast %get3A_657 : i32 to index
    %get3A_659 = arith.constant 80 : index
    %get3A_660 = tpu.vector_load %arg8[%get3A_658, %get3A_659] {strides = array<i32>} : memref<12x128xf32, #tpu.memory_space<vmem>>, vector<1x16xf32>,
    %get3A_661 = vector.shape_cast %get3A_660 : vector<1x16xf32> to vector<16xf32>
    %get3A_662 = arith.constant 4 : i32
    %get3A_663 = arith.index_cast %get3A_662 : i32 to index
    %get3A_664 = arith.constant 80 : index
    %get3A_665 = tpu.vector_load %arg7[%get3A_663, %get3A_664] {strides = array<i32>} : memref<16x128xf32, #tpu.memory_space<vmem>>, vector<1x16xf32>,
    %get3A_666 = vector.shape_cast %get3A_665 : vector<1x16xf32> to vector<16xf32>
    %mul3A_667 = arith.mulf %get3A_661, %get3A_666 : vector<16xf32>
    %swap3A_668 = arith.constant 4 : i32
    %swap3A_669 = arith.index_cast %swap3A_668 : i32 to index
    %swap3A_670 = arith.constant 80 : index
    %swap3A_671 = tpu.vector_load %arg8[%swap3A_669, %swap3A_670] {strides = array<i32>} : memref<12x128xf32, #tpu.memory_space<vmem>>, vector<1x16xf32>,
    %swap3A_672 = vector.shape_cast %swap3A_671 : vector<1x16xf32> to vector<16xf32>
    %swap3A_673 = vector.shape_cast %mul3A_667 : vector<16xf32> to vector<1x16xf32>
    tpu.vector_store %arg8[%swap3A_669, %swap3A_670], %swap3A_673 {strides = array<i32>} : memref<12x128xf32, #tpu.memory_space<vmem>>, vector<1x16xf32>,
    %get3A_674 = arith.constant 4 : i32
    %get3A_675 = arith.index_cast %get3A_674 : i32 to index
    %get3A_676 = arith.constant 96 : index
    %get3A_677 = tpu.vector_load %arg8[%get3A_675, %get3A_676] {strides = array<i32>} : memref<12x128xf32, #tpu.memory_space<vmem>>, vector<1x16xf32>,
    %get3A_678 = vector.shape_cast %get3A_677 : vector<1x16xf32> to vector<16xf32>
    %get3A_679 = arith.constant 4 : i32
    %get3A_680 = arith.index_cast %get3A_679 : i32 to index
    %get3A_681 = arith.constant 96 : index
    %get3A_682 = tpu.vector_load %arg7[%get3A_680, %get3A_681] {strides = array<i32>} : memref<16x128xf32, #tpu.memory_space<vmem>>, vector<1x16xf32>,
    %get3A_683 = vector.shape_cast %get3A_682 : vector<1x16xf32> to vector<16xf32>
    %mul3A_684 = arith.mulf %get3A_678, %get3A_683 : vector<16xf32>
    %swap3A_685 = arith.constant 4 : i32
    %swap3A_686 = arith.index_cast %swap3A_685 : i32 to index
    %swap3A_687 = arith.constant 96 : index
    %swap3A_688 = tpu.vector_load %arg8[%swap3A_686, %swap3A_687] {strides = array<i32>} : memref<12x128xf32, #tpu.memory_space<vmem>>, vector<1x16xf32>,
    %swap3A_689 = vector.shape_cast %swap3A_688 : vector<1x16xf32> to vector<16xf32>
    %swap3A_690 = vector.shape_cast %mul3A_684 : vector<16xf32> to vector<1x16xf32>
    tpu.vector_store %arg8[%swap3A_686, %swap3A_687], %swap3A_690 {strides = array<i32>} : memref<12x128xf32, #tpu.memory_space<vmem>>, vector<1x16xf32>,
    %get3A_691 = arith.constant 4 : i32
    %get3A_692 = arith.index_cast %get3A_691 : i32 to index
    %get3A_693 = arith.constant 112 : index
    %get3A_694 = tpu.vector_load %arg8[%get3A_692, %get3A_693] {strides = array<i32>} : memref<12x128xf32, #tpu.memory_space<vmem>>, vector<1x16xf32>,
    %get3A_695 = vector.shape_cast %get3A_694 : vector<1x16xf32> to vector<16xf32>
    %get3A_696 = arith.constant 4 : i32
    %get3A_697 = arith.index_cast %get3A_696 : i32 to index
    %get3A_698 = arith.constant 112 : index
    %get3A_699 = tpu.vector_load %arg7[%get3A_697, %get3A_698] {strides = array<i32>} : memref<16x128xf32, #tpu.memory_space<vmem>>, vector<1x16xf32>,
    %get3A_700 = vector.shape_cast %get3A_699 : vector<1x16xf32> to vector<16xf32>
    %mul3A_701 = arith.mulf %get3A_695, %get3A_700 : vector<16xf32>
    %swap3A_702 = arith.constant 4 : i32
    %swap3A_703 = arith.index_cast %swap3A_702 : i32 to index
    %swap3A_704 = arith.constant 112 : index
    %swap3A_705 = tpu.vector_load %arg8[%swap3A_703, %swap3A_704] {strides = array<i32>} : memref<12x128xf32, #tpu.memory_space<vmem>>, vector<1x16xf32>,
    %swap3A_706 = vector.shape_cast %swap3A_705 : vector<1x16xf32> to vector<16xf32>
    %swap3A_707 = vector.shape_cast %mul3A_701 : vector<16xf32> to vector<1x16xf32>
    tpu.vector_store %arg8[%swap3A_703, %swap3A_704], %swap3A_707 {strides = array<i32>} : memref<12x128xf32, #tpu.memory_space<vmem>>, vector<1x16xf32>,
    %get3A_708 = arith.constant 5 : i32
    %get3A_709 = arith.index_cast %get3A_708 : i32 to index
    %get3A_710 = arith.constant 0 : index
    %get3A_711 = tpu.vector_load %arg8[%get3A_709, %get3A_710] {strides = array<i32>} : memref<12x128xf32, #tpu.memory_space<vmem>>, vector<1x16xf32>,
    %get3A_712 = vector.shape_cast %get3A_711 : vector<1x16xf32> to vector<16xf32>
    %get3A_713 = arith.constant 5 : i32
    %get3A_714 = arith.index_cast %get3A_713 : i32 to index
    %get3A_715 = arith.constant 0 : index
    %get3A_716 = tpu.vector_load %arg7[%get3A_714, %get3A_715] {strides = array<i32>} : memref<16x128xf32, #tpu.memory_space<vmem>>, vector<1x16xf32>,
    %get3A_717 = vector.shape_cast %get3A_716 : vector<1x16xf32> to vector<16xf32>
    %mul3A_718 = arith.mulf %get3A_712, %get3A_717 : vector<16xf32>
    %swap3A_719 = arith.constant 5 : i32
    %swap3A_720 = arith.index_cast %swap3A_719 : i32 to index
    %swap3A_721 = arith.constant 0 : index
    %swap3A_722 = tpu.vector_load %arg8[%swap3A_720, %swap3A_721] {strides = array<i32>} : memref<12x128xf32, #tpu.memory_space<vmem>>, vector<1x16xf32>,
    %swap3A_723 = vector.shape_cast %swap3A_722 : vector<1x16xf32> to vector<16xf32>
    %swap3A_724 = vector.shape_cast %mul3A_718 : vector<16xf32> to vector<1x16xf32>
    tpu.vector_store %arg8[%swap3A_720, %swap3A_721], %swap3A_724 {strides = array<i32>} : memref<12x128xf32, #tpu.memory_space<vmem>>, vector<1x16xf32>,
    %get3A_725 = arith.constant 5 : i32
    %get3A_726 = arith.index_cast %get3A_725 : i32 to index
    %get3A_727 = arith.constant 16 : index
    %get3A_728 = tpu.vector_load %arg8[%get3A_726, %get3A_727] {strides = array<i32>} : memref<12x128xf32, #tpu.memory_space<vmem>>, vector<1x16xf32>,
    %get3A_729 = vector.shape_cast %get3A_728 : vector<1x16xf32> to vector<16xf32>
    %get3A_730 = arith.constant 5 : i32
    %get3A_731 = arith.index_cast %get3A_730 : i32 to index
    %get3A_732 = arith.constant 16 : index
    %get3A_733 = tpu.vector_load %arg7[%get3A_731, %get3A_732] {strides = array<i32>} : memref<16x128xf32, #tpu.memory_space<vmem>>, vector<1x16xf32>,
    %get3A_734 = vector.shape_cast %get3A_733 : vector<1x16xf32> to vector<16xf32>
    %mul3A_735 = arith.mulf %get3A_729, %get3A_734 : vector<16xf32>
    %swap3A_736 = arith.constant 5 : i32
    %swap3A_737 = arith.index_cast %swap3A_736 : i32 to index
    %swap3A_738 = arith.constant 16 : index
    %swap3A_739 = tpu.vector_load %arg8[%swap3A_737, %swap3A_738] {strides = array<i32>} : memref<12x128xf32, #tpu.memory_space<vmem>>, vector<1x16xf32>,
    %swap3A_740 = vector.shape_cast %swap3A_739 : vector<1x16xf32> to vector<16xf32>
    %swap3A_741 = vector.shape_cast %mul3A_735 : vector<16xf32> to vector<1x16xf32>
    tpu.vector_store %arg8[%swap3A_737, %swap3A_738], %swap3A_741 {strides = array<i32>} : memref<12x128xf32, #tpu.memory_space<vmem>>, vector<1x16xf32>,
    %get3A_742 = arith.constant 5 : i32
    %get3A_743 = arith.index_cast %get3A_742 : i32 to index
    %get3A_744 = arith.constant 32 : index
    %get3A_745 = tpu.vector_load %arg8[%get3A_743, %get3A_744] {strides = array<i32>} : memref<12x128xf32, #tpu.memory_space<vmem>>, vector<1x16xf32>,
    %get3A_746 = vector.shape_cast %get3A_745 : vector<1x16xf32> to vector<16xf32>
    %get3A_747 = arith.constant 5 : i32
    %get3A_748 = arith.index_cast %get3A_747 : i32 to index
    %get3A_749 = arith.constant 32 : index
    %get3A_750 = tpu.vector_load %arg7[%get3A_748, %get3A_749] {strides = array<i32>} : memref<16x128xf32, #tpu.memory_space<vmem>>, vector<1x16xf32>,
    %get3A_751 = vector.shape_cast %get3A_750 : vector<1x16xf32> to vector<16xf32>
    %mul3A_752 = arith.mulf %get3A_746, %get3A_751 : vector<16xf32>
    %swap3A_753 = arith.constant 5 : i32
    %swap3A_754 = arith.index_cast %swap3A_753 : i32 to index
    %swap3A_755 = arith.constant 32 : index
    %swap3A_756 = tpu.vector_load %arg8[%swap3A_754, %swap3A_755] {strides = array<i32>} : memref<12x128xf32, #tpu.memory_space<vmem>>, vector<1x16xf32>,
    %swap3A_757 = vector.shape_cast %swap3A_756 : vector<1x16xf32> to vector<16xf32>
    %swap3A_758 = vector.shape_cast %mul3A_752 : vector<16xf32> to vector<1x16xf32>
    tpu.vector_store %arg8[%swap3A_754, %swap3A_755], %swap3A_758 {strides = array<i32>} : memref<12x128xf32, #tpu.memory_space<vmem>>, vector<1x16xf32>,
    %get3A_759 = arith.constant 5 : i32
    %get3A_760 = arith.index_cast %get3A_759 : i32 to index
    %get3A_761 = arith.constant 48 : index
    %get3A_762 = tpu.vector_load %arg8[%get3A_760, %get3A_761] {strides = array<i32>} : memref<12x128xf32, #tpu.memory_space<vmem>>, vector<1x16xf32>,
    %get3A_763 = vector.shape_cast %get3A_762 : vector<1x16xf32> to vector<16xf32>
    %get3A_764 = arith.constant 5 : i32
    %get3A_765 = arith.index_cast %get3A_764 : i32 to index
    %get3A_766 = arith.constant 48 : index
    %get3A_767 = tpu.vector_load %arg7[%get3A_765, %get3A_766] {strides = array<i32>} : memref<16x128xf32, #tpu.memory_space<vmem>>, vector<1x16xf32>,
    %get3A_768 = vector.shape_cast %get3A_767 : vector<1x16xf32> to vector<16xf32>
    %mul3A_769 = arith.mulf %get3A_763, %get3A_768 : vector<16xf32>
    %swap3A_770 = arith.constant 5 : i32
    %swap3A_771 = arith.index_cast %swap3A_770 : i32 to index
    %swap3A_772 = arith.constant 48 : index
    %swap3A_773 = tpu.vector_load %arg8[%swap3A_771, %swap3A_772] {strides = array<i32>} : memref<12x128xf32, #tpu.memory_space<vmem>>, vector<1x16xf32>,
    %swap3A_774 = vector.shape_cast %swap3A_773 : vector<1x16xf32> to vector<16xf32>
    %swap3A_775 = vector.shape_cast %mul3A_769 : vector<16xf32> to vector<1x16xf32>
    tpu.vector_store %arg8[%swap3A_771, %swap3A_772], %swap3A_775 {strides = array<i32>} : memref<12x128xf32, #tpu.memory_space<vmem>>, vector<1x16xf32>,
    %get3A_776 = arith.constant 5 : i32
    %get3A_777 = arith.index_cast %get3A_776 : i32 to index
    %get3A_778 = arith.constant 64 : index
    %get3A_779 = tpu.vector_load %arg8[%get3A_777, %get3A_778] {strides = array<i32>} : memref<12x128xf32, #tpu.memory_space<vmem>>, vector<1x16xf32>,
    %get3A_780 = vector.shape_cast %get3A_779 : vector<1x16xf32> to vector<16xf32>
    %get3A_781 = arith.constant 5 : i32
    %get3A_782 = arith.index_cast %get3A_781 : i32 to index
    %get3A_783 = arith.constant 64 : index
    %get3A_784 = tpu.vector_load %arg7[%get3A_782, %get3A_783] {strides = array<i32>} : memref<16x128xf32, #tpu.memory_space<vmem>>, vector<1x16xf32>,
    %get3A_785 = vector.shape_cast %get3A_784 : vector<1x16xf32> to vector<16xf32>
    %mul3A_786 = arith.mulf %get3A_780, %get3A_785 : vector<16xf32>
    %swap3A_787 = arith.constant 5 : i32
    %swap3A_788 = arith.index_cast %swap3A_787 : i32 to index
    %swap3A_789 = arith.constant 64 : index
    %swap3A_790 = tpu.vector_load %arg8[%swap3A_788, %swap3A_789] {strides = array<i32>} : memref<12x128xf32, #tpu.memory_space<vmem>>, vector<1x16xf32>,
    %swap3A_791 = vector.shape_cast %swap3A_790 : vector<1x16xf32> to vector<16xf32>
    %swap3A_792 = vector.shape_cast %mul3A_786 : vector<16xf32> to vector<1x16xf32>
    tpu.vector_store %arg8[%swap3A_788, %swap3A_789], %swap3A_792 {strides = array<i32>} : memref<12x128xf32, #tpu.memory_space<vmem>>, vector<1x16xf32>,
    %get3A_793 = arith.constant 5 : i32
    %get3A_794 = arith.index_cast %get3A_793 : i32 to index
    %get3A_795 = arith.constant 80 : index
    %get3A_796 = tpu.vector_load %arg8[%get3A_794, %get3A_795] {strides = array<i32>} : memref<12x128xf32, #tpu.memory_space<vmem>>, vector<1x16xf32>,
    %get3A_797 = vector.shape_cast %get3A_796 : vector<1x16xf32> to vector<16xf32>
    %get3A_798 = arith.constant 5 : i32
    %get3A_799 = arith.index_cast %get3A_798 : i32 to index
    %get3A_800 = arith.constant 80 : index
    %get3A_801 = tpu.vector_load %arg7[%get3A_799, %get3A_800] {strides = array<i32>} : memref<16x128xf32, #tpu.memory_space<vmem>>, vector<1x16xf32>,
    %get3A_802 = vector.shape_cast %get3A_801 : vector<1x16xf32> to vector<16xf32>
    %mul3A_803 = arith.mulf %get3A_797, %get3A_802 : vector<16xf32>
    %swap3A_804 = arith.constant 5 : i32
    %swap3A_805 = arith.index_cast %swap3A_804 : i32 to index
    %swap3A_806 = arith.constant 80 : index
    %swap3A_807 = tpu.vector_load %arg8[%swap3A_805, %swap3A_806] {strides = array<i32>} : memref<12x128xf32, #tpu.memory_space<vmem>>, vector<1x16xf32>,
    %swap3A_808 = vector.shape_cast %swap3A_807 : vector<1x16xf32> to vector<16xf32>
    %swap3A_809 = vector.shape_cast %mul3A_803 : vector<16xf32> to vector<1x16xf32>
    tpu.vector_store %arg8[%swap3A_805, %swap3A_806], %swap3A_809 {strides = array<i32>} : memref<12x128xf32, #tpu.memory_space<vmem>>, vector<1x16xf32>,
    %get3A_810 = arith.constant 5 : i32
    %get3A_811 = arith.index_cast %get3A_810 : i32 to index
    %get3A_812 = arith.constant 96 : index
    %get3A_813 = tpu.vector_load %arg8[%get3A_811, %get3A_812] {strides = array<i32>} : memref<12x128xf32, #tpu.memory_space<vmem>>, vector<1x16xf32>,
    %get3A_814 = vector.shape_cast %get3A_813 : vector<1x16xf32> to vector<16xf32>
    %get3A_815 = arith.constant 5 : i32
    %get3A_816 = arith.index_cast %get3A_815 : i32 to index
    %get3A_817 = arith.constant 96 : index
    %get3A_818 = tpu.vector_load %arg7[%get3A_816, %get3A_817] {strides = array<i32>} : memref<16x128xf32, #tpu.memory_space<vmem>>, vector<1x16xf32>,
    %get3A_819 = vector.shape_cast %get3A_818 : vector<1x16xf32> to vector<16xf32>
    %mul3A_820 = arith.mulf %get3A_814, %get3A_819 : vector<16xf32>
    %swap3A_821 = arith.constant 5 : i32
    %swap3A_822 = arith.index_cast %swap3A_821 : i32 to index
    %swap3A_823 = arith.constant 96 : index
    %swap3A_824 = tpu.vector_load %arg8[%swap3A_822, %swap3A_823] {strides = array<i32>} : memref<12x128xf32, #tpu.memory_space<vmem>>, vector<1x16xf32>,
    %swap3A_825 = vector.shape_cast %swap3A_824 : vector<1x16xf32> to vector<16xf32>
    %swap3A_826 = vector.shape_cast %mul3A_820 : vector<16xf32> to vector<1x16xf32>
    tpu.vector_store %arg8[%swap3A_822, %swap3A_823], %swap3A_826 {strides = array<i32>} : memref<12x128xf32, #tpu.memory_space<vmem>>, vector<1x16xf32>,
    %get3A_827 = arith.constant 5 : i32
    %get3A_828 = arith.index_cast %get3A_827 : i32 to index
    %get3A_829 = arith.constant 112 : index
    %get3A_830 = tpu.vector_load %arg8[%get3A_828, %get3A_829] {strides = array<i32>} : memref<12x128xf32, #tpu.memory_space<vmem>>, vector<1x16xf32>,
    %get3A_831 = vector.shape_cast %get3A_830 : vector<1x16xf32> to vector<16xf32>
    %get3A_832 = arith.constant 5 : i32
    %get3A_833 = arith.index_cast %get3A_832 : i32 to index
    %get3A_834 = arith.constant 112 : index
    %get3A_835 = tpu.vector_load %arg7[%get3A_833, %get3A_834] {strides = array<i32>} : memref<16x128xf32, #tpu.memory_space<vmem>>, vector<1x16xf32>,
    %get3A_836 = vector.shape_cast %get3A_835 : vector<1x16xf32> to vector<16xf32>
    %mul3A_837 = arith.mulf %get3A_831, %get3A_836 : vector<16xf32>
    %swap3A_838 = arith.constant 5 : i32
    %swap3A_839 = arith.index_cast %swap3A_838 : i32 to index
    %swap3A_840 = arith.constant 112 : index
    %swap3A_841 = tpu.vector_load %arg8[%swap3A_839, %swap3A_840] {strides = array<i32>} : memref<12x128xf32, #tpu.memory_space<vmem>>, vector<1x16xf32>,
    %swap3A_842 = vector.shape_cast %swap3A_841 : vector<1x16xf32> to vector<16xf32>
    %swap3A_843 = vector.shape_cast %mul3A_837 : vector<16xf32> to vector<1x16xf32>
    tpu.vector_store %arg8[%swap3A_839, %swap3A_840], %swap3A_843 {strides = array<i32>} : memref<12x128xf32, #tpu.memory_space<vmem>>, vector<1x16xf32>,
    %get3A_844 = arith.constant 6 : i32
    %get3A_845 = arith.index_cast %get3A_844 : i32 to index
    %get3A_846 = arith.constant 0 : index
    %get3A_847 = tpu.vector_load %arg8[%get3A_845, %get3A_846] {strides = array<i32>} : memref<12x128xf32, #tpu.memory_space<vmem>>, vector<1x16xf32>,
    %get3A_848 = vector.shape_cast %get3A_847 : vector<1x16xf32> to vector<16xf32>
    %get3A_849 = arith.constant 6 : i32
    %get3A_850 = arith.index_cast %get3A_849 : i32 to index
    %get3A_851 = arith.constant 0 : index
    %get3A_852 = tpu.vector_load %arg7[%get3A_850, %get3A_851] {strides = array<i32>} : memref<16x128xf32, #tpu.memory_space<vmem>>, vector<1x16xf32>,
    %get3A_853 = vector.shape_cast %get3A_852 : vector<1x16xf32> to vector<16xf32>
    %mul3A_854 = arith.mulf %get3A_848, %get3A_853 : vector<16xf32>
    %swap3A_855 = arith.constant 6 : i32
    %swap3A_856 = arith.index_cast %swap3A_855 : i32 to index
    %swap3A_857 = arith.constant 0 : index
    %swap3A_858 = tpu.vector_load %arg8[%swap3A_856, %swap3A_857] {strides = array<i32>} : memref<12x128xf32, #tpu.memory_space<vmem>>, vector<1x16xf32>,
    %swap3A_859 = vector.shape_cast %swap3A_858 : vector<1x16xf32> to vector<16xf32>
    %swap3A_860 = vector.shape_cast %mul3A_854 : vector<16xf32> to vector<1x16xf32>
    tpu.vector_store %arg8[%swap3A_856, %swap3A_857], %swap3A_860 {strides = array<i32>} : memref<12x128xf32, #tpu.memory_space<vmem>>, vector<1x16xf32>,
    %get3A_861 = arith.constant 6 : i32
    %get3A_862 = arith.index_cast %get3A_861 : i32 to index
    %get3A_863 = arith.constant 16 : index
    %get3A_864 = tpu.vector_load %arg8[%get3A_862, %get3A_863] {strides = array<i32>} : memref<12x128xf32, #tpu.memory_space<vmem>>, vector<1x16xf32>,
    %get3A_865 = vector.shape_cast %get3A_864 : vector<1x16xf32> to vector<16xf32>
    %get3A_866 = arith.constant 6 : i32
    %get3A_867 = arith.index_cast %get3A_866 : i32 to index
    %get3A_868 = arith.constant 16 : index
    %get3A_869 = tpu.vector_load %arg7[%get3A_867, %get3A_868] {strides = array<i32>} : memref<16x128xf32, #tpu.memory_space<vmem>>, vector<1x16xf32>,
    %get3A_870 = vector.shape_cast %get3A_869 : vector<1x16xf32> to vector<16xf32>
    %mul3A_871 = arith.mulf %get3A_865, %get3A_870 : vector<16xf32>
    %swap3A_872 = arith.constant 6 : i32
    %swap3A_873 = arith.index_cast %swap3A_872 : i32 to index
    %swap3A_874 = arith.constant 16 : index
    %swap3A_875 = tpu.vector_load %arg8[%swap3A_873, %swap3A_874] {strides = array<i32>} : memref<12x128xf32, #tpu.memory_space<vmem>>, vector<1x16xf32>,
    %swap3A_876 = vector.shape_cast %swap3A_875 : vector<1x16xf32> to vector<16xf32>
    %swap3A_877 = vector.shape_cast %mul3A_871 : vector<16xf32> to vector<1x16xf32>
    tpu.vector_store %arg8[%swap3A_873, %swap3A_874], %swap3A_877 {strides = array<i32>} : memref<12x128xf32, #tpu.memory_space<vmem>>, vector<1x16xf32>,
    %get3A_878 = arith.constant 6 : i32
    %get3A_879 = arith.index_cast %get3A_878 : i32 to index
    %get3A_880 = arith.constant 32 : index
    %get3A_881 = tpu.vector_load %arg8[%get3A_879, %get3A_880] {strides = array<i32>} : memref<12x128xf32, #tpu.memory_space<vmem>>, vector<1x16xf32>,
    %get3A_882 = vector.shape_cast %get3A_881 : vector<1x16xf32> to vector<16xf32>
    %get3A_883 = arith.constant 6 : i32
    %get3A_884 = arith.index_cast %get3A_883 : i32 to index
    %get3A_885 = arith.constant 32 : index
    %get3A_886 = tpu.vector_load %arg7[%get3A_884, %get3A_885] {strides = array<i32>} : memref<16x128xf32, #tpu.memory_space<vmem>>, vector<1x16xf32>,
    %get3A_887 = vector.shape_cast %get3A_886 : vector<1x16xf32> to vector<16xf32>
    %mul3A_888 = arith.mulf %get3A_882, %get3A_887 : vector<16xf32>
    %swap3A_889 = arith.constant 6 : i32
    %swap3A_890 = arith.index_cast %swap3A_889 : i32 to index
    %swap3A_891 = arith.constant 32 : index
    %swap3A_892 = tpu.vector_load %arg8[%swap3A_890, %swap3A_891] {strides = array<i32>} : memref<12x128xf32, #tpu.memory_space<vmem>>, vector<1x16xf32>,
    %swap3A_893 = vector.shape_cast %swap3A_892 : vector<1x16xf32> to vector<16xf32>
    %swap3A_894 = vector.shape_cast %mul3A_888 : vector<16xf32> to vector<1x16xf32>
    tpu.vector_store %arg8[%swap3A_890, %swap3A_891], %swap3A_894 {strides = array<i32>} : memref<12x128xf32, #tpu.memory_space<vmem>>, vector<1x16xf32>,
    %get3A_895 = arith.constant 6 : i32
    %get3A_896 = arith.index_cast %get3A_895 : i32 to index
    %get3A_897 = arith.constant 48 : index
    %get3A_898 = tpu.vector_load %arg8[%get3A_896, %get3A_897] {strides = array<i32>} : memref<12x128xf32, #tpu.memory_space<vmem>>, vector<1x16xf32>,
    %get3A_899 = vector.shape_cast %get3A_898 : vector<1x16xf32> to vector<16xf32>
    %get3A_900 = arith.constant 6 : i32
    %get3A_901 = arith.index_cast %get3A_900 : i32 to index
    %get3A_902 = arith.constant 48 : index
    %get3A_903 = tpu.vector_load %arg7[%get3A_901, %get3A_902] {strides = array<i32>} : memref<16x128xf32, #tpu.memory_space<vmem>>, vector<1x16xf32>,
    %get3A_904 = vector.shape_cast %get3A_903 : vector<1x16xf32> to vector<16xf32>
    %mul3A_905 = arith.mulf %get3A_899, %get3A_904 : vector<16xf32>
    %swap3A_906 = arith.constant 6 : i32
    %swap3A_907 = arith.index_cast %swap3A_906 : i32 to index
    %swap3A_908 = arith.constant 48 : index
    %swap3A_909 = tpu.vector_load %arg8[%swap3A_907, %swap3A_908] {strides = array<i32>} : memref<12x128xf32, #tpu.memory_space<vmem>>, vector<1x16xf32>,
    %swap3A_910 = vector.shape_cast %swap3A_909 : vector<1x16xf32> to vector<16xf32>
    %swap3A_911 = vector.shape_cast %mul3A_905 : vector<16xf32> to vector<1x16xf32>
    tpu.vector_store %arg8[%swap3A_907, %swap3A_908], %swap3A_911 {strides = array<i32>} : memref<12x128xf32, #tpu.memory_space<vmem>>, vector<1x16xf32>,
    %get3A_912 = arith.constant 6 : i32
    %get3A_913 = arith.index_cast %get3A_912 : i32 to index
    %get3A_914 = arith.constant 64 : index
    %get3A_915 = tpu.vector_load %arg8[%get3A_913, %get3A_914] {strides = array<i32>} : memref<12x128xf32, #tpu.memory_space<vmem>>, vector<1x16xf32>,
    %get3A_916 = vector.shape_cast %get3A_915 : vector<1x16xf32> to vector<16xf32>
    %get3A_917 = arith.constant 6 : i32
    %get3A_918 = arith.index_cast %get3A_917 : i32 to index
    %get3A_919 = arith.constant 64 : index
    %get3A_920 = tpu.vector_load %arg7[%get3A_918, %get3A_919] {strides = array<i32>} : memref<16x128xf32, #tpu.memory_space<vmem>>, vector<1x16xf32>,
    %get3A_921 = vector.shape_cast %get3A_920 : vector<1x16xf32> to vector<16xf32>
    %mul3A_922 = arith.mulf %get3A_916, %get3A_921 : vector<16xf32>
    %swap3A_923 = arith.constant 6 : i32
    %swap3A_924 = arith.index_cast %swap3A_923 : i32 to index
    %swap3A_925 = arith.constant 64 : index
    %swap3A_926 = tpu.vector_load %arg8[%swap3A_924, %swap3A_925] {strides = array<i32>} : memref<12x128xf32, #tpu.memory_space<vmem>>, vector<1x16xf32>,
    %swap3A_927 = vector.shape_cast %swap3A_926 : vector<1x16xf32> to vector<16xf32>
    %swap3A_928 = vector.shape_cast %mul3A_922 : vector<16xf32> to vector<1x16xf32>
    tpu.vector_store %arg8[%swap3A_924, %swap3A_925], %swap3A_928 {strides = array<i32>} : memref<12x128xf32, #tpu.memory_space<vmem>>, vector<1x16xf32>,
    %get3A_929 = arith.constant 6 : i32
    %get3A_930 = arith.index_cast %get3A_929 : i32 to index
    %get3A_931 = arith.constant 80 : index
    %get3A_932 = tpu.vector_load %arg8[%get3A_930, %get3A_931] {strides = array<i32>} : memref<12x128xf32, #tpu.memory_space<vmem>>, vector<1x16xf32>,
    %get3A_933 = vector.shape_cast %get3A_932 : vector<1x16xf32> to vector<16xf32>
    %get3A_934 = arith.constant 6 : i32
    %get3A_935 = arith.index_cast %get3A_934 : i32 to index
    %get3A_936 = arith.constant 80 : index
    %get3A_937 = tpu.vector_load %arg7[%get3A_935, %get3A_936] {strides = array<i32>} : memref<16x128xf32, #tpu.memory_space<vmem>>, vector<1x16xf32>,
    %get3A_938 = vector.shape_cast %get3A_937 : vector<1x16xf32> to vector<16xf32>
    %mul3A_939 = arith.mulf %get3A_933, %get3A_938 : vector<16xf32>
    %swap3A_940 = arith.constant 6 : i32
    %swap3A_941 = arith.index_cast %swap3A_940 : i32 to index
    %swap3A_942 = arith.constant 80 : index
    %swap3A_943 = tpu.vector_load %arg8[%swap3A_941, %swap3A_942] {strides = array<i32>} : memref<12x128xf32, #tpu.memory_space<vmem>>, vector<1x16xf32>,
    %swap3A_944 = vector.shape_cast %swap3A_943 : vector<1x16xf32> to vector<16xf32>
    %swap3A_945 = vector.shape_cast %mul3A_939 : vector<16xf32> to vector<1x16xf32>
    tpu.vector_store %arg8[%swap3A_941, %swap3A_942], %swap3A_945 {strides = array<i32>} : memref<12x128xf32, #tpu.memory_space<vmem>>, vector<1x16xf32>,
    %get3A_946 = arith.constant 6 : i32
    %get3A_947 = arith.index_cast %get3A_946 : i32 to index
    %get3A_948 = arith.constant 96 : index
    %get3A_949 = tpu.vector_load %arg8[%get3A_947, %get3A_948] {strides = array<i32>} : memref<12x128xf32, #tpu.memory_space<vmem>>, vector<1x16xf32>,
    %get3A_950 = vector.shape_cast %get3A_949 : vector<1x16xf32> to vector<16xf32>
    %get3A_951 = arith.constant 6 : i32
    %get3A_952 = arith.index_cast %get3A_951 : i32 to index
    %get3A_953 = arith.constant 96 : index
    %get3A_954 = tpu.vector_load %arg7[%get3A_952, %get3A_953] {strides = array<i32>} : memref<16x128xf32, #tpu.memory_space<vmem>>, vector<1x16xf32>,
    %get3A_955 = vector.shape_cast %get3A_954 : vector<1x16xf32> to vector<16xf32>
    %mul3A_956 = arith.mulf %get3A_950, %get3A_955 : vector<16xf32>
    %swap3A_957 = arith.constant 6 : i32
    %swap3A_958 = arith.index_cast %swap3A_957 : i32 to index
    %swap3A_959 = arith.constant 96 : index
    %swap3A_960 = tpu.vector_load %arg8[%swap3A_958, %swap3A_959] {strides = array<i32>} : memref<12x128xf32, #tpu.memory_space<vmem>>, vector<1x16xf32>,
    %swap3A_961 = vector.shape_cast %swap3A_960 : vector<1x16xf32> to vector<16xf32>
    %swap3A_962 = vector.shape_cast %mul3A_956 : vector<16xf32> to vector<1x16xf32>
    tpu.vector_store %arg8[%swap3A_958, %swap3A_959], %swap3A_962 {strides = array<i32>} : memref<12x128xf32, #tpu.memory_space<vmem>>, vector<1x16xf32>,
    %get3A_963 = arith.constant 6 : i32
    %get3A_964 = arith.index_cast %get3A_963 : i32 to index
    %get3A_965 = arith.constant 112 : index
    %get3A_966 = tpu.vector_load %arg8[%get3A_964, %get3A_965] {strides = array<i32>} : memref<12x128xf32, #tpu.memory_space<vmem>>, vector<1x16xf32>,
    %get3A_967 = vector.shape_cast %get3A_966 : vector<1x16xf32> to vector<16xf32>
    %get3A_968 = arith.constant 6 : i32
    %get3A_969 = arith.index_cast %get3A_968 : i32 to index
    %get3A_970 = arith.constant 112 : index
    %get3A_971 = tpu.vector_load %arg7[%get3A_969, %get3A_970] {strides = array<i32>} : memref<16x128xf32, #tpu.memory_space<vmem>>, vector<1x16xf32>,
    %get3A_972 = vector.shape_cast %get3A_971 : vector<1x16xf32> to vector<16xf32>
    %mul3A_973 = arith.mulf %get3A_967, %get3A_972 : vector<16xf32>
    %swap3A_974 = arith.constant 6 : i32
    %swap3A_975 = arith.index_cast %swap3A_974 : i32 to index
    %swap3A_976 = arith.constant 112 : index
    %swap3A_977 = tpu.vector_load %arg8[%swap3A_975, %swap3A_976] {strides = array<i32>} : memref<12x128xf32, #tpu.memory_space<vmem>>, vector<1x16xf32>,
    %swap3A_978 = vector.shape_cast %swap3A_977 : vector<1x16xf32> to vector<16xf32>
    %swap3A_979 = vector.shape_cast %mul3A_973 : vector<16xf32> to vector<1x16xf32>
    tpu.vector_store %arg8[%swap3A_975, %swap3A_976], %swap3A_979 {strides = array<i32>} : memref<12x128xf32, #tpu.memory_space<vmem>>, vector<1x16xf32>,
    %get3A_980 = arith.constant 7 : i32
    %get3A_981 = arith.index_cast %get3A_980 : i32 to index
    %get3A_982 = arith.constant 0 : index
    %get3A_983 = tpu.vector_load %arg8[%get3A_981, %get3A_982] {strides = array<i32>} : memref<12x128xf32, #tpu.memory_space<vmem>>, vector<1x16xf32>,
    %get3A_984 = vector.shape_cast %get3A_983 : vector<1x16xf32> to vector<16xf32>
    %get3A_985 = arith.constant 7 : i32
    %get3A_986 = arith.index_cast %get3A_985 : i32 to index
    %get3A_987 = arith.constant 0 : index
    %get3A_988 = tpu.vector_load %arg7[%get3A_986, %get3A_987] {strides = array<i32>} : memref<16x128xf32, #tpu.memory_space<vmem>>, vector<1x16xf32>,
    %get3A_989 = vector.shape_cast %get3A_988 : vector<1x16xf32> to vector<16xf32>
    %mul3A_990 = arith.mulf %get3A_984, %get3A_989 : vector<16xf32>
    %swap3A_991 = arith.constant 7 : i32
    %swap3A_992 = arith.index_cast %swap3A_991 : i32 to index
    %swap3A_993 = arith.constant 0 : index
    %swap3A_994 = tpu.vector_load %arg8[%swap3A_992, %swap3A_993] {strides = array<i32>} : memref<12x128xf32, #tpu.memory_space<vmem>>, vector<1x16xf32>,
    %swap3A_995 = vector.shape_cast %swap3A_994 : vector<1x16xf32> to vector<16xf32>
    %swap3A_996 = vector.shape_cast %mul3A_990 : vector<16xf32> to vector<1x16xf32>
    tpu.vector_store %arg8[%swap3A_992, %swap3A_993], %swap3A_996 {strides = array<i32>} : memref<12x128xf32, #tpu.memory_space<vmem>>, vector<1x16xf32>,
    %get3A_997 = arith.constant 7 : i32
    %get3A_998 = arith.index_cast %get3A_997 : i32 to index
    %get3A_999 = arith.constant 16 : index
    %get3A_1000 = tpu.vector_load %arg8[%get3A_998, %get3A_999] {strides = array<i32>} : memref<12x128xf32, #tpu.memory_space<vmem>>, vector<1x16xf32>,
    %get3A_1001 = vector.shape_cast %get3A_1000 : vector<1x16xf32> to vector<16xf32>
    %get3A_1002 = arith.constant 7 : i32
    %get3A_1003 = arith.index_cast %get3A_1002 : i32 to index
    %get3A_1004 = arith.constant 16 : index
    %get3A_1005 = tpu.vector_load %arg7[%get3A_1003, %get3A_1004] {strides = array<i32>} : memref<16x128xf32, #tpu.memory_space<vmem>>, vector<1x16xf32>,
    %get3A_1006 = vector.shape_cast %get3A_1005 : vector<1x16xf32> to vector<16xf32>
    %mul3A_1007 = arith.mulf %get3A_1001, %get3A_1006 : vector<16xf32>
    %swap3A_1008 = arith.constant 7 : i32
    %swap3A_1009 = arith.index_cast %swap3A_1008 : i32 to index
    %swap3A_1010 = arith.constant 16 : index
    %swap3A_1011 = tpu.vector_load %arg8[%swap3A_1009, %swap3A_1010] {strides = array<i32>} : memref<12x128xf32, #tpu.memory_space<vmem>>, vector<1x16xf32>,
    %swap3A_1012 = vector.shape_cast %swap3A_1011 : vector<1x16xf32> to vector<16xf32>
    %swap3A_1013 = vector.shape_cast %mul3A_1007 : vector<16xf32> to vector<1x16xf32>
    tpu.vector_store %arg8[%swap3A_1009, %swap3A_1010], %swap3A_1013 {strides = array<i32>} : memref<12x128xf32, #tpu.memory_space<vmem>>, vector<1x16xf32>,
    %get3A_1014 = arith.constant 7 : i32
    %get3A_1015 = arith.index_cast %get3A_1014 : i32 to index
    %get3A_1016 = arith.constant 32 : index
    %get3A_1017 = tpu.vector_load %arg8[%get3A_1015, %get3A_1016] {strides = array<i32>} : memref<12x128xf32, #tpu.memory_space<vmem>>, vector<1x16xf32>,
    %get3A_1018 = vector.shape_cast %get3A_1017 : vector<1x16xf32> to vector<16xf32>
    %get3A_1019 = arith.constant 7 : i32
    %get3A_1020 = arith.index_cast %get3A_1019 : i32 to index
    %get3A_1021 = arith.constant 32 : index
    %get3A_1022 = tpu.vector_load %arg7[%get3A_1020, %get3A_1021] {strides = array<i32>} : memref<16x128xf32, #tpu.memory_space<vmem>>, vector<1x16xf32>,
    %get3A_1023 = vector.shape_cast %get3A_1022 : vector<1x16xf32> to vector<16xf32>
    %mul3A_1024 = arith.mulf %get3A_1018, %get3A_1023 : vector<16xf32>
    %swap3A_1025 = arith.constant 7 : i32
    %swap3A_1026 = arith.index_cast %swap3A_1025 : i32 to index
    %swap3A_1027 = arith.constant 32 : index
    %swap3A_1028 = tpu.vector_load %arg8[%swap3A_1026, %swap3A_1027] {strides = array<i32>} : memref<12x128xf32, #tpu.memory_space<vmem>>, vector<1x16xf32>,
    %swap3A_1029 = vector.shape_cast %swap3A_1028 : vector<1x16xf32> to vector<16xf32>
    %swap3A_1030 = vector.shape_cast %mul3A_1024 : vector<16xf32> to vector<1x16xf32>
    tpu.vector_store %arg8[%swap3A_1026, %swap3A_1027], %swap3A_1030 {strides = array<i32>} : memref<12x128xf32, #tpu.memory_space<vmem>>, vector<1x16xf32>,
    %get3A_1031 = arith.constant 7 : i32
    %get3A_1032 = arith.index_cast %get3A_1031 : i32 to index
    %get3A_1033 = arith.constant 48 : index
    %get3A_1034 = tpu.vector_load %arg8[%get3A_1032, %get3A_1033] {strides = array<i32>} : memref<12x128xf32, #tpu.memory_space<vmem>>, vector<1x16xf32>,
    %get3A_1035 = vector.shape_cast %get3A_1034 : vector<1x16xf32> to vector<16xf32>
    %get3A_1036 = arith.constant 7 : i32
    %get3A_1037 = arith.index_cast %get3A_1036 : i32 to index
    %get3A_1038 = arith.constant 48 : index
    %get3A_1039 = tpu.vector_load %arg7[%get3A_1037, %get3A_1038] {strides = array<i32>} : memref<16x128xf32, #tpu.memory_space<vmem>>, vector<1x16xf32>,
    %get3A_1040 = vector.shape_cast %get3A_1039 : vector<1x16xf32> to vector<16xf32>
    %mul3A_1041 = arith.mulf %get3A_1035, %get3A_1040 : vector<16xf32>
    %swap3A_1042 = arith.constant 7 : i32
    %swap3A_1043 = arith.index_cast %swap3A_1042 : i32 to index
    %swap3A_1044 = arith.constant 48 : index
    %swap3A_1045 = tpu.vector_load %arg8[%swap3A_1043, %swap3A_1044] {strides = array<i32>} : memref<12x128xf32, #tpu.memory_space<vmem>>, vector<1x16xf32>,
    %swap3A_1046 = vector.shape_cast %swap3A_1045 : vector<1x16xf32> to vector<16xf32>
    %swap3A_1047 = vector.shape_cast %mul3A_1041 : vector<16xf32> to vector<1x16xf32>
    tpu.vector_store %arg8[%swap3A_1043, %swap3A_1044], %swap3A_1047 {strides = array<i32>} : memref<12x128xf32, #tpu.memory_space<vmem>>, vector<1x16xf32>,
    %get3A_1048 = arith.constant 7 : i32
    %get3A_1049 = arith.index_cast %get3A_1048 : i32 to index
    %get3A_1050 = arith.constant 64 : index
    %get3A_1051 = tpu.vector_load %arg8[%get3A_1049, %get3A_1050] {strides = array<i32>} : memref<12x128xf32, #tpu.memory_space<vmem>>, vector<1x16xf32>,
    %get3A_1052 = vector.shape_cast %get3A_1051 : vector<1x16xf32> to vector<16xf32>
    %get3A_1053 = arith.constant 7 : i32
    %get3A_1054 = arith.index_cast %get3A_1053 : i32 to index
    %get3A_1055 = arith.constant 64 : index
    %get3A_1056 = tpu.vector_load %arg7[%get3A_1054, %get3A_1055] {strides = array<i32>} : memref<16x128xf32, #tpu.memory_space<vmem>>, vector<1x16xf32>,
    %get3A_1057 = vector.shape_cast %get3A_1056 : vector<1x16xf32> to vector<16xf32>
    %mul3A_1058 = arith.mulf %get3A_1052, %get3A_1057 : vector<16xf32>
    %swap3A_1059 = arith.constant 7 : i32
    %swap3A_1060 = arith.index_cast %swap3A_1059 : i32 to index
    %swap3A_1061 = arith.constant 64 : index
    %swap3A_1062 = tpu.vector_load %arg8[%swap3A_1060, %swap3A_1061] {strides = array<i32>} : memref<12x128xf32, #tpu.memory_space<vmem>>, vector<1x16xf32>,
    %swap3A_1063 = vector.shape_cast %swap3A_1062 : vector<1x16xf32> to vector<16xf32>
    %swap3A_1064 = vector.shape_cast %mul3A_1058 : vector<16xf32> to vector<1x16xf32>
    tpu.vector_store %arg8[%swap3A_1060, %swap3A_1061], %swap3A_1064 {strides = array<i32>} : memref<12x128xf32, #tpu.memory_space<vmem>>, vector<1x16xf32>,
    %get3A_1065 = arith.constant 7 : i32
    %get3A_1066 = arith.index_cast %get3A_1065 : i32 to index
    %get3A_1067 = arith.constant 80 : index
    %get3A_1068 = tpu.vector_load %arg8[%get3A_1066, %get3A_1067] {strides = array<i32>} : memref<12x128xf32, #tpu.memory_space<vmem>>, vector<1x16xf32>,
    %get3A_1069 = vector.shape_cast %get3A_1068 : vector<1x16xf32> to vector<16xf32>
    %get3A_1070 = arith.constant 7 : i32
    %get3A_1071 = arith.index_cast %get3A_1070 : i32 to index
    %get3A_1072 = arith.constant 80 : index
    %get3A_1073 = tpu.vector_load %arg7[%get3A_1071, %get3A_1072] {strides = array<i32>} : memref<16x128xf32, #tpu.memory_space<vmem>>, vector<1x16xf32>,
    %get3A_1074 = vector.shape_cast %get3A_1073 : vector<1x16xf32> to vector<16xf32>
    %mul3A_1075 = arith.mulf %get3A_1069, %get3A_1074 : vector<16xf32>
    %swap3A_1076 = arith.constant 7 : i32
    %swap3A_1077 = arith.index_cast %swap3A_1076 : i32 to index
    %swap3A_1078 = arith.constant 80 : index
    %swap3A_1079 = tpu.vector_load %arg8[%swap3A_1077, %swap3A_1078] {strides = array<i32>} : memref<12x128xf32, #tpu.memory_space<vmem>>, vector<1x16xf32>,
    %swap3A_1080 = vector.shape_cast %swap3A_1079 : vector<1x16xf32> to vector<16xf32>
    %swap3A_1081 = vector.shape_cast %mul3A_1075 : vector<16xf32> to vector<1x16xf32>
    tpu.vector_store %arg8[%swap3A_1077, %swap3A_1078], %swap3A_1081 {strides = array<i32>} : memref<12x128xf32, #tpu.memory_space<vmem>>, vector<1x16xf32>,
    %get3A_1082 = arith.constant 7 : i32
    %get3A_1083 = arith.index_cast %get3A_1082 : i32 to index
    %get3A_1084 = arith.constant 96 : index
    %get3A_1085 = tpu.vector_load %arg8[%get3A_1083, %get3A_1084] {strides = array<i32>} : memref<12x128xf32, #tpu.memory_space<vmem>>, vector<1x16xf32>,
    %get3A_1086 = vector.shape_cast %get3A_1085 : vector<1x16xf32> to vector<16xf32>
    %get3A_1087 = arith.constant 7 : i32
    %get3A_1088 = arith.index_cast %get3A_1087 : i32 to index
    %get3A_1089 = arith.constant 96 : index
    %get3A_1090 = tpu.vector_load %arg7[%get3A_1088, %get3A_1089] {strides = array<i32>} : memref<16x128xf32, #tpu.memory_space<vmem>>, vector<1x16xf32>,
    %get3A_1091 = vector.shape_cast %get3A_1090 : vector<1x16xf32> to vector<16xf32>
    %mul3A_1092 = arith.mulf %get3A_1086, %get3A_1091 : vector<16xf32>
    %swap3A_1093 = arith.constant 7 : i32
    %swap3A_1094 = arith.index_cast %swap3A_1093 : i32 to index
    %swap3A_1095 = arith.constant 96 : index
    %swap3A_1096 = tpu.vector_load %arg8[%swap3A_1094, %swap3A_1095] {strides = array<i32>} : memref<12x128xf32, #tpu.memory_space<vmem>>, vector<1x16xf32>,
    %swap3A_1097 = vector.shape_cast %swap3A_1096 : vector<1x16xf32> to vector<16xf32>
    %swap3A_1098 = vector.shape_cast %mul3A_1092 : vector<16xf32> to vector<1x16xf32>
    tpu.vector_store %arg8[%swap3A_1094, %swap3A_1095], %swap3A_1098 {strides = array<i32>} : memref<12x128xf32, #tpu.memory_space<vmem>>, vector<1x16xf32>,
    %get3A_1099 = arith.constant 7 : i32
    %get3A_1100 = arith.index_cast %get3A_1099 : i32 to index
    %get3A_1101 = arith.constant 112 : index
    %get3A_1102 = tpu.vector_load %arg8[%get3A_1100, %get3A_1101] {strides = array<i32>} : memref<12x128xf32, #tpu.memory_space<vmem>>, vector<1x16xf32>,
    %get3A_1103 = vector.shape_cast %get3A_1102 : vector<1x16xf32> to vector<16xf32>
    %get3A_1104 = arith.constant 7 : i32
    %get3A_1105 = arith.index_cast %get3A_1104 : i32 to index
    %get3A_1106 = arith.constant 112 : index
    %get3A_1107 = tpu.vector_load %arg7[%get3A_1105, %get3A_1106] {strides = array<i32>} : memref<16x128xf32, #tpu.memory_space<vmem>>, vector<1x16xf32>,
    %get3A_1108 = vector.shape_cast %get3A_1107 : vector<1x16xf32> to vector<16xf32>
    %mul3A_1109 = arith.mulf %get3A_1103, %get3A_1108 : vector<16xf32>
    %swap3A_1110 = arith.constant 7 : i32
    %swap3A_1111 = arith.index_cast %swap3A_1110 : i32 to index
    %swap3A_1112 = arith.constant 112 : index
    %swap3A_1113 = tpu.vector_load %arg8[%swap3A_1111, %swap3A_1112] {strides = array<i32>} : memref<12x128xf32, #tpu.memory_space<vmem>>, vector<1x16xf32>,
    %swap3A_1114 = vector.shape_cast %swap3A_1113 : vector<1x16xf32> to vector<16xf32>
    %swap3A_1115 = vector.shape_cast %mul3A_1109 : vector<16xf32> to vector<1x16xf32>
    tpu.vector_store %arg8[%swap3A_1111, %swap3A_1112], %swap3A_1115 {strides = array<i32>} : memref<12x128xf32, #tpu.memory_space<vmem>>, vector<1x16xf32>,
    %get3A_1116 = arith.constant 8 : i32
    %get3A_1117 = arith.index_cast %get3A_1116 : i32 to index
    %get3A_1118 = arith.constant 0 : index
    %get3A_1119 = tpu.vector_load %arg8[%get3A_1117, %get3A_1118] {strides = array<i32>} : memref<12x128xf32, #tpu.memory_space<vmem>>, vector<1x16xf32>,
    %get3A_1120 = vector.shape_cast %get3A_1119 : vector<1x16xf32> to vector<16xf32>
    %get3A_1121 = arith.constant 8 : i32
    %get3A_1122 = arith.index_cast %get3A_1121 : i32 to index
    %get3A_1123 = arith.constant 0 : index
    %get3A_1124 = tpu.vector_load %arg7[%get3A_1122, %get3A_1123] {strides = array<i32>} : memref<16x128xf32, #tpu.memory_space<vmem>>, vector<1x16xf32>,
    %get3A_1125 = vector.shape_cast %get3A_1124 : vector<1x16xf32> to vector<16xf32>
    %mul3A_1126 = arith.mulf %get3A_1120, %get3A_1125 : vector<16xf32>
    %swap3A_1127 = arith.constant 8 : i32
    %swap3A_1128 = arith.index_cast %swap3A_1127 : i32 to index
    %swap3A_1129 = arith.constant 0 : index
    %swap3A_1130 = tpu.vector_load %arg8[%swap3A_1128, %swap3A_1129] {strides = array<i32>} : memref<12x128xf32, #tpu.memory_space<vmem>>, vector<1x16xf32>,
    %swap3A_1131 = vector.shape_cast %swap3A_1130 : vector<1x16xf32> to vector<16xf32>
    %swap3A_1132 = vector.shape_cast %mul3A_1126 : vector<16xf32> to vector<1x16xf32>
    tpu.vector_store %arg8[%swap3A_1128, %swap3A_1129], %swap3A_1132 {strides = array<i32>} : memref<12x128xf32, #tpu.memory_space<vmem>>, vector<1x16xf32>,
    %get3A_1133 = arith.constant 8 : i32
    %get3A_1134 = arith.index_cast %get3A_1133 : i32 to index
    %get3A_1135 = arith.constant 16 : index
    %get3A_1136 = tpu.vector_load %arg8[%get3A_1134, %get3A_1135] {strides = array<i32>} : memref<12x128xf32, #tpu.memory_space<vmem>>, vector<1x16xf32>,
    %get3A_1137 = vector.shape_cast %get3A_1136 : vector<1x16xf32> to vector<16xf32>
    %get3A_1138 = arith.constant 8 : i32
    %get3A_1139 = arith.index_cast %get3A_1138 : i32 to index
    %get3A_1140 = arith.constant 16 : index
    %get3A_1141 = tpu.vector_load %arg7[%get3A_1139, %get3A_1140] {strides = array<i32>} : memref<16x128xf32, #tpu.memory_space<vmem>>, vector<1x16xf32>,
    %get3A_1142 = vector.shape_cast %get3A_1141 : vector<1x16xf32> to vector<16xf32>
    %mul3A_1143 = arith.mulf %get3A_1137, %get3A_1142 : vector<16xf32>
    %swap3A_1144 = arith.constant 8 : i32
    %swap3A_1145 = arith.index_cast %swap3A_1144 : i32 to index
    %swap3A_1146 = arith.constant 16 : index
    %swap3A_1147 = tpu.vector_load %arg8[%swap3A_1145, %swap3A_1146] {strides = array<i32>} : memref<12x128xf32, #tpu.memory_space<vmem>>, vector<1x16xf32>,
    %swap3A_1148 = vector.shape_cast %swap3A_1147 : vector<1x16xf32> to vector<16xf32>
    %swap3A_1149 = vector.shape_cast %mul3A_1143 : vector<16xf32> to vector<1x16xf32>
    tpu.vector_store %arg8[%swap3A_1145, %swap3A_1146], %swap3A_1149 {strides = array<i32>} : memref<12x128xf32, #tpu.memory_space<vmem>>, vector<1x16xf32>,
    %get3A_1150 = arith.constant 8 : i32
    %get3A_1151 = arith.index_cast %get3A_1150 : i32 to index
    %get3A_1152 = arith.constant 32 : index
    %get3A_1153 = tpu.vector_load %arg8[%get3A_1151, %get3A_1152] {strides = array<i32>} : memref<12x128xf32, #tpu.memory_space<vmem>>, vector<1x16xf32>,
    %get3A_1154 = vector.shape_cast %get3A_1153 : vector<1x16xf32> to vector<16xf32>
    %get3A_1155 = arith.constant 8 : i32
    %get3A_1156 = arith.index_cast %get3A_1155 : i32 to index
    %get3A_1157 = arith.constant 32 : index
    %get3A_1158 = tpu.vector_load %arg7[%get3A_1156, %get3A_1157] {strides = array<i32>} : memref<16x128xf32, #tpu.memory_space<vmem>>, vector<1x16xf32>,
    %get3A_1159 = vector.shape_cast %get3A_1158 : vector<1x16xf32> to vector<16xf32>
    %mul3A_1160 = arith.mulf %get3A_1154, %get3A_1159 : vector<16xf32>
    %swap3A_1161 = arith.constant 8 : i32
    %swap3A_1162 = arith.index_cast %swap3A_1161 : i32 to index
    %swap3A_1163 = arith.constant 32 : index
    %swap3A_1164 = tpu.vector_load %arg8[%swap3A_1162, %swap3A_1163] {strides = array<i32>} : memref<12x128xf32, #tpu.memory_space<vmem>>, vector<1x16xf32>,
    %swap3A_1165 = vector.shape_cast %swap3A_1164 : vector<1x16xf32> to vector<16xf32>
    %swap3A_1166 = vector.shape_cast %mul3A_1160 : vector<16xf32> to vector<1x16xf32>
    tpu.vector_store %arg8[%swap3A_1162, %swap3A_1163], %swap3A_1166 {strides = array<i32>} : memref<12x128xf32, #tpu.memory_space<vmem>>, vector<1x16xf32>,
    %get3A_1167 = arith.constant 8 : i32
    %get3A_1168 = arith.index_cast %get3A_1167 : i32 to index
    %get3A_1169 = arith.constant 48 : index
    %get3A_1170 = tpu.vector_load %arg8[%get3A_1168, %get3A_1169] {strides = array<i32>} : memref<12x128xf32, #tpu.memory_space<vmem>>, vector<1x16xf32>,
    %get3A_1171 = vector.shape_cast %get3A_1170 : vector<1x16xf32> to vector<16xf32>
    %get3A_1172 = arith.constant 8 : i32
    %get3A_1173 = arith.index_cast %get3A_1172 : i32 to index
    %get3A_1174 = arith.constant 48 : index
    %get3A_1175 = tpu.vector_load %arg7[%get3A_1173, %get3A_1174] {strides = array<i32>} : memref<16x128xf32, #tpu.memory_space<vmem>>, vector<1x16xf32>,
    %get3A_1176 = vector.shape_cast %get3A_1175 : vector<1x16xf32> to vector<16xf32>
    %mul3A_1177 = arith.mulf %get3A_1171, %get3A_1176 : vector<16xf32>
    %swap3A_1178 = arith.constant 8 : i32
    %swap3A_1179 = arith.index_cast %swap3A_1178 : i32 to index
    %swap3A_1180 = arith.constant 48 : index
    %swap3A_1181 = tpu.vector_load %arg8[%swap3A_1179, %swap3A_1180] {strides = array<i32>} : memref<12x128xf32, #tpu.memory_space<vmem>>, vector<1x16xf32>,
    %swap3A_1182 = vector.shape_cast %swap3A_1181 : vector<1x16xf32> to vector<16xf32>
    %swap3A_1183 = vector.shape_cast %mul3A_1177 : vector<16xf32> to vector<1x16xf32>
    tpu.vector_store %arg8[%swap3A_1179, %swap3A_1180], %swap3A_1183 {strides = array<i32>} : memref<12x128xf32, #tpu.memory_space<vmem>>, vector<1x16xf32>,
    %get3A_1184 = arith.constant 8 : i32
    %get3A_1185 = arith.index_cast %get3A_1184 : i32 to index
    %get3A_1186 = arith.constant 64 : index
    %get3A_1187 = tpu.vector_load %arg8[%get3A_1185, %get3A_1186] {strides = array<i32>} : memref<12x128xf32, #tpu.memory_space<vmem>>, vector<1x16xf32>,
    %get3A_1188 = vector.shape_cast %get3A_1187 : vector<1x16xf32> to vector<16xf32>
    %get3A_1189 = arith.constant 8 : i32
    %get3A_1190 = arith.index_cast %get3A_1189 : i32 to index
    %get3A_1191 = arith.constant 64 : index
    %get3A_1192 = tpu.vector_load %arg7[%get3A_1190, %get3A_1191] {strides = array<i32>} : memref<16x128xf32, #tpu.memory_space<vmem>>, vector<1x16xf32>,
    %get3A_1193 = vector.shape_cast %get3A_1192 : vector<1x16xf32> to vector<16xf32>
    %mul3A_1194 = arith.mulf %get3A_1188, %get3A_1193 : vector<16xf32>
    %swap3A_1195 = arith.constant 8 : i32
    %swap3A_1196 = arith.index_cast %swap3A_1195 : i32 to index
    %swap3A_1197 = arith.constant 64 : index
    %swap3A_1198 = tpu.vector_load %arg8[%swap3A_1196, %swap3A_1197] {strides = array<i32>} : memref<12x128xf32, #tpu.memory_space<vmem>>, vector<1x16xf32>,
    %swap3A_1199 = vector.shape_cast %swap3A_1198 : vector<1x16xf32> to vector<16xf32>
    %swap3A_1200 = vector.shape_cast %mul3A_1194 : vector<16xf32> to vector<1x16xf32>
    tpu.vector_store %arg8[%swap3A_1196, %swap3A_1197], %swap3A_1200 {strides = array<i32>} : memref<12x128xf32, #tpu.memory_space<vmem>>, vector<1x16xf32>,
    %get3A_1201 = arith.constant 8 : i32
    %get3A_1202 = arith.index_cast %get3A_1201 : i32 to index
    %get3A_1203 = arith.constant 80 : index
    %get3A_1204 = tpu.vector_load %arg8[%get3A_1202, %get3A_1203] {strides = array<i32>} : memref<12x128xf32, #tpu.memory_space<vmem>>, vector<1x16xf32>,
    %get3A_1205 = vector.shape_cast %get3A_1204 : vector<1x16xf32> to vector<16xf32>
    %get3A_1206 = arith.constant 8 : i32
    %get3A_1207 = arith.index_cast %get3A_1206 : i32 to index
    %get3A_1208 = arith.constant 80 : index
    %get3A_1209 = tpu.vector_load %arg7[%get3A_1207, %get3A_1208] {strides = array<i32>} : memref<16x128xf32, #tpu.memory_space<vmem>>, vector<1x16xf32>,
    %get3A_1210 = vector.shape_cast %get3A_1209 : vector<1x16xf32> to vector<16xf32>
    %mul3A_1211 = arith.mulf %get3A_1205, %get3A_1210 : vector<16xf32>
    %swap3A_1212 = arith.constant 8 : i32
    %swap3A_1213 = arith.index_cast %swap3A_1212 : i32 to index
    %swap3A_1214 = arith.constant 80 : index
    %swap3A_1215 = tpu.vector_load %arg8[%swap3A_1213, %swap3A_1214] {strides = array<i32>} : memref<12x128xf32, #tpu.memory_space<vmem>>, vector<1x16xf32>,
    %swap3A_1216 = vector.shape_cast %swap3A_1215 : vector<1x16xf32> to vector<16xf32>
    %swap3A_1217 = vector.shape_cast %mul3A_1211 : vector<16xf32> to vector<1x16xf32>
    tpu.vector_store %arg8[%swap3A_1213, %swap3A_1214], %swap3A_1217 {strides = array<i32>} : memref<12x128xf32, #tpu.memory_space<vmem>>, vector<1x16xf32>,
    %get3A_1218 = arith.constant 8 : i32
    %get3A_1219 = arith.index_cast %get3A_1218 : i32 to index
    %get3A_1220 = arith.constant 96 : index
    %get3A_1221 = tpu.vector_load %arg8[%get3A_1219, %get3A_1220] {strides = array<i32>} : memref<12x128xf32, #tpu.memory_space<vmem>>, vector<1x16xf32>,
    %get3A_1222 = vector.shape_cast %get3A_1221 : vector<1x16xf32> to vector<16xf32>
    %get3A_1223 = arith.constant 8 : i32
    %get3A_1224 = arith.index_cast %get3A_1223 : i32 to index
    %get3A_1225 = arith.constant 96 : index
    %get3A_1226 = tpu.vector_load %arg7[%get3A_1224, %get3A_1225] {strides = array<i32>} : memref<16x128xf32, #tpu.memory_space<vmem>>, vector<1x16xf32>,
    %get3A_1227 = vector.shape_cast %get3A_1226 : vector<1x16xf32> to vector<16xf32>
    %mul3A_1228 = arith.mulf %get3A_1222, %get3A_1227 : vector<16xf32>
    %swap3A_1229 = arith.constant 8 : i32
    %swap3A_1230 = arith.index_cast %swap3A_1229 : i32 to index
    %swap3A_1231 = arith.constant 96 : index
    %swap3A_1232 = tpu.vector_load %arg8[%swap3A_1230, %swap3A_1231] {strides = array<i32>} : memref<12x128xf32, #tpu.memory_space<vmem>>, vector<1x16xf32>,
    %swap3A_1233 = vector.shape_cast %swap3A_1232 : vector<1x16xf32> to vector<16xf32>
    %swap3A_1234 = vector.shape_cast %mul3A_1228 : vector<16xf32> to vector<1x16xf32>
    tpu.vector_store %arg8[%swap3A_1230, %swap3A_1231], %swap3A_1234 {strides = array<i32>} : memref<12x128xf32, #tpu.memory_space<vmem>>, vector<1x16xf32>,
    %get3A_1235 = arith.constant 8 : i32
    %get3A_1236 = arith.index_cast %get3A_1235 : i32 to index
    %get3A_1237 = arith.constant 112 : index
    %get3A_1238 = tpu.vector_load %arg8[%get3A_1236, %get3A_1237] {strides = array<i32>} : memref<12x128xf32, #tpu.memory_space<vmem>>, vector<1x16xf32>,
    %get3A_1239 = vector.shape_cast %get3A_1238 : vector<1x16xf32> to vector<16xf32>
    %get3A_1240 = arith.constant 8 : i32
    %get3A_1241 = arith.index_cast %get3A_1240 : i32 to index
    %get3A_1242 = arith.constant 112 : index
    %get3A_1243 = tpu.vector_load %arg7[%get3A_1241, %get3A_1242] {strides = array<i32>} : memref<16x128xf32, #tpu.memory_space<vmem>>, vector<1x16xf32>,
    %get3A_1244 = vector.shape_cast %get3A_1243 : vector<1x16xf32> to vector<16xf32>
    %mul3A_1245 = arith.mulf %get3A_1239, %get3A_1244 : vector<16xf32>
    %swap3A_1246 = arith.constant 8 : i32
    %swap3A_1247 = arith.index_cast %swap3A_1246 : i32 to index
    %swap3A_1248 = arith.constant 112 : index
    %swap3A_1249 = tpu.vector_load %arg8[%swap3A_1247, %swap3A_1248] {strides = array<i32>} : memref<12x128xf32, #tpu.memory_space<vmem>>, vector<1x16xf32>,
    %swap3A_1250 = vector.shape_cast %swap3A_1249 : vector<1x16xf32> to vector<16xf32>
    %swap3A_1251 = vector.shape_cast %mul3A_1245 : vector<16xf32> to vector<1x16xf32>
    tpu.vector_store %arg8[%swap3A_1247, %swap3A_1248], %swap3A_1251 {strides = array<i32>} : memref<12x128xf32, #tpu.memory_space<vmem>>, vector<1x16xf32>,
    %get3A_1252 = arith.constant 9 : i32
    %get3A_1253 = arith.index_cast %get3A_1252 : i32 to index
    %get3A_1254 = arith.constant 0 : index
    %get3A_1255 = tpu.vector_load %arg8[%get3A_1253, %get3A_1254] {strides = array<i32>} : memref<12x128xf32, #tpu.memory_space<vmem>>, vector<1x16xf32>,
    %get3A_1256 = vector.shape_cast %get3A_1255 : vector<1x16xf32> to vector<16xf32>
    %get3A_1257 = arith.constant 9 : i32
    %get3A_1258 = arith.index_cast %get3A_1257 : i32 to index
    %get3A_1259 = arith.constant 0 : index
    %get3A_1260 = tpu.vector_load %arg7[%get3A_1258, %get3A_1259] {strides = array<i32>} : memref<16x128xf32, #tpu.memory_space<vmem>>, vector<1x16xf32>,
    %get3A_1261 = vector.shape_cast %get3A_1260 : vector<1x16xf32> to vector<16xf32>
    %mul3A_1262 = arith.mulf %get3A_1256, %get3A_1261 : vector<16xf32>
    %swap3A_1263 = arith.constant 9 : i32
    %swap3A_1264 = arith.index_cast %swap3A_1263 : i32 to index
    %swap3A_1265 = arith.constant 0 : index
    %swap3A_1266 = tpu.vector_load %arg8[%swap3A_1264, %swap3A_1265] {strides = array<i32>} : memref<12x128xf32, #tpu.memory_space<vmem>>, vector<1x16xf32>,
    %swap3A_1267 = vector.shape_cast %swap3A_1266 : vector<1x16xf32> to vector<16xf32>
    %swap3A_1268 = vector.shape_cast %mul3A_1262 : vector<16xf32> to vector<1x16xf32>
    tpu.vector_store %arg8[%swap3A_1264, %swap3A_1265], %swap3A_1268 {strides = array<i32>} : memref<12x128xf32, #tpu.memory_space<vmem>>, vector<1x16xf32>,
    %get3A_1269 = arith.constant 9 : i32
    %get3A_1270 = arith.index_cast %get3A_1269 : i32 to index
    %get3A_1271 = arith.constant 16 : index
    %get3A_1272 = tpu.vector_load %arg8[%get3A_1270, %get3A_1271] {strides = array<i32>} : memref<12x128xf32, #tpu.memory_space<vmem>>, vector<1x16xf32>,
    %get3A_1273 = vector.shape_cast %get3A_1272 : vector<1x16xf32> to vector<16xf32>
    %get3A_1274 = arith.constant 9 : i32
    %get3A_1275 = arith.index_cast %get3A_1274 : i32 to index
    %get3A_1276 = arith.constant 16 : index
    %get3A_1277 = tpu.vector_load %arg7[%get3A_1275, %get3A_1276] {strides = array<i32>} : memref<16x128xf32, #tpu.memory_space<vmem>>, vector<1x16xf32>,
    %get3A_1278 = vector.shape_cast %get3A_1277 : vector<1x16xf32> to vector<16xf32>
    %mul3A_1279 = arith.mulf %get3A_1273, %get3A_1278 : vector<16xf32>
    %swap3A_1280 = arith.constant 9 : i32
    %swap3A_1281 = arith.index_cast %swap3A_1280 : i32 to index
    %swap3A_1282 = arith.constant 16 : index
    %swap3A_1283 = tpu.vector_load %arg8[%swap3A_1281, %swap3A_1282] {strides = array<i32>} : memref<12x128xf32, #tpu.memory_space<vmem>>, vector<1x16xf32>,
    %swap3A_1284 = vector.shape_cast %swap3A_1283 : vector<1x16xf32> to vector<16xf32>
    %swap3A_1285 = vector.shape_cast %mul3A_1279 : vector<16xf32> to vector<1x16xf32>
    tpu.vector_store %arg8[%swap3A_1281, %swap3A_1282], %swap3A_1285 {strides = array<i32>} : memref<12x128xf32, #tpu.memory_space<vmem>>, vector<1x16xf32>,
    %get3A_1286 = arith.constant 9 : i32
    %get3A_1287 = arith.index_cast %get3A_1286 : i32 to index
    %get3A_1288 = arith.constant 32 : index
    %get3A_1289 = tpu.vector_load %arg8[%get3A_1287, %get3A_1288] {strides = array<i32>} : memref<12x128xf32, #tpu.memory_space<vmem>>, vector<1x16xf32>,
    %get3A_1290 = vector.shape_cast %get3A_1289 : vector<1x16xf32> to vector<16xf32>
    %get3A_1291 = arith.constant 9 : i32
    %get3A_1292 = arith.index_cast %get3A_1291 : i32 to index
    %get3A_1293 = arith.constant 32 : index
    %get3A_1294 = tpu.vector_load %arg7[%get3A_1292, %get3A_1293] {strides = array<i32>} : memref<16x128xf32, #tpu.memory_space<vmem>>, vector<1x16xf32>,
    %get3A_1295 = vector.shape_cast %get3A_1294 : vector<1x16xf32> to vector<16xf32>
    %mul3A_1296 = arith.mulf %get3A_1290, %get3A_1295 : vector<16xf32>
    %swap3A_1297 = arith.constant 9 : i32
    %swap3A_1298 = arith.index_cast %swap3A_1297 : i32 to index
    %swap3A_1299 = arith.constant 32 : index
    %swap3A_1300 = tpu.vector_load %arg8[%swap3A_1298, %swap3A_1299] {strides = array<i32>} : memref<12x128xf32, #tpu.memory_space<vmem>>, vector<1x16xf32>,
    %swap3A_1301 = vector.shape_cast %swap3A_1300 : vector<1x16xf32> to vector<16xf32>
    %swap3A_1302 = vector.shape_cast %mul3A_1296 : vector<16xf32> to vector<1x16xf32>
    tpu.vector_store %arg8[%swap3A_1298, %swap3A_1299], %swap3A_1302 {strides = array<i32>} : memref<12x128xf32, #tpu.memory_space<vmem>>, vector<1x16xf32>,
    %get3A_1303 = arith.constant 9 : i32
    %get3A_1304 = arith.index_cast %get3A_1303 : i32 to index
    %get3A_1305 = arith.constant 48 : index
    %get3A_1306 = tpu.vector_load %arg8[%get3A_1304, %get3A_1305] {strides = array<i32>} : memref<12x128xf32, #tpu.memory_space<vmem>>, vector<1x16xf32>,
    %get3A_1307 = vector.shape_cast %get3A_1306 : vector<1x16xf32> to vector<16xf32>
    %get3A_1308 = arith.constant 9 : i32
    %get3A_1309 = arith.index_cast %get3A_1308 : i32 to index
    %get3A_1310 = arith.constant 48 : index
    %get3A_1311 = tpu.vector_load %arg7[%get3A_1309, %get3A_1310] {strides = array<i32>} : memref<16x128xf32, #tpu.memory_space<vmem>>, vector<1x16xf32>,
    %get3A_1312 = vector.shape_cast %get3A_1311 : vector<1x16xf32> to vector<16xf32>
    %mul3A_1313 = arith.mulf %get3A_1307, %get3A_1312 : vector<16xf32>
    %swap3A_1314 = arith.constant 9 : i32
    %swap3A_1315 = arith.index_cast %swap3A_1314 : i32 to index
    %swap3A_1316 = arith.constant 48 : index
    %swap3A_1317 = tpu.vector_load %arg8[%swap3A_1315, %swap3A_1316] {strides = array<i32>} : memref<12x128xf32, #tpu.memory_space<vmem>>, vector<1x16xf32>,
    %swap3A_1318 = vector.shape_cast %swap3A_1317 : vector<1x16xf32> to vector<16xf32>
    %swap3A_1319 = vector.shape_cast %mul3A_1313 : vector<16xf32> to vector<1x16xf32>
    tpu.vector_store %arg8[%swap3A_1315, %swap3A_1316], %swap3A_1319 {strides = array<i32>} : memref<12x128xf32, #tpu.memory_space<vmem>>, vector<1x16xf32>,
    %get3A_1320 = arith.constant 9 : i32
    %get3A_1321 = arith.index_cast %get3A_1320 : i32 to index
    %get3A_1322 = arith.constant 64 : index
    %get3A_1323 = tpu.vector_load %arg8[%get3A_1321, %get3A_1322] {strides = array<i32>} : memref<12x128xf32, #tpu.memory_space<vmem>>, vector<1x16xf32>,
    %get3A_1324 = vector.shape_cast %get3A_1323 : vector<1x16xf32> to vector<16xf32>
    %get3A_1325 = arith.constant 9 : i32
    %get3A_1326 = arith.index_cast %get3A_1325 : i32 to index
    %get3A_1327 = arith.constant 64 : index
    %get3A_1328 = tpu.vector_load %arg7[%get3A_1326, %get3A_1327] {strides = array<i32>} : memref<16x128xf32, #tpu.memory_space<vmem>>, vector<1x16xf32>,
    %get3A_1329 = vector.shape_cast %get3A_1328 : vector<1x16xf32> to vector<16xf32>
    %mul3A_1330 = arith.mulf %get3A_1324, %get3A_1329 : vector<16xf32>
    %swap3A_1331 = arith.constant 9 : i32
    %swap3A_1332 = arith.index_cast %swap3A_1331 : i32 to index
    %swap3A_1333 = arith.constant 64 : index
    %swap3A_1334 = tpu.vector_load %arg8[%swap3A_1332, %swap3A_1333] {strides = array<i32>} : memref<12x128xf32, #tpu.memory_space<vmem>>, vector<1x16xf32>,
    %swap3A_1335 = vector.shape_cast %swap3A_1334 : vector<1x16xf32> to vector<16xf32>
    %swap3A_1336 = vector.shape_cast %mul3A_1330 : vector<16xf32> to vector<1x16xf32>
    tpu.vector_store %arg8[%swap3A_1332, %swap3A_1333], %swap3A_1336 {strides = array<i32>} : memref<12x128xf32, #tpu.memory_space<vmem>>, vector<1x16xf32>,
    %get3A_1337 = arith.constant 9 : i32
    %get3A_1338 = arith.index_cast %get3A_1337 : i32 to index
    %get3A_1339 = arith.constant 80 : index
    %get3A_1340 = tpu.vector_load %arg8[%get3A_1338, %get3A_1339] {strides = array<i32>} : memref<12x128xf32, #tpu.memory_space<vmem>>, vector<1x16xf32>,
    %get3A_1341 = vector.shape_cast %get3A_1340 : vector<1x16xf32> to vector<16xf32>
    %get3A_1342 = arith.constant 9 : i32
    %get3A_1343 = arith.index_cast %get3A_1342 : i32 to index
    %get3A_1344 = arith.constant 80 : index
    %get3A_1345 = tpu.vector_load %arg7[%get3A_1343, %get3A_1344] {strides = array<i32>} : memref<16x128xf32, #tpu.memory_space<vmem>>, vector<1x16xf32>,
    %get3A_1346 = vector.shape_cast %get3A_1345 : vector<1x16xf32> to vector<16xf32>
    %mul3A_1347 = arith.mulf %get3A_1341, %get3A_1346 : vector<16xf32>
    %swap3A_1348 = arith.constant 9 : i32
    %swap3A_1349 = arith.index_cast %swap3A_1348 : i32 to index
    %swap3A_1350 = arith.constant 80 : index
    %swap3A_1351 = tpu.vector_load %arg8[%swap3A_1349, %swap3A_1350] {strides = array<i32>} : memref<12x128xf32, #tpu.memory_space<vmem>>, vector<1x16xf32>,
    %swap3A_1352 = vector.shape_cast %swap3A_1351 : vector<1x16xf32> to vector<16xf32>
    %swap3A_1353 = vector.shape_cast %mul3A_1347 : vector<16xf32> to vector<1x16xf32>
    tpu.vector_store %arg8[%swap3A_1349, %swap3A_1350], %swap3A_1353 {strides = array<i32>} : memref<12x128xf32, #tpu.memory_space<vmem>>, vector<1x16xf32>,
    %get3A_1354 = arith.constant 9 : i32
    %get3A_1355 = arith.index_cast %get3A_1354 : i32 to index
    %get3A_1356 = arith.constant 96 : index
    %get3A_1357 = tpu.vector_load %arg8[%get3A_1355, %get3A_1356] {strides = array<i32>} : memref<12x128xf32, #tpu.memory_space<vmem>>, vector<1x16xf32>,
    %get3A_1358 = vector.shape_cast %get3A_1357 : vector<1x16xf32> to vector<16xf32>
    %get3A_1359 = arith.constant 9 : i32
    %get3A_1360 = arith.index_cast %get3A_1359 : i32 to index
    %get3A_1361 = arith.constant 96 : index
    %get3A_1362 = tpu.vector_load %arg7[%get3A_1360, %get3A_1361] {strides = array<i32>} : memref<16x128xf32, #tpu.memory_space<vmem>>, vector<1x16xf32>,
    %get3A_1363 = vector.shape_cast %get3A_1362 : vector<1x16xf32> to vector<16xf32>
    %mul3A_1364 = arith.mulf %get3A_1358, %get3A_1363 : vector<16xf32>
    %swap3A_1365 = arith.constant 9 : i32
    %swap3A_1366 = arith.index_cast %swap3A_1365 : i32 to index
    %swap3A_1367 = arith.constant 96 : index
    %swap3A_1368 = tpu.vector_load %arg8[%swap3A_1366, %swap3A_1367] {strides = array<i32>} : memref<12x128xf32, #tpu.memory_space<vmem>>, vector<1x16xf32>,
    %swap3A_1369 = vector.shape_cast %swap3A_1368 : vector<1x16xf32> to vector<16xf32>
    %swap3A_1370 = vector.shape_cast %mul3A_1364 : vector<16xf32> to vector<1x16xf32>
    tpu.vector_store %arg8[%swap3A_1366, %swap3A_1367], %swap3A_1370 {strides = array<i32>} : memref<12x128xf32, #tpu.memory_space<vmem>>, vector<1x16xf32>,
    %get3A_1371 = arith.constant 9 : i32
    %get3A_1372 = arith.index_cast %get3A_1371 : i32 to index
    %get3A_1373 = arith.constant 112 : index
    %get3A_1374 = tpu.vector_load %arg8[%get3A_1372, %get3A_1373] {strides = array<i32>} : memref<12x128xf32, #tpu.memory_space<vmem>>, vector<1x16xf32>,
    %get3A_1375 = vector.shape_cast %get3A_1374 : vector<1x16xf32> to vector<16xf32>
    %get3A_1376 = arith.constant 9 : i32
    %get3A_1377 = arith.index_cast %get3A_1376 : i32 to index
    %get3A_1378 = arith.constant 112 : index
    %get3A_1379 = tpu.vector_load %arg7[%get3A_1377, %get3A_1378] {strides = array<i32>} : memref<16x128xf32, #tpu.memory_space<vmem>>, vector<1x16xf32>,
    %get3A_1380 = vector.shape_cast %get3A_1379 : vector<1x16xf32> to vector<16xf32>
    %mul3A_1381 = arith.mulf %get3A_1375, %get3A_1380 : vector<16xf32>
    %swap3A_1382 = arith.constant 9 : i32
    %swap3A_1383 = arith.index_cast %swap3A_1382 : i32 to index
    %swap3A_1384 = arith.constant 112 : index
    %swap3A_1385 = tpu.vector_load %arg8[%swap3A_1383, %swap3A_1384] {strides = array<i32>} : memref<12x128xf32, #tpu.memory_space<vmem>>, vector<1x16xf32>,
    %swap3A_1386 = vector.shape_cast %swap3A_1385 : vector<1x16xf32> to vector<16xf32>
    %swap3A_1387 = vector.shape_cast %mul3A_1381 : vector<16xf32> to vector<1x16xf32>
    tpu.vector_store %arg8[%swap3A_1383, %swap3A_1384], %swap3A_1387 {strides = array<i32>} : memref<12x128xf32, #tpu.memory_space<vmem>>, vector<1x16xf32>,
    %get3A_1388 = arith.constant 10 : i32
    %get3A_1389 = arith.index_cast %get3A_1388 : i32 to index
    %get3A_1390 = arith.constant 0 : index
    %get3A_1391 = tpu.vector_load %arg8[%get3A_1389, %get3A_1390] {strides = array<i32>} : memref<12x128xf32, #tpu.memory_space<vmem>>, vector<1x16xf32>,
    %get3A_1392 = vector.shape_cast %get3A_1391 : vector<1x16xf32> to vector<16xf32>
    %get3A_1393 = arith.constant 10 : i32
    %get3A_1394 = arith.index_cast %get3A_1393 : i32 to index
    %get3A_1395 = arith.constant 0 : index
    %get3A_1396 = tpu.vector_load %arg7[%get3A_1394, %get3A_1395] {strides = array<i32>} : memref<16x128xf32, #tpu.memory_space<vmem>>, vector<1x16xf32>,
    %get3A_1397 = vector.shape_cast %get3A_1396 : vector<1x16xf32> to vector<16xf32>
    %mul3A_1398 = arith.mulf %get3A_1392, %get3A_1397 : vector<16xf32>
    %swap3A_1399 = arith.constant 10 : i32
    %swap3A_1400 = arith.index_cast %swap3A_1399 : i32 to index
    %swap3A_1401 = arith.constant 0 : index
    %swap3A_1402 = tpu.vector_load %arg8[%swap3A_1400, %swap3A_1401] {strides = array<i32>} : memref<12x128xf32, #tpu.memory_space<vmem>>, vector<1x16xf32>,
    %swap3A_1403 = vector.shape_cast %swap3A_1402 : vector<1x16xf32> to vector<16xf32>
    %swap3A_1404 = vector.shape_cast %mul3A_1398 : vector<16xf32> to vector<1x16xf32>
    tpu.vector_store %arg8[%swap3A_1400, %swap3A_1401], %swap3A_1404 {strides = array<i32>} : memref<12x128xf32, #tpu.memory_space<vmem>>, vector<1x16xf32>,
    %get3A_1405 = arith.constant 10 : i32
    %get3A_1406 = arith.index_cast %get3A_1405 : i32 to index
    %get3A_1407 = arith.constant 16 : index
    %get3A_1408 = tpu.vector_load %arg8[%get3A_1406, %get3A_1407] {strides = array<i32>} : memref<12x128xf32, #tpu.memory_space<vmem>>, vector<1x16xf32>,
    %get3A_1409 = vector.shape_cast %get3A_1408 : vector<1x16xf32> to vector<16xf32>
    %get3A_1410 = arith.constant 10 : i32
    %get3A_1411 = arith.index_cast %get3A_1410 : i32 to index
    %get3A_1412 = arith.constant 16 : index
    %get3A_1413 = tpu.vector_load %arg7[%get3A_1411, %get3A_1412] {strides = array<i32>} : memref<16x128xf32, #tpu.memory_space<vmem>>, vector<1x16xf32>,
    %get3A_1414 = vector.shape_cast %get3A_1413 : vector<1x16xf32> to vector<16xf32>
    %mul3A_1415 = arith.mulf %get3A_1409, %get3A_1414 : vector<16xf32>
    %swap3A_1416 = arith.constant 10 : i32
    %swap3A_1417 = arith.index_cast %swap3A_1416 : i32 to index
    %swap3A_1418 = arith.constant 16 : index
    %swap3A_1419 = tpu.vector_load %arg8[%swap3A_1417, %swap3A_1418] {strides = array<i32>} : memref<12x128xf32, #tpu.memory_space<vmem>>, vector<1x16xf32>,
    %swap3A_1420 = vector.shape_cast %swap3A_1419 : vector<1x16xf32> to vector<16xf32>
    %swap3A_1421 = vector.shape_cast %mul3A_1415 : vector<16xf32> to vector<1x16xf32>
    tpu.vector_store %arg8[%swap3A_1417, %swap3A_1418], %swap3A_1421 {strides = array<i32>} : memref<12x128xf32, #tpu.memory_space<vmem>>, vector<1x16xf32>,
    %get3A_1422 = arith.constant 10 : i32
    %get3A_1423 = arith.index_cast %get3A_1422 : i32 to index
    %get3A_1424 = arith.constant 32 : index
    %get3A_1425 = tpu.vector_load %arg8[%get3A_1423, %get3A_1424] {strides = array<i32>} : memref<12x128xf32, #tpu.memory_space<vmem>>, vector<1x16xf32>,
    %get3A_1426 = vector.shape_cast %get3A_1425 : vector<1x16xf32> to vector<16xf32>
    %get3A_1427 = arith.constant 10 : i32
    %get3A_1428 = arith.index_cast %get3A_1427 : i32 to index
    %get3A_1429 = arith.constant 32 : index
    %get3A_1430 = tpu.vector_load %arg7[%get3A_1428, %get3A_1429] {strides = array<i32>} : memref<16x128xf32, #tpu.memory_space<vmem>>, vector<1x16xf32>,
    %get3A_1431 = vector.shape_cast %get3A_1430 : vector<1x16xf32> to vector<16xf32>
    %mul3A_1432 = arith.mulf %get3A_1426, %get3A_1431 : vector<16xf32>
    %swap3A_1433 = arith.constant 10 : i32
    %swap3A_1434 = arith.index_cast %swap3A_1433 : i32 to index
    %swap3A_1435 = arith.constant 32 : index
    %swap3A_1436 = tpu.vector_load %arg8[%swap3A_1434, %swap3A_1435] {strides = array<i32>} : memref<12x128xf32, #tpu.memory_space<vmem>>, vector<1x16xf32>,
    %swap3A_1437 = vector.shape_cast %swap3A_1436 : vector<1x16xf32> to vector<16xf32>
    %swap3A_1438 = vector.shape_cast %mul3A_1432 : vector<16xf32> to vector<1x16xf32>
    tpu.vector_store %arg8[%swap3A_1434, %swap3A_1435], %swap3A_1438 {strides = array<i32>} : memref<12x128xf32, #tpu.memory_space<vmem>>, vector<1x16xf32>,
    %get3A_1439 = arith.constant 10 : i32
    %get3A_1440 = arith.index_cast %get3A_1439 : i32 to index
    %get3A_1441 = arith.constant 48 : index
    %get3A_1442 = tpu.vector_load %arg8[%get3A_1440, %get3A_1441] {strides = array<i32>} : memref<12x128xf32, #tpu.memory_space<vmem>>, vector<1x16xf32>,
    %get3A_1443 = vector.shape_cast %get3A_1442 : vector<1x16xf32> to vector<16xf32>
    %get3A_1444 = arith.constant 10 : i32
    %get3A_1445 = arith.index_cast %get3A_1444 : i32 to index
    %get3A_1446 = arith.constant 48 : index
    %get3A_1447 = tpu.vector_load %arg7[%get3A_1445, %get3A_1446] {strides = array<i32>} : memref<16x128xf32, #tpu.memory_space<vmem>>, vector<1x16xf32>,
    %get3A_1448 = vector.shape_cast %get3A_1447 : vector<1x16xf32> to vector<16xf32>
    %mul3A_1449 = arith.mulf %get3A_1443, %get3A_1448 : vector<16xf32>
    %swap3A_1450 = arith.constant 10 : i32
    %swap3A_1451 = arith.index_cast %swap3A_1450 : i32 to index
    %swap3A_1452 = arith.constant 48 : index
    %swap3A_1453 = tpu.vector_load %arg8[%swap3A_1451, %swap3A_1452] {strides = array<i32>} : memref<12x128xf32, #tpu.memory_space<vmem>>, vector<1x16xf32>,
    %swap3A_1454 = vector.shape_cast %swap3A_1453 : vector<1x16xf32> to vector<16xf32>
    %swap3A_1455 = vector.shape_cast %mul3A_1449 : vector<16xf32> to vector<1x16xf32>
    tpu.vector_store %arg8[%swap3A_1451, %swap3A_1452], %swap3A_1455 {strides = array<i32>} : memref<12x128xf32, #tpu.memory_space<vmem>>, vector<1x16xf32>,
    %get3A_1456 = arith.constant 10 : i32
    %get3A_1457 = arith.index_cast %get3A_1456 : i32 to index
    %get3A_1458 = arith.constant 64 : index
    %get3A_1459 = tpu.vector_load %arg8[%get3A_1457, %get3A_1458] {strides = array<i32>} : memref<12x128xf32, #tpu.memory_space<vmem>>, vector<1x16xf32>,
    %get3A_1460 = vector.shape_cast %get3A_1459 : vector<1x16xf32> to vector<16xf32>
    %get3A_1461 = arith.constant 10 : i32
    %get3A_1462 = arith.index_cast %get3A_1461 : i32 to index
    %get3A_1463 = arith.constant 64 : index
    %get3A_1464 = tpu.vector_load %arg7[%get3A_1462, %get3A_1463] {strides = array<i32>} : memref<16x128xf32, #tpu.memory_space<vmem>>, vector<1x16xf32>,
    %get3A_1465 = vector.shape_cast %get3A_1464 : vector<1x16xf32> to vector<16xf32>
    %mul3A_1466 = arith.mulf %get3A_1460, %get3A_1465 : vector<16xf32>
    %swap3A_1467 = arith.constant 10 : i32
    %swap3A_1468 = arith.index_cast %swap3A_1467 : i32 to index
    %swap3A_1469 = arith.constant 64 : index
    %swap3A_1470 = tpu.vector_load %arg8[%swap3A_1468, %swap3A_1469] {strides = array<i32>} : memref<12x128xf32, #tpu.memory_space<vmem>>, vector<1x16xf32>,
    %swap3A_1471 = vector.shape_cast %swap3A_1470 : vector<1x16xf32> to vector<16xf32>
    %swap3A_1472 = vector.shape_cast %mul3A_1466 : vector<16xf32> to vector<1x16xf32>
    tpu.vector_store %arg8[%swap3A_1468, %swap3A_1469], %swap3A_1472 {strides = array<i32>} : memref<12x128xf32, #tpu.memory_space<vmem>>, vector<1x16xf32>,
    %get3A_1473 = arith.constant 10 : i32
    %get3A_1474 = arith.index_cast %get3A_1473 : i32 to index
    %get3A_1475 = arith.constant 80 : index
    %get3A_1476 = tpu.vector_load %arg8[%get3A_1474, %get3A_1475] {strides = array<i32>} : memref<12x128xf32, #tpu.memory_space<vmem>>, vector<1x16xf32>,
    %get3A_1477 = vector.shape_cast %get3A_1476 : vector<1x16xf32> to vector<16xf32>
    %get3A_1478 = arith.constant 10 : i32
    %get3A_1479 = arith.index_cast %get3A_1478 : i32 to index
    %get3A_1480 = arith.constant 80 : index
    %get3A_1481 = tpu.vector_load %arg7[%get3A_1479, %get3A_1480] {strides = array<i32>} : memref<16x128xf32, #tpu.memory_space<vmem>>, vector<1x16xf32>,
    %get3A_1482 = vector.shape_cast %get3A_1481 : vector<1x16xf32> to vector<16xf32>
    %mul3A_1483 = arith.mulf %get3A_1477, %get3A_1482 : vector<16xf32>
    %swap3A_1484 = arith.constant 10 : i32
    %swap3A_1485 = arith.index_cast %swap3A_1484 : i32 to index
    %swap3A_1486 = arith.constant 80 : index
    %swap3A_1487 = tpu.vector_load %arg8[%swap3A_1485, %swap3A_1486] {strides = array<i32>} : memref<12x128xf32, #tpu.memory_space<vmem>>, vector<1x16xf32>,
    %swap3A_1488 = vector.shape_cast %swap3A_1487 : vector<1x16xf32> to vector<16xf32>
    %swap3A_1489 = vector.shape_cast %mul3A_1483 : vector<16xf32> to vector<1x16xf32>
    tpu.vector_store %arg8[%swap3A_1485, %swap3A_1486], %swap3A_1489 {strides = array<i32>} : memref<12x128xf32, #tpu.memory_space<vmem>>, vector<1x16xf32>,
    %get3A_1490 = arith.constant 10 : i32
    %get3A_1491 = arith.index_cast %get3A_1490 : i32 to index
    %get3A_1492 = arith.constant 96 : index
    %get3A_1493 = tpu.vector_load %arg8[%get3A_1491, %get3A_1492] {strides = array<i32>} : memref<12x128xf32, #tpu.memory_space<vmem>>, vector<1x16xf32>,
    %get3A_1494 = vector.shape_cast %get3A_1493 : vector<1x16xf32> to vector<16xf32>
    %get3A_1495 = arith.constant 10 : i32
    %get3A_1496 = arith.index_cast %get3A_1495 : i32 to index
    %get3A_1497 = arith.constant 96 : index
    %get3A_1498 = tpu.vector_load %arg7[%get3A_1496, %get3A_1497] {strides = array<i32>} : memref<16x128xf32, #tpu.memory_space<vmem>>, vector<1x16xf32>,
    %get3A_1499 = vector.shape_cast %get3A_1498 : vector<1x16xf32> to vector<16xf32>
    %mul3A_1500 = arith.mulf %get3A_1494, %get3A_1499 : vector<16xf32>
    %swap3A_1501 = arith.constant 10 : i32
    %swap3A_1502 = arith.index_cast %swap3A_1501 : i32 to index
    %swap3A_1503 = arith.constant 96 : index
    %swap3A_1504 = tpu.vector_load %arg8[%swap3A_1502, %swap3A_1503] {strides = array<i32>} : memref<12x128xf32, #tpu.memory_space<vmem>>, vector<1x16xf32>,
    %swap3A_1505 = vector.shape_cast %swap3A_1504 : vector<1x16xf32> to vector<16xf32>
    %swap3A_1506 = vector.shape_cast %mul3A_1500 : vector<16xf32> to vector<1x16xf32>
    tpu.vector_store %arg8[%swap3A_1502, %swap3A_1503], %swap3A_1506 {strides = array<i32>} : memref<12x128xf32, #tpu.memory_space<vmem>>, vector<1x16xf32>,
    %get3A_1507 = arith.constant 10 : i32
    %get3A_1508 = arith.index_cast %get3A_1507 : i32 to index
    %get3A_1509 = arith.constant 112 : index
    %get3A_1510 = tpu.vector_load %arg8[%get3A_1508, %get3A_1509] {strides = array<i32>} : memref<12x128xf32, #tpu.memory_space<vmem>>, vector<1x16xf32>,
    %get3A_1511 = vector.shape_cast %get3A_1510 : vector<1x16xf32> to vector<16xf32>
    %get3A_1512 = arith.constant 10 : i32
    %get3A_1513 = arith.index_cast %get3A_1512 : i32 to index
    %get3A_1514 = arith.constant 112 : index
    %get3A_1515 = tpu.vector_load %arg7[%get3A_1513, %get3A_1514] {strides = array<i32>} : memref<16x128xf32, #tpu.memory_space<vmem>>, vector<1x16xf32>,
    %get3A_1516 = vector.shape_cast %get3A_1515 : vector<1x16xf32> to vector<16xf32>
    %mul3A_1517 = arith.mulf %get3A_1511, %get3A_1516 : vector<16xf32>
    %swap3A_1518 = arith.constant 10 : i32
    %swap3A_1519 = arith.index_cast %swap3A_1518 : i32 to index
    %swap3A_1520 = arith.constant 112 : index
    %swap3A_1521 = tpu.vector_load %arg8[%swap3A_1519, %swap3A_1520] {strides = array<i32>} : memref<12x128xf32, #tpu.memory_space<vmem>>, vector<1x16xf32>,
    %swap3A_1522 = vector.shape_cast %swap3A_1521 : vector<1x16xf32> to vector<16xf32>
    %swap3A_1523 = vector.shape_cast %mul3A_1517 : vector<16xf32> to vector<1x16xf32>
    tpu.vector_store %arg8[%swap3A_1519, %swap3A_1520], %swap3A_1523 {strides = array<i32>} : memref<12x128xf32, #tpu.memory_space<vmem>>, vector<1x16xf32>,
    %get3A_1524 = arith.constant 11 : i32
    %get3A_1525 = arith.index_cast %get3A_1524 : i32 to index
    %get3A_1526 = arith.constant 0 : index
    %get3A_1527 = tpu.vector_load %arg8[%get3A_1525, %get3A_1526] {strides = array<i32>} : memref<12x128xf32, #tpu.memory_space<vmem>>, vector<1x16xf32>,
    %get3A_1528 = vector.shape_cast %get3A_1527 : vector<1x16xf32> to vector<16xf32>
    %get3A_1529 = arith.constant 11 : i32
    %get3A_1530 = arith.index_cast %get3A_1529 : i32 to index
    %get3A_1531 = arith.constant 0 : index
    %get3A_1532 = tpu.vector_load %arg7[%get3A_1530, %get3A_1531] {strides = array<i32>} : memref<16x128xf32, #tpu.memory_space<vmem>>, vector<1x16xf32>,
    %get3A_1533 = vector.shape_cast %get3A_1532 : vector<1x16xf32> to vector<16xf32>
    %mul3A_1534 = arith.mulf %get3A_1528, %get3A_1533 : vector<16xf32>
    %swap3A_1535 = arith.constant 11 : i32
    %swap3A_1536 = arith.index_cast %swap3A_1535 : i32 to index
    %swap3A_1537 = arith.constant 0 : index
    %swap3A_1538 = tpu.vector_load %arg8[%swap3A_1536, %swap3A_1537] {strides = array<i32>} : memref<12x128xf32, #tpu.memory_space<vmem>>, vector<1x16xf32>,
    %swap3A_1539 = vector.shape_cast %swap3A_1538 : vector<1x16xf32> to vector<16xf32>
    %swap3A_1540 = vector.shape_cast %mul3A_1534 : vector<16xf32> to vector<1x16xf32>
    tpu.vector_store %arg8[%swap3A_1536, %swap3A_1537], %swap3A_1540 {strides = array<i32>} : memref<12x128xf32, #tpu.memory_space<vmem>>, vector<1x16xf32>,
    %get3A_1541 = arith.constant 11 : i32
    %get3A_1542 = arith.index_cast %get3A_1541 : i32 to index
    %get3A_1543 = arith.constant 16 : index
    %get3A_1544 = tpu.vector_load %arg8[%get3A_1542, %get3A_1543] {strides = array<i32>} : memref<12x128xf32, #tpu.memory_space<vmem>>, vector<1x16xf32>,
    %get3A_1545 = vector.shape_cast %get3A_1544 : vector<1x16xf32> to vector<16xf32>
    %get3A_1546 = arith.constant 11 : i32
    %get3A_1547 = arith.index_cast %get3A_1546 : i32 to index
    %get3A_1548 = arith.constant 16 : index
    %get3A_1549 = tpu.vector_load %arg7[%get3A_1547, %get3A_1548] {strides = array<i32>} : memref<16x128xf32, #tpu.memory_space<vmem>>, vector<1x16xf32>,
    %get3A_1550 = vector.shape_cast %get3A_1549 : vector<1x16xf32> to vector<16xf32>
    %mul3A_1551 = arith.mulf %get3A_1545, %get3A_1550 : vector<16xf32>
    %swap3A_1552 = arith.constant 11 : i32
    %swap3A_1553 = arith.index_cast %swap3A_1552 : i32 to index
    %swap3A_1554 = arith.constant 16 : index
    %swap3A_1555 = tpu.vector_load %arg8[%swap3A_1553, %swap3A_1554] {strides = array<i32>} : memref<12x128xf32, #tpu.memory_space<vmem>>, vector<1x16xf32>,
    %swap3A_1556 = vector.shape_cast %swap3A_1555 : vector<1x16xf32> to vector<16xf32>
    %swap3A_1557 = vector.shape_cast %mul3A_1551 : vector<16xf32> to vector<1x16xf32>
    tpu.vector_store %arg8[%swap3A_1553, %swap3A_1554], %swap3A_1557 {strides = array<i32>} : memref<12x128xf32, #tpu.memory_space<vmem>>, vector<1x16xf32>,
    %get3A_1558 = arith.constant 11 : i32
    %get3A_1559 = arith.index_cast %get3A_1558 : i32 to index
    %get3A_1560 = arith.constant 32 : index
    %get3A_1561 = tpu.vector_load %arg8[%get3A_1559, %get3A_1560] {strides = array<i32>} : memref<12x128xf32, #tpu.memory_space<vmem>>, vector<1x16xf32>,
    %get3A_1562 = vector.shape_cast %get3A_1561 : vector<1x16xf32> to vector<16xf32>
    %get3A_1563 = arith.constant 11 : i32
    %get3A_1564 = arith.index_cast %get3A_1563 : i32 to index
    %get3A_1565 = arith.constant 32 : index
    %get3A_1566 = tpu.vector_load %arg7[%get3A_1564, %get3A_1565] {strides = array<i32>} : memref<16x128xf32, #tpu.memory_space<vmem>>, vector<1x16xf32>,
    %get3A_1567 = vector.shape_cast %get3A_1566 : vector<1x16xf32> to vector<16xf32>
    %mul3A_1568 = arith.mulf %get3A_1562, %get3A_1567 : vector<16xf32>
    %swap3A_1569 = arith.constant 11 : i32
    %swap3A_1570 = arith.index_cast %swap3A_1569 : i32 to index
    %swap3A_1571 = arith.constant 32 : index
    %swap3A_1572 = tpu.vector_load %arg8[%swap3A_1570, %swap3A_1571] {strides = array<i32>} : memref<12x128xf32, #tpu.memory_space<vmem>>, vector<1x16xf32>,
    %swap3A_1573 = vector.shape_cast %swap3A_1572 : vector<1x16xf32> to vector<16xf32>
    %swap3A_1574 = vector.shape_cast %mul3A_1568 : vector<16xf32> to vector<1x16xf32>
    tpu.vector_store %arg8[%swap3A_1570, %swap3A_1571], %swap3A_1574 {strides = array<i32>} : memref<12x128xf32, #tpu.memory_space<vmem>>, vector<1x16xf32>,
    %get3A_1575 = arith.constant 11 : i32
    %get3A_1576 = arith.index_cast %get3A_1575 : i32 to index
    %get3A_1577 = arith.constant 48 : index
    %get3A_1578 = tpu.vector_load %arg8[%get3A_1576, %get3A_1577] {strides = array<i32>} : memref<12x128xf32, #tpu.memory_space<vmem>>, vector<1x16xf32>,
    %get3A_1579 = vector.shape_cast %get3A_1578 : vector<1x16xf32> to vector<16xf32>
    %get3A_1580 = arith.constant 11 : i32
    %get3A_1581 = arith.index_cast %get3A_1580 : i32 to index
    %get3A_1582 = arith.constant 48 : index
    %get3A_1583 = tpu.vector_load %arg7[%get3A_1581, %get3A_1582] {strides = array<i32>} : memref<16x128xf32, #tpu.memory_space<vmem>>, vector<1x16xf32>,
    %get3A_1584 = vector.shape_cast %get3A_1583 : vector<1x16xf32> to vector<16xf32>
    %mul3A_1585 = arith.mulf %get3A_1579, %get3A_1584 : vector<16xf32>
    %swap3A_1586 = arith.constant 11 : i32
    %swap3A_1587 = arith.index_cast %swap3A_1586 : i32 to index
    %swap3A_1588 = arith.constant 48 : index
    %swap3A_1589 = tpu.vector_load %arg8[%swap3A_1587, %swap3A_1588] {strides = array<i32>} : memref<12x128xf32, #tpu.memory_space<vmem>>, vector<1x16xf32>,
    %swap3A_1590 = vector.shape_cast %swap3A_1589 : vector<1x16xf32> to vector<16xf32>
    %swap3A_1591 = vector.shape_cast %mul3A_1585 : vector<16xf32> to vector<1x16xf32>
    tpu.vector_store %arg8[%swap3A_1587, %swap3A_1588], %swap3A_1591 {strides = array<i32>} : memref<12x128xf32, #tpu.memory_space<vmem>>, vector<1x16xf32>,
    %get3A_1592 = arith.constant 11 : i32
    %get3A_1593 = arith.index_cast %get3A_1592 : i32 to index
    %get3A_1594 = arith.constant 64 : index
    %get3A_1595 = tpu.vector_load %arg8[%get3A_1593, %get3A_1594] {strides = array<i32>} : memref<12x128xf32, #tpu.memory_space<vmem>>, vector<1x16xf32>,
    %get3A_1596 = vector.shape_cast %get3A_1595 : vector<1x16xf32> to vector<16xf32>
    %get3A_1597 = arith.constant 11 : i32
    %get3A_1598 = arith.index_cast %get3A_1597 : i32 to index
    %get3A_1599 = arith.constant 64 : index
    %get3A_1600 = tpu.vector_load %arg7[%get3A_1598, %get3A_1599] {strides = array<i32>} : memref<16x128xf32, #tpu.memory_space<vmem>>, vector<1x16xf32>,
    %get3A_1601 = vector.shape_cast %get3A_1600 : vector<1x16xf32> to vector<16xf32>
    %mul3A_1602 = arith.mulf %get3A_1596, %get3A_1601 : vector<16xf32>
    %swap3A_1603 = arith.constant 11 : i32
    %swap3A_1604 = arith.index_cast %swap3A_1603 : i32 to index
    %swap3A_1605 = arith.constant 64 : index
    %swap3A_1606 = tpu.vector_load %arg8[%swap3A_1604, %swap3A_1605] {strides = array<i32>} : memref<12x128xf32, #tpu.memory_space<vmem>>, vector<1x16xf32>,
    %swap3A_1607 = vector.shape_cast %swap3A_1606 : vector<1x16xf32> to vector<16xf32>
    %swap3A_1608 = vector.shape_cast %mul3A_1602 : vector<16xf32> to vector<1x16xf32>
    tpu.vector_store %arg8[%swap3A_1604, %swap3A_1605], %swap3A_1608 {strides = array<i32>} : memref<12x128xf32, #tpu.memory_space<vmem>>, vector<1x16xf32>,
    %get3A_1609 = arith.constant 11 : i32
    %get3A_1610 = arith.index_cast %get3A_1609 : i32 to index
    %get3A_1611 = arith.constant 80 : index
    %get3A_1612 = tpu.vector_load %arg8[%get3A_1610, %get3A_1611] {strides = array<i32>} : memref<12x128xf32, #tpu.memory_space<vmem>>, vector<1x16xf32>,
    %get3A_1613 = vector.shape_cast %get3A_1612 : vector<1x16xf32> to vector<16xf32>
    %get3A_1614 = arith.constant 11 : i32
    %get3A_1615 = arith.index_cast %get3A_1614 : i32 to index
    %get3A_1616 = arith.constant 80 : index
    %get3A_1617 = tpu.vector_load %arg7[%get3A_1615, %get3A_1616] {strides = array<i32>} : memref<16x128xf32, #tpu.memory_space<vmem>>, vector<1x16xf32>,
    %get3A_1618 = vector.shape_cast %get3A_1617 : vector<1x16xf32> to vector<16xf32>
    %mul3A_1619 = arith.mulf %get3A_1613, %get3A_1618 : vector<16xf32>
    %swap3A_1620 = arith.constant 11 : i32
    %swap3A_1621 = arith.index_cast %swap3A_1620 : i32 to index
    %swap3A_1622 = arith.constant 80 : index
    %swap3A_1623 = tpu.vector_load %arg8[%swap3A_1621, %swap3A_1622] {strides = array<i32>} : memref<12x128xf32, #tpu.memory_space<vmem>>, vector<1x16xf32>,
    %swap3A_1624 = vector.shape_cast %swap3A_1623 : vector<1x16xf32> to vector<16xf32>
    %swap3A_1625 = vector.shape_cast %mul3A_1619 : vector<16xf32> to vector<1x16xf32>
    tpu.vector_store %arg8[%swap3A_1621, %swap3A_1622], %swap3A_1625 {strides = array<i32>} : memref<12x128xf32, #tpu.memory_space<vmem>>, vector<1x16xf32>,
    %get3A_1626 = arith.constant 11 : i32
    %get3A_1627 = arith.index_cast %get3A_1626 : i32 to index
    %get3A_1628 = arith.constant 96 : index
    %get3A_1629 = tpu.vector_load %arg8[%get3A_1627, %get3A_1628] {strides = array<i32>} : memref<12x128xf32, #tpu.memory_space<vmem>>, vector<1x16xf32>,
    %get3A_1630 = vector.shape_cast %get3A_1629 : vector<1x16xf32> to vector<16xf32>
    %get3A_1631 = arith.constant 11 : i32
    %get3A_1632 = arith.index_cast %get3A_1631 : i32 to index
    %get3A_1633 = arith.constant 96 : index
    %get3A_1634 = tpu.vector_load %arg7[%get3A_1632, %get3A_1633] {strides = array<i32>} : memref<16x128xf32, #tpu.memory_space<vmem>>, vector<1x16xf32>,
    %get3A_1635 = vector.shape_cast %get3A_1634 : vector<1x16xf32> to vector<16xf32>
    %mul3A_1636 = arith.mulf %get3A_1630, %get3A_1635 : vector<16xf32>
    %swap3A_1637 = arith.constant 11 : i32
    %swap3A_1638 = arith.index_cast %swap3A_1637 : i32 to index
    %swap3A_1639 = arith.constant 96 : index
    %swap3A_1640 = tpu.vector_load %arg8[%swap3A_1638, %swap3A_1639] {strides = array<i32>} : memref<12x128xf32, #tpu.memory_space<vmem>>, vector<1x16xf32>,
    %swap3A_1641 = vector.shape_cast %swap3A_1640 : vector<1x16xf32> to vector<16xf32>
    %swap3A_1642 = vector.shape_cast %mul3A_1636 : vector<16xf32> to vector<1x16xf32>
    tpu.vector_store %arg8[%swap3A_1638, %swap3A_1639], %swap3A_1642 {strides = array<i32>} : memref<12x128xf32, #tpu.memory_space<vmem>>, vector<1x16xf32>,
    %get3A_1643 = arith.constant 11 : i32
    %get3A_1644 = arith.index_cast %get3A_1643 : i32 to index
    %get3A_1645 = arith.constant 112 : index
    %get3A_1646 = tpu.vector_load %arg8[%get3A_1644, %get3A_1645] {strides = array<i32>} : memref<12x128xf32, #tpu.memory_space<vmem>>, vector<1x16xf32>,
    %get3A_1647 = vector.shape_cast %get3A_1646 : vector<1x16xf32> to vector<16xf32>
    %get3A_1648 = arith.constant 11 : i32
    %get3A_1649 = arith.index_cast %get3A_1648 : i32 to index
    %get3A_1650 = arith.constant 112 : index
    %get3A_1651 = tpu.vector_load %arg7[%get3A_1649, %get3A_1650] {strides = array<i32>} : memref<16x128xf32, #tpu.memory_space<vmem>>, vector<1x16xf32>,
    %get3A_1652 = vector.shape_cast %get3A_1651 : vector<1x16xf32> to vector<16xf32>
    %mul3A_1653 = arith.mulf %get3A_1647, %get3A_1652 : vector<16xf32>
    %swap3A_1654 = arith.constant 11 : i32
    %swap3A_1655 = arith.index_cast %swap3A_1654 : i32 to index
    %swap3A_1656 = arith.constant 112 : index
    %swap3A_1657 = tpu.vector_load %arg8[%swap3A_1655, %swap3A_1656] {strides = array<i32>} : memref<12x128xf32, #tpu.memory_space<vmem>>, vector<1x16xf32>,
    %swap3A_1658 = vector.shape_cast %swap3A_1657 : vector<1x16xf32> to vector<16xf32>
    %swap3A_1659 = vector.shape_cast %mul3A_1653 : vector<16xf32> to vector<1x16xf32>
    tpu.vector_store %arg8[%swap3A_1655, %swap3A_1656], %swap3A_1659 {strides = array<i32>} : memref<12x128xf32, #tpu.memory_space<vmem>>, vector<1x16xf32>,
    %while3A = arith.constant 0 : i32
    %while3A_1660 = arith.constant 0 : i32
    %while3A_1661 = arith.constant 256 : i32
    %while3A_1662 = arith.subi %while3A_1661, %while3A_1660 : i32
    %while3A_1663 = arith.addi %while3A_1660, %while3A_1662 : i32
    %while3A_1664 = arith.constant 1 : i32
    %while3A_1665 = arith.divsi %while3A_1662, %while3A_1664 : i32
    %while3A_1666 = arith.muli %while3A_1665, %while3A_1664 : i32
    %while3A_1667 = arith.addi %while3A_1660, %while3A_1666 : i32
    %while3A_1668 = arith.constant 1 : i32
    scf.for %while3A_1694 = %while3A_1660 to %while3A_1667 step %while3A_1668  : i32 {
      %broadcast_in_dim3A = arith.constant 0.000000e+00 : f32
      %broadcast_in_dim3A_1695 = vector.broadcast %broadcast_in_dim3A : f32 to vector<16xf32>
      %mul3A_1696 = arith.constant 16 : i32
      %mul3A_1697 = arith.muli %while3A_1694, %mul3A_1696 : i32
      %swap3A_1698 = arith.index_cast %mul3A_1697 : i32 to index
      %swap3A_1699 = tpu.vector_load %arg9[%swap3A_1698] {strides = array<i32>} : memref<4096xf32, #tpu.memory_space<vmem>>, vector<16xf32>,
      %swap3A_1700 = vector.shape_cast %swap3A_1699 : vector<16xf32> to vector<16xf32>
      %swap3A_1701 = vector.shape_cast %broadcast_in_dim3A_1695 : vector<16xf32> to vector<16xf32>
      tpu.vector_store %arg9[%swap3A_1698], %swap3A_1701 {strides = array<i32>} : memref<4096xf32, #tpu.memory_space<vmem>>, vector<16xf32>,
    }
    %while3A_1669 = arith.constant 1 : i32
    scf.for %while3A_1694 = %while3A_1667 to %while3A_1663 step %while3A_1669  : i32 {
      %broadcast_in_dim3A = arith.constant 0.000000e+00 : f32
      %broadcast_in_dim3A_1695 = vector.broadcast %broadcast_in_dim3A : f32 to vector<16xf32>
      %mul3A_1696 = arith.constant 16 : i32
      %mul3A_1697 = arith.muli %while3A_1694, %mul3A_1696 : i32
      %swap3A_1698 = arith.index_cast %mul3A_1697 : i32 to index
      %swap3A_1699 = tpu.vector_load %arg9[%swap3A_1698] {strides = array<i32>} : memref<4096xf32, #tpu.memory_space<vmem>>, vector<16xf32>,
      %swap3A_1700 = vector.shape_cast %swap3A_1699 : vector<16xf32> to vector<16xf32>
      %swap3A_1701 = vector.shape_cast %broadcast_in_dim3A_1695 : vector<16xf32> to vector<16xf32>
      tpu.vector_store %arg9[%swap3A_1698], %swap3A_1701 {strides = array<i32>} : memref<4096xf32, #tpu.memory_space<vmem>>, vector<16xf32>,
    }
    "tpu.region"() ({
      %run_scoped3A_1694 = tpu.sem_alloc : memref<!tpu.dma_semaphore, #tpu.memory_space<semaphore_mem>>
      %dma_start3A = tpu.memref_slice %arg11[%mul3A_2] : memref<65536xf32, #tpu.memory_space<vmem_shared>> -> memref<4096xf32, #tpu.memory_space<vmem_shared>>
      %dma_start3A_1695 = tpu.memref_slice %arg11[%mul3A_2] : memref<65536xf32, #tpu.memory_space<vmem_shared>> -> memref<4096xf32, #tpu.memory_space<vmem_shared>>
      tpu.enqueue_dma source(%arg9 : memref<4096xf32, #tpu.memory_space<vmem>>) target(%dma_start3A_1695 : memref<4096xf32, #tpu.memory_space<vmem_shared>>) target_semaphore(%run_scoped3A_1694 : memref<!tpu.dma_semaphore, #tpu.memory_space<semaphore_mem>>)
      %dma_wait3A = tpu.memref_slice %arg11[%mul3A_2] : memref<65536xf32, #tpu.memory_space<vmem_shared>> -> memref<4096xf32, #tpu.memory_space<vmem_shared>>
      %dma_wait3A_1696 = tpu.memref_slice %arg11[%mul3A_2] : memref<65536xf32, #tpu.memory_space<vmem_shared>> -> memref<4096xf32, #tpu.memory_space<vmem_shared>>
      tpu.wait_dma2 semaphore(%run_scoped3A_1694 : memref<!tpu.dma_semaphore, #tpu.memory_space<semaphore_mem>>) src(%arg9 : memref<4096xf32, #tpu.memory_space<vmem>>) dst(%dma_wait3A_1696 : memref<4096xf32, #tpu.memory_space<vmem_shared>>)
      tpu.yield
    }) : () -> ()
    %run_scoped3A_1670 = arith.constant 0 : i32
    %run_scoped3A_1671 = arith.constant 0 : i32
    "tpu.region"() ({
      %run_scoped3A_1694 = tpu.sem_alloc : memref<!tpu.dma_semaphore, #tpu.memory_space<semaphore_mem>>
      %dma_start3A = arith.constant 0 : i32
      %dma_start3A_1695 = tpu.memref_slice %arg8[%run_scoped3A_1670, %dma_start3A] : memref<12x128xf32, #tpu.memory_space<vmem>> -> memref<1x128xf32, #tpu.memory_space<vmem>>
      %dma_start3A_1696 = tpu.memref_squeeze %dma_start3A_1695 : memref<1x128xf32, #tpu.memory_space<vmem>> -> memref<128xf32, #tpu.memory_space<vmem>>
      %dma_start3A_1697 = arith.constant 0 : i32
      %dma_start3A_1698 = tpu.memref_slice %arg6[%run_scoped3A_1671, %dma_start3A_1697] : memref<24x128xi32, #tpu.memory_space<vmem>> -> memref<1x128xi32, #tpu.memory_space<vmem>>
      %dma_start3A_1699 = tpu.memref_squeeze %dma_start3A_1698 : memref<1x128xi32, #tpu.memory_space<vmem>> -> memref<128xi32, #tpu.memory_space<vmem>>
      %dma_start3A_1700 = arith.constant 0 : i32
      %dma_start3A_1701 = tpu.memref_slice %arg11[%dma_start3A_1700] : memref<65536xf32, #tpu.memory_space<vmem_shared>> -> memref<65536xf32, #tpu.memory_space<vmem_shared>>
      tpu.enqueue_indirect_dma source(%dma_start3A_1696 : memref<128xf32, #tpu.memory_space<vmem>>) target(%dma_start3A_1701 : memref<65536xf32, #tpu.memory_space<vmem_shared>>) offsets(%dma_start3A_1699 : memref<128xi32, #tpu.memory_space<vmem>>) semaphore(%run_scoped3A_1694 : memref<!tpu.dma_semaphore, #tpu.memory_space<semaphore_mem>>) {add = true}
      %dma_wait3A = arith.constant 0 : i32
      %dma_wait3A_1702 = tpu.memref_slice %arg8[%run_scoped3A_1670, %dma_wait3A] : memref<12x128xf32, #tpu.memory_space<vmem>> -> memref<1x128xf32, #tpu.memory_space<vmem>>
      %dma_wait3A_1703 = tpu.memref_squeeze %dma_wait3A_1702 : memref<1x128xf32, #tpu.memory_space<vmem>> -> memref<128xf32, #tpu.memory_space<vmem>>
      %dma_wait3A_1704 = arith.constant 0 : i32
      %dma_wait3A_1705 = tpu.memref_slice %arg6[%run_scoped3A_1671, %dma_wait3A_1704] : memref<24x128xi32, #tpu.memory_space<vmem>> -> memref<1x128xi32, #tpu.memory_space<vmem>>
      %dma_wait3A_1706 = tpu.memref_squeeze %dma_wait3A_1705 : memref<1x128xi32, #tpu.memory_space<vmem>> -> memref<128xi32, #tpu.memory_space<vmem>>
      %dma_wait3A_1707 = arith.constant 0 : i32
      %dma_wait3A_1708 = tpu.memref_slice %arg11[%dma_wait3A_1707] : memref<65536xf32, #tpu.memory_space<vmem_shared>> -> memref<65536xf32, #tpu.memory_space<vmem_shared>>
      tpu.wait_indirect_dma semaphore(%run_scoped3A_1694 : memref<!tpu.dma_semaphore, #tpu.memory_space<semaphore_mem>>) src(%dma_wait3A_1703 : memref<128xf32, #tpu.memory_space<vmem>>) dst(%dma_wait3A_1708 : memref<65536xf32, #tpu.memory_space<vmem_shared>>)
      tpu.yield
    }) : () -> ()
    %run_scoped3A_1672 = arith.constant 1 : i32
    %run_scoped3A_1673 = arith.constant 1 : i32
    "tpu.region"() ({
      %run_scoped3A_1694 = tpu.sem_alloc : memref<!tpu.dma_semaphore, #tpu.memory_space<semaphore_mem>>
      %dma_start3A = arith.constant 0 : i32
      %dma_start3A_1695 = tpu.memref_slice %arg8[%run_scoped3A_1672, %dma_start3A] : memref<12x128xf32, #tpu.memory_space<vmem>> -> memref<1x128xf32, #tpu.memory_space<vmem>>
      %dma_start3A_1696 = tpu.memref_squeeze %dma_start3A_1695 : memref<1x128xf32, #tpu.memory_space<vmem>> -> memref<128xf32, #tpu.memory_space<vmem>>
      %dma_start3A_1697 = arith.constant 0 : i32
      %dma_start3A_1698 = tpu.memref_slice %arg6[%run_scoped3A_1673, %dma_start3A_1697] : memref<24x128xi32, #tpu.memory_space<vmem>> -> memref<1x128xi32, #tpu.memory_space<vmem>>
      %dma_start3A_1699 = tpu.memref_squeeze %dma_start3A_1698 : memref<1x128xi32, #tpu.memory_space<vmem>> -> memref<128xi32, #tpu.memory_space<vmem>>
      %dma_start3A_1700 = arith.constant 0 : i32
      %dma_start3A_1701 = tpu.memref_slice %arg11[%dma_start3A_1700] : memref<65536xf32, #tpu.memory_space<vmem_shared>> -> memref<65536xf32, #tpu.memory_space<vmem_shared>>
      tpu.enqueue_indirect_dma source(%dma_start3A_1696 : memref<128xf32, #tpu.memory_space<vmem>>) target(%dma_start3A_1701 : memref<65536xf32, #tpu.memory_space<vmem_shared>>) offsets(%dma_start3A_1699 : memref<128xi32, #tpu.memory_space<vmem>>) semaphore(%run_scoped3A_1694 : memref<!tpu.dma_semaphore, #tpu.memory_space<semaphore_mem>>) {add = true}
      %dma_wait3A = arith.constant 0 : i32
      %dma_wait3A_1702 = tpu.memref_slice %arg8[%run_scoped3A_1672, %dma_wait3A] : memref<12x128xf32, #tpu.memory_space<vmem>> -> memref<1x128xf32, #tpu.memory_space<vmem>>
      %dma_wait3A_1703 = tpu.memref_squeeze %dma_wait3A_1702 : memref<1x128xf32, #tpu.memory_space<vmem>> -> memref<128xf32, #tpu.memory_space<vmem>>
      %dma_wait3A_1704 = arith.constant 0 : i32
      %dma_wait3A_1705 = tpu.memref_slice %arg6[%run_scoped3A_1673, %dma_wait3A_1704] : memref<24x128xi32, #tpu.memory_space<vmem>> -> memref<1x128xi32, #tpu.memory_space<vmem>>
      %dma_wait3A_1706 = tpu.memref_squeeze %dma_wait3A_1705 : memref<1x128xi32, #tpu.memory_space<vmem>> -> memref<128xi32, #tpu.memory_space<vmem>>
      %dma_wait3A_1707 = arith.constant 0 : i32
      %dma_wait3A_1708 = tpu.memref_slice %arg11[%dma_wait3A_1707] : memref<65536xf32, #tpu.memory_space<vmem_shared>> -> memref<65536xf32, #tpu.memory_space<vmem_shared>>
      tpu.wait_indirect_dma semaphore(%run_scoped3A_1694 : memref<!tpu.dma_semaphore, #tpu.memory_space<semaphore_mem>>) src(%dma_wait3A_1703 : memref<128xf32, #tpu.memory_space<vmem>>) dst(%dma_wait3A_1708 : memref<65536xf32, #tpu.memory_space<vmem_shared>>)
      tpu.yield
    }) : () -> ()
    %run_scoped3A_1674 = arith.constant 2 : i32
    %run_scoped3A_1675 = arith.constant 2 : i32
    "tpu.region"() ({
      %run_scoped3A_1694 = tpu.sem_alloc : memref<!tpu.dma_semaphore, #tpu.memory_space<semaphore_mem>>
      %dma_start3A = arith.constant 0 : i32
      %dma_start3A_1695 = tpu.memref_slice %arg8[%run_scoped3A_1674, %dma_start3A] : memref<12x128xf32, #tpu.memory_space<vmem>> -> memref<1x128xf32, #tpu.memory_space<vmem>>
      %dma_start3A_1696 = tpu.memref_squeeze %dma_start3A_1695 : memref<1x128xf32, #tpu.memory_space<vmem>> -> memref<128xf32, #tpu.memory_space<vmem>>
      %dma_start3A_1697 = arith.constant 0 : i32
      %dma_start3A_1698 = tpu.memref_slice %arg6[%run_scoped3A_1675, %dma_start3A_1697] : memref<24x128xi32, #tpu.memory_space<vmem>> -> memref<1x128xi32, #tpu.memory_space<vmem>>
      %dma_start3A_1699 = tpu.memref_squeeze %dma_start3A_1698 : memref<1x128xi32, #tpu.memory_space<vmem>> -> memref<128xi32, #tpu.memory_space<vmem>>
      %dma_start3A_1700 = arith.constant 0 : i32
      %dma_start3A_1701 = tpu.memref_slice %arg11[%dma_start3A_1700] : memref<65536xf32, #tpu.memory_space<vmem_shared>> -> memref<65536xf32, #tpu.memory_space<vmem_shared>>
      tpu.enqueue_indirect_dma source(%dma_start3A_1696 : memref<128xf32, #tpu.memory_space<vmem>>) target(%dma_start3A_1701 : memref<65536xf32, #tpu.memory_space<vmem_shared>>) offsets(%dma_start3A_1699 : memref<128xi32, #tpu.memory_space<vmem>>) semaphore(%run_scoped3A_1694 : memref<!tpu.dma_semaphore, #tpu.memory_space<semaphore_mem>>) {add = true}
      %dma_wait3A = arith.constant 0 : i32
      %dma_wait3A_1702 = tpu.memref_slice %arg8[%run_scoped3A_1674, %dma_wait3A] : memref<12x128xf32, #tpu.memory_space<vmem>> -> memref<1x128xf32, #tpu.memory_space<vmem>>
      %dma_wait3A_1703 = tpu.memref_squeeze %dma_wait3A_1702 : memref<1x128xf32, #tpu.memory_space<vmem>> -> memref<128xf32, #tpu.memory_space<vmem>>
      %dma_wait3A_1704 = arith.constant 0 : i32
      %dma_wait3A_1705 = tpu.memref_slice %arg6[%run_scoped3A_1675, %dma_wait3A_1704] : memref<24x128xi32, #tpu.memory_space<vmem>> -> memref<1x128xi32, #tpu.memory_space<vmem>>
      %dma_wait3A_1706 = tpu.memref_squeeze %dma_wait3A_1705 : memref<1x128xi32, #tpu.memory_space<vmem>> -> memref<128xi32, #tpu.memory_space<vmem>>
      %dma_wait3A_1707 = arith.constant 0 : i32
      %dma_wait3A_1708 = tpu.memref_slice %arg11[%dma_wait3A_1707] : memref<65536xf32, #tpu.memory_space<vmem_shared>> -> memref<65536xf32, #tpu.memory_space<vmem_shared>>
      tpu.wait_indirect_dma semaphore(%run_scoped3A_1694 : memref<!tpu.dma_semaphore, #tpu.memory_space<semaphore_mem>>) src(%dma_wait3A_1703 : memref<128xf32, #tpu.memory_space<vmem>>) dst(%dma_wait3A_1708 : memref<65536xf32, #tpu.memory_space<vmem_shared>>)
      tpu.yield
    }) : () -> ()
    %run_scoped3A_1676 = arith.constant 3 : i32
    %run_scoped3A_1677 = arith.constant 3 : i32
    "tpu.region"() ({
      %run_scoped3A_1694 = tpu.sem_alloc : memref<!tpu.dma_semaphore, #tpu.memory_space<semaphore_mem>>
      %dma_start3A = arith.constant 0 : i32
      %dma_start3A_1695 = tpu.memref_slice %arg8[%run_scoped3A_1676, %dma_start3A] : memref<12x128xf32, #tpu.memory_space<vmem>> -> memref<1x128xf32, #tpu.memory_space<vmem>>
      %dma_start3A_1696 = tpu.memref_squeeze %dma_start3A_1695 : memref<1x128xf32, #tpu.memory_space<vmem>> -> memref<128xf32, #tpu.memory_space<vmem>>
      %dma_start3A_1697 = arith.constant 0 : i32
      %dma_start3A_1698 = tpu.memref_slice %arg6[%run_scoped3A_1677, %dma_start3A_1697] : memref<24x128xi32, #tpu.memory_space<vmem>> -> memref<1x128xi32, #tpu.memory_space<vmem>>
      %dma_start3A_1699 = tpu.memref_squeeze %dma_start3A_1698 : memref<1x128xi32, #tpu.memory_space<vmem>> -> memref<128xi32, #tpu.memory_space<vmem>>
      %dma_start3A_1700 = arith.constant 0 : i32
      %dma_start3A_1701 = tpu.memref_slice %arg11[%dma_start3A_1700] : memref<65536xf32, #tpu.memory_space<vmem_shared>> -> memref<65536xf32, #tpu.memory_space<vmem_shared>>
      tpu.enqueue_indirect_dma source(%dma_start3A_1696 : memref<128xf32, #tpu.memory_space<vmem>>) target(%dma_start3A_1701 : memref<65536xf32, #tpu.memory_space<vmem_shared>>) offsets(%dma_start3A_1699 : memref<128xi32, #tpu.memory_space<vmem>>) semaphore(%run_scoped3A_1694 : memref<!tpu.dma_semaphore, #tpu.memory_space<semaphore_mem>>) {add = true}
      %dma_wait3A = arith.constant 0 : i32
      %dma_wait3A_1702 = tpu.memref_slice %arg8[%run_scoped3A_1676, %dma_wait3A] : memref<12x128xf32, #tpu.memory_space<vmem>> -> memref<1x128xf32, #tpu.memory_space<vmem>>
      %dma_wait3A_1703 = tpu.memref_squeeze %dma_wait3A_1702 : memref<1x128xf32, #tpu.memory_space<vmem>> -> memref<128xf32, #tpu.memory_space<vmem>>
      %dma_wait3A_1704 = arith.constant 0 : i32
      %dma_wait3A_1705 = tpu.memref_slice %arg6[%run_scoped3A_1677, %dma_wait3A_1704] : memref<24x128xi32, #tpu.memory_space<vmem>> -> memref<1x128xi32, #tpu.memory_space<vmem>>
      %dma_wait3A_1706 = tpu.memref_squeeze %dma_wait3A_1705 : memref<1x128xi32, #tpu.memory_space<vmem>> -> memref<128xi32, #tpu.memory_space<vmem>>
      %dma_wait3A_1707 = arith.constant 0 : i32
      %dma_wait3A_1708 = tpu.memref_slice %arg11[%dma_wait3A_1707] : memref<65536xf32, #tpu.memory_space<vmem_shared>> -> memref<65536xf32, #tpu.memory_space<vmem_shared>>
      tpu.wait_indirect_dma semaphore(%run_scoped3A_1694 : memref<!tpu.dma_semaphore, #tpu.memory_space<semaphore_mem>>) src(%dma_wait3A_1703 : memref<128xf32, #tpu.memory_space<vmem>>) dst(%dma_wait3A_1708 : memref<65536xf32, #tpu.memory_space<vmem_shared>>)
      tpu.yield
    }) : () -> ()
    %run_scoped3A_1678 = arith.constant 4 : i32
    %run_scoped3A_1679 = arith.constant 4 : i32
    "tpu.region"() ({
      %run_scoped3A_1694 = tpu.sem_alloc : memref<!tpu.dma_semaphore, #tpu.memory_space<semaphore_mem>>
      %dma_start3A = arith.constant 0 : i32
      %dma_start3A_1695 = tpu.memref_slice %arg8[%run_scoped3A_1678, %dma_start3A] : memref<12x128xf32, #tpu.memory_space<vmem>> -> memref<1x128xf32, #tpu.memory_space<vmem>>
      %dma_start3A_1696 = tpu.memref_squeeze %dma_start3A_1695 : memref<1x128xf32, #tpu.memory_space<vmem>> -> memref<128xf32, #tpu.memory_space<vmem>>
      %dma_start3A_1697 = arith.constant 0 : i32
      %dma_start3A_1698 = tpu.memref_slice %arg6[%run_scoped3A_1679, %dma_start3A_1697] : memref<24x128xi32, #tpu.memory_space<vmem>> -> memref<1x128xi32, #tpu.memory_space<vmem>>
      %dma_start3A_1699 = tpu.memref_squeeze %dma_start3A_1698 : memref<1x128xi32, #tpu.memory_space<vmem>> -> memref<128xi32, #tpu.memory_space<vmem>>
      %dma_start3A_1700 = arith.constant 0 : i32
      %dma_start3A_1701 = tpu.memref_slice %arg11[%dma_start3A_1700] : memref<65536xf32, #tpu.memory_space<vmem_shared>> -> memref<65536xf32, #tpu.memory_space<vmem_shared>>
      tpu.enqueue_indirect_dma source(%dma_start3A_1696 : memref<128xf32, #tpu.memory_space<vmem>>) target(%dma_start3A_1701 : memref<65536xf32, #tpu.memory_space<vmem_shared>>) offsets(%dma_start3A_1699 : memref<128xi32, #tpu.memory_space<vmem>>) semaphore(%run_scoped3A_1694 : memref<!tpu.dma_semaphore, #tpu.memory_space<semaphore_mem>>) {add = true}
      %dma_wait3A = arith.constant 0 : i32
      %dma_wait3A_1702 = tpu.memref_slice %arg8[%run_scoped3A_1678, %dma_wait3A] : memref<12x128xf32, #tpu.memory_space<vmem>> -> memref<1x128xf32, #tpu.memory_space<vmem>>
      %dma_wait3A_1703 = tpu.memref_squeeze %dma_wait3A_1702 : memref<1x128xf32, #tpu.memory_space<vmem>> -> memref<128xf32, #tpu.memory_space<vmem>>
      %dma_wait3A_1704 = arith.constant 0 : i32
      %dma_wait3A_1705 = tpu.memref_slice %arg6[%run_scoped3A_1679, %dma_wait3A_1704] : memref<24x128xi32, #tpu.memory_space<vmem>> -> memref<1x128xi32, #tpu.memory_space<vmem>>
      %dma_wait3A_1706 = tpu.memref_squeeze %dma_wait3A_1705 : memref<1x128xi32, #tpu.memory_space<vmem>> -> memref<128xi32, #tpu.memory_space<vmem>>
      %dma_wait3A_1707 = arith.constant 0 : i32
      %dma_wait3A_1708 = tpu.memref_slice %arg11[%dma_wait3A_1707] : memref<65536xf32, #tpu.memory_space<vmem_shared>> -> memref<65536xf32, #tpu.memory_space<vmem_shared>>
      tpu.wait_indirect_dma semaphore(%run_scoped3A_1694 : memref<!tpu.dma_semaphore, #tpu.memory_space<semaphore_mem>>) src(%dma_wait3A_1703 : memref<128xf32, #tpu.memory_space<vmem>>) dst(%dma_wait3A_1708 : memref<65536xf32, #tpu.memory_space<vmem_shared>>)
      tpu.yield
    }) : () -> ()
    %run_scoped3A_1680 = arith.constant 5 : i32
    %run_scoped3A_1681 = arith.constant 5 : i32
    "tpu.region"() ({
      %run_scoped3A_1694 = tpu.sem_alloc : memref<!tpu.dma_semaphore, #tpu.memory_space<semaphore_mem>>
      %dma_start3A = arith.constant 0 : i32
      %dma_start3A_1695 = tpu.memref_slice %arg8[%run_scoped3A_1680, %dma_start3A] : memref<12x128xf32, #tpu.memory_space<vmem>> -> memref<1x128xf32, #tpu.memory_space<vmem>>
      %dma_start3A_1696 = tpu.memref_squeeze %dma_start3A_1695 : memref<1x128xf32, #tpu.memory_space<vmem>> -> memref<128xf32, #tpu.memory_space<vmem>>
      %dma_start3A_1697 = arith.constant 0 : i32
      %dma_start3A_1698 = tpu.memref_slice %arg6[%run_scoped3A_1681, %dma_start3A_1697] : memref<24x128xi32, #tpu.memory_space<vmem>> -> memref<1x128xi32, #tpu.memory_space<vmem>>
      %dma_start3A_1699 = tpu.memref_squeeze %dma_start3A_1698 : memref<1x128xi32, #tpu.memory_space<vmem>> -> memref<128xi32, #tpu.memory_space<vmem>>
      %dma_start3A_1700 = arith.constant 0 : i32
      %dma_start3A_1701 = tpu.memref_slice %arg11[%dma_start3A_1700] : memref<65536xf32, #tpu.memory_space<vmem_shared>> -> memref<65536xf32, #tpu.memory_space<vmem_shared>>
      tpu.enqueue_indirect_dma source(%dma_start3A_1696 : memref<128xf32, #tpu.memory_space<vmem>>) target(%dma_start3A_1701 : memref<65536xf32, #tpu.memory_space<vmem_shared>>) offsets(%dma_start3A_1699 : memref<128xi32, #tpu.memory_space<vmem>>) semaphore(%run_scoped3A_1694 : memref<!tpu.dma_semaphore, #tpu.memory_space<semaphore_mem>>) {add = true}
      %dma_wait3A = arith.constant 0 : i32
      %dma_wait3A_1702 = tpu.memref_slice %arg8[%run_scoped3A_1680, %dma_wait3A] : memref<12x128xf32, #tpu.memory_space<vmem>> -> memref<1x128xf32, #tpu.memory_space<vmem>>
      %dma_wait3A_1703 = tpu.memref_squeeze %dma_wait3A_1702 : memref<1x128xf32, #tpu.memory_space<vmem>> -> memref<128xf32, #tpu.memory_space<vmem>>
      %dma_wait3A_1704 = arith.constant 0 : i32
      %dma_wait3A_1705 = tpu.memref_slice %arg6[%run_scoped3A_1681, %dma_wait3A_1704] : memref<24x128xi32, #tpu.memory_space<vmem>> -> memref<1x128xi32, #tpu.memory_space<vmem>>
      %dma_wait3A_1706 = tpu.memref_squeeze %dma_wait3A_1705 : memref<1x128xi32, #tpu.memory_space<vmem>> -> memref<128xi32, #tpu.memory_space<vmem>>
      %dma_wait3A_1707 = arith.constant 0 : i32
      %dma_wait3A_1708 = tpu.memref_slice %arg11[%dma_wait3A_1707] : memref<65536xf32, #tpu.memory_space<vmem_shared>> -> memref<65536xf32, #tpu.memory_space<vmem_shared>>
      tpu.wait_indirect_dma semaphore(%run_scoped3A_1694 : memref<!tpu.dma_semaphore, #tpu.memory_space<semaphore_mem>>) src(%dma_wait3A_1703 : memref<128xf32, #tpu.memory_space<vmem>>) dst(%dma_wait3A_1708 : memref<65536xf32, #tpu.memory_space<vmem_shared>>)
      tpu.yield
    }) : () -> ()
    %run_scoped3A_1682 = arith.constant 6 : i32
    %run_scoped3A_1683 = arith.constant 6 : i32
    "tpu.region"() ({
      %run_scoped3A_1694 = tpu.sem_alloc : memref<!tpu.dma_semaphore, #tpu.memory_space<semaphore_mem>>
      %dma_start3A = arith.constant 0 : i32
      %dma_start3A_1695 = tpu.memref_slice %arg8[%run_scoped3A_1682, %dma_start3A] : memref<12x128xf32, #tpu.memory_space<vmem>> -> memref<1x128xf32, #tpu.memory_space<vmem>>
      %dma_start3A_1696 = tpu.memref_squeeze %dma_start3A_1695 : memref<1x128xf32, #tpu.memory_space<vmem>> -> memref<128xf32, #tpu.memory_space<vmem>>
      %dma_start3A_1697 = arith.constant 0 : i32
      %dma_start3A_1698 = tpu.memref_slice %arg6[%run_scoped3A_1683, %dma_start3A_1697] : memref<24x128xi32, #tpu.memory_space<vmem>> -> memref<1x128xi32, #tpu.memory_space<vmem>>
      %dma_start3A_1699 = tpu.memref_squeeze %dma_start3A_1698 : memref<1x128xi32, #tpu.memory_space<vmem>> -> memref<128xi32, #tpu.memory_space<vmem>>
      %dma_start3A_1700 = arith.constant 0 : i32
      %dma_start3A_1701 = tpu.memref_slice %arg11[%dma_start3A_1700] : memref<65536xf32, #tpu.memory_space<vmem_shared>> -> memref<65536xf32, #tpu.memory_space<vmem_shared>>
      tpu.enqueue_indirect_dma source(%dma_start3A_1696 : memref<128xf32, #tpu.memory_space<vmem>>) target(%dma_start3A_1701 : memref<65536xf32, #tpu.memory_space<vmem_shared>>) offsets(%dma_start3A_1699 : memref<128xi32, #tpu.memory_space<vmem>>) semaphore(%run_scoped3A_1694 : memref<!tpu.dma_semaphore, #tpu.memory_space<semaphore_mem>>) {add = true}
      %dma_wait3A = arith.constant 0 : i32
      %dma_wait3A_1702 = tpu.memref_slice %arg8[%run_scoped3A_1682, %dma_wait3A] : memref<12x128xf32, #tpu.memory_space<vmem>> -> memref<1x128xf32, #tpu.memory_space<vmem>>
      %dma_wait3A_1703 = tpu.memref_squeeze %dma_wait3A_1702 : memref<1x128xf32, #tpu.memory_space<vmem>> -> memref<128xf32, #tpu.memory_space<vmem>>
      %dma_wait3A_1704 = arith.constant 0 : i32
      %dma_wait3A_1705 = tpu.memref_slice %arg6[%run_scoped3A_1683, %dma_wait3A_1704] : memref<24x128xi32, #tpu.memory_space<vmem>> -> memref<1x128xi32, #tpu.memory_space<vmem>>
      %dma_wait3A_1706 = tpu.memref_squeeze %dma_wait3A_1705 : memref<1x128xi32, #tpu.memory_space<vmem>> -> memref<128xi32, #tpu.memory_space<vmem>>
      %dma_wait3A_1707 = arith.constant 0 : i32
      %dma_wait3A_1708 = tpu.memref_slice %arg11[%dma_wait3A_1707] : memref<65536xf32, #tpu.memory_space<vmem_shared>> -> memref<65536xf32, #tpu.memory_space<vmem_shared>>
      tpu.wait_indirect_dma semaphore(%run_scoped3A_1694 : memref<!tpu.dma_semaphore, #tpu.memory_space<semaphore_mem>>) src(%dma_wait3A_1703 : memref<128xf32, #tpu.memory_space<vmem>>) dst(%dma_wait3A_1708 : memref<65536xf32, #tpu.memory_space<vmem_shared>>)
      tpu.yield
    }) : () -> ()
    %run_scoped3A_1684 = arith.constant 7 : i32
    %run_scoped3A_1685 = arith.constant 7 : i32
    "tpu.region"() ({
      %run_scoped3A_1694 = tpu.sem_alloc : memref<!tpu.dma_semaphore, #tpu.memory_space<semaphore_mem>>
      %dma_start3A = arith.constant 0 : i32
      %dma_start3A_1695 = tpu.memref_slice %arg8[%run_scoped3A_1684, %dma_start3A] : memref<12x128xf32, #tpu.memory_space<vmem>> -> memref<1x128xf32, #tpu.memory_space<vmem>>
      %dma_start3A_1696 = tpu.memref_squeeze %dma_start3A_1695 : memref<1x128xf32, #tpu.memory_space<vmem>> -> memref<128xf32, #tpu.memory_space<vmem>>
      %dma_start3A_1697 = arith.constant 0 : i32
      %dma_start3A_1698 = tpu.memref_slice %arg6[%run_scoped3A_1685, %dma_start3A_1697] : memref<24x128xi32, #tpu.memory_space<vmem>> -> memref<1x128xi32, #tpu.memory_space<vmem>>
      %dma_start3A_1699 = tpu.memref_squeeze %dma_start3A_1698 : memref<1x128xi32, #tpu.memory_space<vmem>> -> memref<128xi32, #tpu.memory_space<vmem>>
      %dma_start3A_1700 = arith.constant 0 : i32
      %dma_start3A_1701 = tpu.memref_slice %arg11[%dma_start3A_1700] : memref<65536xf32, #tpu.memory_space<vmem_shared>> -> memref<65536xf32, #tpu.memory_space<vmem_shared>>
      tpu.enqueue_indirect_dma source(%dma_start3A_1696 : memref<128xf32, #tpu.memory_space<vmem>>) target(%dma_start3A_1701 : memref<65536xf32, #tpu.memory_space<vmem_shared>>) offsets(%dma_start3A_1699 : memref<128xi32, #tpu.memory_space<vmem>>) semaphore(%run_scoped3A_1694 : memref<!tpu.dma_semaphore, #tpu.memory_space<semaphore_mem>>) {add = true}
      %dma_wait3A = arith.constant 0 : i32
      %dma_wait3A_1702 = tpu.memref_slice %arg8[%run_scoped3A_1684, %dma_wait3A] : memref<12x128xf32, #tpu.memory_space<vmem>> -> memref<1x128xf32, #tpu.memory_space<vmem>>
      %dma_wait3A_1703 = tpu.memref_squeeze %dma_wait3A_1702 : memref<1x128xf32, #tpu.memory_space<vmem>> -> memref<128xf32, #tpu.memory_space<vmem>>
      %dma_wait3A_1704 = arith.constant 0 : i32
      %dma_wait3A_1705 = tpu.memref_slice %arg6[%run_scoped3A_1685, %dma_wait3A_1704] : memref<24x128xi32, #tpu.memory_space<vmem>> -> memref<1x128xi32, #tpu.memory_space<vmem>>
      %dma_wait3A_1706 = tpu.memref_squeeze %dma_wait3A_1705 : memref<1x128xi32, #tpu.memory_space<vmem>> -> memref<128xi32, #tpu.memory_space<vmem>>
      %dma_wait3A_1707 = arith.constant 0 : i32
      %dma_wait3A_1708 = tpu.memref_slice %arg11[%dma_wait3A_1707] : memref<65536xf32, #tpu.memory_space<vmem_shared>> -> memref<65536xf32, #tpu.memory_space<vmem_shared>>
      tpu.wait_indirect_dma semaphore(%run_scoped3A_1694 : memref<!tpu.dma_semaphore, #tpu.memory_space<semaphore_mem>>) src(%dma_wait3A_1703 : memref<128xf32, #tpu.memory_space<vmem>>) dst(%dma_wait3A_1708 : memref<65536xf32, #tpu.memory_space<vmem_shared>>)
      tpu.yield
    }) : () -> ()
    %run_scoped3A_1686 = arith.constant 8 : i32
    %run_scoped3A_1687 = arith.constant 8 : i32
    "tpu.region"() ({
      %run_scoped3A_1694 = tpu.sem_alloc : memref<!tpu.dma_semaphore, #tpu.memory_space<semaphore_mem>>
      %dma_start3A = arith.constant 0 : i32
      %dma_start3A_1695 = tpu.memref_slice %arg8[%run_scoped3A_1686, %dma_start3A] : memref<12x128xf32, #tpu.memory_space<vmem>> -> memref<1x128xf32, #tpu.memory_space<vmem>>
      %dma_start3A_1696 = tpu.memref_squeeze %dma_start3A_1695 : memref<1x128xf32, #tpu.memory_space<vmem>> -> memref<128xf32, #tpu.memory_space<vmem>>
      %dma_start3A_1697 = arith.constant 0 : i32
      %dma_start3A_1698 = tpu.memref_slice %arg6[%run_scoped3A_1687, %dma_start3A_1697] : memref<24x128xi32, #tpu.memory_space<vmem>> -> memref<1x128xi32, #tpu.memory_space<vmem>>
      %dma_start3A_1699 = tpu.memref_squeeze %dma_start3A_1698 : memref<1x128xi32, #tpu.memory_space<vmem>> -> memref<128xi32, #tpu.memory_space<vmem>>
      %dma_start3A_1700 = arith.constant 0 : i32
      %dma_start3A_1701 = tpu.memref_slice %arg11[%dma_start3A_1700] : memref<65536xf32, #tpu.memory_space<vmem_shared>> -> memref<65536xf32, #tpu.memory_space<vmem_shared>>
      tpu.enqueue_indirect_dma source(%dma_start3A_1696 : memref<128xf32, #tpu.memory_space<vmem>>) target(%dma_start3A_1701 : memref<65536xf32, #tpu.memory_space<vmem_shared>>) offsets(%dma_start3A_1699 : memref<128xi32, #tpu.memory_space<vmem>>) semaphore(%run_scoped3A_1694 : memref<!tpu.dma_semaphore, #tpu.memory_space<semaphore_mem>>) {add = true}
      %dma_wait3A = arith.constant 0 : i32
      %dma_wait3A_1702 = tpu.memref_slice %arg8[%run_scoped3A_1686, %dma_wait3A] : memref<12x128xf32, #tpu.memory_space<vmem>> -> memref<1x128xf32, #tpu.memory_space<vmem>>
      %dma_wait3A_1703 = tpu.memref_squeeze %dma_wait3A_1702 : memref<1x128xf32, #tpu.memory_space<vmem>> -> memref<128xf32, #tpu.memory_space<vmem>>
      %dma_wait3A_1704 = arith.constant 0 : i32
      %dma_wait3A_1705 = tpu.memref_slice %arg6[%run_scoped3A_1687, %dma_wait3A_1704] : memref<24x128xi32, #tpu.memory_space<vmem>> -> memref<1x128xi32, #tpu.memory_space<vmem>>
      %dma_wait3A_1706 = tpu.memref_squeeze %dma_wait3A_1705 : memref<1x128xi32, #tpu.memory_space<vmem>> -> memref<128xi32, #tpu.memory_space<vmem>>
      %dma_wait3A_1707 = arith.constant 0 : i32
      %dma_wait3A_1708 = tpu.memref_slice %arg11[%dma_wait3A_1707] : memref<65536xf32, #tpu.memory_space<vmem_shared>> -> memref<65536xf32, #tpu.memory_space<vmem_shared>>
      tpu.wait_indirect_dma semaphore(%run_scoped3A_1694 : memref<!tpu.dma_semaphore, #tpu.memory_space<semaphore_mem>>) src(%dma_wait3A_1703 : memref<128xf32, #tpu.memory_space<vmem>>) dst(%dma_wait3A_1708 : memref<65536xf32, #tpu.memory_space<vmem_shared>>)
      tpu.yield
    }) : () -> ()
    %run_scoped3A_1688 = arith.constant 9 : i32
    %run_scoped3A_1689 = arith.constant 9 : i32
    "tpu.region"() ({
      %run_scoped3A_1694 = tpu.sem_alloc : memref<!tpu.dma_semaphore, #tpu.memory_space<semaphore_mem>>
      %dma_start3A = arith.constant 0 : i32
      %dma_start3A_1695 = tpu.memref_slice %arg8[%run_scoped3A_1688, %dma_start3A] : memref<12x128xf32, #tpu.memory_space<vmem>> -> memref<1x128xf32, #tpu.memory_space<vmem>>
      %dma_start3A_1696 = tpu.memref_squeeze %dma_start3A_1695 : memref<1x128xf32, #tpu.memory_space<vmem>> -> memref<128xf32, #tpu.memory_space<vmem>>
      %dma_start3A_1697 = arith.constant 0 : i32
      %dma_start3A_1698 = tpu.memref_slice %arg6[%run_scoped3A_1689, %dma_start3A_1697] : memref<24x128xi32, #tpu.memory_space<vmem>> -> memref<1x128xi32, #tpu.memory_space<vmem>>
      %dma_start3A_1699 = tpu.memref_squeeze %dma_start3A_1698 : memref<1x128xi32, #tpu.memory_space<vmem>> -> memref<128xi32, #tpu.memory_space<vmem>>
      %dma_start3A_1700 = arith.constant 0 : i32
      %dma_start3A_1701 = tpu.memref_slice %arg11[%dma_start3A_1700] : memref<65536xf32, #tpu.memory_space<vmem_shared>> -> memref<65536xf32, #tpu.memory_space<vmem_shared>>
      tpu.enqueue_indirect_dma source(%dma_start3A_1696 : memref<128xf32, #tpu.memory_space<vmem>>) target(%dma_start3A_1701 : memref<65536xf32, #tpu.memory_space<vmem_shared>>) offsets(%dma_start3A_1699 : memref<128xi32, #tpu.memory_space<vmem>>) semaphore(%run_scoped3A_1694 : memref<!tpu.dma_semaphore, #tpu.memory_space<semaphore_mem>>) {add = true}
      %dma_wait3A = arith.constant 0 : i32
      %dma_wait3A_1702 = tpu.memref_slice %arg8[%run_scoped3A_1688, %dma_wait3A] : memref<12x128xf32, #tpu.memory_space<vmem>> -> memref<1x128xf32, #tpu.memory_space<vmem>>
      %dma_wait3A_1703 = tpu.memref_squeeze %dma_wait3A_1702 : memref<1x128xf32, #tpu.memory_space<vmem>> -> memref<128xf32, #tpu.memory_space<vmem>>
      %dma_wait3A_1704 = arith.constant 0 : i32
      %dma_wait3A_1705 = tpu.memref_slice %arg6[%run_scoped3A_1689, %dma_wait3A_1704] : memref<24x128xi32, #tpu.memory_space<vmem>> -> memref<1x128xi32, #tpu.memory_space<vmem>>
      %dma_wait3A_1706 = tpu.memref_squeeze %dma_wait3A_1705 : memref<1x128xi32, #tpu.memory_space<vmem>> -> memref<128xi32, #tpu.memory_space<vmem>>
      %dma_wait3A_1707 = arith.constant 0 : i32
      %dma_wait3A_1708 = tpu.memref_slice %arg11[%dma_wait3A_1707] : memref<65536xf32, #tpu.memory_space<vmem_shared>> -> memref<65536xf32, #tpu.memory_space<vmem_shared>>
      tpu.wait_indirect_dma semaphore(%run_scoped3A_1694 : memref<!tpu.dma_semaphore, #tpu.memory_space<semaphore_mem>>) src(%dma_wait3A_1703 : memref<128xf32, #tpu.memory_space<vmem>>) dst(%dma_wait3A_1708 : memref<65536xf32, #tpu.memory_space<vmem_shared>>)
      tpu.yield
    }) : () -> ()
    %run_scoped3A_1690 = arith.constant 10 : i32
    %run_scoped3A_1691 = arith.constant 10 : i32
    "tpu.region"() ({
      %run_scoped3A_1694 = tpu.sem_alloc : memref<!tpu.dma_semaphore, #tpu.memory_space<semaphore_mem>>
      %dma_start3A = arith.constant 0 : i32
      %dma_start3A_1695 = tpu.memref_slice %arg8[%run_scoped3A_1690, %dma_start3A] : memref<12x128xf32, #tpu.memory_space<vmem>> -> memref<1x128xf32, #tpu.memory_space<vmem>>
      %dma_start3A_1696 = tpu.memref_squeeze %dma_start3A_1695 : memref<1x128xf32, #tpu.memory_space<vmem>> -> memref<128xf32, #tpu.memory_space<vmem>>
      %dma_start3A_1697 = arith.constant 0 : i32
      %dma_start3A_1698 = tpu.memref_slice %arg6[%run_scoped3A_1691, %dma_start3A_1697] : memref<24x128xi32, #tpu.memory_space<vmem>> -> memref<1x128xi32, #tpu.memory_space<vmem>>
      %dma_start3A_1699 = tpu.memref_squeeze %dma_start3A_1698 : memref<1x128xi32, #tpu.memory_space<vmem>> -> memref<128xi32, #tpu.memory_space<vmem>>
      %dma_start3A_1700 = arith.constant 0 : i32
      %dma_start3A_1701 = tpu.memref_slice %arg11[%dma_start3A_1700] : memref<65536xf32, #tpu.memory_space<vmem_shared>> -> memref<65536xf32, #tpu.memory_space<vmem_shared>>
      tpu.enqueue_indirect_dma source(%dma_start3A_1696 : memref<128xf32, #tpu.memory_space<vmem>>) target(%dma_start3A_1701 : memref<65536xf32, #tpu.memory_space<vmem_shared>>) offsets(%dma_start3A_1699 : memref<128xi32, #tpu.memory_space<vmem>>) semaphore(%run_scoped3A_1694 : memref<!tpu.dma_semaphore, #tpu.memory_space<semaphore_mem>>) {add = true}
      %dma_wait3A = arith.constant 0 : i32
      %dma_wait3A_1702 = tpu.memref_slice %arg8[%run_scoped3A_1690, %dma_wait3A] : memref<12x128xf32, #tpu.memory_space<vmem>> -> memref<1x128xf32, #tpu.memory_space<vmem>>
      %dma_wait3A_1703 = tpu.memref_squeeze %dma_wait3A_1702 : memref<1x128xf32, #tpu.memory_space<vmem>> -> memref<128xf32, #tpu.memory_space<vmem>>
      %dma_wait3A_1704 = arith.constant 0 : i32
      %dma_wait3A_1705 = tpu.memref_slice %arg6[%run_scoped3A_1691, %dma_wait3A_1704] : memref<24x128xi32, #tpu.memory_space<vmem>> -> memref<1x128xi32, #tpu.memory_space<vmem>>
      %dma_wait3A_1706 = tpu.memref_squeeze %dma_wait3A_1705 : memref<1x128xi32, #tpu.memory_space<vmem>> -> memref<128xi32, #tpu.memory_space<vmem>>
      %dma_wait3A_1707 = arith.constant 0 : i32
      %dma_wait3A_1708 = tpu.memref_slice %arg11[%dma_wait3A_1707] : memref<65536xf32, #tpu.memory_space<vmem_shared>> -> memref<65536xf32, #tpu.memory_space<vmem_shared>>
      tpu.wait_indirect_dma semaphore(%run_scoped3A_1694 : memref<!tpu.dma_semaphore, #tpu.memory_space<semaphore_mem>>) src(%dma_wait3A_1703 : memref<128xf32, #tpu.memory_space<vmem>>) dst(%dma_wait3A_1708 : memref<65536xf32, #tpu.memory_space<vmem_shared>>)
      tpu.yield
    }) : () -> ()
    %run_scoped3A_1692 = arith.constant 11 : i32
    %run_scoped3A_1693 = arith.constant 11 : i32
    "tpu.region"() ({
      %run_scoped3A_1694 = tpu.sem_alloc : memref<!tpu.dma_semaphore, #tpu.memory_space<semaphore_mem>>
      %dma_start3A = arith.constant 0 : i32
      %dma_start3A_1695 = tpu.memref_slice %arg8[%run_scoped3A_1692, %dma_start3A] : memref<12x128xf32, #tpu.memory_space<vmem>> -> memref<1x128xf32, #tpu.memory_space<vmem>>
      %dma_start3A_1696 = tpu.memref_squeeze %dma_start3A_1695 : memref<1x128xf32, #tpu.memory_space<vmem>> -> memref<128xf32, #tpu.memory_space<vmem>>
      %dma_start3A_1697 = arith.constant 0 : i32
      %dma_start3A_1698 = tpu.memref_slice %arg6[%run_scoped3A_1693, %dma_start3A_1697] : memref<24x128xi32, #tpu.memory_space<vmem>> -> memref<1x128xi32, #tpu.memory_space<vmem>>
      %dma_start3A_1699 = tpu.memref_squeeze %dma_start3A_1698 : memref<1x128xi32, #tpu.memory_space<vmem>> -> memref<128xi32, #tpu.memory_space<vmem>>
      %dma_start3A_1700 = arith.constant 0 : i32
      %dma_start3A_1701 = tpu.memref_slice %arg11[%dma_start3A_1700] : memref<65536xf32, #tpu.memory_space<vmem_shared>> -> memref<65536xf32, #tpu.memory_space<vmem_shared>>
      tpu.enqueue_indirect_dma source(%dma_start3A_1696 : memref<128xf32, #tpu.memory_space<vmem>>) target(%dma_start3A_1701 : memref<65536xf32, #tpu.memory_space<vmem_shared>>) offsets(%dma_start3A_1699 : memref<128xi32, #tpu.memory_space<vmem>>) semaphore(%run_scoped3A_1694 : memref<!tpu.dma_semaphore, #tpu.memory_space<semaphore_mem>>) {add = true}
      %dma_wait3A = arith.constant 0 : i32
      %dma_wait3A_1702 = tpu.memref_slice %arg8[%run_scoped3A_1692, %dma_wait3A] : memref<12x128xf32, #tpu.memory_space<vmem>> -> memref<1x128xf32, #tpu.memory_space<vmem>>
      %dma_wait3A_1703 = tpu.memref_squeeze %dma_wait3A_1702 : memref<1x128xf32, #tpu.memory_space<vmem>> -> memref<128xf32, #tpu.memory_space<vmem>>
      %dma_wait3A_1704 = arith.constant 0 : i32
      %dma_wait3A_1705 = tpu.memref_slice %arg6[%run_scoped3A_1693, %dma_wait3A_1704] : memref<24x128xi32, #tpu.memory_space<vmem>> -> memref<1x128xi32, #tpu.memory_space<vmem>>
      %dma_wait3A_1706 = tpu.memref_squeeze %dma_wait3A_1705 : memref<1x128xi32, #tpu.memory_space<vmem>> -> memref<128xi32, #tpu.memory_space<vmem>>
      %dma_wait3A_1707 = arith.constant 0 : i32
      %dma_wait3A_1708 = tpu.memref_slice %arg11[%dma_wait3A_1707] : memref<65536xf32, #tpu.memory_space<vmem_shared>> -> memref<65536xf32, #tpu.memory_space<vmem_shared>>
      tpu.wait_indirect_dma semaphore(%run_scoped3A_1694 : memref<!tpu.dma_semaphore, #tpu.memory_space<semaphore_mem>>) src(%dma_wait3A_1703 : memref<128xf32, #tpu.memory_space<vmem>>) dst(%dma_wait3A_1708 : memref<65536xf32, #tpu.memory_space<vmem_shared>>)
      tpu.yield
    }) : () -> ()
    "tpu.region"() ({
      %run_scoped3A_1694 = tpu.sem_alloc : memref<!tpu.dma_semaphore, #tpu.memory_space<semaphore_mem>>
      %dma_start3A = arith.constant 0 : i32
      %dma_start3A_1695 = tpu.memref_slice %arg5[%add3A, %dma_start3A] : memref<32x4096xf32, #tpu.memory_space<hbm>> -> memref<1x4096xf32, #tpu.memory_space<hbm>>
      %dma_start3A_1696 = tpu.memref_squeeze %dma_start3A_1695 : memref<1x4096xf32, #tpu.memory_space<hbm>> -> memref<4096xf32, #tpu.memory_space<hbm>>
      %dma_start3A_1697 = tpu.memref_slice %arg11[%mul3A_2] : memref<65536xf32, #tpu.memory_space<vmem_shared>> -> memref<4096xf32, #tpu.memory_space<vmem_shared>>
      tpu.enqueue_dma source(%dma_start3A_1697 : memref<4096xf32, #tpu.memory_space<vmem_shared>>) target(%dma_start3A_1696 : memref<4096xf32, #tpu.memory_space<hbm>>) target_semaphore(%run_scoped3A_1694 : memref<!tpu.dma_semaphore, #tpu.memory_space<semaphore_mem>>)
      %dma_wait3A = arith.constant 0 : i32
      %dma_wait3A_1698 = tpu.memref_slice %arg5[%add3A, %dma_wait3A] : memref<32x4096xf32, #tpu.memory_space<hbm>> -> memref<1x4096xf32, #tpu.memory_space<hbm>>
      %dma_wait3A_1699 = tpu.memref_squeeze %dma_wait3A_1698 : memref<1x4096xf32, #tpu.memory_space<hbm>> -> memref<4096xf32, #tpu.memory_space<hbm>>
      %dma_wait3A_1700 = tpu.memref_slice %arg11[%mul3A_2] : memref<65536xf32, #tpu.memory_space<vmem_shared>> -> memref<4096xf32, #tpu.memory_space<vmem_shared>>
      tpu.wait_dma2 semaphore(%run_scoped3A_1694 : memref<!tpu.dma_semaphore, #tpu.memory_space<semaphore_mem>>) src(%dma_wait3A_1700 : memref<4096xf32, #tpu.memory_space<vmem_shared>>) dst(%dma_wait3A_1699 : memref<4096xf32, #tpu.memory_space<hbm>>)
      tpu.yield
    }) : () -> ()
    return
  }
}

module attributes {stable_mosaic.version = 14 : i64} {
  func.func @_hyper_body(%arg0: memref<32x4096xf32, #tpu.memory_space<vmem>>, %arg1: memref<4096x512xf32, #tpu.memory_space<vmem>>, %arg2: memref<1x512xf32, #tpu.memory_space<vmem>>, %arg3: memref<32x128xf32, #tpu.memory_space<vmem>>, %arg4: memref<32x128xf32, #tpu.memory_space<vmem>>, %arg5: memref<32x128xf32, #tpu.memory_space<vmem>>, %arg6: memref<32x128xf32, #tpu.memory_space<vmem>>) attributes {dimension_semantics = [], scalar_prefetch = 0 : i64, scratch_operands = 0 : i64, tpu.core_type = #tpu.core_type<tc>} {
    %get3A = arith.constant 0 : index
    %get3A_0 = arith.constant 0 : index
    %get3A_1 = vector.load %arg0[%get3A, %get3A_0] : memref<32x4096xf32, #tpu.memory_space<vmem>>, vector<32x4096xf32>
    %get3A_2 = arith.constant 0 : index
    %get3A_3 = arith.constant 0 : index
    %get3A_4 = vector.load %arg1[%get3A_2, %get3A_3] : memref<4096x512xf32, #tpu.memory_space<vmem>>, vector<4096x512xf32>
    %dot_general3A = arith.constant dense<0.000000e+00> : vector<32x512xf32>
    %dot_general3A_5 = tpu.matmul %get3A_1, %get3A_4, %dot_general3A {dimension_numbers = #tpu.dot_dimension_numbers<[1], [0], [0], [1], [0, 0, 1, 1], [], []>, transpose_lhs_hint = false} : vector<32x4096xf32>, vector<4096x512xf32>, vector<32x512xf32> -> vector<32x512xf32>
    %get3A_6 = arith.constant 0 : index
    %get3A_7 = arith.constant 0 : index
    %get3A_8 = vector.load %arg2[%get3A_6, %get3A_7] : memref<1x512xf32, #tpu.memory_space<vmem>>, vector<1x512xf32>
    %add3A = vector.broadcast %get3A_8 : vector<1x512xf32> to vector<32x512xf32>
    %add3A_9 = arith.addf %dot_general3A_5, %add3A : vector<32x512xf32>
    %slice3A = vector.extract_strided_slice %add3A_9 {offsets = [0, 0], sizes = [32, 128], strides = [1, 1]} : vector<32x512xf32> to vector<32x128xf32>
    %slice3A_10 = vector.extract_strided_slice %add3A_9 {offsets = [0, 128], sizes = [32, 128], strides = [1, 1]} : vector<32x512xf32> to vector<32x128xf32>
    %slice3A_11 = vector.extract_strided_slice %add3A_9 {offsets = [0, 256], sizes = [32, 128], strides = [1, 1]} : vector<32x512xf32> to vector<32x128xf32>
    %slice3A_12 = vector.extract_strided_slice %add3A_9 {offsets = [0, 384], sizes = [32, 128], strides = [1, 1]} : vector<32x512xf32> to vector<32x128xf32>
    %neg3A = arith.constant 0.000000e+00 : f32
    %neg3A_13 = vector.broadcast %neg3A : f32 to vector<32x128xf32>
    %neg3A_14 = arith.subf %neg3A_13, %slice3A : vector<32x128xf32>
    %exp3A = math.exp %neg3A_14 : vector<32x128xf32>
    %add3A_15 = arith.constant 1.000000e+00 : f32
    %add3A_16 = vector.broadcast %add3A_15 : f32 to vector<32x128xf32>
    %add3A_17 = arith.addf %add3A_16, %exp3A : vector<32x128xf32>
    %div3A = arith.constant 4.095000e+03 : f32
    %div3A_18 = vector.broadcast %div3A : f32 to vector<32x128xf32>
    %div3A_19 = arith.divf %div3A_18, %add3A_17 : vector<32x128xf32>
    %swap3A = arith.constant 0 : index
    %swap3A_20 = arith.constant 0 : index
    %swap3A_21 = vector.load %arg3[%swap3A, %swap3A_20] : memref<32x128xf32, #tpu.memory_space<vmem>>, vector<32x128xf32>
    tpu.vector_store %arg3[%swap3A, %swap3A_20], %div3A_19 {strides = array<i32>} : memref<32x128xf32, #tpu.memory_space<vmem>>, vector<32x128xf32>,
    %neg3A_22 = arith.constant 0.000000e+00 : f32
    %neg3A_23 = vector.broadcast %neg3A_22 : f32 to vector<32x128xf32>
    %neg3A_24 = arith.subf %neg3A_23, %slice3A_10 : vector<32x128xf32>
    %exp3A_25 = math.exp %neg3A_24 : vector<32x128xf32>
    %add3A_26 = arith.constant 1.000000e+00 : f32
    %add3A_27 = vector.broadcast %add3A_26 : f32 to vector<32x128xf32>
    %add3A_28 = arith.addf %add3A_27, %exp3A_25 : vector<32x128xf32>
    %div3A_29 = arith.constant 4.095000e+03 : f32
    %div3A_30 = vector.broadcast %div3A_29 : f32 to vector<32x128xf32>
    %div3A_31 = arith.divf %div3A_30, %add3A_28 : vector<32x128xf32>
    %swap3A_32 = arith.constant 0 : index
    %swap3A_33 = arith.constant 0 : index
    %swap3A_34 = vector.load %arg4[%swap3A_32, %swap3A_33] : memref<32x128xf32, #tpu.memory_space<vmem>>, vector<32x128xf32>
    tpu.vector_store %arg4[%swap3A_32, %swap3A_33], %div3A_31 {strides = array<i32>} : memref<32x128xf32, #tpu.memory_space<vmem>>, vector<32x128xf32>,
    %add3A_35 = arith.constant 2.000000e+00 : f32
    %add3A_36 = vector.broadcast %add3A_35 : f32 to vector<32x128xf32>
    %add3A_37 = arith.addf %slice3A_11, %add3A_36 : vector<32x128xf32>
    %max3A = arith.constant 0.000000e+00 : f32
    %max3A_38 = vector.broadcast %max3A : f32 to vector<32x128xf32>
    %max3A_39 = arith.maximumf %add3A_37, %max3A_38 : vector<32x128xf32>
    %abs3A = math.absf %add3A_37 : vector<32x128xf32>
    %neg3A_40 = arith.constant 0.000000e+00 : f32
    %neg3A_41 = vector.broadcast %neg3A_40 : f32 to vector<32x128xf32>
    %neg3A_42 = arith.subf %neg3A_41, %abs3A : vector<32x128xf32>
    %exp3A_43 = math.exp %neg3A_42 : vector<32x128xf32>
    %add3A_44 = arith.constant 1.000000e+00 : f32
    %add3A_45 = vector.broadcast %add3A_44 : f32 to vector<32x128xf32>
    %add3A_46 = arith.addf %add3A_45, %exp3A_43 : vector<32x128xf32>
    %log3A = math.log %add3A_46 : vector<32x128xf32>
    %add3A_47 = arith.addf %max3A_39, %log3A : vector<32x128xf32>
    %add3A_48 = arith.constant 9.99999997E-7 : f32
    %add3A_49 = vector.broadcast %add3A_48 : f32 to vector<32x128xf32>
    %add3A_50 = arith.addf %add3A_47, %add3A_49 : vector<32x128xf32>
    %mul3A = arith.constant 4.096000e+03 : f32
    %mul3A_51 = vector.broadcast %mul3A : f32 to vector<32x128xf32>
    %mul3A_52 = arith.mulf %add3A_50, %mul3A_51 : vector<32x128xf32>
    %add3A_53 = arith.constant 9.99999997E-7 : f32
    %add3A_54 = vector.broadcast %add3A_53 : f32 to vector<32x128xf32>
    %add3A_55 = arith.addf %add3A_54, %mul3A_52 : vector<32x128xf32>
    %div3A_56 = arith.constant 1.000000e+00 : f32
    %div3A_57 = vector.broadcast %div3A_56 : f32 to vector<32x128xf32>
    %div3A_58 = arith.divf %div3A_57, %add3A_55 : vector<32x128xf32>
    %swap3A_59 = arith.constant 0 : index
    %swap3A_60 = arith.constant 0 : index
    %swap3A_61 = vector.load %arg5[%swap3A_59, %swap3A_60] : memref<32x128xf32, #tpu.memory_space<vmem>>, vector<32x128xf32>
    tpu.vector_store %arg5[%swap3A_59, %swap3A_60], %div3A_58 {strides = array<i32>} : memref<32x128xf32, #tpu.memory_space<vmem>>, vector<32x128xf32>,
    %swap3A_62 = arith.constant 0 : index
    %swap3A_63 = arith.constant 0 : index
    %swap3A_64 = vector.load %arg6[%swap3A_62, %swap3A_63] : memref<32x128xf32, #tpu.memory_space<vmem>>, vector<32x128xf32>
    tpu.vector_store %arg6[%swap3A_62, %swap3A_63], %slice3A_12 {strides = array<i32>} : memref<32x128xf32, #tpu.memory_space<vmem>>, vector<32x128xf32>,
    return
  }
}

module attributes {stable_mosaic.version = 14 : i64} {
  func.func @_points_body(%arg0: i32, %arg1: memref<1x1x128xf32, #tpu.memory_space<vmem>>, %arg2: memref<1x1x128xf32, #tpu.memory_space<vmem>>, %arg3: memref<1x1x128xf32, #tpu.memory_space<vmem>>, %arg4: memref<1x1x128xf32, #tpu.memory_space<vmem>>, %arg5: memref<1x4x128xi32, #tpu.memory_space<vmem>>, %arg6: memref<1x4x128xi32, #tpu.memory_space<vmem>>, %arg7: memref<1x4x128xf32, #tpu.memory_space<vmem>>, %arg8: memref<1x4x128xf32, #tpu.memory_space<vmem>>, %arg9: memref<24x128xi32, #tpu.memory_space<vmem>>, %arg10: memref<16x128xf32, #tpu.memory_space<vmem>>, %arg11: memref<12x128x128xf32, #tpu.memory_space<vmem>>) attributes {dimension_semantics = [#tpu.dimension_semantics<arbitrary>], iteration_bounds = array<i64: 32>, scalar_prefetch = 0 : i64, scratch_operands = 1 : i64, tpu.core_type = #tpu.core_type<tc>, window_params = [{transform_indices = @transform_0, window_bounds = array<i64: 1, 1, 128>}, {transform_indices = @transform_1, window_bounds = array<i64: 1, 1, 128>}, {transform_indices = @transform_2, window_bounds = array<i64: 1, 1, 128>}, {transform_indices = @transform_3, window_bounds = array<i64: 1, 1, 128>}, {transform_indices = @transform_4, window_bounds = array<i64: 1, 4, 128>}, {transform_indices = @transform_5, window_bounds = array<i64: 1, 4, 128>}, {transform_indices = @transform_6, window_bounds = array<i64: 1, 4, 128>}, {transform_indices = @transform_7, window_bounds = array<i64: 1, 4, 128>}, {transform_indices = @transform_8, window_bounds = array<i64: 24, 128>}, {transform_indices = @transform_9, window_bounds = array<i64: 16, 128>}]} {
    %get3A = arith.constant 0 : index
    %get3A_0 = arith.constant 0 : index
    %get3A_1 = arith.constant 0 : index
    %get3A_2 = vector.load %arg1[%get3A, %get3A_0, %get3A_1] : memref<1x1x128xf32, #tpu.memory_space<vmem>>, vector<1x1x128xf32>
    %get3A_3 = vector.shape_cast %get3A_2 : vector<1x1x128xf32> to vector<1x128xf32>
    %get3A_4 = arith.constant 0 : index
    %get3A_5 = arith.constant 0 : index
    %get3A_6 = arith.constant 0 : index
    %get3A_7 = vector.load %arg2[%get3A_4, %get3A_5, %get3A_6] : memref<1x1x128xf32, #tpu.memory_space<vmem>>, vector<1x1x128xf32>
    %get3A_8 = vector.shape_cast %get3A_7 : vector<1x1x128xf32> to vector<1x128xf32>
    %get3A_9 = arith.constant 0 : index
    %get3A_10 = arith.constant 0 : index
    %get3A_11 = arith.constant 0 : index
    %get3A_12 = vector.load %arg3[%get3A_9, %get3A_10, %get3A_11] : memref<1x1x128xf32, #tpu.memory_space<vmem>>, vector<1x1x128xf32>
    %get3A_13 = vector.shape_cast %get3A_12 : vector<1x1x128xf32> to vector<1x128xf32>
    %get3A_14 = arith.constant 0 : index
    %get3A_15 = arith.constant 0 : index
    %get3A_16 = arith.constant 0 : index
    %get3A_17 = vector.load %arg4[%get3A_14, %get3A_15, %get3A_16] : memref<1x1x128xf32, #tpu.memory_space<vmem>>, vector<1x1x128xf32>
    %get3A_18 = vector.shape_cast %get3A_17 : vector<1x1x128xf32> to vector<1x128xf32>
    %floor3A = math.floor %get3A_3 : vector<1x128xf32>
    %ceil3A = math.ceil %get3A_3 : vector<1x128xf32>
    %floor3A_19 = math.floor %get3A_8 : vector<1x128xf32>
    %ceil3A_20 = math.ceil %get3A_8 : vector<1x128xf32>
    %round3A = math.roundeven %get3A_3 : vector<1x128xf32>
    %round3A_21 = math.roundeven %get3A_8 : vector<1x128xf32>
    %sub3A = arith.constant 3.200000e+01 : f32
    %sub3A_22 = vector.broadcast %sub3A : f32 to vector<1x128xf32>
    %sub3A_23 = arith.subf %round3A, %sub3A_22 : vector<1x128xf32>
    %max3A = arith.constant 0.000000e+00 : f32
    %max3A_24 = vector.broadcast %max3A : f32 to vector<1x128xf32>
    %max3A_25 = arith.maximumf %sub3A_23, %max3A_24 : vector<1x128xf32>
    %add3A = arith.constant 3.200000e+01 : f32
    %add3A_26 = vector.broadcast %add3A : f32 to vector<1x128xf32>
    %add3A_27 = arith.addf %round3A, %add3A_26 : vector<1x128xf32>
    %gt3A = arith.constant 4.096000e+03 : f32
    %gt3A_28 = vector.broadcast %gt3A : f32 to vector<1x128xf32>
    %gt3A_29 = arith.cmpf ogt, %add3A_27, %gt3A_28 : vector<1x128xf32>
    %jit3A = arith.constant 4.032000e+03 : f64
    %convert_element_type3A = arith.truncf %jit3A : f64 to f32
    %broadcast_in_dim3A = vector.broadcast %convert_element_type3A : f32 to vector<1x128xf32>
    %select_n3A = arith.select %gt3A_29, %broadcast_in_dim3A, %max3A_25 : vector<1x128xi1>, vector<1x128xf32>
    %sub3A_30 = arith.constant 3.200000e+01 : f32
    %sub3A_31 = vector.broadcast %sub3A_30 : f32 to vector<1x128xf32>
    %sub3A_32 = arith.subf %round3A_21, %sub3A_31 : vector<1x128xf32>
    %max3A_33 = arith.constant 0.000000e+00 : f32
    %max3A_34 = vector.broadcast %max3A_33 : f32 to vector<1x128xf32>
    %max3A_35 = arith.maximumf %sub3A_32, %max3A_34 : vector<1x128xf32>
    %add3A_36 = arith.constant 3.200000e+01 : f32
    %add3A_37 = vector.broadcast %add3A_36 : f32 to vector<1x128xf32>
    %add3A_38 = arith.addf %round3A_21, %add3A_37 : vector<1x128xf32>
    %gt3A_39 = arith.constant 4.096000e+03 : f32
    %gt3A_40 = vector.broadcast %gt3A_39 : f32 to vector<1x128xf32>
    %gt3A_41 = arith.cmpf ogt, %add3A_38, %gt3A_40 : vector<1x128xf32>
    %jit3A_42 = arith.constant 4.032000e+03 : f64
    %convert_element_type3A_43 = arith.truncf %jit3A_42 : f64 to f32
    %broadcast_in_dim3A_44 = vector.broadcast %convert_element_type3A_43 : f32 to vector<1x128xf32>
    %select_n3A_45 = arith.select %gt3A_41, %broadcast_in_dim3A_44, %max3A_35 : vector<1x128xi1>, vector<1x128xf32>
    %get3A_46 = arith.constant 0 : index
    %get3A_47 = arith.constant 0 : index
    %get3A_48 = arith.constant 0 : index
    %get3A_49 = vector.load %arg7[%get3A_46, %get3A_47, %get3A_48] : memref<1x4x128xf32, #tpu.memory_space<vmem>>, vector<1x4x128xf32>
    %get3A_50 = vector.shape_cast %get3A_49 : vector<1x4x128xf32> to vector<4x128xf32>
    %mul3A = arith.constant 6.400000e+01 : f32
    %mul3A_51 = vector.broadcast %mul3A : f32 to vector<4x128xf32>
    %mul3A_52 = arith.mulf %get3A_50, %mul3A_51 : vector<4x128xf32>
    %add3A_53 = vector.broadcast %select_n3A : vector<1x128xf32> to vector<4x128xf32>
    %add3A_54 = arith.addf %mul3A_52, %add3A_53 : vector<4x128xf32>
    %get3A_55 = arith.constant 0 : index
    %get3A_56 = arith.constant 0 : index
    %get3A_57 = arith.constant 0 : index
    %get3A_58 = vector.load %arg8[%get3A_55, %get3A_56, %get3A_57] : memref<1x4x128xf32, #tpu.memory_space<vmem>>, vector<1x4x128xf32>
    %get3A_59 = vector.shape_cast %get3A_58 : vector<1x4x128xf32> to vector<4x128xf32>
    %mul3A_60 = arith.constant 6.400000e+01 : f32
    %mul3A_61 = vector.broadcast %mul3A_60 : f32 to vector<4x128xf32>
    %mul3A_62 = arith.mulf %get3A_59, %mul3A_61 : vector<4x128xf32>
    %add3A_63 = vector.broadcast %select_n3A_45 : vector<1x128xf32> to vector<4x128xf32>
    %add3A_64 = arith.addf %mul3A_62, %add3A_63 : vector<4x128xf32>
    %concatenate3A = tpu.concatenate %floor3A, %floor3A, %ceil3A, %ceil3A in 0 : vector<1x128xf32>, vector<1x128xf32>, vector<1x128xf32>, vector<1x128xf32> -> vector<4x128xf32>
    %convert_element_type3A_65 = arith.fptosi %concatenate3A : vector<4x128xf32> to vector<4x128xi32>
    %concatenate3A_66 = tpu.concatenate %floor3A_19, %ceil3A_20, %floor3A_19, %ceil3A_20 in 0 : vector<1x128xf32>, vector<1x128xf32>, vector<1x128xf32>, vector<1x128xf32> -> vector<4x128xf32>
    %convert_element_type3A_67 = arith.fptosi %concatenate3A_66 : vector<4x128xf32> to vector<4x128xi32>
    %get3A_68 = arith.constant 0 : index
    %get3A_69 = arith.constant 0 : index
    %get3A_70 = arith.constant 0 : index
    %get3A_71 = vector.load %arg5[%get3A_68, %get3A_69, %get3A_70] : memref<1x4x128xi32, #tpu.memory_space<vmem>>, vector<1x4x128xi32>
    %get3A_72 = vector.shape_cast %get3A_71 : vector<1x4x128xi32> to vector<4x128xi32>
    %convert_element_type3A_73 = arith.fptosi %add3A_54 : vector<4x128xf32> to vector<4x128xi32>
    %concatenate3A_74 = tpu.concatenate %convert_element_type3A_65, %get3A_72, %convert_element_type3A_73 in 0 : vector<4x128xi32>, vector<4x128xi32>, vector<4x128xi32> -> vector<12x128xi32>
    %get3A_75 = arith.constant 0 : index
    %get3A_76 = arith.constant 0 : index
    %get3A_77 = arith.constant 0 : index
    %get3A_78 = vector.load %arg6[%get3A_75, %get3A_76, %get3A_77] : memref<1x4x128xi32, #tpu.memory_space<vmem>>, vector<1x4x128xi32>
    %get3A_79 = vector.shape_cast %get3A_78 : vector<1x4x128xi32> to vector<4x128xi32>
    %convert_element_type3A_80 = arith.fptosi %add3A_64 : vector<4x128xf32> to vector<4x128xi32>
    %concatenate3A_81 = tpu.concatenate %convert_element_type3A_67, %get3A_79, %convert_element_type3A_80 in 0 : vector<4x128xi32>, vector<4x128xi32>, vector<4x128xi32> -> vector<12x128xi32>
    %add3A_82 = arith.constant 1 : i32
    %add3A_83 = vector.broadcast %add3A_82 : i32 to vector<12x128xi32>
    %add3A_84 = arith.addi %concatenate3A_74, %add3A_83 : vector<12x128xi32>
    %add3A_85 = arith.constant 1 : i32
    %add3A_86 = vector.broadcast %add3A_85 : i32 to vector<12x128xi32>
    %add3A_87 = arith.addi %concatenate3A_81, %add3A_86 : vector<12x128xi32>
    %mul3A_88 = arith.muli %add3A_84, %add3A_84 : vector<12x128xi32>
    %mul3A_89 = arith.muli %add3A_87, %add3A_87 : vector<12x128xi32>
    %mul3A_90 = arith.muli %mul3A_89, %add3A_87 : vector<12x128xi32>
    %mul3A_91 = arith.muli %mul3A_88, %mul3A_90 : vector<12x128xi32>
    %mul3A_92 = arith.muli %add3A_84, %add3A_84 : vector<12x128xi32>
    %jit3A_93 = arith.constant 32749 : i64
    %convert_element_type3A_94 = arith.trunci %jit3A_93 : i64 to i32
    %eq3A = arith.constant 0 : i32
    %eq3A_95 = arith.cmpi eq, %convert_element_type3A_94, %eq3A : i32
    %jit3A_96 = arith.constant 1 : i32
    %select_n3A_97 = arith.select %eq3A_95, %jit3A_96, %convert_element_type3A_94 : i32
    %rem3A = vector.broadcast %select_n3A_97 : i32 to vector<12x128xi32>
    %rem3A_98 = arith.remsi %mul3A_92, %rem3A : vector<12x128xi32>
    %ne3A = arith.constant 0 : i32
    %ne3A_99 = vector.broadcast %ne3A : i32 to vector<12x128xi32>
    %ne3A_100 = arith.cmpi ne, %rem3A_98, %ne3A_99 : vector<12x128xi32>
    %lt3A = arith.constant 0 : i32
    %lt3A_101 = vector.broadcast %lt3A : i32 to vector<12x128xi32>
    %lt3A_102 = arith.cmpi slt, %rem3A_98, %lt3A_101 : vector<12x128xi32>
    %lt3A_103 = arith.constant 0 : i32
    %lt3A_104 = arith.cmpi slt, %select_n3A_97, %lt3A_103 : i32
    %ne3A_105 = vector.broadcast %lt3A_104 : i1 to vector<12x128xi1>
    %ne3A_106 = vector.broadcast %ne3A_105 : vector<12x128xi1> to vector<12x128xi1>
    %ne3A_107 = arith.xori %lt3A_102, %ne3A_106 : vector<12x128xi1>
    %and3A = arith.andi %ne3A_107, %ne3A_100 : vector<12x128xi1>
    %add3A_108 = vector.broadcast %select_n3A_97 : i32 to vector<12x128xi32>
    %add3A_109 = arith.addi %rem3A_98, %add3A_108 : vector<12x128xi32>
    %select_n3A_110 = arith.select %and3A, %add3A_109, %rem3A_98 : vector<12x128xi1>, vector<12x128xi32>
    %mul3A_111 = arith.muli %add3A_87, %add3A_87 : vector<12x128xi32>
    %jit3A_112 = arith.constant 32749 : i64
    %convert_element_type3A_113 = arith.trunci %jit3A_112 : i64 to i32
    %eq3A_114 = arith.constant 0 : i32
    %eq3A_115 = arith.cmpi eq, %convert_element_type3A_113, %eq3A_114 : i32
    %jit3A_116 = arith.constant 1 : i32
    %select_n3A_117 = arith.select %eq3A_115, %jit3A_116, %convert_element_type3A_113 : i32
    %rem3A_118 = vector.broadcast %select_n3A_117 : i32 to vector<12x128xi32>
    %rem3A_119 = arith.remsi %mul3A_111, %rem3A_118 : vector<12x128xi32>
    %ne3A_120 = arith.constant 0 : i32
    %ne3A_121 = vector.broadcast %ne3A_120 : i32 to vector<12x128xi32>
    %ne3A_122 = arith.cmpi ne, %rem3A_119, %ne3A_121 : vector<12x128xi32>
    %lt3A_123 = arith.constant 0 : i32
    %lt3A_124 = vector.broadcast %lt3A_123 : i32 to vector<12x128xi32>
    %lt3A_125 = arith.cmpi slt, %rem3A_119, %lt3A_124 : vector<12x128xi32>
    %lt3A_126 = arith.constant 0 : i32
    %lt3A_127 = arith.cmpi slt, %select_n3A_117, %lt3A_126 : i32
    %ne3A_128 = vector.broadcast %lt3A_127 : i1 to vector<12x128xi1>
    %ne3A_129 = vector.broadcast %ne3A_128 : vector<12x128xi1> to vector<12x128xi1>
    %ne3A_130 = arith.xori %lt3A_125, %ne3A_129 : vector<12x128xi1>
    %and3A_131 = arith.andi %ne3A_130, %ne3A_122 : vector<12x128xi1>
    %add3A_132 = vector.broadcast %select_n3A_117 : i32 to vector<12x128xi32>
    %add3A_133 = arith.addi %rem3A_119, %add3A_132 : vector<12x128xi32>
    %select_n3A_134 = arith.select %and3A_131, %add3A_133, %rem3A_119 : vector<12x128xi1>, vector<12x128xi32>
    %mul3A_135 = arith.muli %select_n3A_134, %add3A_87 : vector<12x128xi32>
    %jit3A_136 = arith.constant 32749 : i64
    %convert_element_type3A_137 = arith.trunci %jit3A_136 : i64 to i32
    %eq3A_138 = arith.constant 0 : i32
    %eq3A_139 = arith.cmpi eq, %convert_element_type3A_137, %eq3A_138 : i32
    %jit3A_140 = arith.constant 1 : i32
    %select_n3A_141 = arith.select %eq3A_139, %jit3A_140, %convert_element_type3A_137 : i32
    %rem3A_142 = vector.broadcast %select_n3A_141 : i32 to vector<12x128xi32>
    %rem3A_143 = arith.remsi %mul3A_135, %rem3A_142 : vector<12x128xi32>
    %ne3A_144 = arith.constant 0 : i32
    %ne3A_145 = vector.broadcast %ne3A_144 : i32 to vector<12x128xi32>
    %ne3A_146 = arith.cmpi ne, %rem3A_143, %ne3A_145 : vector<12x128xi32>
    %lt3A_147 = arith.constant 0 : i32
    %lt3A_148 = vector.broadcast %lt3A_147 : i32 to vector<12x128xi32>
    %lt3A_149 = arith.cmpi slt, %rem3A_143, %lt3A_148 : vector<12x128xi32>
    %lt3A_150 = arith.constant 0 : i32
    %lt3A_151 = arith.cmpi slt, %select_n3A_141, %lt3A_150 : i32
    %ne3A_152 = vector.broadcast %lt3A_151 : i1 to vector<12x128xi1>
    %ne3A_153 = vector.broadcast %ne3A_152 : vector<12x128xi1> to vector<12x128xi1>
    %ne3A_154 = arith.xori %lt3A_149, %ne3A_153 : vector<12x128xi1>
    %and3A_155 = arith.andi %ne3A_154, %ne3A_146 : vector<12x128xi1>
    %add3A_156 = vector.broadcast %select_n3A_141 : i32 to vector<12x128xi32>
    %add3A_157 = arith.addi %rem3A_143, %add3A_156 : vector<12x128xi32>
    %select_n3A_158 = arith.select %and3A_155, %add3A_157, %rem3A_143 : vector<12x128xi1>, vector<12x128xi32>
    %mul3A_159 = arith.muli %select_n3A_110, %select_n3A_158 : vector<12x128xi32>
    %jit3A_160 = arith.constant 32749 : i64
    %convert_element_type3A_161 = arith.trunci %jit3A_160 : i64 to i32
    %eq3A_162 = arith.constant 0 : i32
    %eq3A_163 = arith.cmpi eq, %convert_element_type3A_161, %eq3A_162 : i32
    %jit3A_164 = arith.constant 1 : i32
    %select_n3A_165 = arith.select %eq3A_163, %jit3A_164, %convert_element_type3A_161 : i32
    %rem3A_166 = vector.broadcast %select_n3A_165 : i32 to vector<12x128xi32>
    %rem3A_167 = arith.remsi %mul3A_159, %rem3A_166 : vector<12x128xi32>
    %ne3A_168 = arith.constant 0 : i32
    %ne3A_169 = vector.broadcast %ne3A_168 : i32 to vector<12x128xi32>
    %ne3A_170 = arith.cmpi ne, %rem3A_167, %ne3A_169 : vector<12x128xi32>
    %lt3A_171 = arith.constant 0 : i32
    %lt3A_172 = vector.broadcast %lt3A_171 : i32 to vector<12x128xi32>
    %lt3A_173 = arith.cmpi slt, %rem3A_167, %lt3A_172 : vector<12x128xi32>
    %lt3A_174 = arith.constant 0 : i32
    %lt3A_175 = arith.cmpi slt, %select_n3A_165, %lt3A_174 : i32
    %ne3A_176 = vector.broadcast %lt3A_175 : i1 to vector<12x128xi1>
    %ne3A_177 = vector.broadcast %ne3A_176 : vector<12x128xi1> to vector<12x128xi1>
    %ne3A_178 = arith.xori %lt3A_173, %ne3A_177 : vector<12x128xi1>
    %and3A_179 = arith.andi %ne3A_178, %ne3A_170 : vector<12x128xi1>
    %add3A_180 = vector.broadcast %select_n3A_165 : i32 to vector<12x128xi32>
    %add3A_181 = arith.addi %rem3A_167, %add3A_180 : vector<12x128xi32>
    %select_n3A_182 = arith.select %and3A_179, %add3A_181, %rem3A_167 : vector<12x128xi1>, vector<12x128xi32>
    %mul3A_183 = arith.muli %add3A_84, %add3A_84 : vector<12x128xi32>
    %jit3A_184 = arith.constant 32719 : i64
    %convert_element_type3A_185 = arith.trunci %jit3A_184 : i64 to i32
    %eq3A_186 = arith.constant 0 : i32
    %eq3A_187 = arith.cmpi eq, %convert_element_type3A_185, %eq3A_186 : i32
    %jit3A_188 = arith.constant 1 : i32
    %select_n3A_189 = arith.select %eq3A_187, %jit3A_188, %convert_element_type3A_185 : i32
    %rem3A_190 = vector.broadcast %select_n3A_189 : i32 to vector<12x128xi32>
    %rem3A_191 = arith.remsi %mul3A_183, %rem3A_190 : vector<12x128xi32>
    %ne3A_192 = arith.constant 0 : i32
    %ne3A_193 = vector.broadcast %ne3A_192 : i32 to vector<12x128xi32>
    %ne3A_194 = arith.cmpi ne, %rem3A_191, %ne3A_193 : vector<12x128xi32>
    %lt3A_195 = arith.constant 0 : i32
    %lt3A_196 = vector.broadcast %lt3A_195 : i32 to vector<12x128xi32>
    %lt3A_197 = arith.cmpi slt, %rem3A_191, %lt3A_196 : vector<12x128xi32>
    %lt3A_198 = arith.constant 0 : i32
    %lt3A_199 = arith.cmpi slt, %select_n3A_189, %lt3A_198 : i32
    %ne3A_200 = vector.broadcast %lt3A_199 : i1 to vector<12x128xi1>
    %ne3A_201 = vector.broadcast %ne3A_200 : vector<12x128xi1> to vector<12x128xi1>
    %ne3A_202 = arith.xori %lt3A_197, %ne3A_201 : vector<12x128xi1>
    %and3A_203 = arith.andi %ne3A_202, %ne3A_194 : vector<12x128xi1>
    %add3A_204 = vector.broadcast %select_n3A_189 : i32 to vector<12x128xi32>
    %add3A_205 = arith.addi %rem3A_191, %add3A_204 : vector<12x128xi32>
    %select_n3A_206 = arith.select %and3A_203, %add3A_205, %rem3A_191 : vector<12x128xi1>, vector<12x128xi32>
    %mul3A_207 = arith.muli %add3A_87, %add3A_87 : vector<12x128xi32>
    %jit3A_208 = arith.constant 32719 : i64
    %convert_element_type3A_209 = arith.trunci %jit3A_208 : i64 to i32
    %eq3A_210 = arith.constant 0 : i32
    %eq3A_211 = arith.cmpi eq, %convert_element_type3A_209, %eq3A_210 : i32
    %jit3A_212 = arith.constant 1 : i32
    %select_n3A_213 = arith.select %eq3A_211, %jit3A_212, %convert_element_type3A_209 : i32
    %rem3A_214 = vector.broadcast %select_n3A_213 : i32 to vector<12x128xi32>
    %rem3A_215 = arith.remsi %mul3A_207, %rem3A_214 : vector<12x128xi32>
    %ne3A_216 = arith.constant 0 : i32
    %ne3A_217 = vector.broadcast %ne3A_216 : i32 to vector<12x128xi32>
    %ne3A_218 = arith.cmpi ne, %rem3A_215, %ne3A_217 : vector<12x128xi32>
    %lt3A_219 = arith.constant 0 : i32
    %lt3A_220 = vector.broadcast %lt3A_219 : i32 to vector<12x128xi32>
    %lt3A_221 = arith.cmpi slt, %rem3A_215, %lt3A_220 : vector<12x128xi32>
    %lt3A_222 = arith.constant 0 : i32
    %lt3A_223 = arith.cmpi slt, %select_n3A_213, %lt3A_222 : i32
    %ne3A_224 = vector.broadcast %lt3A_223 : i1 to vector<12x128xi1>
    %ne3A_225 = vector.broadcast %ne3A_224 : vector<12x128xi1> to vector<12x128xi1>
    %ne3A_226 = arith.xori %lt3A_221, %ne3A_225 : vector<12x128xi1>
    %and3A_227 = arith.andi %ne3A_226, %ne3A_218 : vector<12x128xi1>
    %add3A_228 = vector.broadcast %select_n3A_213 : i32 to vector<12x128xi32>
    %add3A_229 = arith.addi %rem3A_215, %add3A_228 : vector<12x128xi32>
    %select_n3A_230 = arith.select %and3A_227, %add3A_229, %rem3A_215 : vector<12x128xi1>, vector<12x128xi32>
    %mul3A_231 = arith.muli %select_n3A_230, %add3A_87 : vector<12x128xi32>
    %jit3A_232 = arith.constant 32719 : i64
    %convert_element_type3A_233 = arith.trunci %jit3A_232 : i64 to i32
    %eq3A_234 = arith.constant 0 : i32
    %eq3A_235 = arith.cmpi eq, %convert_element_type3A_233, %eq3A_234 : i32
    %jit3A_236 = arith.constant 1 : i32
    %select_n3A_237 = arith.select %eq3A_235, %jit3A_236, %convert_element_type3A_233 : i32
    %rem3A_238 = vector.broadcast %select_n3A_237 : i32 to vector<12x128xi32>
    %rem3A_239 = arith.remsi %mul3A_231, %rem3A_238 : vector<12x128xi32>
    %ne3A_240 = arith.constant 0 : i32
    %ne3A_241 = vector.broadcast %ne3A_240 : i32 to vector<12x128xi32>
    %ne3A_242 = arith.cmpi ne, %rem3A_239, %ne3A_241 : vector<12x128xi32>
    %lt3A_243 = arith.constant 0 : i32
    %lt3A_244 = vector.broadcast %lt3A_243 : i32 to vector<12x128xi32>
    %lt3A_245 = arith.cmpi slt, %rem3A_239, %lt3A_244 : vector<12x128xi32>
    %lt3A_246 = arith.constant 0 : i32
    %lt3A_247 = arith.cmpi slt, %select_n3A_237, %lt3A_246 : i32
    %ne3A_248 = vector.broadcast %lt3A_247 : i1 to vector<12x128xi1>
    %ne3A_249 = vector.broadcast %ne3A_248 : vector<12x128xi1> to vector<12x128xi1>
    %ne3A_250 = arith.xori %lt3A_245, %ne3A_249 : vector<12x128xi1>
    %and3A_251 = arith.andi %ne3A_250, %ne3A_242 : vector<12x128xi1>
    %add3A_252 = vector.broadcast %select_n3A_237 : i32 to vector<12x128xi32>
    %add3A_253 = arith.addi %rem3A_239, %add3A_252 : vector<12x128xi32>
    %select_n3A_254 = arith.select %and3A_251, %add3A_253, %rem3A_239 : vector<12x128xi1>, vector<12x128xi32>
    %mul3A_255 = arith.muli %select_n3A_206, %select_n3A_254 : vector<12x128xi32>
    %jit3A_256 = arith.constant 32719 : i64
    %convert_element_type3A_257 = arith.trunci %jit3A_256 : i64 to i32
    %eq3A_258 = arith.constant 0 : i32
    %eq3A_259 = arith.cmpi eq, %convert_element_type3A_257, %eq3A_258 : i32
    %jit3A_260 = arith.constant 1 : i32
    %select_n3A_261 = arith.select %eq3A_259, %jit3A_260, %convert_element_type3A_257 : i32
    %rem3A_262 = vector.broadcast %select_n3A_261 : i32 to vector<12x128xi32>
    %rem3A_263 = arith.remsi %mul3A_255, %rem3A_262 : vector<12x128xi32>
    %ne3A_264 = arith.constant 0 : i32
    %ne3A_265 = vector.broadcast %ne3A_264 : i32 to vector<12x128xi32>
    %ne3A_266 = arith.cmpi ne, %rem3A_263, %ne3A_265 : vector<12x128xi32>
    %lt3A_267 = arith.constant 0 : i32
    %lt3A_268 = vector.broadcast %lt3A_267 : i32 to vector<12x128xi32>
    %lt3A_269 = arith.cmpi slt, %rem3A_263, %lt3A_268 : vector<12x128xi32>
    %lt3A_270 = arith.constant 0 : i32
    %lt3A_271 = arith.cmpi slt, %select_n3A_261, %lt3A_270 : i32
    %ne3A_272 = vector.broadcast %lt3A_271 : i1 to vector<12x128xi1>
    %ne3A_273 = vector.broadcast %ne3A_272 : vector<12x128xi1> to vector<12x128xi1>
    %ne3A_274 = arith.xori %lt3A_269, %ne3A_273 : vector<12x128xi1>
    %and3A_275 = arith.andi %ne3A_274, %ne3A_266 : vector<12x128xi1>
    %add3A_276 = vector.broadcast %select_n3A_261 : i32 to vector<12x128xi32>
    %add3A_277 = arith.addi %rem3A_263, %add3A_276 : vector<12x128xi32>
    %select_n3A_278 = arith.select %and3A_275, %add3A_277, %rem3A_263 : vector<12x128xi1>, vector<12x128xi32>
    %mul3A_279 = arith.constant 32768 : i32
    %mul3A_280 = vector.broadcast %mul3A_279 : i32 to vector<12x128xi32>
    %mul3A_281 = arith.muli %select_n3A_182, %mul3A_280 : vector<12x128xi32>
    %add3A_282 = arith.addi %mul3A_281, %select_n3A_278 : vector<12x128xi32>
    %iota3A = tpu.iota {dimensions = array<i32: 1>} : vector<128x128xi32>
    %iota3A_283 = tpu.iota {dimensions = array<i32: 0>} : vector<128x128xi32>
    %gt3A_284 = arith.cmpi sgt, %iota3A, %iota3A_283 : vector<128x128xi32>
    %slice3A = vector.extract_strided_slice %mul3A_91 {offsets = [0, 0], sizes = [1, 128], strides = [1, 1]} : vector<12x128xi32> to vector<1x128xi32>
    %squeeze3A = vector.shape_cast %slice3A : vector<1x128xi32> to vector<128xi32>
    %broadcast_in_dim3A_285 = vector.shape_cast %squeeze3A : vector<128xi32> to vector<1x128xi32>
    %slice3A_286 = vector.extract_strided_slice %mul3A_91 {offsets = [1, 0], sizes = [1, 128], strides = [1, 1]} : vector<12x128xi32> to vector<1x128xi32>
    %squeeze3A_287 = vector.shape_cast %slice3A_286 : vector<1x128xi32> to vector<128xi32>
    %broadcast_in_dim3A_288 = vector.shape_cast %squeeze3A_287 : vector<128xi32> to vector<1x128xi32>
    %slice3A_289 = vector.extract_strided_slice %mul3A_91 {offsets = [2, 0], sizes = [1, 128], strides = [1, 1]} : vector<12x128xi32> to vector<1x128xi32>
    %squeeze3A_290 = vector.shape_cast %slice3A_289 : vector<1x128xi32> to vector<128xi32>
    %broadcast_in_dim3A_291 = vector.shape_cast %squeeze3A_290 : vector<128xi32> to vector<1x128xi32>
    %slice3A_292 = vector.extract_strided_slice %mul3A_91 {offsets = [3, 0], sizes = [1, 128], strides = [1, 1]} : vector<12x128xi32> to vector<1x128xi32>
    %squeeze3A_293 = vector.shape_cast %slice3A_292 : vector<1x128xi32> to vector<128xi32>
    %broadcast_in_dim3A_294 = vector.shape_cast %squeeze3A_293 : vector<128xi32> to vector<1x128xi32>
    %slice3A_295 = vector.extract_strided_slice %mul3A_91 {offsets = [4, 0], sizes = [1, 128], strides = [1, 1]} : vector<12x128xi32> to vector<1x128xi32>
    %squeeze3A_296 = vector.shape_cast %slice3A_295 : vector<1x128xi32> to vector<128xi32>
    %broadcast_in_dim3A_297 = vector.shape_cast %squeeze3A_296 : vector<128xi32> to vector<1x128xi32>
    %slice3A_298 = vector.extract_strided_slice %mul3A_91 {offsets = [5, 0], sizes = [1, 128], strides = [1, 1]} : vector<12x128xi32> to vector<1x128xi32>
    %squeeze3A_299 = vector.shape_cast %slice3A_298 : vector<1x128xi32> to vector<128xi32>
    %broadcast_in_dim3A_300 = vector.shape_cast %squeeze3A_299 : vector<128xi32> to vector<1x128xi32>
    %slice3A_301 = vector.extract_strided_slice %mul3A_91 {offsets = [6, 0], sizes = [1, 128], strides = [1, 1]} : vector<12x128xi32> to vector<1x128xi32>
    %squeeze3A_302 = vector.shape_cast %slice3A_301 : vector<1x128xi32> to vector<128xi32>
    %broadcast_in_dim3A_303 = vector.shape_cast %squeeze3A_302 : vector<128xi32> to vector<1x128xi32>
    %slice3A_304 = vector.extract_strided_slice %mul3A_91 {offsets = [7, 0], sizes = [1, 128], strides = [1, 1]} : vector<12x128xi32> to vector<1x128xi32>
    %squeeze3A_305 = vector.shape_cast %slice3A_304 : vector<1x128xi32> to vector<128xi32>
    %broadcast_in_dim3A_306 = vector.shape_cast %squeeze3A_305 : vector<128xi32> to vector<1x128xi32>
    %slice3A_307 = vector.extract_strided_slice %mul3A_91 {offsets = [8, 0], sizes = [1, 128], strides = [1, 1]} : vector<12x128xi32> to vector<1x128xi32>
    %squeeze3A_308 = vector.shape_cast %slice3A_307 : vector<1x128xi32> to vector<128xi32>
    %broadcast_in_dim3A_309 = vector.shape_cast %squeeze3A_308 : vector<128xi32> to vector<1x128xi32>
    %slice3A_310 = vector.extract_strided_slice %mul3A_91 {offsets = [9, 0], sizes = [1, 128], strides = [1, 1]} : vector<12x128xi32> to vector<1x128xi32>
    %squeeze3A_311 = vector.shape_cast %slice3A_310 : vector<1x128xi32> to vector<128xi32>
    %broadcast_in_dim3A_312 = vector.shape_cast %squeeze3A_311 : vector<128xi32> to vector<1x128xi32>
    %slice3A_313 = vector.extract_strided_slice %mul3A_91 {offsets = [10, 0], sizes = [1, 128], strides = [1, 1]} : vector<12x128xi32> to vector<1x128xi32>
    %squeeze3A_314 = vector.shape_cast %slice3A_313 : vector<1x128xi32> to vector<128xi32>
    %broadcast_in_dim3A_315 = vector.shape_cast %squeeze3A_314 : vector<128xi32> to vector<1x128xi32>
    %slice3A_316 = vector.extract_strided_slice %mul3A_91 {offsets = [11, 0], sizes = [1, 128], strides = [1, 1]} : vector<12x128xi32> to vector<1x128xi32>
    %squeeze3A_317 = vector.shape_cast %slice3A_316 : vector<1x128xi32> to vector<128xi32>
    %broadcast_in_dim3A_318 = vector.shape_cast %squeeze3A_317 : vector<128xi32> to vector<1x128xi32>
    %slice3A_319 = vector.extract_strided_slice %add3A_282 {offsets = [0, 0], sizes = [1, 128], strides = [1, 1]} : vector<12x128xi32> to vector<1x128xi32>
    %squeeze3A_320 = vector.shape_cast %slice3A_319 : vector<1x128xi32> to vector<128xi32>
    %broadcast_in_dim3A_321 = vector.shape_cast %squeeze3A_320 : vector<128xi32> to vector<1x128xi32>
    %slice3A_322 = vector.extract_strided_slice %add3A_282 {offsets = [1, 0], sizes = [1, 128], strides = [1, 1]} : vector<12x128xi32> to vector<1x128xi32>
    %squeeze3A_323 = vector.shape_cast %slice3A_322 : vector<1x128xi32> to vector<128xi32>
    %broadcast_in_dim3A_324 = vector.shape_cast %squeeze3A_323 : vector<128xi32> to vector<1x128xi32>
    %slice3A_325 = vector.extract_strided_slice %add3A_282 {offsets = [2, 0], sizes = [1, 128], strides = [1, 1]} : vector<12x128xi32> to vector<1x128xi32>
    %squeeze3A_326 = vector.shape_cast %slice3A_325 : vector<1x128xi32> to vector<128xi32>
    %broadcast_in_dim3A_327 = vector.shape_cast %squeeze3A_326 : vector<128xi32> to vector<1x128xi32>
    %slice3A_328 = vector.extract_strided_slice %add3A_282 {offsets = [3, 0], sizes = [1, 128], strides = [1, 1]} : vector<12x128xi32> to vector<1x128xi32>
    %squeeze3A_329 = vector.shape_cast %slice3A_328 : vector<1x128xi32> to vector<128xi32>
    %broadcast_in_dim3A_330 = vector.shape_cast %squeeze3A_329 : vector<128xi32> to vector<1x128xi32>
    %slice3A_331 = vector.extract_strided_slice %add3A_282 {offsets = [4, 0], sizes = [1, 128], strides = [1, 1]} : vector<12x128xi32> to vector<1x128xi32>
    %squeeze3A_332 = vector.shape_cast %slice3A_331 : vector<1x128xi32> to vector<128xi32>
    %broadcast_in_dim3A_333 = vector.shape_cast %squeeze3A_332 : vector<128xi32> to vector<1x128xi32>
    %slice3A_334 = vector.extract_strided_slice %add3A_282 {offsets = [5, 0], sizes = [1, 128], strides = [1, 1]} : vector<12x128xi32> to vector<1x128xi32>
    %squeeze3A_335 = vector.shape_cast %slice3A_334 : vector<1x128xi32> to vector<128xi32>
    %broadcast_in_dim3A_336 = vector.shape_cast %squeeze3A_335 : vector<128xi32> to vector<1x128xi32>
    %slice3A_337 = vector.extract_strided_slice %add3A_282 {offsets = [6, 0], sizes = [1, 128], strides = [1, 1]} : vector<12x128xi32> to vector<1x128xi32>
    %squeeze3A_338 = vector.shape_cast %slice3A_337 : vector<1x128xi32> to vector<128xi32>
    %broadcast_in_dim3A_339 = vector.shape_cast %squeeze3A_338 : vector<128xi32> to vector<1x128xi32>
    %slice3A_340 = vector.extract_strided_slice %add3A_282 {offsets = [7, 0], sizes = [1, 128], strides = [1, 1]} : vector<12x128xi32> to vector<1x128xi32>
    %squeeze3A_341 = vector.shape_cast %slice3A_340 : vector<1x128xi32> to vector<128xi32>
    %broadcast_in_dim3A_342 = vector.shape_cast %squeeze3A_341 : vector<128xi32> to vector<1x128xi32>
    %slice3A_343 = vector.extract_strided_slice %add3A_282 {offsets = [8, 0], sizes = [1, 128], strides = [1, 1]} : vector<12x128xi32> to vector<1x128xi32>
    %squeeze3A_344 = vector.shape_cast %slice3A_343 : vector<1x128xi32> to vector<128xi32>
    %broadcast_in_dim3A_345 = vector.shape_cast %squeeze3A_344 : vector<128xi32> to vector<1x128xi32>
    %slice3A_346 = vector.extract_strided_slice %add3A_282 {offsets = [9, 0], sizes = [1, 128], strides = [1, 1]} : vector<12x128xi32> to vector<1x128xi32>
    %squeeze3A_347 = vector.shape_cast %slice3A_346 : vector<1x128xi32> to vector<128xi32>
    %broadcast_in_dim3A_348 = vector.shape_cast %squeeze3A_347 : vector<128xi32> to vector<1x128xi32>
    %slice3A_349 = vector.extract_strided_slice %add3A_282 {offsets = [10, 0], sizes = [1, 128], strides = [1, 1]} : vector<12x128xi32> to vector<1x128xi32>
    %squeeze3A_350 = vector.shape_cast %slice3A_349 : vector<1x128xi32> to vector<128xi32>
    %broadcast_in_dim3A_351 = vector.shape_cast %squeeze3A_350 : vector<128xi32> to vector<1x128xi32>
    %slice3A_352 = vector.extract_strided_slice %add3A_282 {offsets = [11, 0], sizes = [1, 128], strides = [1, 1]} : vector<12x128xi32> to vector<1x128xi32>
    %squeeze3A_353 = vector.shape_cast %slice3A_352 : vector<1x128xi32> to vector<128xi32>
    %broadcast_in_dim3A_354 = vector.shape_cast %squeeze3A_353 : vector<128xi32> to vector<1x128xi32>
    %slice3A_355 = vector.extract_strided_slice %mul3A_91 {offsets = [0, 0], sizes = [1, 128], strides = [1, 1]} : vector<12x128xi32> to vector<1x128xi32>
    %squeeze3A_356 = vector.shape_cast %slice3A_355 : vector<1x128xi32> to vector<128xi32>
    %broadcast_in_dim3A_357 = vector.shape_cast %squeeze3A_356 : vector<128xi32> to vector<128x1xi32>
    %slice3A_358 = vector.extract_strided_slice %mul3A_91 {offsets = [1, 0], sizes = [1, 128], strides = [1, 1]} : vector<12x128xi32> to vector<1x128xi32>
    %squeeze3A_359 = vector.shape_cast %slice3A_358 : vector<1x128xi32> to vector<128xi32>
    %broadcast_in_dim3A_360 = vector.shape_cast %squeeze3A_359 : vector<128xi32> to vector<128x1xi32>
    %slice3A_361 = vector.extract_strided_slice %mul3A_91 {offsets = [2, 0], sizes = [1, 128], strides = [1, 1]} : vector<12x128xi32> to vector<1x128xi32>
    %squeeze3A_362 = vector.shape_cast %slice3A_361 : vector<1x128xi32> to vector<128xi32>
    %broadcast_in_dim3A_363 = vector.shape_cast %squeeze3A_362 : vector<128xi32> to vector<128x1xi32>
    %slice3A_364 = vector.extract_strided_slice %mul3A_91 {offsets = [3, 0], sizes = [1, 128], strides = [1, 1]} : vector<12x128xi32> to vector<1x128xi32>
    %squeeze3A_365 = vector.shape_cast %slice3A_364 : vector<1x128xi32> to vector<128xi32>
    %broadcast_in_dim3A_366 = vector.shape_cast %squeeze3A_365 : vector<128xi32> to vector<128x1xi32>
    %slice3A_367 = vector.extract_strided_slice %mul3A_91 {offsets = [4, 0], sizes = [1, 128], strides = [1, 1]} : vector<12x128xi32> to vector<1x128xi32>
    %squeeze3A_368 = vector.shape_cast %slice3A_367 : vector<1x128xi32> to vector<128xi32>
    %broadcast_in_dim3A_369 = vector.shape_cast %squeeze3A_368 : vector<128xi32> to vector<128x1xi32>
    %slice3A_370 = vector.extract_strided_slice %mul3A_91 {offsets = [5, 0], sizes = [1, 128], strides = [1, 1]} : vector<12x128xi32> to vector<1x128xi32>
    %squeeze3A_371 = vector.shape_cast %slice3A_370 : vector<1x128xi32> to vector<128xi32>
    %broadcast_in_dim3A_372 = vector.shape_cast %squeeze3A_371 : vector<128xi32> to vector<128x1xi32>
    %slice3A_373 = vector.extract_strided_slice %mul3A_91 {offsets = [6, 0], sizes = [1, 128], strides = [1, 1]} : vector<12x128xi32> to vector<1x128xi32>
    %squeeze3A_374 = vector.shape_cast %slice3A_373 : vector<1x128xi32> to vector<128xi32>
    %broadcast_in_dim3A_375 = vector.shape_cast %squeeze3A_374 : vector<128xi32> to vector<128x1xi32>
    %slice3A_376 = vector.extract_strided_slice %mul3A_91 {offsets = [7, 0], sizes = [1, 128], strides = [1, 1]} : vector<12x128xi32> to vector<1x128xi32>
    %squeeze3A_377 = vector.shape_cast %slice3A_376 : vector<1x128xi32> to vector<128xi32>
    %broadcast_in_dim3A_378 = vector.shape_cast %squeeze3A_377 : vector<128xi32> to vector<128x1xi32>
    %slice3A_379 = vector.extract_strided_slice %mul3A_91 {offsets = [8, 0], sizes = [1, 128], strides = [1, 1]} : vector<12x128xi32> to vector<1x128xi32>
    %squeeze3A_380 = vector.shape_cast %slice3A_379 : vector<1x128xi32> to vector<128xi32>
    %broadcast_in_dim3A_381 = vector.shape_cast %squeeze3A_380 : vector<128xi32> to vector<128x1xi32>
    %slice3A_382 = vector.extract_strided_slice %mul3A_91 {offsets = [9, 0], sizes = [1, 128], strides = [1, 1]} : vector<12x128xi32> to vector<1x128xi32>
    %squeeze3A_383 = vector.shape_cast %slice3A_382 : vector<1x128xi32> to vector<128xi32>
    %broadcast_in_dim3A_384 = vector.shape_cast %squeeze3A_383 : vector<128xi32> to vector<128x1xi32>
    %slice3A_385 = vector.extract_strided_slice %mul3A_91 {offsets = [10, 0], sizes = [1, 128], strides = [1, 1]} : vector<12x128xi32> to vector<1x128xi32>
    %squeeze3A_386 = vector.shape_cast %slice3A_385 : vector<1x128xi32> to vector<128xi32>
    %broadcast_in_dim3A_387 = vector.shape_cast %squeeze3A_386 : vector<128xi32> to vector<128x1xi32>
    %slice3A_388 = vector.extract_strided_slice %mul3A_91 {offsets = [11, 0], sizes = [1, 128], strides = [1, 1]} : vector<12x128xi32> to vector<1x128xi32>
    %squeeze3A_389 = vector.shape_cast %slice3A_388 : vector<1x128xi32> to vector<128xi32>
    %broadcast_in_dim3A_390 = vector.shape_cast %squeeze3A_389 : vector<128xi32> to vector<128x1xi32>
    %slice3A_391 = vector.extract_strided_slice %add3A_282 {offsets = [0, 0], sizes = [1, 128], strides = [1, 1]} : vector<12x128xi32> to vector<1x128xi32>
    %squeeze3A_392 = vector.shape_cast %slice3A_391 : vector<1x128xi32> to vector<128xi32>
    %broadcast_in_dim3A_393 = vector.shape_cast %squeeze3A_392 : vector<128xi32> to vector<128x1xi32>
    %slice3A_394 = vector.extract_strided_slice %add3A_282 {offsets = [1, 0], sizes = [1, 128], strides = [1, 1]} : vector<12x128xi32> to vector<1x128xi32>
    %squeeze3A_395 = vector.shape_cast %slice3A_394 : vector<1x128xi32> to vector<128xi32>
    %broadcast_in_dim3A_396 = vector.shape_cast %squeeze3A_395 : vector<128xi32> to vector<128x1xi32>
    %slice3A_397 = vector.extract_strided_slice %add3A_282 {offsets = [2, 0], sizes = [1, 128], strides = [1, 1]} : vector<12x128xi32> to vector<1x128xi32>
    %squeeze3A_398 = vector.shape_cast %slice3A_397 : vector<1x128xi32> to vector<128xi32>
    %broadcast_in_dim3A_399 = vector.shape_cast %squeeze3A_398 : vector<128xi32> to vector<128x1xi32>
    %slice3A_400 = vector.extract_strided_slice %add3A_282 {offsets = [3, 0], sizes = [1, 128], strides = [1, 1]} : vector<12x128xi32> to vector<1x128xi32>
    %squeeze3A_401 = vector.shape_cast %slice3A_400 : vector<1x128xi32> to vector<128xi32>
    %broadcast_in_dim3A_402 = vector.shape_cast %squeeze3A_401 : vector<128xi32> to vector<128x1xi32>
    %slice3A_403 = vector.extract_strided_slice %add3A_282 {offsets = [4, 0], sizes = [1, 128], strides = [1, 1]} : vector<12x128xi32> to vector<1x128xi32>
    %squeeze3A_404 = vector.shape_cast %slice3A_403 : vector<1x128xi32> to vector<128xi32>
    %broadcast_in_dim3A_405 = vector.shape_cast %squeeze3A_404 : vector<128xi32> to vector<128x1xi32>
    %slice3A_406 = vector.extract_strided_slice %add3A_282 {offsets = [5, 0], sizes = [1, 128], strides = [1, 1]} : vector<12x128xi32> to vector<1x128xi32>
    %squeeze3A_407 = vector.shape_cast %slice3A_406 : vector<1x128xi32> to vector<128xi32>
    %broadcast_in_dim3A_408 = vector.shape_cast %squeeze3A_407 : vector<128xi32> to vector<128x1xi32>
    %slice3A_409 = vector.extract_strided_slice %add3A_282 {offsets = [6, 0], sizes = [1, 128], strides = [1, 1]} : vector<12x128xi32> to vector<1x128xi32>
    %squeeze3A_410 = vector.shape_cast %slice3A_409 : vector<1x128xi32> to vector<128xi32>
    %broadcast_in_dim3A_411 = vector.shape_cast %squeeze3A_410 : vector<128xi32> to vector<128x1xi32>
    %slice3A_412 = vector.extract_strided_slice %add3A_282 {offsets = [7, 0], sizes = [1, 128], strides = [1, 1]} : vector<12x128xi32> to vector<1x128xi32>
    %squeeze3A_413 = vector.shape_cast %slice3A_412 : vector<1x128xi32> to vector<128xi32>
    %broadcast_in_dim3A_414 = vector.shape_cast %squeeze3A_413 : vector<128xi32> to vector<128x1xi32>
    %slice3A_415 = vector.extract_strided_slice %add3A_282 {offsets = [8, 0], sizes = [1, 128], strides = [1, 1]} : vector<12x128xi32> to vector<1x128xi32>
    %squeeze3A_416 = vector.shape_cast %slice3A_415 : vector<1x128xi32> to vector<128xi32>
    %broadcast_in_dim3A_417 = vector.shape_cast %squeeze3A_416 : vector<128xi32> to vector<128x1xi32>
    %slice3A_418 = vector.extract_strided_slice %add3A_282 {offsets = [9, 0], sizes = [1, 128], strides = [1, 1]} : vector<12x128xi32> to vector<1x128xi32>
    %squeeze3A_419 = vector.shape_cast %slice3A_418 : vector<1x128xi32> to vector<128xi32>
    %broadcast_in_dim3A_420 = vector.shape_cast %squeeze3A_419 : vector<128xi32> to vector<128x1xi32>
    %slice3A_421 = vector.extract_strided_slice %add3A_282 {offsets = [10, 0], sizes = [1, 128], strides = [1, 1]} : vector<12x128xi32> to vector<1x128xi32>
    %squeeze3A_422 = vector.shape_cast %slice3A_421 : vector<1x128xi32> to vector<128xi32>
    %broadcast_in_dim3A_423 = vector.shape_cast %squeeze3A_422 : vector<128xi32> to vector<128x1xi32>
    %slice3A_424 = vector.extract_strided_slice %add3A_282 {offsets = [11, 0], sizes = [1, 128], strides = [1, 1]} : vector<12x128xi32> to vector<1x128xi32>
    %squeeze3A_425 = vector.shape_cast %slice3A_424 : vector<1x128xi32> to vector<128xi32>
    %broadcast_in_dim3A_426 = vector.shape_cast %squeeze3A_425 : vector<128xi32> to vector<128x1xi32>
    %eq3A_427 = vector.broadcast %broadcast_in_dim3A_285 : vector<1x128xi32> to vector<128x128xi32>
    %eq3A_428 = vector.broadcast %broadcast_in_dim3A_357 : vector<128x1xi32> to vector<128x128xi32>
    %eq3A_429 = arith.cmpi eq, %eq3A_427, %eq3A_428 : vector<128x128xi32>
    %eq3A_430 = vector.broadcast %broadcast_in_dim3A_321 : vector<1x128xi32> to vector<128x128xi32>
    %eq3A_431 = vector.broadcast %broadcast_in_dim3A_393 : vector<128x1xi32> to vector<128x128xi32>
    %eq3A_432 = arith.cmpi eq, %eq3A_430, %eq3A_431 : vector<128x128xi32>
    %and3A_433 = arith.andi %eq3A_429, %eq3A_432 : vector<128x128xi1>
    %and3A_434 = arith.andi %and3A_433, %gt3A_284 : vector<128x128xi1>
    %jit3A_435 = arith.constant 1 : i32
    %jit3A_436 = arith.constant 0 : i32
    %broadcast_in_dim3A_437 = vector.broadcast %jit3A_435 : i32 to vector<128x128xi32>
    %broadcast_in_dim3A_438 = vector.broadcast %jit3A_436 : i32 to vector<128x128xi32>
    %select_n3A_439 = arith.select %and3A_434, %broadcast_in_dim3A_437, %broadcast_in_dim3A_438 : vector<128x128xi1>, vector<128x128xi32>
    %reduce_max3A = arith.constant dense<-2147483648> : vector<128xi32>
    %reduce_max3A_440 = vector.multi_reduction <maxsi>, %select_n3A_439, %reduce_max3A [0] : vector<128x128xi32> to vector<128xi32>
    %eq3A_441 = vector.broadcast %broadcast_in_dim3A_288 : vector<1x128xi32> to vector<128x128xi32>
    %eq3A_442 = vector.broadcast %broadcast_in_dim3A_357 : vector<128x1xi32> to vector<128x128xi32>
    %eq3A_443 = arith.cmpi eq, %eq3A_441, %eq3A_442 : vector<128x128xi32>
    %eq3A_444 = vector.broadcast %broadcast_in_dim3A_324 : vector<1x128xi32> to vector<128x128xi32>
    %eq3A_445 = vector.broadcast %broadcast_in_dim3A_393 : vector<128x1xi32> to vector<128x128xi32>
    %eq3A_446 = arith.cmpi eq, %eq3A_444, %eq3A_445 : vector<128x128xi32>
    %and3A_447 = arith.andi %eq3A_443, %eq3A_446 : vector<128x128xi1>
    %eq3A_448 = vector.broadcast %broadcast_in_dim3A_288 : vector<1x128xi32> to vector<128x128xi32>
    %eq3A_449 = vector.broadcast %broadcast_in_dim3A_360 : vector<128x1xi32> to vector<128x128xi32>
    %eq3A_450 = arith.cmpi eq, %eq3A_448, %eq3A_449 : vector<128x128xi32>
    %eq3A_451 = vector.broadcast %broadcast_in_dim3A_324 : vector<1x128xi32> to vector<128x128xi32>
    %eq3A_452 = vector.broadcast %broadcast_in_dim3A_396 : vector<128x1xi32> to vector<128x128xi32>
    %eq3A_453 = arith.cmpi eq, %eq3A_451, %eq3A_452 : vector<128x128xi32>
    %and3A_454 = arith.andi %eq3A_450, %eq3A_453 : vector<128x128xi1>
    %and3A_455 = arith.andi %and3A_454, %gt3A_284 : vector<128x128xi1>
    %or3A = arith.ori %and3A_447, %and3A_455 : vector<128x128xi1>
    %jit3A_456 = arith.constant 1 : i32
    %jit3A_457 = arith.constant 0 : i32
    %broadcast_in_dim3A_458 = vector.broadcast %jit3A_456 : i32 to vector<128x128xi32>
    %broadcast_in_dim3A_459 = vector.broadcast %jit3A_457 : i32 to vector<128x128xi32>
    %select_n3A_460 = arith.select %or3A, %broadcast_in_dim3A_458, %broadcast_in_dim3A_459 : vector<128x128xi1>, vector<128x128xi32>
    %reduce_max3A_461 = arith.constant dense<-2147483648> : vector<128xi32>
    %reduce_max3A_462 = vector.multi_reduction <maxsi>, %select_n3A_460, %reduce_max3A_461 [0] : vector<128x128xi32> to vector<128xi32>
    %eq3A_463 = vector.broadcast %broadcast_in_dim3A_291 : vector<1x128xi32> to vector<128x128xi32>
    %eq3A_464 = vector.broadcast %broadcast_in_dim3A_357 : vector<128x1xi32> to vector<128x128xi32>
    %eq3A_465 = arith.cmpi eq, %eq3A_463, %eq3A_464 : vector<128x128xi32>
    %eq3A_466 = vector.broadcast %broadcast_in_dim3A_327 : vector<1x128xi32> to vector<128x128xi32>
    %eq3A_467 = vector.broadcast %broadcast_in_dim3A_393 : vector<128x1xi32> to vector<128x128xi32>
    %eq3A_468 = arith.cmpi eq, %eq3A_466, %eq3A_467 : vector<128x128xi32>
    %and3A_469 = arith.andi %eq3A_465, %eq3A_468 : vector<128x128xi1>
    %eq3A_470 = vector.broadcast %broadcast_in_dim3A_291 : vector<1x128xi32> to vector<128x128xi32>
    %eq3A_471 = vector.broadcast %broadcast_in_dim3A_360 : vector<128x1xi32> to vector<128x128xi32>
    %eq3A_472 = arith.cmpi eq, %eq3A_470, %eq3A_471 : vector<128x128xi32>
    %eq3A_473 = vector.broadcast %broadcast_in_dim3A_327 : vector<1x128xi32> to vector<128x128xi32>
    %eq3A_474 = vector.broadcast %broadcast_in_dim3A_396 : vector<128x1xi32> to vector<128x128xi32>
    %eq3A_475 = arith.cmpi eq, %eq3A_473, %eq3A_474 : vector<128x128xi32>
    %and3A_476 = arith.andi %eq3A_472, %eq3A_475 : vector<128x128xi1>
    %or3A_477 = arith.ori %and3A_469, %and3A_476 : vector<128x128xi1>
    %eq3A_478 = vector.broadcast %broadcast_in_dim3A_291 : vector<1x128xi32> to vector<128x128xi32>
    %eq3A_479 = vector.broadcast %broadcast_in_dim3A_363 : vector<128x1xi32> to vector<128x128xi32>
    %eq3A_480 = arith.cmpi eq, %eq3A_478, %eq3A_479 : vector<128x128xi32>
    %eq3A_481 = vector.broadcast %broadcast_in_dim3A_327 : vector<1x128xi32> to vector<128x128xi32>
    %eq3A_482 = vector.broadcast %broadcast_in_dim3A_399 : vector<128x1xi32> to vector<128x128xi32>
    %eq3A_483 = arith.cmpi eq, %eq3A_481, %eq3A_482 : vector<128x128xi32>
    %and3A_484 = arith.andi %eq3A_480, %eq3A_483 : vector<128x128xi1>
    %and3A_485 = arith.andi %and3A_484, %gt3A_284 : vector<128x128xi1>
    %or3A_486 = arith.ori %or3A_477, %and3A_485 : vector<128x128xi1>
    %jit3A_487 = arith.constant 1 : i32
    %jit3A_488 = arith.constant 0 : i32
    %broadcast_in_dim3A_489 = vector.broadcast %jit3A_487 : i32 to vector<128x128xi32>
    %broadcast_in_dim3A_490 = vector.broadcast %jit3A_488 : i32 to vector<128x128xi32>
    %select_n3A_491 = arith.select %or3A_486, %broadcast_in_dim3A_489, %broadcast_in_dim3A_490 : vector<128x128xi1>, vector<128x128xi32>
    %reduce_max3A_492 = arith.constant dense<-2147483648> : vector<128xi32>
    %reduce_max3A_493 = vector.multi_reduction <maxsi>, %select_n3A_491, %reduce_max3A_492 [0] : vector<128x128xi32> to vector<128xi32>
    %eq3A_494 = vector.broadcast %broadcast_in_dim3A_294 : vector<1x128xi32> to vector<128x128xi32>
    %eq3A_495 = vector.broadcast %broadcast_in_dim3A_357 : vector<128x1xi32> to vector<128x128xi32>
    %eq3A_496 = arith.cmpi eq, %eq3A_494, %eq3A_495 : vector<128x128xi32>
    %eq3A_497 = vector.broadcast %broadcast_in_dim3A_330 : vector<1x128xi32> to vector<128x128xi32>
    %eq3A_498 = vector.broadcast %broadcast_in_dim3A_393 : vector<128x1xi32> to vector<128x128xi32>
    %eq3A_499 = arith.cmpi eq, %eq3A_497, %eq3A_498 : vector<128x128xi32>
    %and3A_500 = arith.andi %eq3A_496, %eq3A_499 : vector<128x128xi1>
    %eq3A_501 = vector.broadcast %broadcast_in_dim3A_294 : vector<1x128xi32> to vector<128x128xi32>
    %eq3A_502 = vector.broadcast %broadcast_in_dim3A_360 : vector<128x1xi32> to vector<128x128xi32>
    %eq3A_503 = arith.cmpi eq, %eq3A_501, %eq3A_502 : vector<128x128xi32>
    %eq3A_504 = vector.broadcast %broadcast_in_dim3A_330 : vector<1x128xi32> to vector<128x128xi32>
    %eq3A_505 = vector.broadcast %broadcast_in_dim3A_396 : vector<128x1xi32> to vector<128x128xi32>
    %eq3A_506 = arith.cmpi eq, %eq3A_504, %eq3A_505 : vector<128x128xi32>
    %and3A_507 = arith.andi %eq3A_503, %eq3A_506 : vector<128x128xi1>
    %or3A_508 = arith.ori %and3A_500, %and3A_507 : vector<128x128xi1>
    %eq3A_509 = vector.broadcast %broadcast_in_dim3A_294 : vector<1x128xi32> to vector<128x128xi32>
    %eq3A_510 = vector.broadcast %broadcast_in_dim3A_363 : vector<128x1xi32> to vector<128x128xi32>
    %eq3A_511 = arith.cmpi eq, %eq3A_509, %eq3A_510 : vector<128x128xi32>
    %eq3A_512 = vector.broadcast %broadcast_in_dim3A_330 : vector<1x128xi32> to vector<128x128xi32>
    %eq3A_513 = vector.broadcast %broadcast_in_dim3A_399 : vector<128x1xi32> to vector<128x128xi32>
    %eq3A_514 = arith.cmpi eq, %eq3A_512, %eq3A_513 : vector<128x128xi32>
    %and3A_515 = arith.andi %eq3A_511, %eq3A_514 : vector<128x128xi1>
    %or3A_516 = arith.ori %or3A_508, %and3A_515 : vector<128x128xi1>
    %eq3A_517 = vector.broadcast %broadcast_in_dim3A_294 : vector<1x128xi32> to vector<128x128xi32>
    %eq3A_518 = vector.broadcast %broadcast_in_dim3A_366 : vector<128x1xi32> to vector<128x128xi32>
    %eq3A_519 = arith.cmpi eq, %eq3A_517, %eq3A_518 : vector<128x128xi32>
    %eq3A_520 = vector.broadcast %broadcast_in_dim3A_330 : vector<1x128xi32> to vector<128x128xi32>
    %eq3A_521 = vector.broadcast %broadcast_in_dim3A_402 : vector<128x1xi32> to vector<128x128xi32>
    %eq3A_522 = arith.cmpi eq, %eq3A_520, %eq3A_521 : vector<128x128xi32>
    %and3A_523 = arith.andi %eq3A_519, %eq3A_522 : vector<128x128xi1>
    %and3A_524 = arith.andi %and3A_523, %gt3A_284 : vector<128x128xi1>
    %or3A_525 = arith.ori %or3A_516, %and3A_524 : vector<128x128xi1>
    %jit3A_526 = arith.constant 1 : i32
    %jit3A_527 = arith.constant 0 : i32
    %broadcast_in_dim3A_528 = vector.broadcast %jit3A_526 : i32 to vector<128x128xi32>
    %broadcast_in_dim3A_529 = vector.broadcast %jit3A_527 : i32 to vector<128x128xi32>
    %select_n3A_530 = arith.select %or3A_525, %broadcast_in_dim3A_528, %broadcast_in_dim3A_529 : vector<128x128xi1>, vector<128x128xi32>
    %reduce_max3A_531 = arith.constant dense<-2147483648> : vector<128xi32>
    %reduce_max3A_532 = vector.multi_reduction <maxsi>, %select_n3A_530, %reduce_max3A_531 [0] : vector<128x128xi32> to vector<128xi32>
    %eq3A_533 = vector.broadcast %broadcast_in_dim3A_297 : vector<1x128xi32> to vector<128x128xi32>
    %eq3A_534 = vector.broadcast %broadcast_in_dim3A_357 : vector<128x1xi32> to vector<128x128xi32>
    %eq3A_535 = arith.cmpi eq, %eq3A_533, %eq3A_534 : vector<128x128xi32>
    %eq3A_536 = vector.broadcast %broadcast_in_dim3A_333 : vector<1x128xi32> to vector<128x128xi32>
    %eq3A_537 = vector.broadcast %broadcast_in_dim3A_393 : vector<128x1xi32> to vector<128x128xi32>
    %eq3A_538 = arith.cmpi eq, %eq3A_536, %eq3A_537 : vector<128x128xi32>
    %and3A_539 = arith.andi %eq3A_535, %eq3A_538 : vector<128x128xi1>
    %eq3A_540 = vector.broadcast %broadcast_in_dim3A_297 : vector<1x128xi32> to vector<128x128xi32>
    %eq3A_541 = vector.broadcast %broadcast_in_dim3A_360 : vector<128x1xi32> to vector<128x128xi32>
    %eq3A_542 = arith.cmpi eq, %eq3A_540, %eq3A_541 : vector<128x128xi32>
    %eq3A_543 = vector.broadcast %broadcast_in_dim3A_333 : vector<1x128xi32> to vector<128x128xi32>
    %eq3A_544 = vector.broadcast %broadcast_in_dim3A_396 : vector<128x1xi32> to vector<128x128xi32>
    %eq3A_545 = arith.cmpi eq, %eq3A_543, %eq3A_544 : vector<128x128xi32>
    %and3A_546 = arith.andi %eq3A_542, %eq3A_545 : vector<128x128xi1>
    %or3A_547 = arith.ori %and3A_539, %and3A_546 : vector<128x128xi1>
    %eq3A_548 = vector.broadcast %broadcast_in_dim3A_297 : vector<1x128xi32> to vector<128x128xi32>
    %eq3A_549 = vector.broadcast %broadcast_in_dim3A_363 : vector<128x1xi32> to vector<128x128xi32>
    %eq3A_550 = arith.cmpi eq, %eq3A_548, %eq3A_549 : vector<128x128xi32>
    %eq3A_551 = vector.broadcast %broadcast_in_dim3A_333 : vector<1x128xi32> to vector<128x128xi32>
    %eq3A_552 = vector.broadcast %broadcast_in_dim3A_399 : vector<128x1xi32> to vector<128x128xi32>
    %eq3A_553 = arith.cmpi eq, %eq3A_551, %eq3A_552 : vector<128x128xi32>
    %and3A_554 = arith.andi %eq3A_550, %eq3A_553 : vector<128x128xi1>
    %or3A_555 = arith.ori %or3A_547, %and3A_554 : vector<128x128xi1>
    %eq3A_556 = vector.broadcast %broadcast_in_dim3A_297 : vector<1x128xi32> to vector<128x128xi32>
    %eq3A_557 = vector.broadcast %broadcast_in_dim3A_366 : vector<128x1xi32> to vector<128x128xi32>
    %eq3A_558 = arith.cmpi eq, %eq3A_556, %eq3A_557 : vector<128x128xi32>
    %eq3A_559 = vector.broadcast %broadcast_in_dim3A_333 : vector<1x128xi32> to vector<128x128xi32>
    %eq3A_560 = vector.broadcast %broadcast_in_dim3A_402 : vector<128x1xi32> to vector<128x128xi32>
    %eq3A_561 = arith.cmpi eq, %eq3A_559, %eq3A_560 : vector<128x128xi32>
    %and3A_562 = arith.andi %eq3A_558, %eq3A_561 : vector<128x128xi1>
    %or3A_563 = arith.ori %or3A_555, %and3A_562 : vector<128x128xi1>
    %eq3A_564 = vector.broadcast %broadcast_in_dim3A_297 : vector<1x128xi32> to vector<128x128xi32>
    %eq3A_565 = vector.broadcast %broadcast_in_dim3A_369 : vector<128x1xi32> to vector<128x128xi32>
    %eq3A_566 = arith.cmpi eq, %eq3A_564, %eq3A_565 : vector<128x128xi32>
    %eq3A_567 = vector.broadcast %broadcast_in_dim3A_333 : vector<1x128xi32> to vector<128x128xi32>
    %eq3A_568 = vector.broadcast %broadcast_in_dim3A_405 : vector<128x1xi32> to vector<128x128xi32>
    %eq3A_569 = arith.cmpi eq, %eq3A_567, %eq3A_568 : vector<128x128xi32>
    %and3A_570 = arith.andi %eq3A_566, %eq3A_569 : vector<128x128xi1>
    %and3A_571 = arith.andi %and3A_570, %gt3A_284 : vector<128x128xi1>
    %or3A_572 = arith.ori %or3A_563, %and3A_571 : vector<128x128xi1>
    %jit3A_573 = arith.constant 1 : i32
    %jit3A_574 = arith.constant 0 : i32
    %broadcast_in_dim3A_575 = vector.broadcast %jit3A_573 : i32 to vector<128x128xi32>
    %broadcast_in_dim3A_576 = vector.broadcast %jit3A_574 : i32 to vector<128x128xi32>
    %select_n3A_577 = arith.select %or3A_572, %broadcast_in_dim3A_575, %broadcast_in_dim3A_576 : vector<128x128xi1>, vector<128x128xi32>
    %reduce_max3A_578 = arith.constant dense<-2147483648> : vector<128xi32>
    %reduce_max3A_579 = vector.multi_reduction <maxsi>, %select_n3A_577, %reduce_max3A_578 [0] : vector<128x128xi32> to vector<128xi32>
    %eq3A_580 = vector.broadcast %broadcast_in_dim3A_300 : vector<1x128xi32> to vector<128x128xi32>
    %eq3A_581 = vector.broadcast %broadcast_in_dim3A_357 : vector<128x1xi32> to vector<128x128xi32>
    %eq3A_582 = arith.cmpi eq, %eq3A_580, %eq3A_581 : vector<128x128xi32>
    %eq3A_583 = vector.broadcast %broadcast_in_dim3A_336 : vector<1x128xi32> to vector<128x128xi32>
    %eq3A_584 = vector.broadcast %broadcast_in_dim3A_393 : vector<128x1xi32> to vector<128x128xi32>
    %eq3A_585 = arith.cmpi eq, %eq3A_583, %eq3A_584 : vector<128x128xi32>
    %and3A_586 = arith.andi %eq3A_582, %eq3A_585 : vector<128x128xi1>
    %eq3A_587 = vector.broadcast %broadcast_in_dim3A_300 : vector<1x128xi32> to vector<128x128xi32>
    %eq3A_588 = vector.broadcast %broadcast_in_dim3A_360 : vector<128x1xi32> to vector<128x128xi32>
    %eq3A_589 = arith.cmpi eq, %eq3A_587, %eq3A_588 : vector<128x128xi32>
    %eq3A_590 = vector.broadcast %broadcast_in_dim3A_336 : vector<1x128xi32> to vector<128x128xi32>
    %eq3A_591 = vector.broadcast %broadcast_in_dim3A_396 : vector<128x1xi32> to vector<128x128xi32>
    %eq3A_592 = arith.cmpi eq, %eq3A_590, %eq3A_591 : vector<128x128xi32>
    %and3A_593 = arith.andi %eq3A_589, %eq3A_592 : vector<128x128xi1>
    %or3A_594 = arith.ori %and3A_586, %and3A_593 : vector<128x128xi1>
    %eq3A_595 = vector.broadcast %broadcast_in_dim3A_300 : vector<1x128xi32> to vector<128x128xi32>
    %eq3A_596 = vector.broadcast %broadcast_in_dim3A_363 : vector<128x1xi32> to vector<128x128xi32>
    %eq3A_597 = arith.cmpi eq, %eq3A_595, %eq3A_596 : vector<128x128xi32>
    %eq3A_598 = vector.broadcast %broadcast_in_dim3A_336 : vector<1x128xi32> to vector<128x128xi32>
    %eq3A_599 = vector.broadcast %broadcast_in_dim3A_399 : vector<128x1xi32> to vector<128x128xi32>
    %eq3A_600 = arith.cmpi eq, %eq3A_598, %eq3A_599 : vector<128x128xi32>
    %and3A_601 = arith.andi %eq3A_597, %eq3A_600 : vector<128x128xi1>
    %or3A_602 = arith.ori %or3A_594, %and3A_601 : vector<128x128xi1>
    %eq3A_603 = vector.broadcast %broadcast_in_dim3A_300 : vector<1x128xi32> to vector<128x128xi32>
    %eq3A_604 = vector.broadcast %broadcast_in_dim3A_366 : vector<128x1xi32> to vector<128x128xi32>
    %eq3A_605 = arith.cmpi eq, %eq3A_603, %eq3A_604 : vector<128x128xi32>
    %eq3A_606 = vector.broadcast %broadcast_in_dim3A_336 : vector<1x128xi32> to vector<128x128xi32>
    %eq3A_607 = vector.broadcast %broadcast_in_dim3A_402 : vector<128x1xi32> to vector<128x128xi32>
    %eq3A_608 = arith.cmpi eq, %eq3A_606, %eq3A_607 : vector<128x128xi32>
    %and3A_609 = arith.andi %eq3A_605, %eq3A_608 : vector<128x128xi1>
    %or3A_610 = arith.ori %or3A_602, %and3A_609 : vector<128x128xi1>
    %eq3A_611 = vector.broadcast %broadcast_in_dim3A_300 : vector<1x128xi32> to vector<128x128xi32>
    %eq3A_612 = vector.broadcast %broadcast_in_dim3A_369 : vector<128x1xi32> to vector<128x128xi32>
    %eq3A_613 = arith.cmpi eq, %eq3A_611, %eq3A_612 : vector<128x128xi32>
    %eq3A_614 = vector.broadcast %broadcast_in_dim3A_336 : vector<1x128xi32> to vector<128x128xi32>
    %eq3A_615 = vector.broadcast %broadcast_in_dim3A_405 : vector<128x1xi32> to vector<128x128xi32>
    %eq3A_616 = arith.cmpi eq, %eq3A_614, %eq3A_615 : vector<128x128xi32>
    %and3A_617 = arith.andi %eq3A_613, %eq3A_616 : vector<128x128xi1>
    %or3A_618 = arith.ori %or3A_610, %and3A_617 : vector<128x128xi1>
    %eq3A_619 = vector.broadcast %broadcast_in_dim3A_300 : vector<1x128xi32> to vector<128x128xi32>
    %eq3A_620 = vector.broadcast %broadcast_in_dim3A_372 : vector<128x1xi32> to vector<128x128xi32>
    %eq3A_621 = arith.cmpi eq, %eq3A_619, %eq3A_620 : vector<128x128xi32>
    %eq3A_622 = vector.broadcast %broadcast_in_dim3A_336 : vector<1x128xi32> to vector<128x128xi32>
    %eq3A_623 = vector.broadcast %broadcast_in_dim3A_408 : vector<128x1xi32> to vector<128x128xi32>
    %eq3A_624 = arith.cmpi eq, %eq3A_622, %eq3A_623 : vector<128x128xi32>
    %and3A_625 = arith.andi %eq3A_621, %eq3A_624 : vector<128x128xi1>
    %and3A_626 = arith.andi %and3A_625, %gt3A_284 : vector<128x128xi1>
    %or3A_627 = arith.ori %or3A_618, %and3A_626 : vector<128x128xi1>
    %jit3A_628 = arith.constant 1 : i32
    %jit3A_629 = arith.constant 0 : i32
    %broadcast_in_dim3A_630 = vector.broadcast %jit3A_628 : i32 to vector<128x128xi32>
    %broadcast_in_dim3A_631 = vector.broadcast %jit3A_629 : i32 to vector<128x128xi32>
    %select_n3A_632 = arith.select %or3A_627, %broadcast_in_dim3A_630, %broadcast_in_dim3A_631 : vector<128x128xi1>, vector<128x128xi32>
    %reduce_max3A_633 = arith.constant dense<-2147483648> : vector<128xi32>
    %reduce_max3A_634 = vector.multi_reduction <maxsi>, %select_n3A_632, %reduce_max3A_633 [0] : vector<128x128xi32> to vector<128xi32>
    %eq3A_635 = vector.broadcast %broadcast_in_dim3A_303 : vector<1x128xi32> to vector<128x128xi32>
    %eq3A_636 = vector.broadcast %broadcast_in_dim3A_357 : vector<128x1xi32> to vector<128x128xi32>
    %eq3A_637 = arith.cmpi eq, %eq3A_635, %eq3A_636 : vector<128x128xi32>
    %eq3A_638 = vector.broadcast %broadcast_in_dim3A_339 : vector<1x128xi32> to vector<128x128xi32>
    %eq3A_639 = vector.broadcast %broadcast_in_dim3A_393 : vector<128x1xi32> to vector<128x128xi32>
    %eq3A_640 = arith.cmpi eq, %eq3A_638, %eq3A_639 : vector<128x128xi32>
    %and3A_641 = arith.andi %eq3A_637, %eq3A_640 : vector<128x128xi1>
    %eq3A_642 = vector.broadcast %broadcast_in_dim3A_303 : vector<1x128xi32> to vector<128x128xi32>
    %eq3A_643 = vector.broadcast %broadcast_in_dim3A_360 : vector<128x1xi32> to vector<128x128xi32>
    %eq3A_644 = arith.cmpi eq, %eq3A_642, %eq3A_643 : vector<128x128xi32>
    %eq3A_645 = vector.broadcast %broadcast_in_dim3A_339 : vector<1x128xi32> to vector<128x128xi32>
    %eq3A_646 = vector.broadcast %broadcast_in_dim3A_396 : vector<128x1xi32> to vector<128x128xi32>
    %eq3A_647 = arith.cmpi eq, %eq3A_645, %eq3A_646 : vector<128x128xi32>
    %and3A_648 = arith.andi %eq3A_644, %eq3A_647 : vector<128x128xi1>
    %or3A_649 = arith.ori %and3A_641, %and3A_648 : vector<128x128xi1>
    %eq3A_650 = vector.broadcast %broadcast_in_dim3A_303 : vector<1x128xi32> to vector<128x128xi32>
    %eq3A_651 = vector.broadcast %broadcast_in_dim3A_363 : vector<128x1xi32> to vector<128x128xi32>
    %eq3A_652 = arith.cmpi eq, %eq3A_650, %eq3A_651 : vector<128x128xi32>
    %eq3A_653 = vector.broadcast %broadcast_in_dim3A_339 : vector<1x128xi32> to vector<128x128xi32>
    %eq3A_654 = vector.broadcast %broadcast_in_dim3A_399 : vector<128x1xi32> to vector<128x128xi32>
    %eq3A_655 = arith.cmpi eq, %eq3A_653, %eq3A_654 : vector<128x128xi32>
    %and3A_656 = arith.andi %eq3A_652, %eq3A_655 : vector<128x128xi1>
    %or3A_657 = arith.ori %or3A_649, %and3A_656 : vector<128x128xi1>
    %eq3A_658 = vector.broadcast %broadcast_in_dim3A_303 : vector<1x128xi32> to vector<128x128xi32>
    %eq3A_659 = vector.broadcast %broadcast_in_dim3A_366 : vector<128x1xi32> to vector<128x128xi32>
    %eq3A_660 = arith.cmpi eq, %eq3A_658, %eq3A_659 : vector<128x128xi32>
    %eq3A_661 = vector.broadcast %broadcast_in_dim3A_339 : vector<1x128xi32> to vector<128x128xi32>
    %eq3A_662 = vector.broadcast %broadcast_in_dim3A_402 : vector<128x1xi32> to vector<128x128xi32>
    %eq3A_663 = arith.cmpi eq, %eq3A_661, %eq3A_662 : vector<128x128xi32>
    %and3A_664 = arith.andi %eq3A_660, %eq3A_663 : vector<128x128xi1>
    %or3A_665 = arith.ori %or3A_657, %and3A_664 : vector<128x128xi1>
    %eq3A_666 = vector.broadcast %broadcast_in_dim3A_303 : vector<1x128xi32> to vector<128x128xi32>
    %eq3A_667 = vector.broadcast %broadcast_in_dim3A_369 : vector<128x1xi32> to vector<128x128xi32>
    %eq3A_668 = arith.cmpi eq, %eq3A_666, %eq3A_667 : vector<128x128xi32>
    %eq3A_669 = vector.broadcast %broadcast_in_dim3A_339 : vector<1x128xi32> to vector<128x128xi32>
    %eq3A_670 = vector.broadcast %broadcast_in_dim3A_405 : vector<128x1xi32> to vector<128x128xi32>
    %eq3A_671 = arith.cmpi eq, %eq3A_669, %eq3A_670 : vector<128x128xi32>
    %and3A_672 = arith.andi %eq3A_668, %eq3A_671 : vector<128x128xi1>
    %or3A_673 = arith.ori %or3A_665, %and3A_672 : vector<128x128xi1>
    %eq3A_674 = vector.broadcast %broadcast_in_dim3A_303 : vector<1x128xi32> to vector<128x128xi32>
    %eq3A_675 = vector.broadcast %broadcast_in_dim3A_372 : vector<128x1xi32> to vector<128x128xi32>
    %eq3A_676 = arith.cmpi eq, %eq3A_674, %eq3A_675 : vector<128x128xi32>
    %eq3A_677 = vector.broadcast %broadcast_in_dim3A_339 : vector<1x128xi32> to vector<128x128xi32>
    %eq3A_678 = vector.broadcast %broadcast_in_dim3A_408 : vector<128x1xi32> to vector<128x128xi32>
    %eq3A_679 = arith.cmpi eq, %eq3A_677, %eq3A_678 : vector<128x128xi32>
    %and3A_680 = arith.andi %eq3A_676, %eq3A_679 : vector<128x128xi1>
    %or3A_681 = arith.ori %or3A_673, %and3A_680 : vector<128x128xi1>
    %eq3A_682 = vector.broadcast %broadcast_in_dim3A_303 : vector<1x128xi32> to vector<128x128xi32>
    %eq3A_683 = vector.broadcast %broadcast_in_dim3A_375 : vector<128x1xi32> to vector<128x128xi32>
    %eq3A_684 = arith.cmpi eq, %eq3A_682, %eq3A_683 : vector<128x128xi32>
    %eq3A_685 = vector.broadcast %broadcast_in_dim3A_339 : vector<1x128xi32> to vector<128x128xi32>
    %eq3A_686 = vector.broadcast %broadcast_in_dim3A_411 : vector<128x1xi32> to vector<128x128xi32>
    %eq3A_687 = arith.cmpi eq, %eq3A_685, %eq3A_686 : vector<128x128xi32>
    %and3A_688 = arith.andi %eq3A_684, %eq3A_687 : vector<128x128xi1>
    %and3A_689 = arith.andi %and3A_688, %gt3A_284 : vector<128x128xi1>
    %or3A_690 = arith.ori %or3A_681, %and3A_689 : vector<128x128xi1>
    %jit3A_691 = arith.constant 1 : i32
    %jit3A_692 = arith.constant 0 : i32
    %broadcast_in_dim3A_693 = vector.broadcast %jit3A_691 : i32 to vector<128x128xi32>
    %broadcast_in_dim3A_694 = vector.broadcast %jit3A_692 : i32 to vector<128x128xi32>
    %select_n3A_695 = arith.select %or3A_690, %broadcast_in_dim3A_693, %broadcast_in_dim3A_694 : vector<128x128xi1>, vector<128x128xi32>
    %reduce_max3A_696 = arith.constant dense<-2147483648> : vector<128xi32>
    %reduce_max3A_697 = vector.multi_reduction <maxsi>, %select_n3A_695, %reduce_max3A_696 [0] : vector<128x128xi32> to vector<128xi32>
    %eq3A_698 = vector.broadcast %broadcast_in_dim3A_306 : vector<1x128xi32> to vector<128x128xi32>
    %eq3A_699 = vector.broadcast %broadcast_in_dim3A_357 : vector<128x1xi32> to vector<128x128xi32>
    %eq3A_700 = arith.cmpi eq, %eq3A_698, %eq3A_699 : vector<128x128xi32>
    %eq3A_701 = vector.broadcast %broadcast_in_dim3A_342 : vector<1x128xi32> to vector<128x128xi32>
    %eq3A_702 = vector.broadcast %broadcast_in_dim3A_393 : vector<128x1xi32> to vector<128x128xi32>
    %eq3A_703 = arith.cmpi eq, %eq3A_701, %eq3A_702 : vector<128x128xi32>
    %and3A_704 = arith.andi %eq3A_700, %eq3A_703 : vector<128x128xi1>
    %eq3A_705 = vector.broadcast %broadcast_in_dim3A_306 : vector<1x128xi32> to vector<128x128xi32>
    %eq3A_706 = vector.broadcast %broadcast_in_dim3A_360 : vector<128x1xi32> to vector<128x128xi32>
    %eq3A_707 = arith.cmpi eq, %eq3A_705, %eq3A_706 : vector<128x128xi32>
    %eq3A_708 = vector.broadcast %broadcast_in_dim3A_342 : vector<1x128xi32> to vector<128x128xi32>
    %eq3A_709 = vector.broadcast %broadcast_in_dim3A_396 : vector<128x1xi32> to vector<128x128xi32>
    %eq3A_710 = arith.cmpi eq, %eq3A_708, %eq3A_709 : vector<128x128xi32>
    %and3A_711 = arith.andi %eq3A_707, %eq3A_710 : vector<128x128xi1>
    %or3A_712 = arith.ori %and3A_704, %and3A_711 : vector<128x128xi1>
    %eq3A_713 = vector.broadcast %broadcast_in_dim3A_306 : vector<1x128xi32> to vector<128x128xi32>
    %eq3A_714 = vector.broadcast %broadcast_in_dim3A_363 : vector<128x1xi32> to vector<128x128xi32>
    %eq3A_715 = arith.cmpi eq, %eq3A_713, %eq3A_714 : vector<128x128xi32>
    %eq3A_716 = vector.broadcast %broadcast_in_dim3A_342 : vector<1x128xi32> to vector<128x128xi32>
    %eq3A_717 = vector.broadcast %broadcast_in_dim3A_399 : vector<128x1xi32> to vector<128x128xi32>
    %eq3A_718 = arith.cmpi eq, %eq3A_716, %eq3A_717 : vector<128x128xi32>
    %and3A_719 = arith.andi %eq3A_715, %eq3A_718 : vector<128x128xi1>
    %or3A_720 = arith.ori %or3A_712, %and3A_719 : vector<128x128xi1>
    %eq3A_721 = vector.broadcast %broadcast_in_dim3A_306 : vector<1x128xi32> to vector<128x128xi32>
    %eq3A_722 = vector.broadcast %broadcast_in_dim3A_366 : vector<128x1xi32> to vector<128x128xi32>
    %eq3A_723 = arith.cmpi eq, %eq3A_721, %eq3A_722 : vector<128x128xi32>
    %eq3A_724 = vector.broadcast %broadcast_in_dim3A_342 : vector<1x128xi32> to vector<128x128xi32>
    %eq3A_725 = vector.broadcast %broadcast_in_dim3A_402 : vector<128x1xi32> to vector<128x128xi32>
    %eq3A_726 = arith.cmpi eq, %eq3A_724, %eq3A_725 : vector<128x128xi32>
    %and3A_727 = arith.andi %eq3A_723, %eq3A_726 : vector<128x128xi1>
    %or3A_728 = arith.ori %or3A_720, %and3A_727 : vector<128x128xi1>
    %eq3A_729 = vector.broadcast %broadcast_in_dim3A_306 : vector<1x128xi32> to vector<128x128xi32>
    %eq3A_730 = vector.broadcast %broadcast_in_dim3A_369 : vector<128x1xi32> to vector<128x128xi32>
    %eq3A_731 = arith.cmpi eq, %eq3A_729, %eq3A_730 : vector<128x128xi32>
    %eq3A_732 = vector.broadcast %broadcast_in_dim3A_342 : vector<1x128xi32> to vector<128x128xi32>
    %eq3A_733 = vector.broadcast %broadcast_in_dim3A_405 : vector<128x1xi32> to vector<128x128xi32>
    %eq3A_734 = arith.cmpi eq, %eq3A_732, %eq3A_733 : vector<128x128xi32>
    %and3A_735 = arith.andi %eq3A_731, %eq3A_734 : vector<128x128xi1>
    %or3A_736 = arith.ori %or3A_728, %and3A_735 : vector<128x128xi1>
    %eq3A_737 = vector.broadcast %broadcast_in_dim3A_306 : vector<1x128xi32> to vector<128x128xi32>
    %eq3A_738 = vector.broadcast %broadcast_in_dim3A_372 : vector<128x1xi32> to vector<128x128xi32>
    %eq3A_739 = arith.cmpi eq, %eq3A_737, %eq3A_738 : vector<128x128xi32>
    %eq3A_740 = vector.broadcast %broadcast_in_dim3A_342 : vector<1x128xi32> to vector<128x128xi32>
    %eq3A_741 = vector.broadcast %broadcast_in_dim3A_408 : vector<128x1xi32> to vector<128x128xi32>
    %eq3A_742 = arith.cmpi eq, %eq3A_740, %eq3A_741 : vector<128x128xi32>
    %and3A_743 = arith.andi %eq3A_739, %eq3A_742 : vector<128x128xi1>
    %or3A_744 = arith.ori %or3A_736, %and3A_743 : vector<128x128xi1>
    %eq3A_745 = vector.broadcast %broadcast_in_dim3A_306 : vector<1x128xi32> to vector<128x128xi32>
    %eq3A_746 = vector.broadcast %broadcast_in_dim3A_375 : vector<128x1xi32> to vector<128x128xi32>
    %eq3A_747 = arith.cmpi eq, %eq3A_745, %eq3A_746 : vector<128x128xi32>
    %eq3A_748 = vector.broadcast %broadcast_in_dim3A_342 : vector<1x128xi32> to vector<128x128xi32>
    %eq3A_749 = vector.broadcast %broadcast_in_dim3A_411 : vector<128x1xi32> to vector<128x128xi32>
    %eq3A_750 = arith.cmpi eq, %eq3A_748, %eq3A_749 : vector<128x128xi32>
    %and3A_751 = arith.andi %eq3A_747, %eq3A_750 : vector<128x128xi1>
    %or3A_752 = arith.ori %or3A_744, %and3A_751 : vector<128x128xi1>
    %eq3A_753 = vector.broadcast %broadcast_in_dim3A_306 : vector<1x128xi32> to vector<128x128xi32>
    %eq3A_754 = vector.broadcast %broadcast_in_dim3A_378 : vector<128x1xi32> to vector<128x128xi32>
    %eq3A_755 = arith.cmpi eq, %eq3A_753, %eq3A_754 : vector<128x128xi32>
    %eq3A_756 = vector.broadcast %broadcast_in_dim3A_342 : vector<1x128xi32> to vector<128x128xi32>
    %eq3A_757 = vector.broadcast %broadcast_in_dim3A_414 : vector<128x1xi32> to vector<128x128xi32>
    %eq3A_758 = arith.cmpi eq, %eq3A_756, %eq3A_757 : vector<128x128xi32>
    %and3A_759 = arith.andi %eq3A_755, %eq3A_758 : vector<128x128xi1>
    %and3A_760 = arith.andi %and3A_759, %gt3A_284 : vector<128x128xi1>
    %or3A_761 = arith.ori %or3A_752, %and3A_760 : vector<128x128xi1>
    %jit3A_762 = arith.constant 1 : i32
    %jit3A_763 = arith.constant 0 : i32
    %broadcast_in_dim3A_764 = vector.broadcast %jit3A_762 : i32 to vector<128x128xi32>
    %broadcast_in_dim3A_765 = vector.broadcast %jit3A_763 : i32 to vector<128x128xi32>
    %select_n3A_766 = arith.select %or3A_761, %broadcast_in_dim3A_764, %broadcast_in_dim3A_765 : vector<128x128xi1>, vector<128x128xi32>
    %reduce_max3A_767 = arith.constant dense<-2147483648> : vector<128xi32>
    %reduce_max3A_768 = vector.multi_reduction <maxsi>, %select_n3A_766, %reduce_max3A_767 [0] : vector<128x128xi32> to vector<128xi32>
    %eq3A_769 = vector.broadcast %broadcast_in_dim3A_309 : vector<1x128xi32> to vector<128x128xi32>
    %eq3A_770 = vector.broadcast %broadcast_in_dim3A_357 : vector<128x1xi32> to vector<128x128xi32>
    %eq3A_771 = arith.cmpi eq, %eq3A_769, %eq3A_770 : vector<128x128xi32>
    %eq3A_772 = vector.broadcast %broadcast_in_dim3A_345 : vector<1x128xi32> to vector<128x128xi32>
    %eq3A_773 = vector.broadcast %broadcast_in_dim3A_393 : vector<128x1xi32> to vector<128x128xi32>
    %eq3A_774 = arith.cmpi eq, %eq3A_772, %eq3A_773 : vector<128x128xi32>
    %and3A_775 = arith.andi %eq3A_771, %eq3A_774 : vector<128x128xi1>
    %eq3A_776 = vector.broadcast %broadcast_in_dim3A_309 : vector<1x128xi32> to vector<128x128xi32>
    %eq3A_777 = vector.broadcast %broadcast_in_dim3A_360 : vector<128x1xi32> to vector<128x128xi32>
    %eq3A_778 = arith.cmpi eq, %eq3A_776, %eq3A_777 : vector<128x128xi32>
    %eq3A_779 = vector.broadcast %broadcast_in_dim3A_345 : vector<1x128xi32> to vector<128x128xi32>
    %eq3A_780 = vector.broadcast %broadcast_in_dim3A_396 : vector<128x1xi32> to vector<128x128xi32>
    %eq3A_781 = arith.cmpi eq, %eq3A_779, %eq3A_780 : vector<128x128xi32>
    %and3A_782 = arith.andi %eq3A_778, %eq3A_781 : vector<128x128xi1>
    %or3A_783 = arith.ori %and3A_775, %and3A_782 : vector<128x128xi1>
    %eq3A_784 = vector.broadcast %broadcast_in_dim3A_309 : vector<1x128xi32> to vector<128x128xi32>
    %eq3A_785 = vector.broadcast %broadcast_in_dim3A_363 : vector<128x1xi32> to vector<128x128xi32>
    %eq3A_786 = arith.cmpi eq, %eq3A_784, %eq3A_785 : vector<128x128xi32>
    %eq3A_787 = vector.broadcast %broadcast_in_dim3A_345 : vector<1x128xi32> to vector<128x128xi32>
    %eq3A_788 = vector.broadcast %broadcast_in_dim3A_399 : vector<128x1xi32> to vector<128x128xi32>
    %eq3A_789 = arith.cmpi eq, %eq3A_787, %eq3A_788 : vector<128x128xi32>
    %and3A_790 = arith.andi %eq3A_786, %eq3A_789 : vector<128x128xi1>
    %or3A_791 = arith.ori %or3A_783, %and3A_790 : vector<128x128xi1>
    %eq3A_792 = vector.broadcast %broadcast_in_dim3A_309 : vector<1x128xi32> to vector<128x128xi32>
    %eq3A_793 = vector.broadcast %broadcast_in_dim3A_366 : vector<128x1xi32> to vector<128x128xi32>
    %eq3A_794 = arith.cmpi eq, %eq3A_792, %eq3A_793 : vector<128x128xi32>
    %eq3A_795 = vector.broadcast %broadcast_in_dim3A_345 : vector<1x128xi32> to vector<128x128xi32>
    %eq3A_796 = vector.broadcast %broadcast_in_dim3A_402 : vector<128x1xi32> to vector<128x128xi32>
    %eq3A_797 = arith.cmpi eq, %eq3A_795, %eq3A_796 : vector<128x128xi32>
    %and3A_798 = arith.andi %eq3A_794, %eq3A_797 : vector<128x128xi1>
    %or3A_799 = arith.ori %or3A_791, %and3A_798 : vector<128x128xi1>
    %eq3A_800 = vector.broadcast %broadcast_in_dim3A_309 : vector<1x128xi32> to vector<128x128xi32>
    %eq3A_801 = vector.broadcast %broadcast_in_dim3A_369 : vector<128x1xi32> to vector<128x128xi32>
    %eq3A_802 = arith.cmpi eq, %eq3A_800, %eq3A_801 : vector<128x128xi32>
    %eq3A_803 = vector.broadcast %broadcast_in_dim3A_345 : vector<1x128xi32> to vector<128x128xi32>
    %eq3A_804 = vector.broadcast %broadcast_in_dim3A_405 : vector<128x1xi32> to vector<128x128xi32>
    %eq3A_805 = arith.cmpi eq, %eq3A_803, %eq3A_804 : vector<128x128xi32>
    %and3A_806 = arith.andi %eq3A_802, %eq3A_805 : vector<128x128xi1>
    %or3A_807 = arith.ori %or3A_799, %and3A_806 : vector<128x128xi1>
    %eq3A_808 = vector.broadcast %broadcast_in_dim3A_309 : vector<1x128xi32> to vector<128x128xi32>
    %eq3A_809 = vector.broadcast %broadcast_in_dim3A_372 : vector<128x1xi32> to vector<128x128xi32>
    %eq3A_810 = arith.cmpi eq, %eq3A_808, %eq3A_809 : vector<128x128xi32>
    %eq3A_811 = vector.broadcast %broadcast_in_dim3A_345 : vector<1x128xi32> to vector<128x128xi32>
    %eq3A_812 = vector.broadcast %broadcast_in_dim3A_408 : vector<128x1xi32> to vector<128x128xi32>
    %eq3A_813 = arith.cmpi eq, %eq3A_811, %eq3A_812 : vector<128x128xi32>
    %and3A_814 = arith.andi %eq3A_810, %eq3A_813 : vector<128x128xi1>
    %or3A_815 = arith.ori %or3A_807, %and3A_814 : vector<128x128xi1>
    %eq3A_816 = vector.broadcast %broadcast_in_dim3A_309 : vector<1x128xi32> to vector<128x128xi32>
    %eq3A_817 = vector.broadcast %broadcast_in_dim3A_375 : vector<128x1xi32> to vector<128x128xi32>
    %eq3A_818 = arith.cmpi eq, %eq3A_816, %eq3A_817 : vector<128x128xi32>
    %eq3A_819 = vector.broadcast %broadcast_in_dim3A_345 : vector<1x128xi32> to vector<128x128xi32>
    %eq3A_820 = vector.broadcast %broadcast_in_dim3A_411 : vector<128x1xi32> to vector<128x128xi32>
    %eq3A_821 = arith.cmpi eq, %eq3A_819, %eq3A_820 : vector<128x128xi32>
    %and3A_822 = arith.andi %eq3A_818, %eq3A_821 : vector<128x128xi1>
    %or3A_823 = arith.ori %or3A_815, %and3A_822 : vector<128x128xi1>
    %eq3A_824 = vector.broadcast %broadcast_in_dim3A_309 : vector<1x128xi32> to vector<128x128xi32>
    %eq3A_825 = vector.broadcast %broadcast_in_dim3A_378 : vector<128x1xi32> to vector<128x128xi32>
    %eq3A_826 = arith.cmpi eq, %eq3A_824, %eq3A_825 : vector<128x128xi32>
    %eq3A_827 = vector.broadcast %broadcast_in_dim3A_345 : vector<1x128xi32> to vector<128x128xi32>
    %eq3A_828 = vector.broadcast %broadcast_in_dim3A_414 : vector<128x1xi32> to vector<128x128xi32>
    %eq3A_829 = arith.cmpi eq, %eq3A_827, %eq3A_828 : vector<128x128xi32>
    %and3A_830 = arith.andi %eq3A_826, %eq3A_829 : vector<128x128xi1>
    %or3A_831 = arith.ori %or3A_823, %and3A_830 : vector<128x128xi1>
    %eq3A_832 = vector.broadcast %broadcast_in_dim3A_309 : vector<1x128xi32> to vector<128x128xi32>
    %eq3A_833 = vector.broadcast %broadcast_in_dim3A_381 : vector<128x1xi32> to vector<128x128xi32>
    %eq3A_834 = arith.cmpi eq, %eq3A_832, %eq3A_833 : vector<128x128xi32>
    %eq3A_835 = vector.broadcast %broadcast_in_dim3A_345 : vector<1x128xi32> to vector<128x128xi32>
    %eq3A_836 = vector.broadcast %broadcast_in_dim3A_417 : vector<128x1xi32> to vector<128x128xi32>
    %eq3A_837 = arith.cmpi eq, %eq3A_835, %eq3A_836 : vector<128x128xi32>
    %and3A_838 = arith.andi %eq3A_834, %eq3A_837 : vector<128x128xi1>
    %and3A_839 = arith.andi %and3A_838, %gt3A_284 : vector<128x128xi1>
    %or3A_840 = arith.ori %or3A_831, %and3A_839 : vector<128x128xi1>
    %jit3A_841 = arith.constant 1 : i32
    %jit3A_842 = arith.constant 0 : i32
    %broadcast_in_dim3A_843 = vector.broadcast %jit3A_841 : i32 to vector<128x128xi32>
    %broadcast_in_dim3A_844 = vector.broadcast %jit3A_842 : i32 to vector<128x128xi32>
    %select_n3A_845 = arith.select %or3A_840, %broadcast_in_dim3A_843, %broadcast_in_dim3A_844 : vector<128x128xi1>, vector<128x128xi32>
    %reduce_max3A_846 = arith.constant dense<-2147483648> : vector<128xi32>
    %reduce_max3A_847 = vector.multi_reduction <maxsi>, %select_n3A_845, %reduce_max3A_846 [0] : vector<128x128xi32> to vector<128xi32>
    %eq3A_848 = vector.broadcast %broadcast_in_dim3A_312 : vector<1x128xi32> to vector<128x128xi32>
    %eq3A_849 = vector.broadcast %broadcast_in_dim3A_357 : vector<128x1xi32> to vector<128x128xi32>
    %eq3A_850 = arith.cmpi eq, %eq3A_848, %eq3A_849 : vector<128x128xi32>
    %eq3A_851 = vector.broadcast %broadcast_in_dim3A_348 : vector<1x128xi32> to vector<128x128xi32>
    %eq3A_852 = vector.broadcast %broadcast_in_dim3A_393 : vector<128x1xi32> to vector<128x128xi32>
    %eq3A_853 = arith.cmpi eq, %eq3A_851, %eq3A_852 : vector<128x128xi32>
    %and3A_854 = arith.andi %eq3A_850, %eq3A_853 : vector<128x128xi1>
    %eq3A_855 = vector.broadcast %broadcast_in_dim3A_312 : vector<1x128xi32> to vector<128x128xi32>
    %eq3A_856 = vector.broadcast %broadcast_in_dim3A_360 : vector<128x1xi32> to vector<128x128xi32>
    %eq3A_857 = arith.cmpi eq, %eq3A_855, %eq3A_856 : vector<128x128xi32>
    %eq3A_858 = vector.broadcast %broadcast_in_dim3A_348 : vector<1x128xi32> to vector<128x128xi32>
    %eq3A_859 = vector.broadcast %broadcast_in_dim3A_396 : vector<128x1xi32> to vector<128x128xi32>
    %eq3A_860 = arith.cmpi eq, %eq3A_858, %eq3A_859 : vector<128x128xi32>
    %and3A_861 = arith.andi %eq3A_857, %eq3A_860 : vector<128x128xi1>
    %or3A_862 = arith.ori %and3A_854, %and3A_861 : vector<128x128xi1>
    %eq3A_863 = vector.broadcast %broadcast_in_dim3A_312 : vector<1x128xi32> to vector<128x128xi32>
    %eq3A_864 = vector.broadcast %broadcast_in_dim3A_363 : vector<128x1xi32> to vector<128x128xi32>
    %eq3A_865 = arith.cmpi eq, %eq3A_863, %eq3A_864 : vector<128x128xi32>
    %eq3A_866 = vector.broadcast %broadcast_in_dim3A_348 : vector<1x128xi32> to vector<128x128xi32>
    %eq3A_867 = vector.broadcast %broadcast_in_dim3A_399 : vector<128x1xi32> to vector<128x128xi32>
    %eq3A_868 = arith.cmpi eq, %eq3A_866, %eq3A_867 : vector<128x128xi32>
    %and3A_869 = arith.andi %eq3A_865, %eq3A_868 : vector<128x128xi1>
    %or3A_870 = arith.ori %or3A_862, %and3A_869 : vector<128x128xi1>
    %eq3A_871 = vector.broadcast %broadcast_in_dim3A_312 : vector<1x128xi32> to vector<128x128xi32>
    %eq3A_872 = vector.broadcast %broadcast_in_dim3A_366 : vector<128x1xi32> to vector<128x128xi32>
    %eq3A_873 = arith.cmpi eq, %eq3A_871, %eq3A_872 : vector<128x128xi32>
    %eq3A_874 = vector.broadcast %broadcast_in_dim3A_348 : vector<1x128xi32> to vector<128x128xi32>
    %eq3A_875 = vector.broadcast %broadcast_in_dim3A_402 : vector<128x1xi32> to vector<128x128xi32>
    %eq3A_876 = arith.cmpi eq, %eq3A_874, %eq3A_875 : vector<128x128xi32>
    %and3A_877 = arith.andi %eq3A_873, %eq3A_876 : vector<128x128xi1>
    %or3A_878 = arith.ori %or3A_870, %and3A_877 : vector<128x128xi1>
    %eq3A_879 = vector.broadcast %broadcast_in_dim3A_312 : vector<1x128xi32> to vector<128x128xi32>
    %eq3A_880 = vector.broadcast %broadcast_in_dim3A_369 : vector<128x1xi32> to vector<128x128xi32>
    %eq3A_881 = arith.cmpi eq, %eq3A_879, %eq3A_880 : vector<128x128xi32>
    %eq3A_882 = vector.broadcast %broadcast_in_dim3A_348 : vector<1x128xi32> to vector<128x128xi32>
    %eq3A_883 = vector.broadcast %broadcast_in_dim3A_405 : vector<128x1xi32> to vector<128x128xi32>
    %eq3A_884 = arith.cmpi eq, %eq3A_882, %eq3A_883 : vector<128x128xi32>
    %and3A_885 = arith.andi %eq3A_881, %eq3A_884 : vector<128x128xi1>
    %or3A_886 = arith.ori %or3A_878, %and3A_885 : vector<128x128xi1>
    %eq3A_887 = vector.broadcast %broadcast_in_dim3A_312 : vector<1x128xi32> to vector<128x128xi32>
    %eq3A_888 = vector.broadcast %broadcast_in_dim3A_372 : vector<128x1xi32> to vector<128x128xi32>
    %eq3A_889 = arith.cmpi eq, %eq3A_887, %eq3A_888 : vector<128x128xi32>
    %eq3A_890 = vector.broadcast %broadcast_in_dim3A_348 : vector<1x128xi32> to vector<128x128xi32>
    %eq3A_891 = vector.broadcast %broadcast_in_dim3A_408 : vector<128x1xi32> to vector<128x128xi32>
    %eq3A_892 = arith.cmpi eq, %eq3A_890, %eq3A_891 : vector<128x128xi32>
    %and3A_893 = arith.andi %eq3A_889, %eq3A_892 : vector<128x128xi1>
    %or3A_894 = arith.ori %or3A_886, %and3A_893 : vector<128x128xi1>
    %eq3A_895 = vector.broadcast %broadcast_in_dim3A_312 : vector<1x128xi32> to vector<128x128xi32>
    %eq3A_896 = vector.broadcast %broadcast_in_dim3A_375 : vector<128x1xi32> to vector<128x128xi32>
    %eq3A_897 = arith.cmpi eq, %eq3A_895, %eq3A_896 : vector<128x128xi32>
    %eq3A_898 = vector.broadcast %broadcast_in_dim3A_348 : vector<1x128xi32> to vector<128x128xi32>
    %eq3A_899 = vector.broadcast %broadcast_in_dim3A_411 : vector<128x1xi32> to vector<128x128xi32>
    %eq3A_900 = arith.cmpi eq, %eq3A_898, %eq3A_899 : vector<128x128xi32>
    %and3A_901 = arith.andi %eq3A_897, %eq3A_900 : vector<128x128xi1>
    %or3A_902 = arith.ori %or3A_894, %and3A_901 : vector<128x128xi1>
    %eq3A_903 = vector.broadcast %broadcast_in_dim3A_312 : vector<1x128xi32> to vector<128x128xi32>
    %eq3A_904 = vector.broadcast %broadcast_in_dim3A_378 : vector<128x1xi32> to vector<128x128xi32>
    %eq3A_905 = arith.cmpi eq, %eq3A_903, %eq3A_904 : vector<128x128xi32>
    %eq3A_906 = vector.broadcast %broadcast_in_dim3A_348 : vector<1x128xi32> to vector<128x128xi32>
    %eq3A_907 = vector.broadcast %broadcast_in_dim3A_414 : vector<128x1xi32> to vector<128x128xi32>
    %eq3A_908 = arith.cmpi eq, %eq3A_906, %eq3A_907 : vector<128x128xi32>
    %and3A_909 = arith.andi %eq3A_905, %eq3A_908 : vector<128x128xi1>
    %or3A_910 = arith.ori %or3A_902, %and3A_909 : vector<128x128xi1>
    %eq3A_911 = vector.broadcast %broadcast_in_dim3A_312 : vector<1x128xi32> to vector<128x128xi32>
    %eq3A_912 = vector.broadcast %broadcast_in_dim3A_381 : vector<128x1xi32> to vector<128x128xi32>
    %eq3A_913 = arith.cmpi eq, %eq3A_911, %eq3A_912 : vector<128x128xi32>
    %eq3A_914 = vector.broadcast %broadcast_in_dim3A_348 : vector<1x128xi32> to vector<128x128xi32>
    %eq3A_915 = vector.broadcast %broadcast_in_dim3A_417 : vector<128x1xi32> to vector<128x128xi32>
    %eq3A_916 = arith.cmpi eq, %eq3A_914, %eq3A_915 : vector<128x128xi32>
    %and3A_917 = arith.andi %eq3A_913, %eq3A_916 : vector<128x128xi1>
    %or3A_918 = arith.ori %or3A_910, %and3A_917 : vector<128x128xi1>
    %eq3A_919 = vector.broadcast %broadcast_in_dim3A_312 : vector<1x128xi32> to vector<128x128xi32>
    %eq3A_920 = vector.broadcast %broadcast_in_dim3A_384 : vector<128x1xi32> to vector<128x128xi32>
    %eq3A_921 = arith.cmpi eq, %eq3A_919, %eq3A_920 : vector<128x128xi32>
    %eq3A_922 = vector.broadcast %broadcast_in_dim3A_348 : vector<1x128xi32> to vector<128x128xi32>
    %eq3A_923 = vector.broadcast %broadcast_in_dim3A_420 : vector<128x1xi32> to vector<128x128xi32>
    %eq3A_924 = arith.cmpi eq, %eq3A_922, %eq3A_923 : vector<128x128xi32>
    %and3A_925 = arith.andi %eq3A_921, %eq3A_924 : vector<128x128xi1>
    %and3A_926 = arith.andi %and3A_925, %gt3A_284 : vector<128x128xi1>
    %or3A_927 = arith.ori %or3A_918, %and3A_926 : vector<128x128xi1>
    %jit3A_928 = arith.constant 1 : i32
    %jit3A_929 = arith.constant 0 : i32
    %broadcast_in_dim3A_930 = vector.broadcast %jit3A_928 : i32 to vector<128x128xi32>
    %broadcast_in_dim3A_931 = vector.broadcast %jit3A_929 : i32 to vector<128x128xi32>
    %select_n3A_932 = arith.select %or3A_927, %broadcast_in_dim3A_930, %broadcast_in_dim3A_931 : vector<128x128xi1>, vector<128x128xi32>
    %reduce_max3A_933 = arith.constant dense<-2147483648> : vector<128xi32>
    %reduce_max3A_934 = vector.multi_reduction <maxsi>, %select_n3A_932, %reduce_max3A_933 [0] : vector<128x128xi32> to vector<128xi32>
    %eq3A_935 = vector.broadcast %broadcast_in_dim3A_315 : vector<1x128xi32> to vector<128x128xi32>
    %eq3A_936 = vector.broadcast %broadcast_in_dim3A_357 : vector<128x1xi32> to vector<128x128xi32>
    %eq3A_937 = arith.cmpi eq, %eq3A_935, %eq3A_936 : vector<128x128xi32>
    %eq3A_938 = vector.broadcast %broadcast_in_dim3A_351 : vector<1x128xi32> to vector<128x128xi32>
    %eq3A_939 = vector.broadcast %broadcast_in_dim3A_393 : vector<128x1xi32> to vector<128x128xi32>
    %eq3A_940 = arith.cmpi eq, %eq3A_938, %eq3A_939 : vector<128x128xi32>
    %and3A_941 = arith.andi %eq3A_937, %eq3A_940 : vector<128x128xi1>
    %eq3A_942 = vector.broadcast %broadcast_in_dim3A_315 : vector<1x128xi32> to vector<128x128xi32>
    %eq3A_943 = vector.broadcast %broadcast_in_dim3A_360 : vector<128x1xi32> to vector<128x128xi32>
    %eq3A_944 = arith.cmpi eq, %eq3A_942, %eq3A_943 : vector<128x128xi32>
    %eq3A_945 = vector.broadcast %broadcast_in_dim3A_351 : vector<1x128xi32> to vector<128x128xi32>
    %eq3A_946 = vector.broadcast %broadcast_in_dim3A_396 : vector<128x1xi32> to vector<128x128xi32>
    %eq3A_947 = arith.cmpi eq, %eq3A_945, %eq3A_946 : vector<128x128xi32>
    %and3A_948 = arith.andi %eq3A_944, %eq3A_947 : vector<128x128xi1>
    %or3A_949 = arith.ori %and3A_941, %and3A_948 : vector<128x128xi1>
    %eq3A_950 = vector.broadcast %broadcast_in_dim3A_315 : vector<1x128xi32> to vector<128x128xi32>
    %eq3A_951 = vector.broadcast %broadcast_in_dim3A_363 : vector<128x1xi32> to vector<128x128xi32>
    %eq3A_952 = arith.cmpi eq, %eq3A_950, %eq3A_951 : vector<128x128xi32>
    %eq3A_953 = vector.broadcast %broadcast_in_dim3A_351 : vector<1x128xi32> to vector<128x128xi32>
    %eq3A_954 = vector.broadcast %broadcast_in_dim3A_399 : vector<128x1xi32> to vector<128x128xi32>
    %eq3A_955 = arith.cmpi eq, %eq3A_953, %eq3A_954 : vector<128x128xi32>
    %and3A_956 = arith.andi %eq3A_952, %eq3A_955 : vector<128x128xi1>
    %or3A_957 = arith.ori %or3A_949, %and3A_956 : vector<128x128xi1>
    %eq3A_958 = vector.broadcast %broadcast_in_dim3A_315 : vector<1x128xi32> to vector<128x128xi32>
    %eq3A_959 = vector.broadcast %broadcast_in_dim3A_366 : vector<128x1xi32> to vector<128x128xi32>
    %eq3A_960 = arith.cmpi eq, %eq3A_958, %eq3A_959 : vector<128x128xi32>
    %eq3A_961 = vector.broadcast %broadcast_in_dim3A_351 : vector<1x128xi32> to vector<128x128xi32>
    %eq3A_962 = vector.broadcast %broadcast_in_dim3A_402 : vector<128x1xi32> to vector<128x128xi32>
    %eq3A_963 = arith.cmpi eq, %eq3A_961, %eq3A_962 : vector<128x128xi32>
    %and3A_964 = arith.andi %eq3A_960, %eq3A_963 : vector<128x128xi1>
    %or3A_965 = arith.ori %or3A_957, %and3A_964 : vector<128x128xi1>
    %eq3A_966 = vector.broadcast %broadcast_in_dim3A_315 : vector<1x128xi32> to vector<128x128xi32>
    %eq3A_967 = vector.broadcast %broadcast_in_dim3A_369 : vector<128x1xi32> to vector<128x128xi32>
    %eq3A_968 = arith.cmpi eq, %eq3A_966, %eq3A_967 : vector<128x128xi32>
    %eq3A_969 = vector.broadcast %broadcast_in_dim3A_351 : vector<1x128xi32> to vector<128x128xi32>
    %eq3A_970 = vector.broadcast %broadcast_in_dim3A_405 : vector<128x1xi32> to vector<128x128xi32>
    %eq3A_971 = arith.cmpi eq, %eq3A_969, %eq3A_970 : vector<128x128xi32>
    %and3A_972 = arith.andi %eq3A_968, %eq3A_971 : vector<128x128xi1>
    %or3A_973 = arith.ori %or3A_965, %and3A_972 : vector<128x128xi1>
    %eq3A_974 = vector.broadcast %broadcast_in_dim3A_315 : vector<1x128xi32> to vector<128x128xi32>
    %eq3A_975 = vector.broadcast %broadcast_in_dim3A_372 : vector<128x1xi32> to vector<128x128xi32>
    %eq3A_976 = arith.cmpi eq, %eq3A_974, %eq3A_975 : vector<128x128xi32>
    %eq3A_977 = vector.broadcast %broadcast_in_dim3A_351 : vector<1x128xi32> to vector<128x128xi32>
    %eq3A_978 = vector.broadcast %broadcast_in_dim3A_408 : vector<128x1xi32> to vector<128x128xi32>
    %eq3A_979 = arith.cmpi eq, %eq3A_977, %eq3A_978 : vector<128x128xi32>
    %and3A_980 = arith.andi %eq3A_976, %eq3A_979 : vector<128x128xi1>
    %or3A_981 = arith.ori %or3A_973, %and3A_980 : vector<128x128xi1>
    %eq3A_982 = vector.broadcast %broadcast_in_dim3A_315 : vector<1x128xi32> to vector<128x128xi32>
    %eq3A_983 = vector.broadcast %broadcast_in_dim3A_375 : vector<128x1xi32> to vector<128x128xi32>
    %eq3A_984 = arith.cmpi eq, %eq3A_982, %eq3A_983 : vector<128x128xi32>
    %eq3A_985 = vector.broadcast %broadcast_in_dim3A_351 : vector<1x128xi32> to vector<128x128xi32>
    %eq3A_986 = vector.broadcast %broadcast_in_dim3A_411 : vector<128x1xi32> to vector<128x128xi32>
    %eq3A_987 = arith.cmpi eq, %eq3A_985, %eq3A_986 : vector<128x128xi32>
    %and3A_988 = arith.andi %eq3A_984, %eq3A_987 : vector<128x128xi1>
    %or3A_989 = arith.ori %or3A_981, %and3A_988 : vector<128x128xi1>
    %eq3A_990 = vector.broadcast %broadcast_in_dim3A_315 : vector<1x128xi32> to vector<128x128xi32>
    %eq3A_991 = vector.broadcast %broadcast_in_dim3A_378 : vector<128x1xi32> to vector<128x128xi32>
    %eq3A_992 = arith.cmpi eq, %eq3A_990, %eq3A_991 : vector<128x128xi32>
    %eq3A_993 = vector.broadcast %broadcast_in_dim3A_351 : vector<1x128xi32> to vector<128x128xi32>
    %eq3A_994 = vector.broadcast %broadcast_in_dim3A_414 : vector<128x1xi32> to vector<128x128xi32>
    %eq3A_995 = arith.cmpi eq, %eq3A_993, %eq3A_994 : vector<128x128xi32>
    %and3A_996 = arith.andi %eq3A_992, %eq3A_995 : vector<128x128xi1>
    %or3A_997 = arith.ori %or3A_989, %and3A_996 : vector<128x128xi1>
    %eq3A_998 = vector.broadcast %broadcast_in_dim3A_315 : vector<1x128xi32> to vector<128x128xi32>
    %eq3A_999 = vector.broadcast %broadcast_in_dim3A_381 : vector<128x1xi32> to vector<128x128xi32>
    %eq3A_1000 = arith.cmpi eq, %eq3A_998, %eq3A_999 : vector<128x128xi32>
    %eq3A_1001 = vector.broadcast %broadcast_in_dim3A_351 : vector<1x128xi32> to vector<128x128xi32>
    %eq3A_1002 = vector.broadcast %broadcast_in_dim3A_417 : vector<128x1xi32> to vector<128x128xi32>
    %eq3A_1003 = arith.cmpi eq, %eq3A_1001, %eq3A_1002 : vector<128x128xi32>
    %and3A_1004 = arith.andi %eq3A_1000, %eq3A_1003 : vector<128x128xi1>
    %or3A_1005 = arith.ori %or3A_997, %and3A_1004 : vector<128x128xi1>
    %eq3A_1006 = vector.broadcast %broadcast_in_dim3A_315 : vector<1x128xi32> to vector<128x128xi32>
    %eq3A_1007 = vector.broadcast %broadcast_in_dim3A_384 : vector<128x1xi32> to vector<128x128xi32>
    %eq3A_1008 = arith.cmpi eq, %eq3A_1006, %eq3A_1007 : vector<128x128xi32>
    %eq3A_1009 = vector.broadcast %broadcast_in_dim3A_351 : vector<1x128xi32> to vector<128x128xi32>
    %eq3A_1010 = vector.broadcast %broadcast_in_dim3A_420 : vector<128x1xi32> to vector<128x128xi32>
    %eq3A_1011 = arith.cmpi eq, %eq3A_1009, %eq3A_1010 : vector<128x128xi32>
    %and3A_1012 = arith.andi %eq3A_1008, %eq3A_1011 : vector<128x128xi1>
    %or3A_1013 = arith.ori %or3A_1005, %and3A_1012 : vector<128x128xi1>
    %eq3A_1014 = vector.broadcast %broadcast_in_dim3A_315 : vector<1x128xi32> to vector<128x128xi32>
    %eq3A_1015 = vector.broadcast %broadcast_in_dim3A_387 : vector<128x1xi32> to vector<128x128xi32>
    %eq3A_1016 = arith.cmpi eq, %eq3A_1014, %eq3A_1015 : vector<128x128xi32>
    %eq3A_1017 = vector.broadcast %broadcast_in_dim3A_351 : vector<1x128xi32> to vector<128x128xi32>
    %eq3A_1018 = vector.broadcast %broadcast_in_dim3A_423 : vector<128x1xi32> to vector<128x128xi32>
    %eq3A_1019 = arith.cmpi eq, %eq3A_1017, %eq3A_1018 : vector<128x128xi32>
    %and3A_1020 = arith.andi %eq3A_1016, %eq3A_1019 : vector<128x128xi1>
    %and3A_1021 = arith.andi %and3A_1020, %gt3A_284 : vector<128x128xi1>
    %or3A_1022 = arith.ori %or3A_1013, %and3A_1021 : vector<128x128xi1>
    %jit3A_1023 = arith.constant 1 : i32
    %jit3A_1024 = arith.constant 0 : i32
    %broadcast_in_dim3A_1025 = vector.broadcast %jit3A_1023 : i32 to vector<128x128xi32>
    %broadcast_in_dim3A_1026 = vector.broadcast %jit3A_1024 : i32 to vector<128x128xi32>
    %select_n3A_1027 = arith.select %or3A_1022, %broadcast_in_dim3A_1025, %broadcast_in_dim3A_1026 : vector<128x128xi1>, vector<128x128xi32>
    %reduce_max3A_1028 = arith.constant dense<-2147483648> : vector<128xi32>
    %reduce_max3A_1029 = vector.multi_reduction <maxsi>, %select_n3A_1027, %reduce_max3A_1028 [0] : vector<128x128xi32> to vector<128xi32>
    %eq3A_1030 = vector.broadcast %broadcast_in_dim3A_318 : vector<1x128xi32> to vector<128x128xi32>
    %eq3A_1031 = vector.broadcast %broadcast_in_dim3A_357 : vector<128x1xi32> to vector<128x128xi32>
    %eq3A_1032 = arith.cmpi eq, %eq3A_1030, %eq3A_1031 : vector<128x128xi32>
    %eq3A_1033 = vector.broadcast %broadcast_in_dim3A_354 : vector<1x128xi32> to vector<128x128xi32>
    %eq3A_1034 = vector.broadcast %broadcast_in_dim3A_393 : vector<128x1xi32> to vector<128x128xi32>
    %eq3A_1035 = arith.cmpi eq, %eq3A_1033, %eq3A_1034 : vector<128x128xi32>
    %and3A_1036 = arith.andi %eq3A_1032, %eq3A_1035 : vector<128x128xi1>
    %eq3A_1037 = vector.broadcast %broadcast_in_dim3A_318 : vector<1x128xi32> to vector<128x128xi32>
    %eq3A_1038 = vector.broadcast %broadcast_in_dim3A_360 : vector<128x1xi32> to vector<128x128xi32>
    %eq3A_1039 = arith.cmpi eq, %eq3A_1037, %eq3A_1038 : vector<128x128xi32>
    %eq3A_1040 = vector.broadcast %broadcast_in_dim3A_354 : vector<1x128xi32> to vector<128x128xi32>
    %eq3A_1041 = vector.broadcast %broadcast_in_dim3A_396 : vector<128x1xi32> to vector<128x128xi32>
    %eq3A_1042 = arith.cmpi eq, %eq3A_1040, %eq3A_1041 : vector<128x128xi32>
    %and3A_1043 = arith.andi %eq3A_1039, %eq3A_1042 : vector<128x128xi1>
    %or3A_1044 = arith.ori %and3A_1036, %and3A_1043 : vector<128x128xi1>
    %eq3A_1045 = vector.broadcast %broadcast_in_dim3A_318 : vector<1x128xi32> to vector<128x128xi32>
    %eq3A_1046 = vector.broadcast %broadcast_in_dim3A_363 : vector<128x1xi32> to vector<128x128xi32>
    %eq3A_1047 = arith.cmpi eq, %eq3A_1045, %eq3A_1046 : vector<128x128xi32>
    %eq3A_1048 = vector.broadcast %broadcast_in_dim3A_354 : vector<1x128xi32> to vector<128x128xi32>
    %eq3A_1049 = vector.broadcast %broadcast_in_dim3A_399 : vector<128x1xi32> to vector<128x128xi32>
    %eq3A_1050 = arith.cmpi eq, %eq3A_1048, %eq3A_1049 : vector<128x128xi32>
    %and3A_1051 = arith.andi %eq3A_1047, %eq3A_1050 : vector<128x128xi1>
    %or3A_1052 = arith.ori %or3A_1044, %and3A_1051 : vector<128x128xi1>
    %eq3A_1053 = vector.broadcast %broadcast_in_dim3A_318 : vector<1x128xi32> to vector<128x128xi32>
    %eq3A_1054 = vector.broadcast %broadcast_in_dim3A_366 : vector<128x1xi32> to vector<128x128xi32>
    %eq3A_1055 = arith.cmpi eq, %eq3A_1053, %eq3A_1054 : vector<128x128xi32>
    %eq3A_1056 = vector.broadcast %broadcast_in_dim3A_354 : vector<1x128xi32> to vector<128x128xi32>
    %eq3A_1057 = vector.broadcast %broadcast_in_dim3A_402 : vector<128x1xi32> to vector<128x128xi32>
    %eq3A_1058 = arith.cmpi eq, %eq3A_1056, %eq3A_1057 : vector<128x128xi32>
    %and3A_1059 = arith.andi %eq3A_1055, %eq3A_1058 : vector<128x128xi1>
    %or3A_1060 = arith.ori %or3A_1052, %and3A_1059 : vector<128x128xi1>
    %eq3A_1061 = vector.broadcast %broadcast_in_dim3A_318 : vector<1x128xi32> to vector<128x128xi32>
    %eq3A_1062 = vector.broadcast %broadcast_in_dim3A_369 : vector<128x1xi32> to vector<128x128xi32>
    %eq3A_1063 = arith.cmpi eq, %eq3A_1061, %eq3A_1062 : vector<128x128xi32>
    %eq3A_1064 = vector.broadcast %broadcast_in_dim3A_354 : vector<1x128xi32> to vector<128x128xi32>
    %eq3A_1065 = vector.broadcast %broadcast_in_dim3A_405 : vector<128x1xi32> to vector<128x128xi32>
    %eq3A_1066 = arith.cmpi eq, %eq3A_1064, %eq3A_1065 : vector<128x128xi32>
    %and3A_1067 = arith.andi %eq3A_1063, %eq3A_1066 : vector<128x128xi1>
    %or3A_1068 = arith.ori %or3A_1060, %and3A_1067 : vector<128x128xi1>
    %eq3A_1069 = vector.broadcast %broadcast_in_dim3A_318 : vector<1x128xi32> to vector<128x128xi32>
    %eq3A_1070 = vector.broadcast %broadcast_in_dim3A_372 : vector<128x1xi32> to vector<128x128xi32>
    %eq3A_1071 = arith.cmpi eq, %eq3A_1069, %eq3A_1070 : vector<128x128xi32>
    %eq3A_1072 = vector.broadcast %broadcast_in_dim3A_354 : vector<1x128xi32> to vector<128x128xi32>
    %eq3A_1073 = vector.broadcast %broadcast_in_dim3A_408 : vector<128x1xi32> to vector<128x128xi32>
    %eq3A_1074 = arith.cmpi eq, %eq3A_1072, %eq3A_1073 : vector<128x128xi32>
    %and3A_1075 = arith.andi %eq3A_1071, %eq3A_1074 : vector<128x128xi1>
    %or3A_1076 = arith.ori %or3A_1068, %and3A_1075 : vector<128x128xi1>
    %eq3A_1077 = vector.broadcast %broadcast_in_dim3A_318 : vector<1x128xi32> to vector<128x128xi32>
    %eq3A_1078 = vector.broadcast %broadcast_in_dim3A_375 : vector<128x1xi32> to vector<128x128xi32>
    %eq3A_1079 = arith.cmpi eq, %eq3A_1077, %eq3A_1078 : vector<128x128xi32>
    %eq3A_1080 = vector.broadcast %broadcast_in_dim3A_354 : vector<1x128xi32> to vector<128x128xi32>
    %eq3A_1081 = vector.broadcast %broadcast_in_dim3A_411 : vector<128x1xi32> to vector<128x128xi32>
    %eq3A_1082 = arith.cmpi eq, %eq3A_1080, %eq3A_1081 : vector<128x128xi32>
    %and3A_1083 = arith.andi %eq3A_1079, %eq3A_1082 : vector<128x128xi1>
    %or3A_1084 = arith.ori %or3A_1076, %and3A_1083 : vector<128x128xi1>
    %eq3A_1085 = vector.broadcast %broadcast_in_dim3A_318 : vector<1x128xi32> to vector<128x128xi32>
    %eq3A_1086 = vector.broadcast %broadcast_in_dim3A_378 : vector<128x1xi32> to vector<128x128xi32>
    %eq3A_1087 = arith.cmpi eq, %eq3A_1085, %eq3A_1086 : vector<128x128xi32>
    %eq3A_1088 = vector.broadcast %broadcast_in_dim3A_354 : vector<1x128xi32> to vector<128x128xi32>
    %eq3A_1089 = vector.broadcast %broadcast_in_dim3A_414 : vector<128x1xi32> to vector<128x128xi32>
    %eq3A_1090 = arith.cmpi eq, %eq3A_1088, %eq3A_1089 : vector<128x128xi32>
    %and3A_1091 = arith.andi %eq3A_1087, %eq3A_1090 : vector<128x128xi1>
    %or3A_1092 = arith.ori %or3A_1084, %and3A_1091 : vector<128x128xi1>
    %eq3A_1093 = vector.broadcast %broadcast_in_dim3A_318 : vector<1x128xi32> to vector<128x128xi32>
    %eq3A_1094 = vector.broadcast %broadcast_in_dim3A_381 : vector<128x1xi32> to vector<128x128xi32>
    %eq3A_1095 = arith.cmpi eq, %eq3A_1093, %eq3A_1094 : vector<128x128xi32>
    %eq3A_1096 = vector.broadcast %broadcast_in_dim3A_354 : vector<1x128xi32> to vector<128x128xi32>
    %eq3A_1097 = vector.broadcast %broadcast_in_dim3A_417 : vector<128x1xi32> to vector<128x128xi32>
    %eq3A_1098 = arith.cmpi eq, %eq3A_1096, %eq3A_1097 : vector<128x128xi32>
    %and3A_1099 = arith.andi %eq3A_1095, %eq3A_1098 : vector<128x128xi1>
    %or3A_1100 = arith.ori %or3A_1092, %and3A_1099 : vector<128x128xi1>
    %eq3A_1101 = vector.broadcast %broadcast_in_dim3A_318 : vector<1x128xi32> to vector<128x128xi32>
    %eq3A_1102 = vector.broadcast %broadcast_in_dim3A_384 : vector<128x1xi32> to vector<128x128xi32>
    %eq3A_1103 = arith.cmpi eq, %eq3A_1101, %eq3A_1102 : vector<128x128xi32>
    %eq3A_1104 = vector.broadcast %broadcast_in_dim3A_354 : vector<1x128xi32> to vector<128x128xi32>
    %eq3A_1105 = vector.broadcast %broadcast_in_dim3A_420 : vector<128x1xi32> to vector<128x128xi32>
    %eq3A_1106 = arith.cmpi eq, %eq3A_1104, %eq3A_1105 : vector<128x128xi32>
    %and3A_1107 = arith.andi %eq3A_1103, %eq3A_1106 : vector<128x128xi1>
    %or3A_1108 = arith.ori %or3A_1100, %and3A_1107 : vector<128x128xi1>
    %eq3A_1109 = vector.broadcast %broadcast_in_dim3A_318 : vector<1x128xi32> to vector<128x128xi32>
    %eq3A_1110 = vector.broadcast %broadcast_in_dim3A_387 : vector<128x1xi32> to vector<128x128xi32>
    %eq3A_1111 = arith.cmpi eq, %eq3A_1109, %eq3A_1110 : vector<128x128xi32>
    %eq3A_1112 = vector.broadcast %broadcast_in_dim3A_354 : vector<1x128xi32> to vector<128x128xi32>
    %eq3A_1113 = vector.broadcast %broadcast_in_dim3A_423 : vector<128x1xi32> to vector<128x128xi32>
    %eq3A_1114 = arith.cmpi eq, %eq3A_1112, %eq3A_1113 : vector<128x128xi32>
    %and3A_1115 = arith.andi %eq3A_1111, %eq3A_1114 : vector<128x128xi1>
    %or3A_1116 = arith.ori %or3A_1108, %and3A_1115 : vector<128x128xi1>
    %eq3A_1117 = vector.broadcast %broadcast_in_dim3A_318 : vector<1x128xi32> to vector<128x128xi32>
    %eq3A_1118 = vector.broadcast %broadcast_in_dim3A_390 : vector<128x1xi32> to vector<128x128xi32>
    %eq3A_1119 = arith.cmpi eq, %eq3A_1117, %eq3A_1118 : vector<128x128xi32>
    %eq3A_1120 = vector.broadcast %broadcast_in_dim3A_354 : vector<1x128xi32> to vector<128x128xi32>
    %eq3A_1121 = vector.broadcast %broadcast_in_dim3A_426 : vector<128x1xi32> to vector<128x128xi32>
    %eq3A_1122 = arith.cmpi eq, %eq3A_1120, %eq3A_1121 : vector<128x128xi32>
    %and3A_1123 = arith.andi %eq3A_1119, %eq3A_1122 : vector<128x128xi1>
    %and3A_1124 = arith.andi %and3A_1123, %gt3A_284 : vector<128x128xi1>
    %or3A_1125 = arith.ori %or3A_1116, %and3A_1124 : vector<128x128xi1>
    %jit3A_1126 = arith.constant 1 : i32
    %jit3A_1127 = arith.constant 0 : i32
    %broadcast_in_dim3A_1128 = vector.broadcast %jit3A_1126 : i32 to vector<128x128xi32>
    %broadcast_in_dim3A_1129 = vector.broadcast %jit3A_1127 : i32 to vector<128x128xi32>
    %select_n3A_1130 = arith.select %or3A_1125, %broadcast_in_dim3A_1128, %broadcast_in_dim3A_1129 : vector<128x128xi1>, vector<128x128xi32>
    %reduce_max3A_1131 = arith.constant dense<-2147483648> : vector<128xi32>
    %reduce_max3A_1132 = vector.multi_reduction <maxsi>, %select_n3A_1130, %reduce_max3A_1131 [0] : vector<128x128xi32> to vector<128xi32>
    %convert_element_type3A_1133 = arith.sitofp %concatenate3A_74 : vector<12x128xi32> to vector<12x128xf32>
    %convert_element_type3A_1134 = arith.sitofp %concatenate3A_81 : vector<12x128xi32> to vector<12x128xf32>
    %broadcast_in_dim3A_1135 = arith.constant 0.000000e+00 : f32
    %broadcast_in_dim3A_1136 = vector.broadcast %broadcast_in_dim3A_1135 : f32 to vector<1x128xf32>
    %slice3A_1137 = vector.extract_strided_slice %convert_element_type3A_1133 {offsets = [0, 0], sizes = [1, 128], strides = [1, 1]} : vector<12x128xf32> to vector<1x128xf32>
    %squeeze3A_1138 = vector.shape_cast %slice3A_1137 : vector<1x128xf32> to vector<128xf32>
    %broadcast_in_dim3A_1139 = vector.shape_cast %squeeze3A_1138 : vector<128xf32> to vector<128x1xf32>
    %sub3A_1140 = vector.broadcast %broadcast_in_dim3A_1139 : vector<128x1xf32> to vector<128x128xf32>
    %sub3A_1141 = vector.broadcast %get3A_3 : vector<1x128xf32> to vector<128x128xf32>
    %sub3A_1142 = arith.subf %sub3A_1140, %sub3A_1141 : vector<128x128xf32>
    %slice3A_1143 = vector.extract_strided_slice %convert_element_type3A_1134 {offsets = [0, 0], sizes = [1, 128], strides = [1, 1]} : vector<12x128xf32> to vector<1x128xf32>
    %squeeze3A_1144 = vector.shape_cast %slice3A_1143 : vector<1x128xf32> to vector<128xf32>
    %broadcast_in_dim3A_1145 = vector.shape_cast %squeeze3A_1144 : vector<128xf32> to vector<128x1xf32>
    %sub3A_1146 = vector.broadcast %broadcast_in_dim3A_1145 : vector<128x1xf32> to vector<128x128xf32>
    %sub3A_1147 = vector.broadcast %get3A_8 : vector<1x128xf32> to vector<128x128xf32>
    %sub3A_1148 = arith.subf %sub3A_1146, %sub3A_1147 : vector<128x128xf32>
    %mul3A_1149 = arith.mulf %sub3A_1142, %sub3A_1142 : vector<128x128xf32>
    %mul3A_1150 = arith.mulf %sub3A_1148, %sub3A_1148 : vector<128x128xf32>
    %add3A_1151 = arith.addf %mul3A_1149, %mul3A_1150 : vector<128x128xf32>
    %mul3A_1152 = arith.constant -5.000000e-01 : f32
    %mul3A_1153 = vector.broadcast %mul3A_1152 : f32 to vector<128x128xf32>
    %mul3A_1154 = arith.mulf %mul3A_1153, %add3A_1151 : vector<128x128xf32>
    %mul3A_1155 = vector.broadcast %get3A_13 : vector<1x128xf32> to vector<128x128xf32>
    %mul3A_1156 = arith.mulf %mul3A_1154, %mul3A_1155 : vector<128x128xf32>
    %exp3A = math.exp %mul3A_1156 : vector<128x128xf32>
    %broadcast_in_dim3A_1157 = vector.shape_cast %reduce_max3A_440 : vector<128xi32> to vector<128x1xi32>
    %gt3A_1158 = arith.constant 0 : i32
    %gt3A_1159 = vector.broadcast %gt3A_1158 : i32 to vector<128x1xi32>
    %gt3A_1160 = arith.cmpi sgt, %broadcast_in_dim3A_1157, %gt3A_1159 : vector<128x1xi32>
    %jit3A_1161 = arith.constant 0.000000e+00 : f64
    %convert_element_type3A_1162 = arith.truncf %jit3A_1161 : f64 to f32
    %broadcast_in_dim3A_1163 = vector.shape_cast %gt3A_1160 : vector<128x1xi1> to vector<128x1xi1>
    %broadcast_in_dim3A_1164 = vector.broadcast %broadcast_in_dim3A_1163 : vector<128x1xi1> to vector<128x128xi1>
    %broadcast_in_dim3A_1165 = vector.broadcast %convert_element_type3A_1162 : f32 to vector<128x128xf32>
    %select_n3A_1166 = arith.select %broadcast_in_dim3A_1164, %broadcast_in_dim3A_1165, %exp3A : vector<128x128xi1>, vector<128x128xf32>
    %swap3A = arith.constant 0 : index
    %swap3A_1167 = arith.constant 0 : index
    %swap3A_1168 = arith.constant 0 : index
    %swap3A_1169 = vector.load %arg11[%swap3A, %swap3A_1167, %swap3A_1168] : memref<12x128x128xf32, #tpu.memory_space<vmem>>, vector<1x128x128xf32>
    %swap3A_1170 = vector.shape_cast %swap3A_1169 : vector<1x128x128xf32> to vector<128x128xf32>
    %swap3A_1171 = vector.shape_cast %select_n3A_1166 : vector<128x128xf32> to vector<1x128x128xf32>
    tpu.vector_store %arg11[%swap3A, %swap3A_1167, %swap3A_1168], %swap3A_1171 {strides = array<i32>} : memref<12x128x128xf32, #tpu.memory_space<vmem>>, vector<1x128x128xf32>,
    %reduce_sum3A = arith.constant dense<0.000000e+00> : vector<128xf32>
    %reduce_sum3A_1172 = vector.multi_reduction <add>, %select_n3A_1166, %reduce_sum3A [0] : vector<128x128xf32> to vector<128xf32>
    %broadcast_in_dim3A_1173 = vector.shape_cast %reduce_sum3A_1172 : vector<128xf32> to vector<1x128xf32>
    %add3A_1174 = arith.addf %broadcast_in_dim3A_1136, %broadcast_in_dim3A_1173 : vector<1x128xf32>
    %slice3A_1175 = vector.extract_strided_slice %convert_element_type3A_1133 {offsets = [1, 0], sizes = [1, 128], strides = [1, 1]} : vector<12x128xf32> to vector<1x128xf32>
    %squeeze3A_1176 = vector.shape_cast %slice3A_1175 : vector<1x128xf32> to vector<128xf32>
    %broadcast_in_dim3A_1177 = vector.shape_cast %squeeze3A_1176 : vector<128xf32> to vector<128x1xf32>
    %sub3A_1178 = vector.broadcast %broadcast_in_dim3A_1177 : vector<128x1xf32> to vector<128x128xf32>
    %sub3A_1179 = vector.broadcast %get3A_3 : vector<1x128xf32> to vector<128x128xf32>
    %sub3A_1180 = arith.subf %sub3A_1178, %sub3A_1179 : vector<128x128xf32>
    %slice3A_1181 = vector.extract_strided_slice %convert_element_type3A_1134 {offsets = [1, 0], sizes = [1, 128], strides = [1, 1]} : vector<12x128xf32> to vector<1x128xf32>
    %squeeze3A_1182 = vector.shape_cast %slice3A_1181 : vector<1x128xf32> to vector<128xf32>
    %broadcast_in_dim3A_1183 = vector.shape_cast %squeeze3A_1182 : vector<128xf32> to vector<128x1xf32>
    %sub3A_1184 = vector.broadcast %broadcast_in_dim3A_1183 : vector<128x1xf32> to vector<128x128xf32>
    %sub3A_1185 = vector.broadcast %get3A_8 : vector<1x128xf32> to vector<128x128xf32>
    %sub3A_1186 = arith.subf %sub3A_1184, %sub3A_1185 : vector<128x128xf32>
    %mul3A_1187 = arith.mulf %sub3A_1180, %sub3A_1180 : vector<128x128xf32>
    %mul3A_1188 = arith.mulf %sub3A_1186, %sub3A_1186 : vector<128x128xf32>
    %add3A_1189 = arith.addf %mul3A_1187, %mul3A_1188 : vector<128x128xf32>
    %mul3A_1190 = arith.constant -5.000000e-01 : f32
    %mul3A_1191 = vector.broadcast %mul3A_1190 : f32 to vector<128x128xf32>
    %mul3A_1192 = arith.mulf %mul3A_1191, %add3A_1189 : vector<128x128xf32>
    %mul3A_1193 = vector.broadcast %get3A_13 : vector<1x128xf32> to vector<128x128xf32>
    %mul3A_1194 = arith.mulf %mul3A_1192, %mul3A_1193 : vector<128x128xf32>
    %exp3A_1195 = math.exp %mul3A_1194 : vector<128x128xf32>
    %broadcast_in_dim3A_1196 = vector.shape_cast %reduce_max3A_462 : vector<128xi32> to vector<128x1xi32>
    %gt3A_1197 = arith.constant 0 : i32
    %gt3A_1198 = vector.broadcast %gt3A_1197 : i32 to vector<128x1xi32>
    %gt3A_1199 = arith.cmpi sgt, %broadcast_in_dim3A_1196, %gt3A_1198 : vector<128x1xi32>
    %jit3A_1200 = arith.constant 0.000000e+00 : f64
    %convert_element_type3A_1201 = arith.truncf %jit3A_1200 : f64 to f32
    %broadcast_in_dim3A_1202 = vector.shape_cast %gt3A_1199 : vector<128x1xi1> to vector<128x1xi1>
    %broadcast_in_dim3A_1203 = vector.broadcast %broadcast_in_dim3A_1202 : vector<128x1xi1> to vector<128x128xi1>
    %broadcast_in_dim3A_1204 = vector.broadcast %convert_element_type3A_1201 : f32 to vector<128x128xf32>
    %select_n3A_1205 = arith.select %broadcast_in_dim3A_1203, %broadcast_in_dim3A_1204, %exp3A_1195 : vector<128x128xi1>, vector<128x128xf32>
    %swap3A_1206 = arith.constant 1 : index
    %swap3A_1207 = arith.constant 0 : index
    %swap3A_1208 = arith.constant 0 : index
    %swap3A_1209 = vector.load %arg11[%swap3A_1206, %swap3A_1207, %swap3A_1208] : memref<12x128x128xf32, #tpu.memory_space<vmem>>, vector<1x128x128xf32>
    %swap3A_1210 = vector.shape_cast %swap3A_1209 : vector<1x128x128xf32> to vector<128x128xf32>
    %swap3A_1211 = vector.shape_cast %select_n3A_1205 : vector<128x128xf32> to vector<1x128x128xf32>
    tpu.vector_store %arg11[%swap3A_1206, %swap3A_1207, %swap3A_1208], %swap3A_1211 {strides = array<i32>} : memref<12x128x128xf32, #tpu.memory_space<vmem>>, vector<1x128x128xf32>,
    %reduce_sum3A_1212 = arith.constant dense<0.000000e+00> : vector<128xf32>
    %reduce_sum3A_1213 = vector.multi_reduction <add>, %select_n3A_1205, %reduce_sum3A_1212 [0] : vector<128x128xf32> to vector<128xf32>
    %broadcast_in_dim3A_1214 = vector.shape_cast %reduce_sum3A_1213 : vector<128xf32> to vector<1x128xf32>
    %add3A_1215 = arith.addf %add3A_1174, %broadcast_in_dim3A_1214 : vector<1x128xf32>
    %slice3A_1216 = vector.extract_strided_slice %convert_element_type3A_1133 {offsets = [2, 0], sizes = [1, 128], strides = [1, 1]} : vector<12x128xf32> to vector<1x128xf32>
    %squeeze3A_1217 = vector.shape_cast %slice3A_1216 : vector<1x128xf32> to vector<128xf32>
    %broadcast_in_dim3A_1218 = vector.shape_cast %squeeze3A_1217 : vector<128xf32> to vector<128x1xf32>
    %sub3A_1219 = vector.broadcast %broadcast_in_dim3A_1218 : vector<128x1xf32> to vector<128x128xf32>
    %sub3A_1220 = vector.broadcast %get3A_3 : vector<1x128xf32> to vector<128x128xf32>
    %sub3A_1221 = arith.subf %sub3A_1219, %sub3A_1220 : vector<128x128xf32>
    %slice3A_1222 = vector.extract_strided_slice %convert_element_type3A_1134 {offsets = [2, 0], sizes = [1, 128], strides = [1, 1]} : vector<12x128xf32> to vector<1x128xf32>
    %squeeze3A_1223 = vector.shape_cast %slice3A_1222 : vector<1x128xf32> to vector<128xf32>
    %broadcast_in_dim3A_1224 = vector.shape_cast %squeeze3A_1223 : vector<128xf32> to vector<128x1xf32>
    %sub3A_1225 = vector.broadcast %broadcast_in_dim3A_1224 : vector<128x1xf32> to vector<128x128xf32>
    %sub3A_1226 = vector.broadcast %get3A_8 : vector<1x128xf32> to vector<128x128xf32>
    %sub3A_1227 = arith.subf %sub3A_1225, %sub3A_1226 : vector<128x128xf32>
    %mul3A_1228 = arith.mulf %sub3A_1221, %sub3A_1221 : vector<128x128xf32>
    %mul3A_1229 = arith.mulf %sub3A_1227, %sub3A_1227 : vector<128x128xf32>
    %add3A_1230 = arith.addf %mul3A_1228, %mul3A_1229 : vector<128x128xf32>
    %mul3A_1231 = arith.constant -5.000000e-01 : f32
    %mul3A_1232 = vector.broadcast %mul3A_1231 : f32 to vector<128x128xf32>
    %mul3A_1233 = arith.mulf %mul3A_1232, %add3A_1230 : vector<128x128xf32>
    %mul3A_1234 = vector.broadcast %get3A_13 : vector<1x128xf32> to vector<128x128xf32>
    %mul3A_1235 = arith.mulf %mul3A_1233, %mul3A_1234 : vector<128x128xf32>
    %exp3A_1236 = math.exp %mul3A_1235 : vector<128x128xf32>
    %broadcast_in_dim3A_1237 = vector.shape_cast %reduce_max3A_493 : vector<128xi32> to vector<128x1xi32>
    %gt3A_1238 = arith.constant 0 : i32
    %gt3A_1239 = vector.broadcast %gt3A_1238 : i32 to vector<128x1xi32>
    %gt3A_1240 = arith.cmpi sgt, %broadcast_in_dim3A_1237, %gt3A_1239 : vector<128x1xi32>
    %jit3A_1241 = arith.constant 0.000000e+00 : f64
    %convert_element_type3A_1242 = arith.truncf %jit3A_1241 : f64 to f32
    %broadcast_in_dim3A_1243 = vector.shape_cast %gt3A_1240 : vector<128x1xi1> to vector<128x1xi1>
    %broadcast_in_dim3A_1244 = vector.broadcast %broadcast_in_dim3A_1243 : vector<128x1xi1> to vector<128x128xi1>
    %broadcast_in_dim3A_1245 = vector.broadcast %convert_element_type3A_1242 : f32 to vector<128x128xf32>
    %select_n3A_1246 = arith.select %broadcast_in_dim3A_1244, %broadcast_in_dim3A_1245, %exp3A_1236 : vector<128x128xi1>, vector<128x128xf32>
    %swap3A_1247 = arith.constant 2 : index
    %swap3A_1248 = arith.constant 0 : index
    %swap3A_1249 = arith.constant 0 : index
    %swap3A_1250 = vector.load %arg11[%swap3A_1247, %swap3A_1248, %swap3A_1249] : memref<12x128x128xf32, #tpu.memory_space<vmem>>, vector<1x128x128xf32>
    %swap3A_1251 = vector.shape_cast %swap3A_1250 : vector<1x128x128xf32> to vector<128x128xf32>
    %swap3A_1252 = vector.shape_cast %select_n3A_1246 : vector<128x128xf32> to vector<1x128x128xf32>
    tpu.vector_store %arg11[%swap3A_1247, %swap3A_1248, %swap3A_1249], %swap3A_1252 {strides = array<i32>} : memref<12x128x128xf32, #tpu.memory_space<vmem>>, vector<1x128x128xf32>,
    %reduce_sum3A_1253 = arith.constant dense<0.000000e+00> : vector<128xf32>
    %reduce_sum3A_1254 = vector.multi_reduction <add>, %select_n3A_1246, %reduce_sum3A_1253 [0] : vector<128x128xf32> to vector<128xf32>
    %broadcast_in_dim3A_1255 = vector.shape_cast %reduce_sum3A_1254 : vector<128xf32> to vector<1x128xf32>
    %add3A_1256 = arith.addf %add3A_1215, %broadcast_in_dim3A_1255 : vector<1x128xf32>
    %slice3A_1257 = vector.extract_strided_slice %convert_element_type3A_1133 {offsets = [3, 0], sizes = [1, 128], strides = [1, 1]} : vector<12x128xf32> to vector<1x128xf32>
    %squeeze3A_1258 = vector.shape_cast %slice3A_1257 : vector<1x128xf32> to vector<128xf32>
    %broadcast_in_dim3A_1259 = vector.shape_cast %squeeze3A_1258 : vector<128xf32> to vector<128x1xf32>
    %sub3A_1260 = vector.broadcast %broadcast_in_dim3A_1259 : vector<128x1xf32> to vector<128x128xf32>
    %sub3A_1261 = vector.broadcast %get3A_3 : vector<1x128xf32> to vector<128x128xf32>
    %sub3A_1262 = arith.subf %sub3A_1260, %sub3A_1261 : vector<128x128xf32>
    %slice3A_1263 = vector.extract_strided_slice %convert_element_type3A_1134 {offsets = [3, 0], sizes = [1, 128], strides = [1, 1]} : vector<12x128xf32> to vector<1x128xf32>
    %squeeze3A_1264 = vector.shape_cast %slice3A_1263 : vector<1x128xf32> to vector<128xf32>
    %broadcast_in_dim3A_1265 = vector.shape_cast %squeeze3A_1264 : vector<128xf32> to vector<128x1xf32>
    %sub3A_1266 = vector.broadcast %broadcast_in_dim3A_1265 : vector<128x1xf32> to vector<128x128xf32>
    %sub3A_1267 = vector.broadcast %get3A_8 : vector<1x128xf32> to vector<128x128xf32>
    %sub3A_1268 = arith.subf %sub3A_1266, %sub3A_1267 : vector<128x128xf32>
    %mul3A_1269 = arith.mulf %sub3A_1262, %sub3A_1262 : vector<128x128xf32>
    %mul3A_1270 = arith.mulf %sub3A_1268, %sub3A_1268 : vector<128x128xf32>
    %add3A_1271 = arith.addf %mul3A_1269, %mul3A_1270 : vector<128x128xf32>
    %mul3A_1272 = arith.constant -5.000000e-01 : f32
    %mul3A_1273 = vector.broadcast %mul3A_1272 : f32 to vector<128x128xf32>
    %mul3A_1274 = arith.mulf %mul3A_1273, %add3A_1271 : vector<128x128xf32>
    %mul3A_1275 = vector.broadcast %get3A_13 : vector<1x128xf32> to vector<128x128xf32>
    %mul3A_1276 = arith.mulf %mul3A_1274, %mul3A_1275 : vector<128x128xf32>
    %exp3A_1277 = math.exp %mul3A_1276 : vector<128x128xf32>
    %broadcast_in_dim3A_1278 = vector.shape_cast %reduce_max3A_532 : vector<128xi32> to vector<128x1xi32>
    %gt3A_1279 = arith.constant 0 : i32
    %gt3A_1280 = vector.broadcast %gt3A_1279 : i32 to vector<128x1xi32>
    %gt3A_1281 = arith.cmpi sgt, %broadcast_in_dim3A_1278, %gt3A_1280 : vector<128x1xi32>
    %jit3A_1282 = arith.constant 0.000000e+00 : f64
    %convert_element_type3A_1283 = arith.truncf %jit3A_1282 : f64 to f32
    %broadcast_in_dim3A_1284 = vector.shape_cast %gt3A_1281 : vector<128x1xi1> to vector<128x1xi1>
    %broadcast_in_dim3A_1285 = vector.broadcast %broadcast_in_dim3A_1284 : vector<128x1xi1> to vector<128x128xi1>
    %broadcast_in_dim3A_1286 = vector.broadcast %convert_element_type3A_1283 : f32 to vector<128x128xf32>
    %select_n3A_1287 = arith.select %broadcast_in_dim3A_1285, %broadcast_in_dim3A_1286, %exp3A_1277 : vector<128x128xi1>, vector<128x128xf32>
    %swap3A_1288 = arith.constant 3 : index
    %swap3A_1289 = arith.constant 0 : index
    %swap3A_1290 = arith.constant 0 : index
    %swap3A_1291 = vector.load %arg11[%swap3A_1288, %swap3A_1289, %swap3A_1290] : memref<12x128x128xf32, #tpu.memory_space<vmem>>, vector<1x128x128xf32>
    %swap3A_1292 = vector.shape_cast %swap3A_1291 : vector<1x128x128xf32> to vector<128x128xf32>
    %swap3A_1293 = vector.shape_cast %select_n3A_1287 : vector<128x128xf32> to vector<1x128x128xf32>
    tpu.vector_store %arg11[%swap3A_1288, %swap3A_1289, %swap3A_1290], %swap3A_1293 {strides = array<i32>} : memref<12x128x128xf32, #tpu.memory_space<vmem>>, vector<1x128x128xf32>,
    %reduce_sum3A_1294 = arith.constant dense<0.000000e+00> : vector<128xf32>
    %reduce_sum3A_1295 = vector.multi_reduction <add>, %select_n3A_1287, %reduce_sum3A_1294 [0] : vector<128x128xf32> to vector<128xf32>
    %broadcast_in_dim3A_1296 = vector.shape_cast %reduce_sum3A_1295 : vector<128xf32> to vector<1x128xf32>
    %add3A_1297 = arith.addf %add3A_1256, %broadcast_in_dim3A_1296 : vector<1x128xf32>
    %slice3A_1298 = vector.extract_strided_slice %convert_element_type3A_1133 {offsets = [4, 0], sizes = [1, 128], strides = [1, 1]} : vector<12x128xf32> to vector<1x128xf32>
    %squeeze3A_1299 = vector.shape_cast %slice3A_1298 : vector<1x128xf32> to vector<128xf32>
    %broadcast_in_dim3A_1300 = vector.shape_cast %squeeze3A_1299 : vector<128xf32> to vector<128x1xf32>
    %sub3A_1301 = vector.broadcast %broadcast_in_dim3A_1300 : vector<128x1xf32> to vector<128x128xf32>
    %sub3A_1302 = vector.broadcast %get3A_3 : vector<1x128xf32> to vector<128x128xf32>
    %sub3A_1303 = arith.subf %sub3A_1301, %sub3A_1302 : vector<128x128xf32>
    %slice3A_1304 = vector.extract_strided_slice %convert_element_type3A_1134 {offsets = [4, 0], sizes = [1, 128], strides = [1, 1]} : vector<12x128xf32> to vector<1x128xf32>
    %squeeze3A_1305 = vector.shape_cast %slice3A_1304 : vector<1x128xf32> to vector<128xf32>
    %broadcast_in_dim3A_1306 = vector.shape_cast %squeeze3A_1305 : vector<128xf32> to vector<128x1xf32>
    %sub3A_1307 = vector.broadcast %broadcast_in_dim3A_1306 : vector<128x1xf32> to vector<128x128xf32>
    %sub3A_1308 = vector.broadcast %get3A_8 : vector<1x128xf32> to vector<128x128xf32>
    %sub3A_1309 = arith.subf %sub3A_1307, %sub3A_1308 : vector<128x128xf32>
    %mul3A_1310 = arith.mulf %sub3A_1303, %sub3A_1303 : vector<128x128xf32>
    %mul3A_1311 = arith.mulf %sub3A_1309, %sub3A_1309 : vector<128x128xf32>
    %add3A_1312 = arith.addf %mul3A_1310, %mul3A_1311 : vector<128x128xf32>
    %mul3A_1313 = arith.constant -5.000000e-01 : f32
    %mul3A_1314 = vector.broadcast %mul3A_1313 : f32 to vector<128x128xf32>
    %mul3A_1315 = arith.mulf %mul3A_1314, %add3A_1312 : vector<128x128xf32>
    %mul3A_1316 = vector.broadcast %get3A_13 : vector<1x128xf32> to vector<128x128xf32>
    %mul3A_1317 = arith.mulf %mul3A_1315, %mul3A_1316 : vector<128x128xf32>
    %exp3A_1318 = math.exp %mul3A_1317 : vector<128x128xf32>
    %broadcast_in_dim3A_1319 = vector.shape_cast %reduce_max3A_579 : vector<128xi32> to vector<128x1xi32>
    %gt3A_1320 = arith.constant 0 : i32
    %gt3A_1321 = vector.broadcast %gt3A_1320 : i32 to vector<128x1xi32>
    %gt3A_1322 = arith.cmpi sgt, %broadcast_in_dim3A_1319, %gt3A_1321 : vector<128x1xi32>
    %jit3A_1323 = arith.constant 0.000000e+00 : f64
    %convert_element_type3A_1324 = arith.truncf %jit3A_1323 : f64 to f32
    %broadcast_in_dim3A_1325 = vector.shape_cast %gt3A_1322 : vector<128x1xi1> to vector<128x1xi1>
    %broadcast_in_dim3A_1326 = vector.broadcast %broadcast_in_dim3A_1325 : vector<128x1xi1> to vector<128x128xi1>
    %broadcast_in_dim3A_1327 = vector.broadcast %convert_element_type3A_1324 : f32 to vector<128x128xf32>
    %select_n3A_1328 = arith.select %broadcast_in_dim3A_1326, %broadcast_in_dim3A_1327, %exp3A_1318 : vector<128x128xi1>, vector<128x128xf32>
    %swap3A_1329 = arith.constant 4 : index
    %swap3A_1330 = arith.constant 0 : index
    %swap3A_1331 = arith.constant 0 : index
    %swap3A_1332 = vector.load %arg11[%swap3A_1329, %swap3A_1330, %swap3A_1331] : memref<12x128x128xf32, #tpu.memory_space<vmem>>, vector<1x128x128xf32>
    %swap3A_1333 = vector.shape_cast %swap3A_1332 : vector<1x128x128xf32> to vector<128x128xf32>
    %swap3A_1334 = vector.shape_cast %select_n3A_1328 : vector<128x128xf32> to vector<1x128x128xf32>
    tpu.vector_store %arg11[%swap3A_1329, %swap3A_1330, %swap3A_1331], %swap3A_1334 {strides = array<i32>} : memref<12x128x128xf32, #tpu.memory_space<vmem>>, vector<1x128x128xf32>,
    %reduce_sum3A_1335 = arith.constant dense<0.000000e+00> : vector<128xf32>
    %reduce_sum3A_1336 = vector.multi_reduction <add>, %select_n3A_1328, %reduce_sum3A_1335 [0] : vector<128x128xf32> to vector<128xf32>
    %broadcast_in_dim3A_1337 = vector.shape_cast %reduce_sum3A_1336 : vector<128xf32> to vector<1x128xf32>
    %add3A_1338 = arith.addf %add3A_1297, %broadcast_in_dim3A_1337 : vector<1x128xf32>
    %slice3A_1339 = vector.extract_strided_slice %convert_element_type3A_1133 {offsets = [5, 0], sizes = [1, 128], strides = [1, 1]} : vector<12x128xf32> to vector<1x128xf32>
    %squeeze3A_1340 = vector.shape_cast %slice3A_1339 : vector<1x128xf32> to vector<128xf32>
    %broadcast_in_dim3A_1341 = vector.shape_cast %squeeze3A_1340 : vector<128xf32> to vector<128x1xf32>
    %sub3A_1342 = vector.broadcast %broadcast_in_dim3A_1341 : vector<128x1xf32> to vector<128x128xf32>
    %sub3A_1343 = vector.broadcast %get3A_3 : vector<1x128xf32> to vector<128x128xf32>
    %sub3A_1344 = arith.subf %sub3A_1342, %sub3A_1343 : vector<128x128xf32>
    %slice3A_1345 = vector.extract_strided_slice %convert_element_type3A_1134 {offsets = [5, 0], sizes = [1, 128], strides = [1, 1]} : vector<12x128xf32> to vector<1x128xf32>
    %squeeze3A_1346 = vector.shape_cast %slice3A_1345 : vector<1x128xf32> to vector<128xf32>
    %broadcast_in_dim3A_1347 = vector.shape_cast %squeeze3A_1346 : vector<128xf32> to vector<128x1xf32>
    %sub3A_1348 = vector.broadcast %broadcast_in_dim3A_1347 : vector<128x1xf32> to vector<128x128xf32>
    %sub3A_1349 = vector.broadcast %get3A_8 : vector<1x128xf32> to vector<128x128xf32>
    %sub3A_1350 = arith.subf %sub3A_1348, %sub3A_1349 : vector<128x128xf32>
    %mul3A_1351 = arith.mulf %sub3A_1344, %sub3A_1344 : vector<128x128xf32>
    %mul3A_1352 = arith.mulf %sub3A_1350, %sub3A_1350 : vector<128x128xf32>
    %add3A_1353 = arith.addf %mul3A_1351, %mul3A_1352 : vector<128x128xf32>
    %mul3A_1354 = arith.constant -5.000000e-01 : f32
    %mul3A_1355 = vector.broadcast %mul3A_1354 : f32 to vector<128x128xf32>
    %mul3A_1356 = arith.mulf %mul3A_1355, %add3A_1353 : vector<128x128xf32>
    %mul3A_1357 = vector.broadcast %get3A_13 : vector<1x128xf32> to vector<128x128xf32>
    %mul3A_1358 = arith.mulf %mul3A_1356, %mul3A_1357 : vector<128x128xf32>
    %exp3A_1359 = math.exp %mul3A_1358 : vector<128x128xf32>
    %broadcast_in_dim3A_1360 = vector.shape_cast %reduce_max3A_634 : vector<128xi32> to vector<128x1xi32>
    %gt3A_1361 = arith.constant 0 : i32
    %gt3A_1362 = vector.broadcast %gt3A_1361 : i32 to vector<128x1xi32>
    %gt3A_1363 = arith.cmpi sgt, %broadcast_in_dim3A_1360, %gt3A_1362 : vector<128x1xi32>
    %jit3A_1364 = arith.constant 0.000000e+00 : f64
    %convert_element_type3A_1365 = arith.truncf %jit3A_1364 : f64 to f32
    %broadcast_in_dim3A_1366 = vector.shape_cast %gt3A_1363 : vector<128x1xi1> to vector<128x1xi1>
    %broadcast_in_dim3A_1367 = vector.broadcast %broadcast_in_dim3A_1366 : vector<128x1xi1> to vector<128x128xi1>
    %broadcast_in_dim3A_1368 = vector.broadcast %convert_element_type3A_1365 : f32 to vector<128x128xf32>
    %select_n3A_1369 = arith.select %broadcast_in_dim3A_1367, %broadcast_in_dim3A_1368, %exp3A_1359 : vector<128x128xi1>, vector<128x128xf32>
    %swap3A_1370 = arith.constant 5 : index
    %swap3A_1371 = arith.constant 0 : index
    %swap3A_1372 = arith.constant 0 : index
    %swap3A_1373 = vector.load %arg11[%swap3A_1370, %swap3A_1371, %swap3A_1372] : memref<12x128x128xf32, #tpu.memory_space<vmem>>, vector<1x128x128xf32>
    %swap3A_1374 = vector.shape_cast %swap3A_1373 : vector<1x128x128xf32> to vector<128x128xf32>
    %swap3A_1375 = vector.shape_cast %select_n3A_1369 : vector<128x128xf32> to vector<1x128x128xf32>
    tpu.vector_store %arg11[%swap3A_1370, %swap3A_1371, %swap3A_1372], %swap3A_1375 {strides = array<i32>} : memref<12x128x128xf32, #tpu.memory_space<vmem>>, vector<1x128x128xf32>,
    %reduce_sum3A_1376 = arith.constant dense<0.000000e+00> : vector<128xf32>
    %reduce_sum3A_1377 = vector.multi_reduction <add>, %select_n3A_1369, %reduce_sum3A_1376 [0] : vector<128x128xf32> to vector<128xf32>
    %broadcast_in_dim3A_1378 = vector.shape_cast %reduce_sum3A_1377 : vector<128xf32> to vector<1x128xf32>
    %add3A_1379 = arith.addf %add3A_1338, %broadcast_in_dim3A_1378 : vector<1x128xf32>
    %slice3A_1380 = vector.extract_strided_slice %convert_element_type3A_1133 {offsets = [6, 0], sizes = [1, 128], strides = [1, 1]} : vector<12x128xf32> to vector<1x128xf32>
    %squeeze3A_1381 = vector.shape_cast %slice3A_1380 : vector<1x128xf32> to vector<128xf32>
    %broadcast_in_dim3A_1382 = vector.shape_cast %squeeze3A_1381 : vector<128xf32> to vector<128x1xf32>
    %sub3A_1383 = vector.broadcast %broadcast_in_dim3A_1382 : vector<128x1xf32> to vector<128x128xf32>
    %sub3A_1384 = vector.broadcast %get3A_3 : vector<1x128xf32> to vector<128x128xf32>
    %sub3A_1385 = arith.subf %sub3A_1383, %sub3A_1384 : vector<128x128xf32>
    %slice3A_1386 = vector.extract_strided_slice %convert_element_type3A_1134 {offsets = [6, 0], sizes = [1, 128], strides = [1, 1]} : vector<12x128xf32> to vector<1x128xf32>
    %squeeze3A_1387 = vector.shape_cast %slice3A_1386 : vector<1x128xf32> to vector<128xf32>
    %broadcast_in_dim3A_1388 = vector.shape_cast %squeeze3A_1387 : vector<128xf32> to vector<128x1xf32>
    %sub3A_1389 = vector.broadcast %broadcast_in_dim3A_1388 : vector<128x1xf32> to vector<128x128xf32>
    %sub3A_1390 = vector.broadcast %get3A_8 : vector<1x128xf32> to vector<128x128xf32>
    %sub3A_1391 = arith.subf %sub3A_1389, %sub3A_1390 : vector<128x128xf32>
    %mul3A_1392 = arith.mulf %sub3A_1385, %sub3A_1385 : vector<128x128xf32>
    %mul3A_1393 = arith.mulf %sub3A_1391, %sub3A_1391 : vector<128x128xf32>
    %add3A_1394 = arith.addf %mul3A_1392, %mul3A_1393 : vector<128x128xf32>
    %mul3A_1395 = arith.constant -5.000000e-01 : f32
    %mul3A_1396 = vector.broadcast %mul3A_1395 : f32 to vector<128x128xf32>
    %mul3A_1397 = arith.mulf %mul3A_1396, %add3A_1394 : vector<128x128xf32>
    %mul3A_1398 = vector.broadcast %get3A_13 : vector<1x128xf32> to vector<128x128xf32>
    %mul3A_1399 = arith.mulf %mul3A_1397, %mul3A_1398 : vector<128x128xf32>
    %exp3A_1400 = math.exp %mul3A_1399 : vector<128x128xf32>
    %broadcast_in_dim3A_1401 = vector.shape_cast %reduce_max3A_697 : vector<128xi32> to vector<128x1xi32>
    %gt3A_1402 = arith.constant 0 : i32
    %gt3A_1403 = vector.broadcast %gt3A_1402 : i32 to vector<128x1xi32>
    %gt3A_1404 = arith.cmpi sgt, %broadcast_in_dim3A_1401, %gt3A_1403 : vector<128x1xi32>
    %jit3A_1405 = arith.constant 0.000000e+00 : f64
    %convert_element_type3A_1406 = arith.truncf %jit3A_1405 : f64 to f32
    %broadcast_in_dim3A_1407 = vector.shape_cast %gt3A_1404 : vector<128x1xi1> to vector<128x1xi1>
    %broadcast_in_dim3A_1408 = vector.broadcast %broadcast_in_dim3A_1407 : vector<128x1xi1> to vector<128x128xi1>
    %broadcast_in_dim3A_1409 = vector.broadcast %convert_element_type3A_1406 : f32 to vector<128x128xf32>
    %select_n3A_1410 = arith.select %broadcast_in_dim3A_1408, %broadcast_in_dim3A_1409, %exp3A_1400 : vector<128x128xi1>, vector<128x128xf32>
    %swap3A_1411 = arith.constant 6 : index
    %swap3A_1412 = arith.constant 0 : index
    %swap3A_1413 = arith.constant 0 : index
    %swap3A_1414 = vector.load %arg11[%swap3A_1411, %swap3A_1412, %swap3A_1413] : memref<12x128x128xf32, #tpu.memory_space<vmem>>, vector<1x128x128xf32>
    %swap3A_1415 = vector.shape_cast %swap3A_1414 : vector<1x128x128xf32> to vector<128x128xf32>
    %swap3A_1416 = vector.shape_cast %select_n3A_1410 : vector<128x128xf32> to vector<1x128x128xf32>
    tpu.vector_store %arg11[%swap3A_1411, %swap3A_1412, %swap3A_1413], %swap3A_1416 {strides = array<i32>} : memref<12x128x128xf32, #tpu.memory_space<vmem>>, vector<1x128x128xf32>,
    %reduce_sum3A_1417 = arith.constant dense<0.000000e+00> : vector<128xf32>
    %reduce_sum3A_1418 = vector.multi_reduction <add>, %select_n3A_1410, %reduce_sum3A_1417 [0] : vector<128x128xf32> to vector<128xf32>
    %broadcast_in_dim3A_1419 = vector.shape_cast %reduce_sum3A_1418 : vector<128xf32> to vector<1x128xf32>
    %add3A_1420 = arith.addf %add3A_1379, %broadcast_in_dim3A_1419 : vector<1x128xf32>
    %slice3A_1421 = vector.extract_strided_slice %convert_element_type3A_1133 {offsets = [7, 0], sizes = [1, 128], strides = [1, 1]} : vector<12x128xf32> to vector<1x128xf32>
    %squeeze3A_1422 = vector.shape_cast %slice3A_1421 : vector<1x128xf32> to vector<128xf32>
    %broadcast_in_dim3A_1423 = vector.shape_cast %squeeze3A_1422 : vector<128xf32> to vector<128x1xf32>
    %sub3A_1424 = vector.broadcast %broadcast_in_dim3A_1423 : vector<128x1xf32> to vector<128x128xf32>
    %sub3A_1425 = vector.broadcast %get3A_3 : vector<1x128xf32> to vector<128x128xf32>
    %sub3A_1426 = arith.subf %sub3A_1424, %sub3A_1425 : vector<128x128xf32>
    %slice3A_1427 = vector.extract_strided_slice %convert_element_type3A_1134 {offsets = [7, 0], sizes = [1, 128], strides = [1, 1]} : vector<12x128xf32> to vector<1x128xf32>
    %squeeze3A_1428 = vector.shape_cast %slice3A_1427 : vector<1x128xf32> to vector<128xf32>
    %broadcast_in_dim3A_1429 = vector.shape_cast %squeeze3A_1428 : vector<128xf32> to vector<128x1xf32>
    %sub3A_1430 = vector.broadcast %broadcast_in_dim3A_1429 : vector<128x1xf32> to vector<128x128xf32>
    %sub3A_1431 = vector.broadcast %get3A_8 : vector<1x128xf32> to vector<128x128xf32>
    %sub3A_1432 = arith.subf %sub3A_1430, %sub3A_1431 : vector<128x128xf32>
    %mul3A_1433 = arith.mulf %sub3A_1426, %sub3A_1426 : vector<128x128xf32>
    %mul3A_1434 = arith.mulf %sub3A_1432, %sub3A_1432 : vector<128x128xf32>
    %add3A_1435 = arith.addf %mul3A_1433, %mul3A_1434 : vector<128x128xf32>
    %mul3A_1436 = arith.constant -5.000000e-01 : f32
    %mul3A_1437 = vector.broadcast %mul3A_1436 : f32 to vector<128x128xf32>
    %mul3A_1438 = arith.mulf %mul3A_1437, %add3A_1435 : vector<128x128xf32>
    %mul3A_1439 = vector.broadcast %get3A_13 : vector<1x128xf32> to vector<128x128xf32>
    %mul3A_1440 = arith.mulf %mul3A_1438, %mul3A_1439 : vector<128x128xf32>
    %exp3A_1441 = math.exp %mul3A_1440 : vector<128x128xf32>
    %broadcast_in_dim3A_1442 = vector.shape_cast %reduce_max3A_768 : vector<128xi32> to vector<128x1xi32>
    %gt3A_1443 = arith.constant 0 : i32
    %gt3A_1444 = vector.broadcast %gt3A_1443 : i32 to vector<128x1xi32>
    %gt3A_1445 = arith.cmpi sgt, %broadcast_in_dim3A_1442, %gt3A_1444 : vector<128x1xi32>
    %jit3A_1446 = arith.constant 0.000000e+00 : f64
    %convert_element_type3A_1447 = arith.truncf %jit3A_1446 : f64 to f32
    %broadcast_in_dim3A_1448 = vector.shape_cast %gt3A_1445 : vector<128x1xi1> to vector<128x1xi1>
    %broadcast_in_dim3A_1449 = vector.broadcast %broadcast_in_dim3A_1448 : vector<128x1xi1> to vector<128x128xi1>
    %broadcast_in_dim3A_1450 = vector.broadcast %convert_element_type3A_1447 : f32 to vector<128x128xf32>
    %select_n3A_1451 = arith.select %broadcast_in_dim3A_1449, %broadcast_in_dim3A_1450, %exp3A_1441 : vector<128x128xi1>, vector<128x128xf32>
    %swap3A_1452 = arith.constant 7 : index
    %swap3A_1453 = arith.constant 0 : index
    %swap3A_1454 = arith.constant 0 : index
    %swap3A_1455 = vector.load %arg11[%swap3A_1452, %swap3A_1453, %swap3A_1454] : memref<12x128x128xf32, #tpu.memory_space<vmem>>, vector<1x128x128xf32>
    %swap3A_1456 = vector.shape_cast %swap3A_1455 : vector<1x128x128xf32> to vector<128x128xf32>
    %swap3A_1457 = vector.shape_cast %select_n3A_1451 : vector<128x128xf32> to vector<1x128x128xf32>
    tpu.vector_store %arg11[%swap3A_1452, %swap3A_1453, %swap3A_1454], %swap3A_1457 {strides = array<i32>} : memref<12x128x128xf32, #tpu.memory_space<vmem>>, vector<1x128x128xf32>,
    %reduce_sum3A_1458 = arith.constant dense<0.000000e+00> : vector<128xf32>
    %reduce_sum3A_1459 = vector.multi_reduction <add>, %select_n3A_1451, %reduce_sum3A_1458 [0] : vector<128x128xf32> to vector<128xf32>
    %broadcast_in_dim3A_1460 = vector.shape_cast %reduce_sum3A_1459 : vector<128xf32> to vector<1x128xf32>
    %add3A_1461 = arith.addf %add3A_1420, %broadcast_in_dim3A_1460 : vector<1x128xf32>
    %slice3A_1462 = vector.extract_strided_slice %convert_element_type3A_1133 {offsets = [8, 0], sizes = [1, 128], strides = [1, 1]} : vector<12x128xf32> to vector<1x128xf32>
    %squeeze3A_1463 = vector.shape_cast %slice3A_1462 : vector<1x128xf32> to vector<128xf32>
    %broadcast_in_dim3A_1464 = vector.shape_cast %squeeze3A_1463 : vector<128xf32> to vector<128x1xf32>
    %sub3A_1465 = vector.broadcast %broadcast_in_dim3A_1464 : vector<128x1xf32> to vector<128x128xf32>
    %sub3A_1466 = vector.broadcast %get3A_3 : vector<1x128xf32> to vector<128x128xf32>
    %sub3A_1467 = arith.subf %sub3A_1465, %sub3A_1466 : vector<128x128xf32>
    %slice3A_1468 = vector.extract_strided_slice %convert_element_type3A_1134 {offsets = [8, 0], sizes = [1, 128], strides = [1, 1]} : vector<12x128xf32> to vector<1x128xf32>
    %squeeze3A_1469 = vector.shape_cast %slice3A_1468 : vector<1x128xf32> to vector<128xf32>
    %broadcast_in_dim3A_1470 = vector.shape_cast %squeeze3A_1469 : vector<128xf32> to vector<128x1xf32>
    %sub3A_1471 = vector.broadcast %broadcast_in_dim3A_1470 : vector<128x1xf32> to vector<128x128xf32>
    %sub3A_1472 = vector.broadcast %get3A_8 : vector<1x128xf32> to vector<128x128xf32>
    %sub3A_1473 = arith.subf %sub3A_1471, %sub3A_1472 : vector<128x128xf32>
    %mul3A_1474 = arith.mulf %sub3A_1467, %sub3A_1467 : vector<128x128xf32>
    %mul3A_1475 = arith.mulf %sub3A_1473, %sub3A_1473 : vector<128x128xf32>
    %add3A_1476 = arith.addf %mul3A_1474, %mul3A_1475 : vector<128x128xf32>
    %mul3A_1477 = arith.constant -5.000000e-01 : f32
    %mul3A_1478 = vector.broadcast %mul3A_1477 : f32 to vector<128x128xf32>
    %mul3A_1479 = arith.mulf %mul3A_1478, %add3A_1476 : vector<128x128xf32>
    %mul3A_1480 = vector.broadcast %get3A_13 : vector<1x128xf32> to vector<128x128xf32>
    %mul3A_1481 = arith.mulf %mul3A_1479, %mul3A_1480 : vector<128x128xf32>
    %exp3A_1482 = math.exp %mul3A_1481 : vector<128x128xf32>
    %broadcast_in_dim3A_1483 = vector.shape_cast %reduce_max3A_847 : vector<128xi32> to vector<128x1xi32>
    %gt3A_1484 = arith.constant 0 : i32
    %gt3A_1485 = vector.broadcast %gt3A_1484 : i32 to vector<128x1xi32>
    %gt3A_1486 = arith.cmpi sgt, %broadcast_in_dim3A_1483, %gt3A_1485 : vector<128x1xi32>
    %jit3A_1487 = arith.constant 0.000000e+00 : f64
    %convert_element_type3A_1488 = arith.truncf %jit3A_1487 : f64 to f32
    %broadcast_in_dim3A_1489 = vector.shape_cast %gt3A_1486 : vector<128x1xi1> to vector<128x1xi1>
    %broadcast_in_dim3A_1490 = vector.broadcast %broadcast_in_dim3A_1489 : vector<128x1xi1> to vector<128x128xi1>
    %broadcast_in_dim3A_1491 = vector.broadcast %convert_element_type3A_1488 : f32 to vector<128x128xf32>
    %select_n3A_1492 = arith.select %broadcast_in_dim3A_1490, %broadcast_in_dim3A_1491, %exp3A_1482 : vector<128x128xi1>, vector<128x128xf32>
    %swap3A_1493 = arith.constant 8 : index
    %swap3A_1494 = arith.constant 0 : index
    %swap3A_1495 = arith.constant 0 : index
    %swap3A_1496 = vector.load %arg11[%swap3A_1493, %swap3A_1494, %swap3A_1495] : memref<12x128x128xf32, #tpu.memory_space<vmem>>, vector<1x128x128xf32>
    %swap3A_1497 = vector.shape_cast %swap3A_1496 : vector<1x128x128xf32> to vector<128x128xf32>
    %swap3A_1498 = vector.shape_cast %select_n3A_1492 : vector<128x128xf32> to vector<1x128x128xf32>
    tpu.vector_store %arg11[%swap3A_1493, %swap3A_1494, %swap3A_1495], %swap3A_1498 {strides = array<i32>} : memref<12x128x128xf32, #tpu.memory_space<vmem>>, vector<1x128x128xf32>,
    %reduce_sum3A_1499 = arith.constant dense<0.000000e+00> : vector<128xf32>
    %reduce_sum3A_1500 = vector.multi_reduction <add>, %select_n3A_1492, %reduce_sum3A_1499 [0] : vector<128x128xf32> to vector<128xf32>
    %broadcast_in_dim3A_1501 = vector.shape_cast %reduce_sum3A_1500 : vector<128xf32> to vector<1x128xf32>
    %add3A_1502 = arith.addf %add3A_1461, %broadcast_in_dim3A_1501 : vector<1x128xf32>
    %slice3A_1503 = vector.extract_strided_slice %convert_element_type3A_1133 {offsets = [9, 0], sizes = [1, 128], strides = [1, 1]} : vector<12x128xf32> to vector<1x128xf32>
    %squeeze3A_1504 = vector.shape_cast %slice3A_1503 : vector<1x128xf32> to vector<128xf32>
    %broadcast_in_dim3A_1505 = vector.shape_cast %squeeze3A_1504 : vector<128xf32> to vector<128x1xf32>
    %sub3A_1506 = vector.broadcast %broadcast_in_dim3A_1505 : vector<128x1xf32> to vector<128x128xf32>
    %sub3A_1507 = vector.broadcast %get3A_3 : vector<1x128xf32> to vector<128x128xf32>
    %sub3A_1508 = arith.subf %sub3A_1506, %sub3A_1507 : vector<128x128xf32>
    %slice3A_1509 = vector.extract_strided_slice %convert_element_type3A_1134 {offsets = [9, 0], sizes = [1, 128], strides = [1, 1]} : vector<12x128xf32> to vector<1x128xf32>
    %squeeze3A_1510 = vector.shape_cast %slice3A_1509 : vector<1x128xf32> to vector<128xf32>
    %broadcast_in_dim3A_1511 = vector.shape_cast %squeeze3A_1510 : vector<128xf32> to vector<128x1xf32>
    %sub3A_1512 = vector.broadcast %broadcast_in_dim3A_1511 : vector<128x1xf32> to vector<128x128xf32>
    %sub3A_1513 = vector.broadcast %get3A_8 : vector<1x128xf32> to vector<128x128xf32>
    %sub3A_1514 = arith.subf %sub3A_1512, %sub3A_1513 : vector<128x128xf32>
    %mul3A_1515 = arith.mulf %sub3A_1508, %sub3A_1508 : vector<128x128xf32>
    %mul3A_1516 = arith.mulf %sub3A_1514, %sub3A_1514 : vector<128x128xf32>
    %add3A_1517 = arith.addf %mul3A_1515, %mul3A_1516 : vector<128x128xf32>
    %mul3A_1518 = arith.constant -5.000000e-01 : f32
    %mul3A_1519 = vector.broadcast %mul3A_1518 : f32 to vector<128x128xf32>
    %mul3A_1520 = arith.mulf %mul3A_1519, %add3A_1517 : vector<128x128xf32>
    %mul3A_1521 = vector.broadcast %get3A_13 : vector<1x128xf32> to vector<128x128xf32>
    %mul3A_1522 = arith.mulf %mul3A_1520, %mul3A_1521 : vector<128x128xf32>
    %exp3A_1523 = math.exp %mul3A_1522 : vector<128x128xf32>
    %broadcast_in_dim3A_1524 = vector.shape_cast %reduce_max3A_934 : vector<128xi32> to vector<128x1xi32>
    %gt3A_1525 = arith.constant 0 : i32
    %gt3A_1526 = vector.broadcast %gt3A_1525 : i32 to vector<128x1xi32>
    %gt3A_1527 = arith.cmpi sgt, %broadcast_in_dim3A_1524, %gt3A_1526 : vector<128x1xi32>
    %jit3A_1528 = arith.constant 0.000000e+00 : f64
    %convert_element_type3A_1529 = arith.truncf %jit3A_1528 : f64 to f32
    %broadcast_in_dim3A_1530 = vector.shape_cast %gt3A_1527 : vector<128x1xi1> to vector<128x1xi1>
    %broadcast_in_dim3A_1531 = vector.broadcast %broadcast_in_dim3A_1530 : vector<128x1xi1> to vector<128x128xi1>
    %broadcast_in_dim3A_1532 = vector.broadcast %convert_element_type3A_1529 : f32 to vector<128x128xf32>
    %select_n3A_1533 = arith.select %broadcast_in_dim3A_1531, %broadcast_in_dim3A_1532, %exp3A_1523 : vector<128x128xi1>, vector<128x128xf32>
    %swap3A_1534 = arith.constant 9 : index
    %swap3A_1535 = arith.constant 0 : index
    %swap3A_1536 = arith.constant 0 : index
    %swap3A_1537 = vector.load %arg11[%swap3A_1534, %swap3A_1535, %swap3A_1536] : memref<12x128x128xf32, #tpu.memory_space<vmem>>, vector<1x128x128xf32>
    %swap3A_1538 = vector.shape_cast %swap3A_1537 : vector<1x128x128xf32> to vector<128x128xf32>
    %swap3A_1539 = vector.shape_cast %select_n3A_1533 : vector<128x128xf32> to vector<1x128x128xf32>
    tpu.vector_store %arg11[%swap3A_1534, %swap3A_1535, %swap3A_1536], %swap3A_1539 {strides = array<i32>} : memref<12x128x128xf32, #tpu.memory_space<vmem>>, vector<1x128x128xf32>,
    %reduce_sum3A_1540 = arith.constant dense<0.000000e+00> : vector<128xf32>
    %reduce_sum3A_1541 = vector.multi_reduction <add>, %select_n3A_1533, %reduce_sum3A_1540 [0] : vector<128x128xf32> to vector<128xf32>
    %broadcast_in_dim3A_1542 = vector.shape_cast %reduce_sum3A_1541 : vector<128xf32> to vector<1x128xf32>
    %add3A_1543 = arith.addf %add3A_1502, %broadcast_in_dim3A_1542 : vector<1x128xf32>
    %slice3A_1544 = vector.extract_strided_slice %convert_element_type3A_1133 {offsets = [10, 0], sizes = [1, 128], strides = [1, 1]} : vector<12x128xf32> to vector<1x128xf32>
    %squeeze3A_1545 = vector.shape_cast %slice3A_1544 : vector<1x128xf32> to vector<128xf32>
    %broadcast_in_dim3A_1546 = vector.shape_cast %squeeze3A_1545 : vector<128xf32> to vector<128x1xf32>
    %sub3A_1547 = vector.broadcast %broadcast_in_dim3A_1546 : vector<128x1xf32> to vector<128x128xf32>
    %sub3A_1548 = vector.broadcast %get3A_3 : vector<1x128xf32> to vector<128x128xf32>
    %sub3A_1549 = arith.subf %sub3A_1547, %sub3A_1548 : vector<128x128xf32>
    %slice3A_1550 = vector.extract_strided_slice %convert_element_type3A_1134 {offsets = [10, 0], sizes = [1, 128], strides = [1, 1]} : vector<12x128xf32> to vector<1x128xf32>
    %squeeze3A_1551 = vector.shape_cast %slice3A_1550 : vector<1x128xf32> to vector<128xf32>
    %broadcast_in_dim3A_1552 = vector.shape_cast %squeeze3A_1551 : vector<128xf32> to vector<128x1xf32>
    %sub3A_1553 = vector.broadcast %broadcast_in_dim3A_1552 : vector<128x1xf32> to vector<128x128xf32>
    %sub3A_1554 = vector.broadcast %get3A_8 : vector<1x128xf32> to vector<128x128xf32>
    %sub3A_1555 = arith.subf %sub3A_1553, %sub3A_1554 : vector<128x128xf32>
    %mul3A_1556 = arith.mulf %sub3A_1549, %sub3A_1549 : vector<128x128xf32>
    %mul3A_1557 = arith.mulf %sub3A_1555, %sub3A_1555 : vector<128x128xf32>
    %add3A_1558 = arith.addf %mul3A_1556, %mul3A_1557 : vector<128x128xf32>
    %mul3A_1559 = arith.constant -5.000000e-01 : f32
    %mul3A_1560 = vector.broadcast %mul3A_1559 : f32 to vector<128x128xf32>
    %mul3A_1561 = arith.mulf %mul3A_1560, %add3A_1558 : vector<128x128xf32>
    %mul3A_1562 = vector.broadcast %get3A_13 : vector<1x128xf32> to vector<128x128xf32>
    %mul3A_1563 = arith.mulf %mul3A_1561, %mul3A_1562 : vector<128x128xf32>
    %exp3A_1564 = math.exp %mul3A_1563 : vector<128x128xf32>
    %broadcast_in_dim3A_1565 = vector.shape_cast %reduce_max3A_1029 : vector<128xi32> to vector<128x1xi32>
    %gt3A_1566 = arith.constant 0 : i32
    %gt3A_1567 = vector.broadcast %gt3A_1566 : i32 to vector<128x1xi32>
    %gt3A_1568 = arith.cmpi sgt, %broadcast_in_dim3A_1565, %gt3A_1567 : vector<128x1xi32>
    %jit3A_1569 = arith.constant 0.000000e+00 : f64
    %convert_element_type3A_1570 = arith.truncf %jit3A_1569 : f64 to f32
    %broadcast_in_dim3A_1571 = vector.shape_cast %gt3A_1568 : vector<128x1xi1> to vector<128x1xi1>
    %broadcast_in_dim3A_1572 = vector.broadcast %broadcast_in_dim3A_1571 : vector<128x1xi1> to vector<128x128xi1>
    %broadcast_in_dim3A_1573 = vector.broadcast %convert_element_type3A_1570 : f32 to vector<128x128xf32>
    %select_n3A_1574 = arith.select %broadcast_in_dim3A_1572, %broadcast_in_dim3A_1573, %exp3A_1564 : vector<128x128xi1>, vector<128x128xf32>
    %swap3A_1575 = arith.constant 10 : index
    %swap3A_1576 = arith.constant 0 : index
    %swap3A_1577 = arith.constant 0 : index
    %swap3A_1578 = vector.load %arg11[%swap3A_1575, %swap3A_1576, %swap3A_1577] : memref<12x128x128xf32, #tpu.memory_space<vmem>>, vector<1x128x128xf32>
    %swap3A_1579 = vector.shape_cast %swap3A_1578 : vector<1x128x128xf32> to vector<128x128xf32>
    %swap3A_1580 = vector.shape_cast %select_n3A_1574 : vector<128x128xf32> to vector<1x128x128xf32>
    tpu.vector_store %arg11[%swap3A_1575, %swap3A_1576, %swap3A_1577], %swap3A_1580 {strides = array<i32>} : memref<12x128x128xf32, #tpu.memory_space<vmem>>, vector<1x128x128xf32>,
    %reduce_sum3A_1581 = arith.constant dense<0.000000e+00> : vector<128xf32>
    %reduce_sum3A_1582 = vector.multi_reduction <add>, %select_n3A_1574, %reduce_sum3A_1581 [0] : vector<128x128xf32> to vector<128xf32>
    %broadcast_in_dim3A_1583 = vector.shape_cast %reduce_sum3A_1582 : vector<128xf32> to vector<1x128xf32>
    %add3A_1584 = arith.addf %add3A_1543, %broadcast_in_dim3A_1583 : vector<1x128xf32>
    %slice3A_1585 = vector.extract_strided_slice %convert_element_type3A_1133 {offsets = [11, 0], sizes = [1, 128], strides = [1, 1]} : vector<12x128xf32> to vector<1x128xf32>
    %squeeze3A_1586 = vector.shape_cast %slice3A_1585 : vector<1x128xf32> to vector<128xf32>
    %broadcast_in_dim3A_1587 = vector.shape_cast %squeeze3A_1586 : vector<128xf32> to vector<128x1xf32>
    %sub3A_1588 = vector.broadcast %broadcast_in_dim3A_1587 : vector<128x1xf32> to vector<128x128xf32>
    %sub3A_1589 = vector.broadcast %get3A_3 : vector<1x128xf32> to vector<128x128xf32>
    %sub3A_1590 = arith.subf %sub3A_1588, %sub3A_1589 : vector<128x128xf32>
    %slice3A_1591 = vector.extract_strided_slice %convert_element_type3A_1134 {offsets = [11, 0], sizes = [1, 128], strides = [1, 1]} : vector<12x128xf32> to vector<1x128xf32>
    %squeeze3A_1592 = vector.shape_cast %slice3A_1591 : vector<1x128xf32> to vector<128xf32>
    %broadcast_in_dim3A_1593 = vector.shape_cast %squeeze3A_1592 : vector<128xf32> to vector<128x1xf32>
    %sub3A_1594 = vector.broadcast %broadcast_in_dim3A_1593 : vector<128x1xf32> to vector<128x128xf32>
    %sub3A_1595 = vector.broadcast %get3A_8 : vector<1x128xf32> to vector<128x128xf32>
    %sub3A_1596 = arith.subf %sub3A_1594, %sub3A_1595 : vector<128x128xf32>
    %mul3A_1597 = arith.mulf %sub3A_1590, %sub3A_1590 : vector<128x128xf32>
    %mul3A_1598 = arith.mulf %sub3A_1596, %sub3A_1596 : vector<128x128xf32>
    %add3A_1599 = arith.addf %mul3A_1597, %mul3A_1598 : vector<128x128xf32>
    %mul3A_1600 = arith.constant -5.000000e-01 : f32
    %mul3A_1601 = vector.broadcast %mul3A_1600 : f32 to vector<128x128xf32>
    %mul3A_1602 = arith.mulf %mul3A_1601, %add3A_1599 : vector<128x128xf32>
    %mul3A_1603 = vector.broadcast %get3A_13 : vector<1x128xf32> to vector<128x128xf32>
    %mul3A_1604 = arith.mulf %mul3A_1602, %mul3A_1603 : vector<128x128xf32>
    %exp3A_1605 = math.exp %mul3A_1604 : vector<128x128xf32>
    %broadcast_in_dim3A_1606 = vector.shape_cast %reduce_max3A_1132 : vector<128xi32> to vector<128x1xi32>
    %gt3A_1607 = arith.constant 0 : i32
    %gt3A_1608 = vector.broadcast %gt3A_1607 : i32 to vector<128x1xi32>
    %gt3A_1609 = arith.cmpi sgt, %broadcast_in_dim3A_1606, %gt3A_1608 : vector<128x1xi32>
    %jit3A_1610 = arith.constant 0.000000e+00 : f64
    %convert_element_type3A_1611 = arith.truncf %jit3A_1610 : f64 to f32
    %broadcast_in_dim3A_1612 = vector.shape_cast %gt3A_1609 : vector<128x1xi1> to vector<128x1xi1>
    %broadcast_in_dim3A_1613 = vector.broadcast %broadcast_in_dim3A_1612 : vector<128x1xi1> to vector<128x128xi1>
    %broadcast_in_dim3A_1614 = vector.broadcast %convert_element_type3A_1611 : f32 to vector<128x128xf32>
    %select_n3A_1615 = arith.select %broadcast_in_dim3A_1613, %broadcast_in_dim3A_1614, %exp3A_1605 : vector<128x128xi1>, vector<128x128xf32>
    %swap3A_1616 = arith.constant 11 : index
    %swap3A_1617 = arith.constant 0 : index
    %swap3A_1618 = arith.constant 0 : index
    %swap3A_1619 = vector.load %arg11[%swap3A_1616, %swap3A_1617, %swap3A_1618] : memref<12x128x128xf32, #tpu.memory_space<vmem>>, vector<1x128x128xf32>
    %swap3A_1620 = vector.shape_cast %swap3A_1619 : vector<1x128x128xf32> to vector<128x128xf32>
    %swap3A_1621 = vector.shape_cast %select_n3A_1615 : vector<128x128xf32> to vector<1x128x128xf32>
    tpu.vector_store %arg11[%swap3A_1616, %swap3A_1617, %swap3A_1618], %swap3A_1621 {strides = array<i32>} : memref<12x128x128xf32, #tpu.memory_space<vmem>>, vector<1x128x128xf32>,
    %reduce_sum3A_1622 = arith.constant dense<0.000000e+00> : vector<128xf32>
    %reduce_sum3A_1623 = vector.multi_reduction <add>, %select_n3A_1615, %reduce_sum3A_1622 [0] : vector<128x128xf32> to vector<128xf32>
    %broadcast_in_dim3A_1624 = vector.shape_cast %reduce_sum3A_1623 : vector<128xf32> to vector<1x128xf32>
    %add3A_1625 = arith.addf %add3A_1584, %broadcast_in_dim3A_1624 : vector<1x128xf32>
    %add3A_1626 = arith.constant 9.99999997E-7 : f32
    %add3A_1627 = vector.broadcast %add3A_1626 : f32 to vector<1x128xf32>
    %add3A_1628 = arith.addf %add3A_1625, %add3A_1627 : vector<1x128xf32>
    %div3A = arith.divf %get3A_18, %add3A_1628 : vector<1x128xf32>
    %get3A_1629 = arith.constant 0 : index
    %get3A_1630 = arith.constant 0 : index
    %get3A_1631 = arith.constant 0 : index
    %get3A_1632 = vector.load %arg11[%get3A_1629, %get3A_1630, %get3A_1631] : memref<12x128x128xf32, #tpu.memory_space<vmem>>, vector<1x128x128xf32>
    %get3A_1633 = vector.shape_cast %get3A_1632 : vector<1x128x128xf32> to vector<128x128xf32>
    %mul3A_1634 = vector.broadcast %div3A : vector<1x128xf32> to vector<128x128xf32>
    %mul3A_1635 = arith.mulf %get3A_1633, %mul3A_1634 : vector<128x128xf32>
    %reduce_sum3A_1636 = arith.constant dense<0.000000e+00> : vector<128xf32>
    %reduce_sum3A_1637 = vector.multi_reduction <add>, %mul3A_1635, %reduce_sum3A_1636 [1] : vector<128x128xf32> to vector<128xf32>
    %broadcast_in_dim3A_1638 = vector.shape_cast %reduce_sum3A_1637 : vector<128xf32> to vector<1x128xf32>
    %get3A_1639 = arith.constant 1 : index
    %get3A_1640 = arith.constant 0 : index
    %get3A_1641 = arith.constant 0 : index
    %get3A_1642 = vector.load %arg11[%get3A_1639, %get3A_1640, %get3A_1641] : memref<12x128x128xf32, #tpu.memory_space<vmem>>, vector<1x128x128xf32>
    %get3A_1643 = vector.shape_cast %get3A_1642 : vector<1x128x128xf32> to vector<128x128xf32>
    %mul3A_1644 = vector.broadcast %div3A : vector<1x128xf32> to vector<128x128xf32>
    %mul3A_1645 = arith.mulf %get3A_1643, %mul3A_1644 : vector<128x128xf32>
    %reduce_sum3A_1646 = arith.constant dense<0.000000e+00> : vector<128xf32>
    %reduce_sum3A_1647 = vector.multi_reduction <add>, %mul3A_1645, %reduce_sum3A_1646 [1] : vector<128x128xf32> to vector<128xf32>
    %broadcast_in_dim3A_1648 = vector.shape_cast %reduce_sum3A_1647 : vector<128xf32> to vector<1x128xf32>
    %get3A_1649 = arith.constant 2 : index
    %get3A_1650 = arith.constant 0 : index
    %get3A_1651 = arith.constant 0 : index
    %get3A_1652 = vector.load %arg11[%get3A_1649, %get3A_1650, %get3A_1651] : memref<12x128x128xf32, #tpu.memory_space<vmem>>, vector<1x128x128xf32>
    %get3A_1653 = vector.shape_cast %get3A_1652 : vector<1x128x128xf32> to vector<128x128xf32>
    %mul3A_1654 = vector.broadcast %div3A : vector<1x128xf32> to vector<128x128xf32>
    %mul3A_1655 = arith.mulf %get3A_1653, %mul3A_1654 : vector<128x128xf32>
    %reduce_sum3A_1656 = arith.constant dense<0.000000e+00> : vector<128xf32>
    %reduce_sum3A_1657 = vector.multi_reduction <add>, %mul3A_1655, %reduce_sum3A_1656 [1] : vector<128x128xf32> to vector<128xf32>
    %broadcast_in_dim3A_1658 = vector.shape_cast %reduce_sum3A_1657 : vector<128xf32> to vector<1x128xf32>
    %get3A_1659 = arith.constant 3 : index
    %get3A_1660 = arith.constant 0 : index
    %get3A_1661 = arith.constant 0 : index
    %get3A_1662 = vector.load %arg11[%get3A_1659, %get3A_1660, %get3A_1661] : memref<12x128x128xf32, #tpu.memory_space<vmem>>, vector<1x128x128xf32>
    %get3A_1663 = vector.shape_cast %get3A_1662 : vector<1x128x128xf32> to vector<128x128xf32>
    %mul3A_1664 = vector.broadcast %div3A : vector<1x128xf32> to vector<128x128xf32>
    %mul3A_1665 = arith.mulf %get3A_1663, %mul3A_1664 : vector<128x128xf32>
    %reduce_sum3A_1666 = arith.constant dense<0.000000e+00> : vector<128xf32>
    %reduce_sum3A_1667 = vector.multi_reduction <add>, %mul3A_1665, %reduce_sum3A_1666 [1] : vector<128x128xf32> to vector<128xf32>
    %broadcast_in_dim3A_1668 = vector.shape_cast %reduce_sum3A_1667 : vector<128xf32> to vector<1x128xf32>
    %get3A_1669 = arith.constant 4 : index
    %get3A_1670 = arith.constant 0 : index
    %get3A_1671 = arith.constant 0 : index
    %get3A_1672 = vector.load %arg11[%get3A_1669, %get3A_1670, %get3A_1671] : memref<12x128x128xf32, #tpu.memory_space<vmem>>, vector<1x128x128xf32>
    %get3A_1673 = vector.shape_cast %get3A_1672 : vector<1x128x128xf32> to vector<128x128xf32>
    %mul3A_1674 = vector.broadcast %div3A : vector<1x128xf32> to vector<128x128xf32>
    %mul3A_1675 = arith.mulf %get3A_1673, %mul3A_1674 : vector<128x128xf32>
    %reduce_sum3A_1676 = arith.constant dense<0.000000e+00> : vector<128xf32>
    %reduce_sum3A_1677 = vector.multi_reduction <add>, %mul3A_1675, %reduce_sum3A_1676 [1] : vector<128x128xf32> to vector<128xf32>
    %broadcast_in_dim3A_1678 = vector.shape_cast %reduce_sum3A_1677 : vector<128xf32> to vector<1x128xf32>
    %get3A_1679 = arith.constant 5 : index
    %get3A_1680 = arith.constant 0 : index
    %get3A_1681 = arith.constant 0 : index
    %get3A_1682 = vector.load %arg11[%get3A_1679, %get3A_1680, %get3A_1681] : memref<12x128x128xf32, #tpu.memory_space<vmem>>, vector<1x128x128xf32>
    %get3A_1683 = vector.shape_cast %get3A_1682 : vector<1x128x128xf32> to vector<128x128xf32>
    %mul3A_1684 = vector.broadcast %div3A : vector<1x128xf32> to vector<128x128xf32>
    %mul3A_1685 = arith.mulf %get3A_1683, %mul3A_1684 : vector<128x128xf32>
    %reduce_sum3A_1686 = arith.constant dense<0.000000e+00> : vector<128xf32>
    %reduce_sum3A_1687 = vector.multi_reduction <add>, %mul3A_1685, %reduce_sum3A_1686 [1] : vector<128x128xf32> to vector<128xf32>
    %broadcast_in_dim3A_1688 = vector.shape_cast %reduce_sum3A_1687 : vector<128xf32> to vector<1x128xf32>
    %get3A_1689 = arith.constant 6 : index
    %get3A_1690 = arith.constant 0 : index
    %get3A_1691 = arith.constant 0 : index
    %get3A_1692 = vector.load %arg11[%get3A_1689, %get3A_1690, %get3A_1691] : memref<12x128x128xf32, #tpu.memory_space<vmem>>, vector<1x128x128xf32>
    %get3A_1693 = vector.shape_cast %get3A_1692 : vector<1x128x128xf32> to vector<128x128xf32>
    %mul3A_1694 = vector.broadcast %div3A : vector<1x128xf32> to vector<128x128xf32>
    %mul3A_1695 = arith.mulf %get3A_1693, %mul3A_1694 : vector<128x128xf32>
    %reduce_sum3A_1696 = arith.constant dense<0.000000e+00> : vector<128xf32>
    %reduce_sum3A_1697 = vector.multi_reduction <add>, %mul3A_1695, %reduce_sum3A_1696 [1] : vector<128x128xf32> to vector<128xf32>
    %broadcast_in_dim3A_1698 = vector.shape_cast %reduce_sum3A_1697 : vector<128xf32> to vector<1x128xf32>
    %get3A_1699 = arith.constant 7 : index
    %get3A_1700 = arith.constant 0 : index
    %get3A_1701 = arith.constant 0 : index
    %get3A_1702 = vector.load %arg11[%get3A_1699, %get3A_1700, %get3A_1701] : memref<12x128x128xf32, #tpu.memory_space<vmem>>, vector<1x128x128xf32>
    %get3A_1703 = vector.shape_cast %get3A_1702 : vector<1x128x128xf32> to vector<128x128xf32>
    %mul3A_1704 = vector.broadcast %div3A : vector<1x128xf32> to vector<128x128xf32>
    %mul3A_1705 = arith.mulf %get3A_1703, %mul3A_1704 : vector<128x128xf32>
    %reduce_sum3A_1706 = arith.constant dense<0.000000e+00> : vector<128xf32>
    %reduce_sum3A_1707 = vector.multi_reduction <add>, %mul3A_1705, %reduce_sum3A_1706 [1] : vector<128x128xf32> to vector<128xf32>
    %broadcast_in_dim3A_1708 = vector.shape_cast %reduce_sum3A_1707 : vector<128xf32> to vector<1x128xf32>
    %get3A_1709 = arith.constant 8 : index
    %get3A_1710 = arith.constant 0 : index
    %get3A_1711 = arith.constant 0 : index
    %get3A_1712 = vector.load %arg11[%get3A_1709, %get3A_1710, %get3A_1711] : memref<12x128x128xf32, #tpu.memory_space<vmem>>, vector<1x128x128xf32>
    %get3A_1713 = vector.shape_cast %get3A_1712 : vector<1x128x128xf32> to vector<128x128xf32>
    %mul3A_1714 = vector.broadcast %div3A : vector<1x128xf32> to vector<128x128xf32>
    %mul3A_1715 = arith.mulf %get3A_1713, %mul3A_1714 : vector<128x128xf32>
    %reduce_sum3A_1716 = arith.constant dense<0.000000e+00> : vector<128xf32>
    %reduce_sum3A_1717 = vector.multi_reduction <add>, %mul3A_1715, %reduce_sum3A_1716 [1] : vector<128x128xf32> to vector<128xf32>
    %broadcast_in_dim3A_1718 = vector.shape_cast %reduce_sum3A_1717 : vector<128xf32> to vector<1x128xf32>
    %get3A_1719 = arith.constant 9 : index
    %get3A_1720 = arith.constant 0 : index
    %get3A_1721 = arith.constant 0 : index
    %get3A_1722 = vector.load %arg11[%get3A_1719, %get3A_1720, %get3A_1721] : memref<12x128x128xf32, #tpu.memory_space<vmem>>, vector<1x128x128xf32>
    %get3A_1723 = vector.shape_cast %get3A_1722 : vector<1x128x128xf32> to vector<128x128xf32>
    %mul3A_1724 = vector.broadcast %div3A : vector<1x128xf32> to vector<128x128xf32>
    %mul3A_1725 = arith.mulf %get3A_1723, %mul3A_1724 : vector<128x128xf32>
    %reduce_sum3A_1726 = arith.constant dense<0.000000e+00> : vector<128xf32>
    %reduce_sum3A_1727 = vector.multi_reduction <add>, %mul3A_1725, %reduce_sum3A_1726 [1] : vector<128x128xf32> to vector<128xf32>
    %broadcast_in_dim3A_1728 = vector.shape_cast %reduce_sum3A_1727 : vector<128xf32> to vector<1x128xf32>
    %get3A_1729 = arith.constant 10 : index
    %get3A_1730 = arith.constant 0 : index
    %get3A_1731 = arith.constant 0 : index
    %get3A_1732 = vector.load %arg11[%get3A_1729, %get3A_1730, %get3A_1731] : memref<12x128x128xf32, #tpu.memory_space<vmem>>, vector<1x128x128xf32>
    %get3A_1733 = vector.shape_cast %get3A_1732 : vector<1x128x128xf32> to vector<128x128xf32>
    %mul3A_1734 = vector.broadcast %div3A : vector<1x128xf32> to vector<128x128xf32>
    %mul3A_1735 = arith.mulf %get3A_1733, %mul3A_1734 : vector<128x128xf32>
    %reduce_sum3A_1736 = arith.constant dense<0.000000e+00> : vector<128xf32>
    %reduce_sum3A_1737 = vector.multi_reduction <add>, %mul3A_1735, %reduce_sum3A_1736 [1] : vector<128x128xf32> to vector<128xf32>
    %broadcast_in_dim3A_1738 = vector.shape_cast %reduce_sum3A_1737 : vector<128xf32> to vector<1x128xf32>
    %get3A_1739 = arith.constant 11 : index
    %get3A_1740 = arith.constant 0 : index
    %get3A_1741 = arith.constant 0 : index
    %get3A_1742 = vector.load %arg11[%get3A_1739, %get3A_1740, %get3A_1741] : memref<12x128x128xf32, #tpu.memory_space<vmem>>, vector<1x128x128xf32>
    %get3A_1743 = vector.shape_cast %get3A_1742 : vector<1x128x128xf32> to vector<128x128xf32>
    %mul3A_1744 = vector.broadcast %div3A : vector<1x128xf32> to vector<128x128xf32>
    %mul3A_1745 = arith.mulf %get3A_1743, %mul3A_1744 : vector<128x128xf32>
    %reduce_sum3A_1746 = arith.constant dense<0.000000e+00> : vector<128xf32>
    %reduce_sum3A_1747 = vector.multi_reduction <add>, %mul3A_1745, %reduce_sum3A_1746 [1] : vector<128x128xf32> to vector<128xf32>
    %broadcast_in_dim3A_1748 = vector.shape_cast %reduce_sum3A_1747 : vector<128xf32> to vector<1x128xf32>
    %jit3A_1749 = arith.constant 2 : i64
    %convert_element_type3A_1750 = arith.trunci %jit3A_1749 : i64 to i32
    %div3A_1751 = arith.divsi %arg0, %convert_element_type3A_1750 : i32
    %sign3A = arith.constant 0 : i32
    %sign3A_1752 = arith.cmpi sgt, %arg0, %sign3A : i32
    %sign3A_1753 = arith.extui %sign3A_1752 : i1 to i32
    %sign3A_1754 = arith.constant 0 : i32
    %sign3A_1755 = arith.cmpi slt, %arg0, %sign3A_1754 : i32
    %sign3A_1756 = arith.extui %sign3A_1755 : i1 to i32
    %sign3A_1757 = arith.subi %sign3A_1753, %sign3A_1756 : i32
    %sign3A_1758 = arith.constant 0 : i32
    %sign3A_1759 = arith.cmpi sgt, %convert_element_type3A_1750, %sign3A_1758 : i32
    %sign3A_1760 = arith.extui %sign3A_1759 : i1 to i32
    %sign3A_1761 = arith.constant 0 : i32
    %sign3A_1762 = arith.cmpi slt, %convert_element_type3A_1750, %sign3A_1761 : i32
    %sign3A_1763 = arith.extui %sign3A_1762 : i1 to i32
    %sign3A_1764 = arith.subi %sign3A_1760, %sign3A_1763 : i32
    %ne3A_1765 = arith.cmpi ne, %sign3A_1757, %sign3A_1764 : i32
    %rem3A_1766 = arith.remsi %arg0, %convert_element_type3A_1750 : i32
    %ne3A_1767 = arith.constant 0 : i32
    %ne3A_1768 = arith.cmpi ne, %rem3A_1766, %ne3A_1767 : i32
    %and3A_1769 = arith.andi %ne3A_1765, %ne3A_1768 : i1
    %sub3A_1770 = arith.constant 1 : i32
    %sub3A_1771 = arith.subi %div3A_1751, %sub3A_1770 : i32
    %select_n3A_1772 = arith.select %and3A_1769, %sub3A_1771, %div3A_1751 : i32
    %mul3A_1773 = arith.constant 4096 : i32
    %mul3A_1774 = arith.muli %select_n3A_1772, %mul3A_1773 : i32
    %add3A_1775 = vector.broadcast %mul3A_1774 : i32 to vector<12x128xi32>
    %add3A_1776 = arith.addi %concatenate3A_74, %add3A_1775 : vector<12x128xi32>
    %add3A_1777 = vector.broadcast %mul3A_1774 : i32 to vector<12x128xi32>
    %add3A_1778 = arith.addi %concatenate3A_81, %add3A_1777 : vector<12x128xi32>
    %concatenate3A_1779 = tpu.concatenate %add3A_1776, %add3A_1778 in 0 : vector<12x128xi32>, vector<12x128xi32> -> vector<24x128xi32>
    %swap3A_1780 = arith.constant 0 : index
    %swap3A_1781 = arith.constant 0 : index
    %swap3A_1782 = vector.load %arg9[%swap3A_1780, %swap3A_1781] : memref<24x128xi32, #tpu.memory_space<vmem>>, vector<24x128xi32>
    tpu.vector_store %arg9[%swap3A_1780, %swap3A_1781], %concatenate3A_1779 {strides = array<i32>} : memref<24x128xi32, #tpu.memory_space<vmem>>, vector<24x128xi32>,
    %broadcast_in_dim3A_1783 = arith.constant 0.000000e+00 : f32
    %broadcast_in_dim3A_1784 = vector.broadcast %broadcast_in_dim3A_1783 : f32 to vector<4x128xf32>
    %concatenate3A_1785 = tpu.concatenate %broadcast_in_dim3A_1638, %broadcast_in_dim3A_1648, %broadcast_in_dim3A_1658, %broadcast_in_dim3A_1668, %broadcast_in_dim3A_1678, %broadcast_in_dim3A_1688, %broadcast_in_dim3A_1698, %broadcast_in_dim3A_1708, %broadcast_in_dim3A_1718, %broadcast_in_dim3A_1728, %broadcast_in_dim3A_1738, %broadcast_in_dim3A_1748, %broadcast_in_dim3A_1784 in 0 : vector<1x128xf32>, vector<1x128xf32>, vector<1x128xf32>, vector<1x128xf32>, vector<1x128xf32>, vector<1x128xf32>, vector<1x128xf32>, vector<1x128xf32>, vector<1x128xf32>, vector<1x128xf32>, vector<1x128xf32>, vector<1x128xf32>, vector<4x128xf32> -> vector<16x128xf32>
    %swap3A_1786 = arith.constant 0 : index
    %swap3A_1787 = arith.constant 0 : index
    %swap3A_1788 = vector.load %arg10[%swap3A_1786, %swap3A_1787] : memref<16x128xf32, #tpu.memory_space<vmem>>, vector<16x128xf32>
    tpu.vector_store %arg10[%swap3A_1786, %swap3A_1787], %concatenate3A_1785 {strides = array<i32>} : memref<16x128xf32, #tpu.memory_space<vmem>>, vector<16x128xf32>,
    return
  }
  func.func @transform_0(%arg0: i32) -> (i32, i32, i32) {
    %c0_i32 = arith.constant 0 : i32
    %c0_i32_0 = arith.constant 0 : i32
    %c0_i32_1 = arith.constant 0 : i32
    return %arg0, %c0_i32, %c0_i32_0 : i32, i32, i32
  }
  func.func @transform_1(%arg0: i32) -> (i32, i32, i32) {
    %c0_i32 = arith.constant 0 : i32
    %c0_i32_0 = arith.constant 0 : i32
    %c0_i32_1 = arith.constant 0 : i32
    return %arg0, %c0_i32, %c0_i32_0 : i32, i32, i32
  }
  func.func @transform_2(%arg0: i32) -> (i32, i32, i32) {
    %c0_i32 = arith.constant 0 : i32
    %c0_i32_0 = arith.constant 0 : i32
    %c0_i32_1 = arith.constant 0 : i32
    return %arg0, %c0_i32, %c0_i32_0 : i32, i32, i32
  }
  func.func @transform_3(%arg0: i32) -> (i32, i32, i32) {
    %c0_i32 = arith.constant 0 : i32
    %c0_i32_0 = arith.constant 0 : i32
    %c0_i32_1 = arith.constant 0 : i32
    return %arg0, %c0_i32, %c0_i32_0 : i32, i32, i32
  }
  func.func @transform_4(%arg0: i32) -> (i32, i32, i32) {
    %c0_i32 = arith.constant 0 : i32
    %c0_i32_0 = arith.constant 0 : i32
    %c0_i32_1 = arith.constant 0 : i32
    return %arg0, %c0_i32, %c0_i32_0 : i32, i32, i32
  }
  func.func @transform_5(%arg0: i32) -> (i32, i32, i32) {
    %c0_i32 = arith.constant 0 : i32
    %c0_i32_0 = arith.constant 0 : i32
    %c0_i32_1 = arith.constant 0 : i32
    return %arg0, %c0_i32, %c0_i32_0 : i32, i32, i32
  }
  func.func @transform_6(%arg0: i32) -> (i32, i32, i32) {
    %c0_i32 = arith.constant 0 : i32
    %c0_i32_0 = arith.constant 0 : i32
    %c0_i32_1 = arith.constant 0 : i32
    return %arg0, %c0_i32, %c0_i32_0 : i32, i32, i32
  }
  func.func @transform_7(%arg0: i32) -> (i32, i32, i32) {
    %c0_i32 = arith.constant 0 : i32
    %c0_i32_0 = arith.constant 0 : i32
    %c0_i32_1 = arith.constant 0 : i32
    return %arg0, %c0_i32, %c0_i32_0 : i32, i32, i32
  }
  func.func @transform_8(%arg0: i32) -> (i32, i32) {
    %c0_i32 = arith.constant 0 : i32
    %c0_i32_0 = arith.constant 0 : i32
    return %arg0, %c0_i32 : i32, i32
  }
  func.func @transform_9(%arg0: i32) -> (i32, i32) {
    %c0_i32 = arith.constant 0 : i32
    %c0_i32_0 = arith.constant 0 : i32
    return %arg0, %c0_i32 : i32, i32
  }
}

</mosaic_0001>

<sc_bundles>
// kernel: kernel.5.cloned.1.call-start
scs
__scs_entry_jumppad:
0x0: {  	(pc) =	sbr.rel $0x88, $3  }
0x1: {  	(tag) =	ssettag $0x0;
	lr =	simm.s32 $0x1  }
0x2: {  	[smem:$0x3F9E] =	sst lr;
	_ =	strace $0xD0000000  }
0x3: {  	_ = 	snop  }
0x4: {  	_ = 	snop  }
0x5: {  	_ = 	snop  }
0x6: {  	_ = 	snop  }
0x7: {  	_ = 	snop  }
__scs_overlays_trampoline_lowered:
0x8: {  	[smem:$0x3FAD] =	sst s0  }
0x9: {  	[smem:$0x3FAE] =	sst s1  }
0xa: {  	[smem:$0x3FAF] =	sst s2  }
0xb: {  	[smem:$0x3FB0] =	sst s3  }
0xc: {  	[smem:$0x3FB1] =	sst s4  }
0xd: {  	[smem:$0x3FB2] =	sst s5  }
0xe: {  	[smem:$0x3FB3] =	sst s6  }
0xf: {  	[smem:$0x3FB4] =	sst s7  }
0x10: {  	[smem:$0x3FB5] =	sst s8  }
0x11: {  	[smem:$0x3FB6] =	sst s9;
	s0 =	simm.s32 @!p0 $0x0  }
0x12: {  	s1 =	sld [smem:$0x3F9C];
	s0 =	simm.s32 @p0 $0x1  }
0x13: {  	[smem:$0x3FB7] =	sst s0;
	s0 =	simm.s32 @!p1 $0x0  }
0x14: {  	s2 =	sld [smem:$0x3F9B];
	s0 =	simm.s32 @p1 $0x1  }
0x15: {  	[smem:$0x3FB8] =	sst s0;
	s0 =	simm.s32 @!p2 $0x0  }
0x16: {  	s3 =	sld [smem:$0x3FDB];
	s0 =	simm.s32 @p2 $0x1  }
0x17: {  	s4 =	simm.s32 $0x1BF5;
	[smem:$0x3FBA] =	sst s0  }
0x18: {  	s0 =	sld [smem:$0x3F9D];
	_ =	swait.ge [sflag:s4], $0x0  }
0x19: {  	s7 =	sld [smem:$0x3F9E]  }
0x1a: {  	s8 =	sadd.s32 $0xFFFFE003, lr  }
0x1b: {  	s9 =	sadd.s32 $0xFFFFFEF7, lr;
	s5 =	simm.s32 $0xFFFFFFFF;
	p2 =	slt.u32 s8, $0xFFFFF086  }
0x1c: {  	p1 =	slt.u32 s9, $0xF7A;
	s5 =	simm.s32 @!p2 $0x0  }
0x1d: {  	s5 =	simm.s32 @p1 $0x1;
	p0 =	seq.s32 s7, s2  }
0x1e: {  	s7 =	smul.u32 @!p0 $0xF7A, s2;
	p2 =	seq.s32 @!p0 s5, $0x0  }
0x1f: {  	s9 =	smul.u32 $0xF7A, s1;
	s8 =	simm.s32 @!p0 $0x1BF5;
	p2 =	por !p2, p0  }
0x20: {  	[sflag:s8] =	ssyncset.s32 @!p0 $0xFFFFF086;
	s6 =	sadd.s32 @!p0 s3, s7;
	s7 =	simm.s32 @!p0 $0x108  }
0x21: {  	s3 =	sadd.s32 s3, s9;
	s6 =	sadd.s32 @!p0 $0x88, s6;
	s7 =	simm.s32 @p2 $0x1082  }
0x22: {  	[simem:s7], [sflag:s8] =	dma.local @!p0 [hbm:s6], $0xF7A  }
0x23: {  	s9 =	sor.u32 $0xD0000000, s2;
	s6 =	simm.s32 $0x108;
	_ =	swait.ge @!p0 [sflag:s8], $0x0  }
0x24: {  	s3 =	sadd.s32 $0x88, s3;
	s6 =	simm.s32 @!p1 $0x1082;
	[sflag:s4] =	ssyncset.s32 $0xFFFFF086  }
0x25: {  	[simem:s6], [sflag:s4] =	dma.local [hbm:s3], $0xF7A  }
0x26: {  	[smem:$0x3F9E] =	sst s1;
	(tag) =	ssettag s2;
	_ =	strace s9  }
0x27: {  	s1 =	sld [smem:$0x3FAE]  }
0x28: {  	s2 =	sld [smem:$0x3FAF]  }
0x29: {  	s4 =	sld [smem:$0x3FB1]  }
0x2a: {  	p0 =	seq.s32 s5, $0x0;
	s5 =	sld [smem:$0x3FB2]  }
0x2b: {  	s6 =	sld [smem:$0x3FB3]  }
0x2c: {  	s7 =	sld [smem:$0x3FB4]  }
0x2d: {  	s3 =	simm.s32 $0x108;
	s8 =	sld [smem:$0x3FB5]  }
0x2e: {  	s3 =	simm.s32 @!p0 $0x1082;
	s9 =	sld [smem:$0x3FB6]  }
0x2f: {  	lr =	sadd.s32 s0, s3;
	s0 =	sld [smem:$0x3FAD]  }
0x30: {  	s3 =	sld [smem:$0x3FB0]  }
0x31: {  	[smem:$0x3FB9] =	sst s10  }
0x32: {  	s10 =	sld [smem:$0x3FB7];
	_ =	sdelay $0x3  }
0x33: {  	p0 =	seq.s32 s10, $0x1;
	s10 =	sld [smem:$0x3FB9];
	_ =	sdelay $0x3  }
0x34: {  	[smem:$0x3FB9] =	sst s10  }
0x35: {  	s10 =	sld [smem:$0x3FB8];
	_ =	sdelay $0x3  }
0x36: {  	p1 =	seq.s32 s10, $0x1;
	s10 =	sld [smem:$0x3FB9];
	_ =	sdelay $0x3  }
0x37: {  	[smem:$0x3FB9] =	sst s10  }
0x38: {  	s10 =	sld [smem:$0x3FBA]  }
0x39: {  	_ = 	snop;
	(pc) =	sbr.ind lr, $3  }
0x3a: {  	_ = 	snop  }
0x3b: {  	_ = 	snop  }
0x3c: {  	p2 =	seq.s32 s10, $0x1;
	s10 =	sld [smem:$0x3FB9]  }
0x3d: {  	_ =	shalt  }
0x3e: {  	_ =	shalt  }
0x3f: {  	_ =	shalt  }
0x40: {  	_ =	shalt  }
0x41: {  	_ =	shalt  }
0x42: {  	_ =	shalt  }
0x43: {  	_ =	shalt  }
0x44: {  	_ =	shalt  }
0x45: {  	_ =	shalt  }
0x46: {  	_ =	shalt  }
0x47: {  	_ =	shalt  }
0x48: {  	_ =	shalt  }
0x49: {  	_ =	shalt  }
0x4a: {  	_ =	shalt  }
0x4b: {  	_ =	shalt  }
0x4c: {  	_ =	shalt  }
0x4d: {  	_ =	shalt  }
0x4e: {  	_ =	shalt  }
0x4f: {  	_ =	shalt  }
0x50: {  	_ =	shalt  }
0x51: {  	_ =	shalt  }
0x52: {  	_ =	shalt  }
0x53: {  	_ =	shalt  }
0x54: {  	_ =	shalt  }
0x55: {  	_ =	shalt  }
0x56: {  	_ =	shalt  }
0x57: {  	_ =	shalt  }
0x58: {  	_ =	shalt  }
0x59: {  	_ =	shalt  }
0x5a: {  	_ =	shalt  }
0x5b: {  	_ =	shalt  }
0x5c: {  	_ =	shalt  }
0x5d: {  	_ =	shalt  }
0x5e: {  	_ =	shalt  }
0x5f: {  	_ =	shalt  }
0x60: {  	_ =	shalt  }
0x61: {  	_ =	shalt  }
0x62: {  	_ =	shalt  }
0x63: {  	_ =	shalt  }
0x64: {  	_ =	shalt  }
0x65: {  	_ =	shalt  }
0x66: {  	_ =	shalt  }
0x67: {  	_ =	shalt  }
0x68: {  	_ =	shalt  }
0x69: {  	_ =	shalt  }
0x6a: {  	_ =	shalt  }
0x6b: {  	_ =	shalt  }
0x6c: {  	_ =	shalt  }
0x6d: {  	_ =	shalt  }
0x6e: {  	_ =	shalt  }
0x6f: {  	_ =	shalt  }
0x70: {  	_ =	shalt  }
0x71: {  	_ =	shalt  }
0x72: {  	_ =	shalt  }
0x73: {  	_ =	shalt  }
0x74: {  	_ =	shalt  }
0x75: {  	_ =	shalt  }
0x76: {  	_ =	shalt  }
0x77: {  	_ =	shalt  }
0x78: {  	_ =	shalt  }
0x79: {  	_ =	shalt  }
0x7a: {  	_ =	shalt  }
0x7b: {  	_ =	shalt  }
0x7c: {  	_ =	shalt  }
0x7d: {  	_ =	shalt  }
0x7e: {  	_ =	shalt  }
0x7f: {  	_ =	shalt  }
0x80: {  	_ =	shalt  }
0x81: {  	_ =	shalt  }
0x82: {  	_ =	shalt  }
0x83: {  	_ =	shalt  }
0x84: {  	_ =	shalt  }
0x85: {  	_ =	shalt  }
0x86: {  	_ =	shalt  }
0x87: {  	_ =	shalt  }
.Lfunc_end0:
.L_simem_size_0:
called_computation_lowered:
.L_overlay_start_0:
0x88: {  	s2 =	sld [smem:$0x3FD9]  }
0x89: {  	s3 =	sld [smem:$0x3FFE];
	_ =	sdelay $0x1  }
0x8a: {  	s1 =	srdreg.scid  }
0x8b: {  	s0 =	sand.u32 $0x1, s1  }
0x8c: {  	s17 =	sshll.u32 s0, $0xA;
	s2 =	sadd.s32 s3, s2  }
0x8d: {  	s2 =	sadd.s32 s2, s17  }
0x8e: {  	[smem:$0x3FC5] =	sst s2  }
0x8f: {  	_ = 	snop  }
0x90: {  	s2 =	sld [smem:$0x3FC9]  }
0x91: {  	s18 =	sld [smem:$0x3FD0];
	(tm) =	ssettm $0x1  }
0x92: {  	s4 =	sld [smem:$0x3FFB];
	_ =	sdelay $0x3  }
0x93: {  	_ =	strace s4  }
0x94: {  	s4 =	sld [smem:$0x3FFC];
	_ =	sdelay $0x3  }
0x95: {  	_ =	strace s4  }
0x96: {  	s4 =	sld [smem:$0x3FFD];
	_ =	sdelay $0x3  }
0x97: {  	_ =	strace s4  }
0x98: {  	_ =	strace $0x8FFFFFFF  }
0x99: {  	s19 =	sld [smem:$0x3FDB];
	_ =	sdelay $0x1  }
0x9a: {  	s5 =	simm.s32 $_scs_section_size  }
0x9b: {  	s6 =	simm.s32 $_size__tile_overlayer_lowered;
	s7 =	simm.s32 $_tile_overlayer_lowered  }
0x9c: {  	s22 =	simm.s32 $0x1BFF;
	s21 =	sshll.u32 s7, $0x1;
	s4 =	sadd.s32 s5, s19  }
0x9d: {  	s8 =	simm.s32 $0x0;
	s20 =	sshll.u32 s6, $0x1;
	s6 =	sadd.s32 s21, s4  }
0x9e: {  	[timem:s8], [sflag:s22] =	dma.local [hbm:s6], s20  }
0x9f: {  	_ =	swait.ge [sflag:s22], s20  }
0xa0: {  	s5 =	ssub.s32 $0x0, s20;
	[sflag:s22] =	ssyncset.done $0x0  }
0xa1: {  	[sflag:s22] =	ssyncadd.s32 s5;
	_ =	sdelay $0x1  }
0xa2: {  	s23 =	simm.s32 $0x1B8B  }
0xa3: {  	_ =	swait.ge [sflag:s23], $0x1  }
0xa4: {  	[sflag:s23] =	ssyncset.done $0x0  }
0xa5: {  	s25 =	simm.s32 $0x1B8E;
	s24 =	sld [smem:$0x3FFE];
	[sflag:s23] =	ssyncadd.s32 $0xFFFFFFFF  }
0xa6: {  	s26 =	simm.s32 $execute0_lowered;
	[smem:$0x3FD2] =	sst s25  }
0xa7: {  	s6 =	sshll.u32 s26, $0x1;
	_ =	strace $0x80000046;
	[dreg:$0x1] =	wrdreg $0xFFFFFFFF  }
0xa8: {  	s28 =	simm.s32 $_size_execute0_lowered;
	s4 =	sadd.s32 s4, s6;
	[dreg:$0x0] =	wrdreg $0x0  }
0xa9: {  	s6 =	sshll.u32 s28, $0x1;
	[dreg:$0x2] =	wrdreg s4  }
0xaa: {  	[dreg:$0x3] =	wrdreg s6  }
0xab: {  	[dreg:$0x4] =	wrdreg $0xC0  }
0xac: {  	_ =	task [dreg:s8], $0x5FFFF  }
0xad: {  	[dreg:$0x1] =	wrdreg $0xFFFFFFFF  }
0xae: {  	[dreg:$0x0] =	wrdreg $0x60  }
0xaf: {  	[dreg:$0x2] =	wrdreg s2  }
0xb0: {  	[dreg:$0x3] =	wrdreg s24  }
0xb1: {  	[dreg:$0x4] =	wrdreg s18  }
0xb2: {  	[dreg:$0x5] =	wrdreg $0x2C000  }
0xb3: {  	[dreg:$0x6] =	wrdreg $0x3C000  }
0xb4: {  	[dreg:$0x7] =	wrdreg $0x9  }
0xb5: {  	_ =	task.clear_ibuf [dreg:s8], $0x8FFFF;
	_ =	strace $0x90000046  }
0xb6: {  	s29 =	simm.s32 $0x9;
	_ =	strace $0x80000048  }
0xb7: {  	_ =	swait.ge [sflag:s29], $0x1  }
0xb8: {  	[sflag:s29] =	ssyncadd.s32 $0xFFFFFFFF  }
0xb9: {  	_ =	strace $0x90000048  }
0xba: {  	_ =	sfence  }
0xbb: {  	s30 =	sld [smem:$0x0];
	_ =	sdelay $0x2  }
0xbc: {  	s31 =	sshll.u32 s1, $0xD;
	s1 =	sshrl.u32 s1, $0x2  }
0xbd: {  	s3 =	sand.u32 $0x4000, s31;
	s1 =	sadd.s32 s1, s30  }
0xbe: {  	s0 =	sor.u32 s3, s0;
	s1 =	sshll.u32 s1, $0x11  }
0xbf: {  	s0 =	sor.u32 s1, s0  }
0xc0: {  	s0 =	sadd.s32 $0x8F2B, s0  }
0xc1: {  	[sflag:s0] =	ssyncadd.remote.s32 $0x1  }
0xc2: {  	_ =	sfence.sel $0xFFFF  }
0xc3: {  	[dreg:$0x0] =	wrdreg $0xFFFFFFFF;
	(pc) =	sbr.abs _section_cstart, $3  }
0xc4: {  	[dreg:$0x1] =	wrdreg $0xFFFFFFFF  }
0xc5: {  	_ =	task.clear_ibuf [dreg:s8], $0x2FFFF;
	_ =	strace $0x9FFFFFFF  }
0xc6: {  	(tm) =	ssettm $0x7FFFFFFF  }
0xc7: {  	_ =	shalt  }
tec
execute0_lowered:
.L_overlay_start_1:
0x0: {  	(tag) =	ssettag $0x1  }
0x1: {  	s0 =	rddreg [dreg:$0x0]  }
0x2: {  	s1 =	rddreg [dreg:$0x1]  }
0x3: {  	s10 =	rddreg [dreg:$0x2]  }
0x4: {  	s2 =	rddreg [dreg:$0x3];
	s4 =	srdreg.scid  }
0x5: {  	s15 =	stileid.u32;
	s3 =	rddreg [dreg:$0x4];
	s18 =	simm.s32 $0x1400  }
0x6: {  	s20 =	simm.s32 $0x1480;
	s22 =	simm.s32 $0x1500;
	s29 =	simm.s32 $0x1680  }
0x7: {  	s31 =	simm.s32 $0x1700;
	s17 =	simm.s32 $0x1800;
	s21 =	simm.s32 $0x1880  }
0x8: {  	s30 =	simm.s32 $0x1980;
	s28 =	simm.s32 $0x500;
	s16 =	simm.s32 $0x0  }
0x9: {  	s5 =	sand.u32 $0x1, s4;
	s6 =	sshll.u32 s15, $0x1;
	s4 =	simm.s32 $0x0  }
0xa: {  	s9 =	sshll.u32 s15, $0xA;
	s12 =	sshll.u32 s15, $0xC;
	s26 =	sshll.u32 s15, $0x6  }
0xb: {  	s15 =	simm.s32 $0x80;
	s6 =	sor.u32 s5, s6;
	[smem:$0x7FF] =	sst s4  }
0xc: {  	s5 =	ssub.s32 $0x2, s5;
	s14 =	sadd.s32 s12, s2;
	s7 =	smul.u32 $0x180, s6  }
0xd: {  	s8 =	sshll.u32 s6, $0x8;
	s24 =	sshrl.u32 s5, $0x1;
	s6 =	sshll.u32 s6, $0x4  }
0xe: {  	_ =	strace $0x80000047;
	s11 =	ssub.s32 s5, s24;
	s25 =	sor.u32 s9, s6  }
0xf: {  	s6 =	sor.u32 $0x1C01, s26;
	s9 =	sadd.s32 s12, s3;
	s12 =	sshrl.u32 s14, $0x3  }
0x10: {  	s14 =	simm.s32 $0x10;
	s24 =	simm.s32 $0x1580;
	s26 =	simm.s32 $0x1600  }
0x11: {  	s7 =	sadd.s32 s7, s1;
	s1 =	sadd.s32 s8, s1;
	s13 =	sand.u32 $0x3070, s25  }
0x12: {  	s11 =	smax.u32 s11, $0x1;
	s25 =	simm.s32 $0x1900;
	s5 =	sadd.s32 s0, s13  }
0x13: {  	s7 =	sadd.s32 $0x1800, s7;
	s8 =	sadd.s32 $0x4800, s1;
	s10 =	sadd.s32 s10, s13  }
0x14: {  	v0 =	vimm.f32 $0.0e+00;
	s13 =	simm.s32 $0x1;
	s0 =	simm.s32 $0x1780;
	s1 =	simm.s32 $0x580  }
.LBB2_1:
0x15: {  	[spmem:s12@s14], [sflag:s6] =	dma.strided [hbm:s5@s15], $0x200, s13, $0x10   }
0x16: {  	_ =	swait.ge [sflag:s13], $0x200  }
0x17: {  	[sflag:s13] =	ssyncset.done $0x0  }
0x18: {  	[sflag:s13] =	ssyncadd.s32 $0xFFFFFE00  }
0x19: {  	[tilespmem:s4], [sflag:$0x1] =	stream.linear.gather [hbm4b:s7+s4], $0xC00, $0x38;
	[tilespmem:$0x4C00] =	vst v63  }
0x1a: {  	_ =	swait.ge [sflag:s13], $0xC00  }
0x1b: {  	[sflag:s13] =	ssyncset.done $0x0  }
0x1c: {  	s19 =	simm.s32 $0xC00;
	[sflag:s13] =	ssyncadd.s32 $0xFFFFF400  }
0x1d: {  	[tilespmem:s19], [sflag:$0x1] =	stream.linear.gather [hbm4b:s8+s4], $0x800, $0x38;
	[tilespmem:$0x4C00] =	vst v63  }
0x1e: {  	_ =	swait.ge [sflag:s13], $0x800  }
0x1f: {  	[sflag:s13] =	ssyncset.done $0x0  }
0x20: {  	s23 =	simm.s32 $0x600;
	[sflag:s13] =	ssyncadd.s32 $0xFFFFF800  }
0x21: {  	[tilespmem:s18], [sflag:$0x1] =	stream.indirect.gather [spmem:s2], $0x1, s23, s15, $0xb8;
	[tilespmem:$0x4C00] =	vst v63  }
0x22: {  	_ =	swait.ge [sflag:s13], $0x80  }
0x23: {  	[sflag:s13] =	ssyncset.done $0x0  }
0x24: {  	s23 =	simm.s32 $0x680;
	[sflag:s13] =	ssyncadd.s32 $0xFFFFFF80  }
0x25: {  	[tilespmem:s20], [sflag:$0x1] =	stream.indirect.gather [spmem:s2], $0x1, s23, s15, $0xb8;
	[tilespmem:$0x4C00] =	vst v63  }
0x26: {  	_ =	swait.ge [sflag:s13], $0x80  }
0x27: {  	[sflag:s13] =	ssyncset.done $0x0  }
0x28: {  	s23 =	simm.s32 $0x700;
	[sflag:s13] =	ssyncadd.s32 $0xFFFFFF80  }
0x29: {  	[tilespmem:s22], [sflag:$0x1] =	stream.indirect.gather [spmem:s2], $0x1, s23, s15, $0xb8;
	[tilespmem:$0x4C00] =	vst v63  }
0x2a: {  	_ =	swait.ge [sflag:s13], $0x80  }
0x2b: {  	[sflag:s13] =	ssyncset.done $0x0  }
0x2c: {  	s23 =	simm.s32 $0x780;
	[sflag:s13] =	ssyncadd.s32 $0xFFFFFF80  }
0x2d: {  	[tilespmem:s24], [sflag:$0x1] =	stream.indirect.gather [spmem:s2], $0x1, s23, s15, $0xb8;
	[tilespmem:$0x4C00] =	vst v63  }
0x2e: {  	_ =	swait.ge [sflag:s13], $0x80  }
0x2f: {  	[sflag:s13] =	ssyncset.done $0x0  }
0x30: {  	s23 =	simm.s32 $0x800;
	[sflag:s13] =	ssyncadd.s32 $0xFFFFFF80  }
0x31: {  	[tilespmem:s26], [sflag:$0x1] =	stream.indirect.gather [spmem:s2], $0x1, s23, s15, $0xb8;
	[tilespmem:$0x4C00] =	vst v63  }
0x32: {  	_ =	swait.ge [sflag:s13], $0x80  }
0x33: {  	[sflag:s13] =	ssyncset.done $0x0  }
0x34: {  	s23 =	simm.s32 $0x880;
	[sflag:s13] =	ssyncadd.s32 $0xFFFFFF80  }
0x35: {  	[tilespmem:s29], [sflag:$0x1] =	stream.indirect.gather [spmem:s2], $0x1, s23, s15, $0xb8;
	[tilespmem:$0x4C00] =	vst v63  }
0x36: {  	_ =	swait.ge [sflag:s13], $0x80  }
0x37: {  	[sflag:s13] =	ssyncset.done $0x0  }
0x38: {  	s23 =	simm.s32 $0x900;
	[sflag:s13] =	ssyncadd.s32 $0xFFFFFF80  }
0x39: {  	[tilespmem:s31], [sflag:$0x1] =	stream.indirect.gather [spmem:s2], $0x1, s23, s15, $0xb8;
	[tilespmem:$0x4C00] =	vst v63  }
0x3a: {  	_ =	swait.ge [sflag:s13], $0x80  }
0x3b: {  	[sflag:s13] =	ssyncset.done $0x0  }
0x3c: {  	s23 =	simm.s32 $0x980;
	[sflag:s13] =	ssyncadd.s32 $0xFFFFFF80  }
0x3d: {  	[tilespmem:s0], [sflag:$0x1] =	stream.indirect.gather [spmem:s2], $0x1, s23, s15, $0xb8;
	[tilespmem:$0x4C00] =	vst v63  }
0x3e: {  	_ =	swait.ge [sflag:s13], $0x80  }
0x3f: {  	[sflag:s13] =	ssyncset.done $0x0  }
0x40: {  	s23 =	simm.s32 $0xA00;
	[sflag:s13] =	ssyncadd.s32 $0xFFFFFF80  }
0x41: {  	[tilespmem:s17], [sflag:$0x1] =	stream.indirect.gather [spmem:s2], $0x1, s23, s15, $0xb8;
	[tilespmem:$0x4C00] =	vst v63  }
0x42: {  	_ =	swait.ge [sflag:s13], $0x80  }
0x43: {  	[sflag:s13] =	ssyncset.done $0x0  }
0x44: {  	s23 =	simm.s32 $0xA80;
	[sflag:s13] =	ssyncadd.s32 $0xFFFFFF80  }
0x45: {  	[tilespmem:s21], [sflag:$0x1] =	stream.indirect.gather [spmem:s2], $0x1, s23, s15, $0xb8;
	[tilespmem:$0x4C00] =	vst v63  }
0x46: {  	_ =	swait.ge [sflag:s13], $0x80  }
0x47: {  	[sflag:s13] =	ssyncset.done $0x0  }
0x48: {  	s23 =	simm.s32 $0xB00;
	[sflag:s13] =	ssyncadd.s32 $0xFFFFFF80  }
0x49: {  	[tilespmem:s25], [sflag:$0x1] =	stream.indirect.gather [spmem:s2], $0x1, s23, s15, $0xb8;
	[tilespmem:$0x4C00] =	vst v63  }
0x4a: {  	_ =	swait.ge [sflag:s13], $0x80  }
0x4b: {  	[sflag:s13] =	ssyncset.done $0x0  }
0x4c: {  	s23 =	simm.s32 $0xB80;
	[sflag:s13] =	ssyncadd.s32 $0xFFFFFF80  }
0x4d: {  	[tilespmem:s30], [sflag:$0x1] =	stream.indirect.gather [spmem:s2], $0x1, s23, s15, $0xb8;
	[tilespmem:$0x4C00] =	vst v63  }
0x4e: {  	_ =	swait.ge [sflag:s13], $0x80  }
0x4f: {  	[sflag:s13] =	ssyncset.done $0x0  }
0x50: {  	[sflag:s13] =	ssyncadd.s32 $0xFFFFFF80  }
0x51: {  	v1 =	vld [tilespmem:$0x15E0];
	_ =	sdelay $0x4  }
0x52: {  	[tilespmem:$0x1FD90] =	vst v1;
	v1 =	vld [tilespmem:$0x15F0];
	_ =	sdelay $0x4  }
0x53: {  	[tilespmem:$0x1FDA0] =	vst v1;
	v1 =	vld [tilespmem:$0x1600];
	_ =	sdelay $0x4  }
0x54: {  	[tilespmem:$0x1FDB0] =	vst v1;
	v1 =	vld [tilespmem:$0xE00];
	_ =	sdelay $0x4  }
0x55: {  	[tilespmem:$0x1FDC0] =	vst v1;
	v1 =	vld [tilespmem:$0x1610];
	_ =	sdelay $0x4  }
0x56: {  	[tilespmem:$0x1FDD0] =	vst v1;
	v1 =	vld [tilespmem:$0xE10];
	_ =	sdelay $0x4  }
0x57: {  	[tilespmem:$0x1FDE0] =	vst v1;
	v1 =	vld [tilespmem:$0x1620];
	_ =	sdelay $0x4  }
0x58: {  	[tilespmem:$0x1FDF0] =	vst v1;
	v1 =	vld [tilespmem:$0xE20];
	_ =	sdelay $0x4  }
0x59: {  	[tilespmem:$0x1FE00] =	vst v1;
	v1 =	vld [tilespmem:$0x1630];
	_ =	sdelay $0x4  }
0x5a: {  	[tilespmem:$0x1FE10] =	vst v1;
	v1 =	vld [tilespmem:$0xE30];
	_ =	sdelay $0x4  }
0x5b: {  	[tilespmem:$0x1FE20] =	vst v1;
	v1 =	vld [tilespmem:$0x1640];
	_ =	sdelay $0x4  }
0x5c: {  	[tilespmem:$0x1FE30] =	vst v1;
	v1 =	vld [tilespmem:$0xE40];
	_ =	sdelay $0x4  }
0x5d: {  	[tilespmem:$0x1FE40] =	vst v1;
	v1 =	vld [tilespmem:$0x1650];
	_ =	sdelay $0x4  }
0x5e: {  	[tilespmem:$0x1FE50] =	vst v1;
	v1 =	vld [tilespmem:$0xE50];
	_ =	sdelay $0x4  }
0x5f: {  	[tilespmem:$0x1FE60] =	vst v1;
	v1 =	vld [tilespmem:$0x1660];
	_ =	sdelay $0x4  }
0x60: {  	[tilespmem:$0x1FE70] =	vst v1;
	v1 =	vld [tilespmem:$0xE60];
	_ =	sdelay $0x4  }
0x61: {  	[tilespmem:$0x1FE80] =	vst v1;
	v1 =	vld [tilespmem:$0x1670];
	_ =	sdelay $0x4  }
0x62: {  	[tilespmem:$0x1FE90] =	vst v1;
	v1 =	vld [tilespmem:$0xE70];
	_ =	sdelay $0x4  }
0x63: {  	[tilespmem:$0x1FEA0] =	vst v1;
	v1 =	vld [tilespmem:$0x1680];
	_ =	sdelay $0x4  }
0x64: {  	[tilespmem:$0x1FEB0] =	vst v1;
	v1 =	vld [tilespmem:$0xE80];
	_ =	sdelay $0x4  }
0x65: {  	[tilespmem:$0x1FEC0] =	vst v1;
	v1 =	vld [tilespmem:$0x1690];
	_ =	sdelay $0x4  }
0x66: {  	[tilespmem:$0x1FED0] =	vst v1;
	v1 =	vld [tilespmem:$0xE90];
	_ =	sdelay $0x4  }
0x67: {  	[tilespmem:$0x1FEE0] =	vst v1;
	v1 =	vld [tilespmem:$0x16A0];
	_ =	sdelay $0x4  }
0x68: {  	[tilespmem:$0x1FEF0] =	vst v1;
	v1 =	vld [tilespmem:$0xEA0];
	_ =	sdelay $0x4  }
0x69: {  	[tilespmem:$0x1FF00] =	vst v1;
	v1 =	vld [tilespmem:$0x16B0];
	_ =	sdelay $0x4  }
0x6a: {  	[tilespmem:$0x1FF10] =	vst v1;
	v1 =	vld [tilespmem:$0xEB0];
	_ =	sdelay $0x4  }
0x6b: {  	[tilespmem:$0x1FF20] =	vst v1;
	v1 =	vld [tilespmem:$0x16C0];
	_ =	sdelay $0x4  }
0x6c: {  	[tilespmem:$0x1FF30] =	vst v1;
	v1 =	vld [tilespmem:$0xEC0];
	_ =	sdelay $0x1  }
0x6d: {  	v3 =	vld [tilespmem:$0x1400]  }
0x6e: {  	v6 =	vld [tilespmem:$0xC00]  }
0x6f: {  	v11 =	vld [tilespmem:$0x1410]  }
0x70: {  	[tilespmem:$0x1FF40] =	vst v1;
	v1 =	vld [tilespmem:$0x16D0]  }
0x71: {  	v12 =	vld [tilespmem:$0xC10]  }
0x72: {  	v19 =	vld [tilespmem:$0x1420]  }
0x73: {  	v20 =	vld [tilespmem:$0xC20]  }
0x74: {  	v27 =	vld [tilespmem:$0x1430]  }
0x75: {  	[tilespmem:$0x1FF50] =	vst v1;
	v1 =	vld [tilespmem:$0xED0]  }
0x76: {  	v28 =	vld [tilespmem:$0xC30]  }
0x77: {  	v35 =	vld [tilespmem:$0x1440]  }
0x78: {  	v36 =	vld [tilespmem:$0xC40]  }
0x79: {  	v43 =	vld [tilespmem:$0x1450]  }
0x7a: {  	[tilespmem:$0x1FF60] =	vst v1;
	v1 =	vld [tilespmem:$0x16E0]  }
0x7b: {  	v44 =	vld [tilespmem:$0xC50]  }
0x7c: {  	v51 =	vld [tilespmem:$0x1460]  }
0x7d: {  	v52 =	vld [tilespmem:$0xC60]  }
0x7e: {  	v57 =	vld [tilespmem:$0x1470]  }
0x7f: {  	[tilespmem:$0x1FF70] =	vst v1;
	v1 =	vld [tilespmem:$0xEE0]  }
0x80: {  	v58 =	vld [tilespmem:$0xC70]  }
0x81: {  	v59 =	vld [tilespmem:$0x1480]  }
0x82: {  	v60 =	vld [tilespmem:$0xC80]  }
0x83: {  	v61 =	vld [tilespmem:$0x1490]  }
0x84: {  	[tilespmem:$0x1FF80] =	vst v1;
	v1 =	vld [tilespmem:$0x16F0]  }
0x85: {  	v62 =	vld [tilespmem:$0xC90]  }
0x86: {  	v63 =	vld [tilespmem:$0x14A0]  }
0x87: {  	v2 =	vld [tilespmem:$0xCA0]  }
0x88: {  	v7 =	vld [tilespmem:$0x14B0]  }
0x89: {  	[tilespmem:$0x1FF90] =	vst v1;
	v1 =	vld [tilespmem:$0xEF0]  }
0x8a: {  	v4 =	vld [tilespmem:$0xCB0]  }
0x8b: {  	v9 =	vld [tilespmem:$0x14C0]  }
0x8c: {  	v5 =	vld [tilespmem:$0xCC0]  }
0x8d: {  	v13 =	vld [tilespmem:$0x14D0]  }
0x8e: {  	[tilespmem:$0x1FFA0] =	vst v1;
	v1 =	vld [tilespmem:$0x1700]  }
0x8f: {  	v8 =	vld [tilespmem:$0xCD0]  }
0x90: {  	v15 =	vld [tilespmem:$0x14E0]  }
0x91: {  	v10 =	vld [tilespmem:$0xCE0]  }
0x92: {  	v17 =	vld [tilespmem:$0x14F0]  }
0x93: {  	[tilespmem:$0x1FFB0] =	vst v1;
	v1 =	vld [tilespmem:$0xF00]  }
0x94: {  	v14 =	vld [tilespmem:$0xCF0]  }
0x95: {  	v21 =	vld [tilespmem:$0x1500]  }
0x96: {  	v16 =	vld [tilespmem:$0xD00]  }
0x97: {  	v23 =	vld [tilespmem:$0x1510]  }
0x98: {  	[tilespmem:$0x1FFC0] =	vst v1;
	v1 =	vld [tilespmem:$0x1710]  }
0x99: {  	v18 =	vld [tilespmem:$0xD10]  }
0x9a: {  	v25 =	vld [tilespmem:$0x1520]  }
0x9b: {  	v22 =	vld [tilespmem:$0xD20]  }
0x9c: {  	v29 =	vld [tilespmem:$0x1530]  }
0x9d: {  	[tilespmem:$0x1FFD0] =	vst v1;
	v1 =	vld [tilespmem:$0xF10]  }
0x9e: {  	v24 =	vld [tilespmem:$0xD30]  }
0x9f: {  	v31 =	vld [tilespmem:$0x1540]  }
0xa0: {  	v26 =	vld [tilespmem:$0xD40]  }
0xa1: {  	v33 =	vld [tilespmem:$0x1550]  }
0xa2: {  	[tilespmem:$0x1FFE0] =	vst v1;
	v1 =	vld [tilespmem:$0x1720]  }
0xa3: {  	v30 =	vld [tilespmem:$0xD50]  }
0xa4: {  	v37 =	vld [tilespmem:$0x1560]  }
0xa5: {  	v32 =	vld [tilespmem:$0xD60]  }
0xa6: {  	v39 =	vld [tilespmem:$0x1570]  }
0xa7: {  	v34 =	vld [tilespmem:$0xD70];
	[tilespmem:$0x1FFF0] =	vst v1;
	v1 =	vmul.f32 v6, v3  }
0xa8: {  	v41 =	vld [tilespmem:$0x1580]  }
0xa9: {  	v38 =	vld [tilespmem:$0xD80];
	[tilespmem:$0x1400] =	vst v1;
	v1 =	vmul.f32 v20, v19  }
0xaa: {  	v45 =	vld [tilespmem:$0x1590];
	v12 =	vmul.f32 v12, v11  }
0xab: {  	v40 =	vld [tilespmem:$0xD90];
	[tilespmem:$0x1420] =	vst v1;
	v1 =	vmul.f32 v36, v35  }
0xac: {  	v47 =	vld [tilespmem:$0x15A0];
	v28 =	vmul.f32 v28, v27;
	[tilespmem:$0x1410] =	vst v12  }
0xad: {  	v42 =	vld [tilespmem:$0xDA0];
	[tilespmem:$0x1440] =	vst v1;
	v1 =	vmul.f32 v52, v51  }
0xae: {  	v49 =	vld [tilespmem:$0x15B0];
	v44 =	vmul.f32 v44, v43;
	[tilespmem:$0x1430] =	vst v28  }
0xaf: {  	v46 =	vld [tilespmem:$0xDB0];
	[tilespmem:$0x1460] =	vst v1;
	v1 =	vmul.f32 v60, v59  }
0xb0: {  	v53 =	vld [tilespmem:$0x15C0];
	v58 =	vmul.f32 v58, v57;
	[tilespmem:$0x1450] =	vst v44  }
0xb1: {  	v48 =	vld [tilespmem:$0xDC0];
	[tilespmem:$0x1480] =	vst v1;
	v1 =	vmul.f32 v2, v63  }
0xb2: {  	v55 =	vld [tilespmem:$0x15D0];
	v62 =	vmul.f32 v62, v61;
	[tilespmem:$0x1470] =	vst v58  }
0xb3: {  	v50 =	vld [tilespmem:$0xDD0];
	[tilespmem:$0x14A0] =	vst v1;
	v1 =	vmul.f32 v5, v9  }
0xb4: {  	v56 =	vld [tilespmem:$0xDE0];
	[tilespmem:$0x1490] =	vst v62;
	v2 =	vmul.f32 v4, v7  }
0xb5: {  	v54 =	vld [tilespmem:$0xDF0];
	[tilespmem:$0x14C0] =	vst v1;
	v1 =	vmul.f32 v10, v15  }
0xb6: {  	v11 =	vld [tilespmem:$0xF30];
	[tilespmem:$0x14B0] =	vst v2;
	v2 =	vmul.f32 v8, v13  }
0xb7: {  	v27 =	vld [tilespmem:$0xF50];
	[tilespmem:$0x14E0] =	vst v1;
	v1 =	vmul.f32 v16, v21  }
0xb8: {  	v43 =	vld [tilespmem:$0xF70];
	[tilespmem:$0x14D0] =	vst v2;
	v2 =	vmul.f32 v14, v17  }
0xb9: {  	v12 =	vld [tilespmem:$0x1740];
	[tilespmem:$0x1500] =	vst v1;
	v1 =	vmul.f32 v22, v25  }
0xba: {  	v28 =	vld [tilespmem:$0x1760];
	[tilespmem:$0x14F0] =	vst v2;
	v2 =	vmul.f32 v18, v23  }
0xbb: {  	v44 =	vld [tilespmem:$0x1780];
	[tilespmem:$0x1520] =	vst v1;
	v1 =	vmul.f32 v26, v31  }
0xbc: {  	v57 =	vld [tilespmem:$0x1FF20];
	[tilespmem:$0x1510] =	vst v2;
	v2 =	vmul.f32 v24, v29  }
0xbd: {  	v58 =	vld [tilespmem:$0x1FF40];
	[tilespmem:$0x1540] =	vst v1;
	v1 =	vmul.f32 v32, v37  }
0xbe: {  	v61 =	vld [tilespmem:$0x1FFA0];
	[tilespmem:$0x1530] =	vst v2;
	v2 =	vmul.f32 v30, v33  }
0xbf: {  	v62 =	vld [tilespmem:$0x1FFC0];
	[tilespmem:$0x1560] =	vst v1;
	v1 =	vmul.f32 v38, v41  }
0xc0: {  	v6 =	vld [tilespmem:$0xF20];
	[tilespmem:$0x1550] =	vst v2;
	v2 =	vmul.f32 v34, v39  }
0xc1: {  	v3 =	vld [tilespmem:$0x1730];
	[tilespmem:$0x1580] =	vst v1;
	v1 =	vmul.f32 v42, v47  }
0xc2: {  	v19 =	vld [tilespmem:$0xF40];
	[tilespmem:$0x1570] =	vst v2;
	v2 =	vmul.f32 v40, v45  }
0xc3: {  	v20 =	vld [tilespmem:$0x1750];
	[tilespmem:$0x15A0] =	vst v1;
	v1 =	vmul.f32 v48, v53  }
0xc4: {  	v35 =	vld [tilespmem:$0xF60];
	[tilespmem:$0x1590] =	vst v2  }
0xc5: {  	v2 =	vmul.f32 v46, v49;
	[tilespmem:$0x15C0] =	vst v1;
	v1 =	vld [tilespmem:$0x1FD90]  }
0xc6: {  	v36 =	vld [tilespmem:$0x1770]  }
0xc7: {  	v51 =	vld [tilespmem:$0xF80];
	[tilespmem:$0x15B0] =	vst v2;
	v2 =	vmul.f32 v50, v55  }
0xc8: {  	v52 =	vld [tilespmem:$0x1790]  }
0xc9: {  	[tilespmem:$0x15D0] =	vst v2;
	v2 =	vld [tilespmem:$0x1FDA0]  }
0xca: {  	v59 =	vld [tilespmem:$0x1FF60];
	v1 =	vmul.f32 v56, v1  }
0xcb: {  	v42 =	vld [tilespmem:$0x1FDC0]  }
0xcc: {  	[tilespmem:$0x15E0] =	vst v1;
	v1 =	vld [tilespmem:$0x1FDB0]  }
0xcd: {  	v60 =	vld [tilespmem:$0x1FF80]  }
0xce: {  	v4 =	vld [tilespmem:$0xF90];
	v2 =	vmul.f32 v54, v2  }
0xcf: {  	v45 =	vld [tilespmem:$0x1FDE0]  }
0xd0: {  	[tilespmem:$0x15F0] =	vst v2;
	v2 =	vld [tilespmem:$0x1FDD0]  }
0xd1: {  	v7 =	vld [tilespmem:$0xFA0];
	v1 =	vmul.f32 v42, v1  }
0xd2: {  	v46 =	vld [tilespmem:$0x1FE00]  }
0xd3: {  	[tilespmem:$0x1600] =	vst v1;
	v1 =	vld [tilespmem:$0x1FDF0]  }
0xd4: {  	v63 =	vld [tilespmem:$0x1FFE0]  }
0xd5: {  	v5 =	vld [tilespmem:$0x17A0];
	v2 =	vmul.f32 v45, v2  }
0xd6: {  	v47 =	vld [tilespmem:$0x1FE20]  }
0xd7: {  	[tilespmem:$0x1610] =	vst v2;
	v2 =	vld [tilespmem:$0x1FE10]  }
0xd8: {  	v8 =	vld [tilespmem:$0x17B0];
	v1 =	vmul.f32 v46, v1  }
0xd9: {  	v48 =	vld [tilespmem:$0x1FE40]  }
0xda: {  	[tilespmem:$0x1620] =	vst v1;
	v1 =	vld [tilespmem:$0x1FE30]  }
0xdb: {  	v9 =	vld [tilespmem:$0xFB0]  }
0xdc: {  	v13 =	vld [tilespmem:$0xFC0];
	v2 =	vmul.f32 v47, v2  }
0xdd: {  	v49 =	vld [tilespmem:$0x1FE60]  }
0xde: {  	[tilespmem:$0x1630] =	vst v2;
	v2 =	vld [tilespmem:$0x1FE50]  }
0xdf: {  	v10 =	vld [tilespmem:$0x17C0];
	v1 =	vmul.f32 v48, v1  }
0xe0: {  	v50 =	vld [tilespmem:$0x1FE80]  }
0xe1: {  	[tilespmem:$0x1640] =	vst v1;
	v1 =	vld [tilespmem:$0x1FE70]  }
0xe2: {  	v14 =	vld [tilespmem:$0x17D0]  }
0xe3: {  	v15 =	vld [tilespmem:$0xFD0];
	v2 =	vmul.f32 v49, v2  }
0xe4: {  	v53 =	vld [tilespmem:$0x1FEA0]  }
0xe5: {  	[tilespmem:$0x1650] =	vst v2;
	v2 =	vld [tilespmem:$0x1FE90]  }
0xe6: {  	v17 =	vld [tilespmem:$0xFE0];
	v1 =	vmul.f32 v50, v1  }
0xe7: {  	v54 =	vld [tilespmem:$0x1FEC0]  }
0xe8: {  	[tilespmem:$0x1660] =	vst v1;
	v1 =	vld [tilespmem:$0x1FEB0]  }
0xe9: {  	v16 =	vld [tilespmem:$0x17E0]  }
0xea: {  	v18 =	vld [tilespmem:$0x17F0];
	v2 =	vmul.f32 v53, v2  }
0xeb: {  	v55 =	vld [tilespmem:$0x1FEE0]  }
0xec: {  	[tilespmem:$0x1670] =	vst v2;
	v2 =	vld [tilespmem:$0x1FED0]  }
0xed: {  	v21 =	vld [tilespmem:$0xFF0];
	v1 =	vmul.f32 v54, v1  }
0xee: {  	v56 =	vld [tilespmem:$0x1FF00]  }
0xef: {  	[tilespmem:$0x1680] =	vst v1;
	v1 =	vld [tilespmem:$0x1FEF0]  }
0xf0: {  	v23 =	vld [tilespmem:$0x1000]  }
0xf1: {  	v22 =	vld [tilespmem:$0x1800];
	v2 =	vmul.f32 v55, v2  }
0xf2: {  	v24 =	vld [tilespmem:$0x1810]  }
0xf3: {  	[tilespmem:$0x1690] =	vst v2;
	v2 =	vld [tilespmem:$0x1FF10]  }
0xf4: {  	v25 =	vld [tilespmem:$0x1010];
	v1 =	vmul.f32 v56, v1  }
0xf5: {  	v29 =	vld [tilespmem:$0x1020]  }
0xf6: {  	[tilespmem:$0x16A0] =	vst v1;
	v1 =	vld [tilespmem:$0x1FF30]  }
0xf7: {  	v26 =	vld [tilespmem:$0x1820]  }
0xf8: {  	v30 =	vld [tilespmem:$0x1830];
	v2 =	vmul.f32 v57, v2  }
0xf9: {  	v31 =	vld [tilespmem:$0x1030]  }
0xfa: {  	[tilespmem:$0x16B0] =	vst v2;
	v2 =	vld [tilespmem:$0x1FF50]  }
0xfb: {  	v33 =	vld [tilespmem:$0x1040];
	v1 =	vmul.f32 v58, v1  }
0xfc: {  	v32 =	vld [tilespmem:$0x1840]  }
0xfd: {  	[tilespmem:$0x16C0] =	vst v1;
	v1 =	vld [tilespmem:$0x1FF70]  }
0xfe: {  	v34 =	vld [tilespmem:$0x1850]  }
0xff: {  	v37 =	vld [tilespmem:$0x1050];
	v2 =	vmul.f32 v59, v2  }
0x100: {  	v39 =	vld [tilespmem:$0x1060]  }
0x101: {  	[tilespmem:$0x16D0] =	vst v2;
	v2 =	vld [tilespmem:$0x1FF90]  }
0x102: {  	v38 =	vld [tilespmem:$0x1860];
	v1 =	vmul.f32 v60, v1  }
0x103: {  	v40 =	vld [tilespmem:$0x1870]  }
0x104: {  	[tilespmem:$0x16E0] =	vst v1;
	v1 =	vld [tilespmem:$0x1FFB0]  }
0x105: {  	v41 =	vld [tilespmem:$0x1070]  }
0x106: {  	v42 =	vld [tilespmem:$0x1880];
	v2 =	vmul.f32 v61, v2  }
0x107: {  	v45 =	vld [tilespmem:$0x1080]  }
0x108: {  	[tilespmem:$0x16F0] =	vst v2;
	v2 =	vld [tilespmem:$0x1FFD0]  }
0x109: {  	v46 =	vld [tilespmem:$0x1890];
	v1 =	vmul.f32 v62, v1  }
0x10a: {  	v47 =	vld [tilespmem:$0x1090]  }
0x10b: {  	[tilespmem:$0x1700] =	vst v1;
	v1 =	vld [tilespmem:$0x1FFF0]  }
0x10c: {  	v48 =	vld [tilespmem:$0x18A0]  }
0x10d: {  	v49 =	vld [tilespmem:$0x10A0];
	v2 =	vmul.f32 v63, v2  }
0x10e: {  	v50 =	vld [tilespmem:$0x18B0]  }
0x10f: {  	v53 =	vld [tilespmem:$0x10D0];
	[tilespmem:$0x1710] =	vst v2;
	v2 =	vmul.f32 v11, v3  }
0x110: {  	v54 =	vld [tilespmem:$0x18E0];
	v1 =	vmul.f32 v6, v1  }
0x111: {  	v55 =	vld [tilespmem:$0x10E0];
	[tilespmem:$0x1730] =	vst v2;
	v2 =	vmul.f32 v27, v20  }
0x112: {  	v56 =	vld [tilespmem:$0x18F0];
	[tilespmem:$0x1720] =	vst v1;
	v1 =	vmul.f32 v19, v12  }
0x113: {  	v57 =	vld [tilespmem:$0x10F0];
	[tilespmem:$0x1750] =	vst v2;
	v2 =	vmul.f32 v43, v36  }
0x114: {  	v58 =	vld [tilespmem:$0x1900];
	[tilespmem:$0x1740] =	vst v1;
	v1 =	vmul.f32 v35, v28  }
0x115: {  	v59 =	vld [tilespmem:$0x1100];
	[tilespmem:$0x1770] =	vst v2;
	v2 =	vmul.f32 v4, v52  }
0x116: {  	v60 =	vld [tilespmem:$0x1910];
	[tilespmem:$0x1760] =	vst v1;
	v1 =	vmul.f32 v51, v44  }
0x117: {  	v61 =	vld [tilespmem:$0x1110];
	[tilespmem:$0x1790] =	vst v2;
	v2 =	vmul.f32 v9, v8  }
0x118: {  	v62 =	vld [tilespmem:$0x1920];
	[tilespmem:$0x1780] =	vst v1;
	v1 =	vmul.f32 v7, v5  }
0x119: {  	v63 =	vld [tilespmem:$0x1120];
	[tilespmem:$0x17B0] =	vst v2;
	v2 =	vmul.f32 v15, v14  }
0x11a: {  	v3 =	vld [tilespmem:$0x18C0];
	[tilespmem:$0x17A0] =	vst v1;
	v1 =	vmul.f32 v13, v10  }
0x11b: {  	v11 =	vld [tilespmem:$0x10C0];
	[tilespmem:$0x17D0] =	vst v2;
	v2 =	vmul.f32 v21, v18  }
0x11c: {  	v36 =	vld [tilespmem:$0x1140];
	[tilespmem:$0x17C0] =	vst v1;
	v1 =	vmul.f32 v17, v16  }
0x11d: {  	v43 =	vld [tilespmem:$0x1150];
	[tilespmem:$0x17F0] =	vst v2;
	v2 =	vmul.f32 v25, v24  }
0x11e: {  	v6 =	vld [tilespmem:$0x10B0];
	[tilespmem:$0x17E0] =	vst v1;
	v1 =	vmul.f32 v23, v22  }
0x11f: {  	v52 =	vld [tilespmem:$0x1190];
	[tilespmem:$0x1810] =	vst v2;
	v2 =	vmul.f32 v31, v30  }
0x120: {  	v12 =	vld [tilespmem:$0x18D0];
	[tilespmem:$0x1800] =	vst v1;
	v1 =	vmul.f32 v29, v26  }
0x121: {  	v28 =	vld [tilespmem:$0x1930];
	[tilespmem:$0x1830] =	vst v2;
	v2 =	vmul.f32 v37, v34  }
0x122: {  	v35 =	vld [tilespmem:$0x1940];
	[tilespmem:$0x1820] =	vst v1;
	v1 =	vmul.f32 v33, v32  }
0x123: {  	v44 =	vld [tilespmem:$0x1960];
	[tilespmem:$0x1850] =	vst v2;
	v2 =	vmul.f32 v41, v40  }
0x124: {  	v51 =	vld [tilespmem:$0x1990];
	[tilespmem:$0x1840] =	vst v1;
	v1 =	vmul.f32 v39, v38  }
0x125: {  	v37 =	vld [tilespmem:$0x1950];
	[tilespmem:$0x1870] =	vst v2;
	v2 =	vmul.f32 v47, v46  }
0x126: {  	v29 =	vld [tilespmem:$0x1130];
	[tilespmem:$0x1860] =	vst v1;
	v1 =	vmul.f32 v45, v42  }
0x127: {  	v47 =	vld [tilespmem:$0x1970];
	[tilespmem:$0x1890] =	vst v2;
	v2 =	vmul.f32 v6, v50  }
0x128: {  	v50 =	vld [tilespmem:$0x1980];
	[tilespmem:$0x1880] =	vst v1;
	v1 =	vmul.f32 v49, v48  }
0x129: {  	[tilespmem:$0x18B0] =	vst v2;
	v2 =	vmul.f32 v53, v12;
	v53 =	vld [tilespmem:$0x19A0]  }
0x12a: {  	v45 =	vld [tilespmem:$0x1160];
	[tilespmem:$0x18A0] =	vst v1;
	v1 =	vmul.f32 v11, v3  }
0x12b: {  	[tilespmem:$0x18D0] =	vst v2;
	v2 =	vmul.f32 v57, v56;
	v56 =	vld [tilespmem:$0x11B0]  }
0x12c: {  	v57 =	vld [tilespmem:$0x19C0];
	[tilespmem:$0x18C0] =	vst v1;
	v1 =	vmul.f32 v55, v54  }
0x12d: {  	v49 =	vld [tilespmem:$0x1170];
	[tilespmem:$0x18F0] =	vst v2;
	v2 =	vmul.f32 v61, v60  }
0x12e: {  	v60 =	vld [tilespmem:$0x11D0];
	[tilespmem:$0x18E0] =	vst v1;
	v1 =	vmul.f32 v59, v58  }
0x12f: {  	v61 =	vld [tilespmem:$0x19E0];
	[tilespmem:$0x1910] =	vst v2;
	v2 =	vmul.f32 v29, v28  }
0x130: {  	v3 =	vld [tilespmem:$0x1180];
	[tilespmem:$0x1900] =	vst v1;
	v1 =	vmul.f32 v63, v62  }
0x131: {  	v54 =	vld [tilespmem:$0x11A0];
	[tilespmem:$0x1930] =	vst v2;
	v2 =	vmul.f32 v43, v37  }
0x132: {  	v55 =	vld [tilespmem:$0x19B0];
	[tilespmem:$0x1920] =	vst v1;
	v1 =	vmul.f32 v36, v35  }
0x133: {  	v58 =	vld [tilespmem:$0x11C0];
	[tilespmem:$0x1950] =	vst v2;
	v2 =	vmul.f32 v49, v47  }
0x134: {  	v59 =	vld [tilespmem:$0x19D0];
	[tilespmem:$0x1940] =	vst v1;
	v1 =	vmul.f32 v45, v44  }
0x135: {  	v62 =	vld [tilespmem:$0x19F0];
	[tilespmem:$0x1970] =	vst v2;
	v2 =	vmul.f32 v52, v51  }
0x136: {  	v63 =	vld [tilespmem:$0x11F0];
	[tilespmem:$0x1960] =	vst v1;
	v1 =	vmul.f32 v3, v50  }
0x137: {  	[tilespmem:$0x1990] =	vst v2;
	v2 =	vmul.f32 v56, v55;
	v3 =	vld [tilespmem:$0x11E0]  }
0x138: {  	[tilespmem:$0x1980] =	vst v1;
	v1 =	vmul.f32 v54, v53  }
0x139: {  	[tilespmem:$0x19B0] =	vst v2;
	v2 =	vmul.f32 v60, v59  }
0x13a: {  	[tilespmem:$0x19A0] =	vst v1;
	v1 =	vmul.f32 v58, v57  }
0x13b: {  	[tilespmem:$0x19D0] =	vst v2;
	v2 =	vmul.f32 v63, v62  }
0x13c: {  	[tilespmem:$0x19C0] =	vst v1;
	v1 =	vmul.f32 v3, v61  }
0x13d: {  	[tilespmem:$0x19F0] =	vst v2  }
0x13e: {  	s19 =	simm.s32 $0x40;
	s23 =	simm.s32 $0x0;
	[tilespmem:$0x19E0] =	vst v1  }
.LBB2_2:
0x13f: {  	p0 =	sne.s32 s19, $0x3FC0;
	[tilespmem:s23+$0x1C00] =	vst v0;
	s23 =	smov.u32 s19;
	s19 =	sadd.s32 $0x40, s19  }
.Ltmp0:
0x140: {  	(pc) =	sbr.rel @p0 .LBB2_2-.Ltmp0, $2  }
0x141: {  	_ =	sdelay $0x2  }
0x142: {  	s23 =	sshra.s32 s23, $0x2  }
0x143: {  	[tilespmem:s23+$0x1C00] =	vst v0;
	s19 =	simm.s32 $0x1C00  }
0x144: {  	[spmem:s9] =	stream.linear.scatter [tilespmem:s19], [sflag:$0x1], $0x1000, $0x38;
	[tilespmem:$0x4C00] =	vst v63  }
0x145: {  	_ =	swait.ge [sflag:s13], $0x1000  }
0x146: {  	[sflag:s13] =	ssyncset.done $0x0  }
0x147: {  	[sflag:s13] =	ssyncadd.s32 $0xFFFFF000  }
0x148: {  	[spmem:s3] =	stream.indirect.scatter.add.f32 [tilespmem:s18], [sflag:$0x1], $0x1, s4, s15, $0xb8;
	[tilespmem:$0x4C00] =	vst v63  }
0x149: {  	_ =	swait.ge [sflag:s13], $0x80  }
0x14a: {  	[sflag:s13] =	ssyncset.done $0x0  }
0x14b: {  	[sflag:s13] =	ssyncadd.s32 $0xFFFFFF80  }
0x14c: {  	[spmem:s3] =	stream.indirect.scatter.add.f32 [tilespmem:s20], [sflag:$0x1], $0x1, s15, s15, $0xb8;
	[tilespmem:$0x4C00] =	vst v63  }
0x14d: {  	_ =	swait.ge [sflag:s13], $0x80  }
0x14e: {  	[sflag:s13] =	ssyncset.done $0x0  }
0x14f: {  	s23 =	simm.s32 $0x100;
	[sflag:s13] =	ssyncadd.s32 $0xFFFFFF80  }
0x150: {  	[spmem:s3] =	stream.indirect.scatter.add.f32 [tilespmem:s22], [sflag:$0x1], $0x1, s23, s15, $0xb8;
	[tilespmem:$0x4C00] =	vst v63  }
0x151: {  	_ =	swait.ge [sflag:s13], $0x80  }
0x152: {  	[sflag:s13] =	ssyncset.done $0x0  }
0x153: {  	s23 =	simm.s32 $0x180;
	[sflag:s13] =	ssyncadd.s32 $0xFFFFFF80  }
0x154: {  	[spmem:s3] =	stream.indirect.scatter.add.f32 [tilespmem:s24], [sflag:$0x1], $0x1, s23, s15, $0xb8;
	[tilespmem:$0x4C00] =	vst v63  }
0x155: {  	_ =	swait.ge [sflag:s13], $0x80  }
0x156: {  	[sflag:s13] =	ssyncset.done $0x0  }
0x157: {  	s23 =	simm.s32 $0x200;
	[sflag:s13] =	ssyncadd.s32 $0xFFFFFF80  }
0x158: {  	[spmem:s3] =	stream.indirect.scatter.add.f32 [tilespmem:s26], [sflag:$0x1], $0x1, s23, s15, $0xb8;
	[tilespmem:$0x4C00] =	vst v63  }
0x159: {  	_ =	swait.ge [sflag:s13], $0x80  }
0x15a: {  	[sflag:s13] =	ssyncset.done $0x0  }
0x15b: {  	s23 =	simm.s32 $0x280;
	[sflag:s13] =	ssyncadd.s32 $0xFFFFFF80  }
0x15c: {  	[spmem:s3] =	stream.indirect.scatter.add.f32 [tilespmem:s29], [sflag:$0x1], $0x1, s23, s15, $0xb8;
	[tilespmem:$0x4C00] =	vst v63  }
0x15d: {  	_ =	swait.ge [sflag:s13], $0x80  }
0x15e: {  	[sflag:s13] =	ssyncset.done $0x0  }
0x15f: {  	s23 =	simm.s32 $0x300;
	[sflag:s13] =	ssyncadd.s32 $0xFFFFFF80  }
0x160: {  	[spmem:s3] =	stream.indirect.scatter.add.f32 [tilespmem:s31], [sflag:$0x1], $0x1, s23, s15, $0xb8;
	[tilespmem:$0x4C00] =	vst v63  }
0x161: {  	_ =	swait.ge [sflag:s13], $0x80  }
0x162: {  	[sflag:s13] =	ssyncset.done $0x0  }
0x163: {  	s23 =	simm.s32 $0x380;
	[sflag:s13] =	ssyncadd.s32 $0xFFFFFF80  }
0x164: {  	[spmem:s3] =	stream.indirect.scatter.add.f32 [tilespmem:s0], [sflag:$0x1], $0x1, s23, s15, $0xb8;
	[tilespmem:$0x4C00] =	vst v63  }
0x165: {  	_ =	swait.ge [sflag:s13], $0x80  }
0x166: {  	[sflag:s13] =	ssyncset.done $0x0  }
0x167: {  	s23 =	simm.s32 $0x400;
	[sflag:s13] =	ssyncadd.s32 $0xFFFFFF80  }
0x168: {  	[spmem:s3] =	stream.indirect.scatter.add.f32 [tilespmem:s17], [sflag:$0x1], $0x1, s23, s15, $0xb8;
	[tilespmem:$0x4C00] =	vst v63  }
0x169: {  	_ =	swait.ge [sflag:s13], $0x80  }
0x16a: {  	[sflag:s13] =	ssyncset.done $0x0  }
0x16b: {  	s23 =	simm.s32 $0x480;
	[sflag:s13] =	ssyncadd.s32 $0xFFFFFF80  }
0x16c: {  	[spmem:s3] =	stream.indirect.scatter.add.f32 [tilespmem:s21], [sflag:$0x1], $0x1, s23, s15, $0xb8;
	[tilespmem:$0x4C00] =	vst v63  }
0x16d: {  	_ =	swait.ge [sflag:s13], $0x80  }
0x16e: {  	[sflag:s13] =	ssyncset.done $0x0  }
0x16f: {  	[sflag:s13] =	ssyncadd.s32 $0xFFFFFF80  }
0x170: {  	[spmem:s3] =	stream.indirect.scatter.add.f32 [tilespmem:s25], [sflag:$0x1], $0x1, s28, s15, $0xb8;
	[tilespmem:$0x4C00] =	vst v63  }
0x171: {  	_ =	swait.ge [sflag:s13], $0x80  }
0x172: {  	[sflag:s13] =	ssyncset.done $0x0  }
0x173: {  	[sflag:s13] =	ssyncadd.s32 $0xFFFFFF80  }
0x174: {  	[spmem:s3] =	stream.indirect.scatter.add.f32 [tilespmem:s30], [sflag:$0x1], $0x1, s1, s15, $0xb8;
	[tilespmem:$0x4C00] =	vst v63  }
0x175: {  	s16 =	sadd.s32 $0x1, s16;
	_ =	swait.ge [sflag:s13], $0x80  }
0x176: {  	p0 =	sne.s32 s16, s11;
	[sflag:s13] =	ssyncset.done $0x0  }
.Ltmp1:
0x177: {  	s23 =	sshrl.u32 s9, $0x3;
	[sflag:s13] =	ssyncadd.s32 $0xFFFFFF80;
	(pc) =	sbr.rel @p0 .LBB2_1-.Ltmp1, $4  }
0x178: {  	[hbm:s10@s15], [sflag:s6] =	dma.strided [spmem:s23@s14], $0x200, s13, $0x10   }
0x179: {  	_ =	swait.ge [sflag:s13], $0x200  }
0x17a: {  	[sflag:s13] =	ssyncset.done $0x0  }
0x17b: {  	[sflag:s13] =	ssyncadd.s32 $0xFFFFFE00  }
0x17c: {  	_ =	sfence.sel $0x180000  }
0x17d: {  	[bflag:$0x0] =	sbarrier.arrive $0xFFFF  }
0x17e: {  	_ =	strace $0x90000047  }
0x17f: {  	s0 =	stileid.u32;
	[bflag:$0x2] =	sbarrier.arrive $0xFFFF  }
0x180: {  	p0 =	sne.s32 s0, $0x0;
	s0 =	rddreg [dreg:$0x5]  }
0x181: {  	s0 =	sadd.s32 @!p0 $0x100000, s0  }
0x182: {  	[sflag:s0] =	ssyncadd.tile.s32 @!p0 $0x1;
	_ =	shalt  }
.Lfunc_end2:
_tile_overlayer_lowered:
.L_overlay_start_2:
0x183: {  	(tag) =	ssettag $0x2  }
0x184: {  	s0 =	rddreg [dreg:$0x0];
	s2 =	stileid.u32  }
0x185: {  	s1 =	rddreg [dreg:$0x1];
	p0 =	sne.s32 s2, $0x0  }
0x186: {  	s3 =	rddreg [dreg:$0x2];
	[bflag:$0x3] =	sbarrier.arrive $0xFFFF;
	s2 =	simm.s32 @!p0 $0x1C01  }
0x187: {  	[timem:s3], [sflag:s2] =	dma.local @!p0 [hbm:s0], s1  }
0x188: {  	s0 =	simm.s32 @!p0 $0x1  }
0x189: {  	_ =	swait.ge @!p0 [sflag:s0], s1  }
0x18a: {  	s1 =	ssub.s32 @!p0 $0x0, s1;
	[sflag:s0] =	ssyncset.done @!p0 $0x0  }
0x18b: {  	[sflag:s0] =	ssyncadd.s32 @!p0 s1  }
0x18c: {  	[bflag:$0x3] =	sbarrier.arrive $0xFFFF  }
0x18d: {  	_ =	shalt  }

</sc_bundles>
